<compile_context>
chip_gen: v7x
topology: tpu7x:2x2x1
jax: 0.10.2.dev20260603
libtpu: 0.0.44.dev20260713+nightly
codegen_flags: <defaults>
</compile_context>

<pallas_src>
import functools

import jax
import jax.numpy as jnp
from jax import lax
from jax.experimental import pallas as pl
from jax.experimental.pallas import tpu as pltpu
from jax.experimental.pallas import tpu_sc as plsc

K = 32
R = 512
D = 16
SC_CHUNK = 256
PADW = 128


STRIPS = 16


def _topk_body(ct_ref, x_ref, sqc_ref, sqr_ref, idx_ref, d_ref, *, n, r):
    w = n // STRIPS
    big = jnp.int32(1 << 30)
    inf = jnp.float32(jnp.inf)
    ct = ct_ref[...]
    x = x_ref[...]
    sq = sqc_ref[...]
    sqb = sqr_ref[...]
    d = sqb + sq - 2.0 * jnp.dot(x, ct, preferred_element_type=jnp.float32)
    d_ref[...] = d

    lanes_w = jax.lax.broadcasted_iota(jnp.int32, (r, w), 1)
    cols = jax.lax.broadcasted_iota(jnp.int32, (r, K), 1)

    acc = d_ref[:, 0:w]
    amt = jnp.zeros((r, w), jnp.int32)
    for t in range(1, STRIPS):
        s = d_ref[:, t * w:(t + 1) * w]
        lt = s < acc
        amt = jnp.where(lt, t, amt)
        acc = jnp.where(lt, s, acc)
    agidx = amt * w + lanes_w

    def bstep(k, carry):
        acc, selj = carry
        m = jnp.min(acc, axis=1, keepdims=True)
        eqm = acc == m
        g0 = jnp.min(jnp.where(eqm, agidx, big), axis=1, keepdims=True)
        jc = g0 % w
        selj = jnp.where(cols == k, jc, selj)
        acc = jnp.where(lanes_w == jc, inf, acc)
        return acc, selj

    _, selj = jax.lax.fori_loop(
        0, K, bstep, (acc, jnp.zeros((r, K), jnp.int32)), unroll=False)

    n_half = max(w // 128, 1)
    jl = selj % min(w, 128)
    jh = selj // min(w, 128)
    cand_parts, gidx_parts = [], []
    for t in range(STRIPS):
        v = None
        for h in range(n_half):
            hw = min(w, 128)
            part = d_ref[:, t * w + h * hw: t * w + (h + 1) * hw]
            g = jnp.take_along_axis(part, jl, axis=1)
            v = g if v is None else jnp.where(jh == h, g, v)
        cand_parts.append(v)
        gidx_parts.append(t * w + selj)
    cand = jnp.concatenate(cand_parts, axis=1)
    gidx = jnp.concatenate(gidx_parts, axis=1)

    def dstep(k, cand):
        m = jnp.min(cand, axis=1, keepdims=True)
        eqm = cand == m
        masked_g = jnp.where(eqm, gidx, big)
        gwin = jnp.min(masked_g, axis=1, keepdims=True)
        idx_ref[...] = jnp.where(cols == k, gwin, idx_ref[...])
        return jnp.where(masked_g == gwin, inf, cand)

    jax.lax.fori_loop(0, K, dstep, cand, unroll=False)


def _nbr_topk(coords):
    n, d_feat = coords.shape
    r = R if n % R == 0 else n
    grid = (n // r,)
    body = functools.partial(_topk_body, n=n, r=r)
    sq = jnp.sum(coords * coords, axis=1)
    return pl.pallas_call(
        body,
        grid=grid,
        in_specs=[
            pl.BlockSpec((d_feat, n), lambda i: (0, 0)),
            pl.BlockSpec((r, d_feat), lambda i: (i, 0)),
            pl.BlockSpec((1, n), lambda i: (0, 0)),
            pl.BlockSpec((r, 1), lambda i: (i, 0)),
        ],
        out_specs=pl.BlockSpec((r, K), lambda i: (i, 0)),
        out_shape=jax.ShapeDtypeStruct((n, K), jnp.int32),
        scratch_shapes=[pltpu.VMEM((r, n), jnp.float32)],
    )(coords.T, coords, sq.reshape(1, n), sq.reshape(n, 1))


def _newton_sqrt(x):
    i = lax.bitcast_convert_type(x, jnp.int32)
    y = lax.bitcast_convert_type(
        jnp.int32(0x1FBD1DF5) + lax.shift_right_logical(i, 1), jnp.float32)
    for _ in range(3):
        y = 0.5 * (y + x / y)
    return y


def _edge_weights(coords, src):
    n = coords.shape[0]
    e_total = n * K
    nw = 32
    per = e_total // nw
    n_chunks = per // SC_CHUNK
    coords_pad = jnp.pad(coords, ((0, 0), (0, PADW - D)))
    mesh = plsc.VectorSubcoreMesh(core_axis_name="c", subcore_axis_name="s")

    @functools.partial(
        pl.kernel, mesh=mesh,
        out_type=jax.ShapeDtypeStruct((e_total,), jnp.float32),
        scratch_types=[
            pltpu.VMEM((2, SC_CHUNK), jnp.int32),
            pltpu.VMEM((2 * SC_CHUNK, PADW), jnp.float32),
            pltpu.VMEM((per // K, D), jnp.float32),
            pltpu.VMEM((SC_CHUNK,), jnp.float32),
            pltpu.SemaphoreType.DMA,
            pltpu.SemaphoreType.DMA,
        ],
    )
    def edge_kernel(coords_hbm, cpad_hbm, src_hbm, out_hbm, idx_v, rows_v,
                    dst_v, w_v, sem0, sem1):
        lane = lax.iota(jnp.int32, D)
        wid = lax.axis_index("s") * 2 + lax.axis_index("c")
        base = wid * per
        sems = (sem0, sem1)
        row0 = pl.multiple_of(base // K, per // K)
        pltpu.sync_copy(coords_hbm.at[pl.ds(row0, per // K)], dst_v)

        def off_of(ci):
            return pl.multiple_of(base + ci * SC_CHUNK, SC_CHUNK)

        def fetch(ci, b):
            pltpu.sync_copy(src_hbm.at[pl.ds(off_of(ci), SC_CHUNK)],
                            idx_v.at[b])
            for j in range(SC_CHUNK // 128):
                pltpu.async_copy(
                    cpad_hbm.at[idx_v.at[b, pl.ds(j * 128, 128)]],
                    rows_v.at[pl.ds(b * SC_CHUNK + j * 128, 128)], sems[b])

        def wait(b):
            for j in range(SC_CHUNK // 128):
                pltpu.make_async_copy(
                    cpad_hbm.at[idx_v.at[b, pl.ds(j * 128, 128)]],
                    rows_v.at[pl.ds(b * SC_CHUNK + j * 128, 128)],
                    sems[b]).wait()

        def compute(ci, b):
            def group(g, _):
                dv = dst_v[ci * (SC_CHUNK // K) + g // 2]
                acc = jnp.zeros((D,), jnp.float32)
                for i in range(D):
                    diff = rows_v[b * SC_CHUNK + g * D + i, pl.ds(0, D)] - dv
                    s = diff * diff
                    for sh in (1, 2, 4, 8):
                        s = s + jnp.take(s, lane ^ sh)
                    acc = jnp.where(lane == i, s, acc)
                w_v[pl.ds(g * D, D)] = _newton_sqrt(acc)
                return 0

            lax.fori_loop(0, SC_CHUNK // D, group, 0, unroll=False)
            pltpu.sync_copy(w_v, out_hbm.at[pl.ds(off_of(ci), SC_CHUNK)])

        fetch(0, 0)

        def pair(ci2, _):
            c0 = 2 * ci2
            fetch(c0 + 1, 1)
            wait(0)
            compute(c0, 0)

            @pl.when(ci2 + 1 < n_chunks // 2)
            def _():
                fetch(c0 + 2, 0)

            wait(1)
            compute(c0 + 1, 1)
            return 0

        lax.fori_loop(0, n_chunks // 2, pair, 0, unroll=False)

    return edge_kernel(coords, coords_pad, src)


def kernel(coords):
    n, _ = coords.shape
    nbr = _nbr_topk(coords)
    src = nbr.reshape(-1)
    dst = jnp.repeat(jnp.arange(n, dtype=jnp.int32), K)
    edge_idx = jnp.stack([src, dst], axis=0)
    edge_weights = _edge_weights(coords, src)
    return edge_idx, edge_weights

# --- scband reference (transcript-rebuilt; emitter-appended) ---
"""Pipeline reference for scband-graph-neighborhood-sampler-23570780521124 (READ-ONLY COPY).

The authoritative reference and input builder live on the scoring server;
editing this copy changes nothing except your own understanding.
"""

import jax, jax.numpy as jnp
import numpy as np

N = 8192
D = 16
K = 32  # k_frac=32 (int), rnd_edge_ratio=0.0 -> k_nn = k = 32, num_rnd = 0


def setup_inputs(seed: int = 0) -> dict:
    key = jax.random.key(seed)
    coords = jax.random.normal(key, (N, D), dtype=jnp.float32)
    return {"coords": coords}


def reference(coords):
    # knn_graph(coords, k=K, loop=True): for each node, its K nearest neighbors
    # (including itself, since loop=True and self-distance is 0).
    n, d = coords.shape
    sq = jnp.sum(coords * coords, axis=1)
    dist2 = sq[:, None] + sq[None, :] - 2.0 * (coords @ coords.T)
    _, nbr = jax.lax.top_k(-dist2, K)  # [n, K] neighbor indices (self first)
    src = nbr.reshape(-1)                      # edge_index[0] = neighbor (source)
    dst = jnp.repeat(jnp.arange(n), K)         # edge_index[1] = center node (target)
    edge_idx = jnp.stack([src, dst], axis=0)   # [2, n*K]
    idx_coords = coords[edge_idx]              # [2, n*K, d] gather
    edge_weights = jnp.sqrt(jnp.sum((idx_coords[0] - idx_coords[1]) ** 2, axis=-1))
    return edge_idx, edge_weights

if __name__ == "__main__":
    import jax
    _d = setup_inputs()
    print(jax.jit(kernel)(*tuple(_d.values())))

</pallas_src>

<mosaic_0001>
#map = affine_map<(d0, d1) -> (0, 0)>
#map1 = affine_map<(d0, d1) -> (0)>
module attributes {stable_mosaic.version = 14 : i64} {
  func.func @edge_kernel(%arg0: i32, %arg1: i32, %arg2: memref<8192x16xf32, #tpu.memory_space<hbm>>, %arg3: memref<8192x128xf32, #tpu.memory_space<hbm>>, %arg4: memref<262144xi32, #tpu.memory_space<hbm>>, %arg5: memref<262144xf32, #tpu.memory_space<hbm>>, %arg6: memref<2x256xi32, #tpu.memory_space<vmem>>, %arg7: memref<512x128xf32, #tpu.memory_space<vmem>>, %arg8: memref<256x16xf32, #tpu.memory_space<vmem>>, %arg9: memref<256xf32, #tpu.memory_space<vmem>>, %arg10: memref<!tpu.dma_semaphore, #tpu.memory_space<semaphore_mem>>, %arg11: memref<!tpu.dma_semaphore, #tpu.memory_space<semaphore_mem>>) attributes {dimension_semantics = [#tpu.dimension_semantics<core_parallel>, #tpu.dimension_semantics<subcore_parallel>], iteration_bounds = array<i64: 2, 16>, scalar_prefetch = 0 : i64, scratch_operands = 6 : i64, tpu.core_type = #tpu.core_type<sc_vector_subcore>, window_params = [{transform_indices = #map}, {transform_indices = #map}, {transform_indices = #map1}, {transform_indices = #map1}]} {
    %iota3A = tpu.iota {dimensions = array<i32: 0>} : vector<16xi32>
    %mul3A = arith.constant 2 : i32
    %mul3A_0 = arith.muli %arg1, %mul3A : i32
    %add3A = arith.addi %mul3A_0, %arg0 : i32
    %mul3A_1 = arith.constant 8192 : i32
    %mul3A_2 = arith.muli %add3A, %mul3A_1 : i32
    %jit3A = arith.constant 32 : i32
    %div3A = arith.divsi %mul3A_2, %jit3A : i32
    %sign3A = arith.constant 0 : i32
    %sign3A_3 = arith.cmpi sgt, %mul3A_2, %sign3A : i32
    %sign3A_4 = arith.extui %sign3A_3 : i1 to i32
    %sign3A_5 = arith.constant 0 : i32
    %sign3A_6 = arith.cmpi slt, %mul3A_2, %sign3A_5 : i32
    %sign3A_7 = arith.extui %sign3A_6 : i1 to i32
    %sign3A_8 = arith.subi %sign3A_4, %sign3A_7 : i32
    %sign3A_9 = arith.constant 0 : i32
    %sign3A_10 = arith.cmpi sgt, %jit3A, %sign3A_9 : i32
    %sign3A_11 = arith.extui %sign3A_10 : i1 to i32
    %sign3A_12 = arith.constant 0 : i32
    %sign3A_13 = arith.cmpi slt, %jit3A, %sign3A_12 : i32
    %sign3A_14 = arith.extui %sign3A_13 : i1 to i32
    %sign3A_15 = arith.subi %sign3A_11, %sign3A_14 : i32
    %ne3A = arith.cmpi ne, %sign3A_8, %sign3A_15 : i32
    %rem3A = arith.remsi %mul3A_2, %jit3A : i32
    %ne3A_16 = arith.constant 0 : i32
    %ne3A_17 = arith.cmpi ne, %rem3A, %ne3A_16 : i32
    %and3A = arith.andi %ne3A, %ne3A_17 : i1
    %sub3A = arith.constant 1 : i32
    %sub3A_18 = arith.subi %div3A, %sub3A : i32
    %select_n3A = arith.select %and3A, %sub3A_18, %div3A : i32
    %multiple_of3A = tpu.assume_multiple %select_n3A, 256 : i32
    "tpu.region"() ({
      %run_scoped3A_47 = tpu.sem_alloc : memref<!tpu.dma_semaphore, #tpu.memory_space<semaphore_mem>>
      %dma_start3A_48 = arith.constant 0 : i32
      %dma_start3A_49 = tpu.memref_slice %arg2[%multiple_of3A, %dma_start3A_48] : memref<8192x16xf32, #tpu.memory_space<hbm>> -> memref<256x16xf32, #tpu.memory_space<hbm>>
      %dma_start3A_50 = arith.constant 0 : i32
      %dma_start3A_51 = tpu.memref_slice %arg2[%multiple_of3A, %dma_start3A_50] : memref<8192x16xf32, #tpu.memory_space<hbm>> -> memref<256x16xf32, #tpu.memory_space<hbm>>
      tpu.enqueue_dma source(%dma_start3A_51 : memref<256x16xf32, #tpu.memory_space<hbm>>) target(%arg8 : memref<256x16xf32, #tpu.memory_space<vmem>>) target_semaphore(%run_scoped3A_47 : memref<!tpu.dma_semaphore, #tpu.memory_space<semaphore_mem>>)
      %dma_wait3A = arith.constant 0 : i32
      %dma_wait3A_52 = tpu.memref_slice %arg2[%multiple_of3A, %dma_wait3A] : memref<8192x16xf32, #tpu.memory_space<hbm>> -> memref<256x16xf32, #tpu.memory_space<hbm>>
      %dma_wait3A_53 = arith.constant 0 : i32
      %dma_wait3A_54 = tpu.memref_slice %arg2[%multiple_of3A, %dma_wait3A_53] : memref<8192x16xf32, #tpu.memory_space<hbm>> -> memref<256x16xf32, #tpu.memory_space<hbm>>
      tpu.wait_dma2 semaphore(%run_scoped3A_47 : memref<!tpu.dma_semaphore, #tpu.memory_space<semaphore_mem>>) src(%dma_wait3A_54 : memref<256x16xf32, #tpu.memory_space<hbm>>) dst(%arg8 : memref<256x16xf32, #tpu.memory_space<vmem>>)
      tpu.yield
    }) : () -> ()
    %add3A_19 = arith.constant 0 : i32
    %add3A_20 = arith.addi %mul3A_2, %add3A_19 : i32
    %multiple_of3A_21 = tpu.assume_multiple %add3A_20, 256 : i32
    %run_scoped3A = arith.constant 0 : i32
    "tpu.region"() ({
      %run_scoped3A_47 = tpu.sem_alloc : memref<!tpu.dma_semaphore, #tpu.memory_space<semaphore_mem>>
      %dma_start3A_48 = arith.constant 0 : i32
      %dma_start3A_49 = tpu.memref_slice %arg6[%run_scoped3A, %dma_start3A_48] : memref<2x256xi32, #tpu.memory_space<vmem>> -> memref<1x256xi32, #tpu.memory_space<vmem>>
      %dma_start3A_50 = tpu.memref_squeeze %dma_start3A_49 : memref<1x256xi32, #tpu.memory_space<vmem>> -> memref<256xi32, #tpu.memory_space<vmem>>
      %dma_start3A_51 = tpu.memref_slice %arg4[%multiple_of3A_21] : memref<262144xi32, #tpu.memory_space<hbm>> -> memref<256xi32, #tpu.memory_space<hbm>>
      %dma_start3A_52 = arith.constant 0 : i32
      %dma_start3A_53 = tpu.memref_slice %arg6[%run_scoped3A, %dma_start3A_52] : memref<2x256xi32, #tpu.memory_space<vmem>> -> memref<1x256xi32, #tpu.memory_space<vmem>>
      %dma_start3A_54 = tpu.memref_squeeze %dma_start3A_53 : memref<1x256xi32, #tpu.memory_space<vmem>> -> memref<256xi32, #tpu.memory_space<vmem>>
      %dma_start3A_55 = tpu.memref_slice %arg4[%multiple_of3A_21] : memref<262144xi32, #tpu.memory_space<hbm>> -> memref<256xi32, #tpu.memory_space<hbm>>
      tpu.enqueue_dma source(%dma_start3A_55 : memref<256xi32, #tpu.memory_space<hbm>>) target(%dma_start3A_54 : memref<256xi32, #tpu.memory_space<vmem>>) target_semaphore(%run_scoped3A_47 : memref<!tpu.dma_semaphore, #tpu.memory_space<semaphore_mem>>)
      %dma_wait3A = arith.constant 0 : i32
      %dma_wait3A_56 = tpu.memref_slice %arg6[%run_scoped3A, %dma_wait3A] : memref<2x256xi32, #tpu.memory_space<vmem>> -> memref<1x256xi32, #tpu.memory_space<vmem>>
      %dma_wait3A_57 = tpu.memref_squeeze %dma_wait3A_56 : memref<1x256xi32, #tpu.memory_space<vmem>> -> memref<256xi32, #tpu.memory_space<vmem>>
      %dma_wait3A_58 = tpu.memref_slice %arg4[%multiple_of3A_21] : memref<262144xi32, #tpu.memory_space<hbm>> -> memref<256xi32, #tpu.memory_space<hbm>>
      %dma_wait3A_59 = arith.constant 0 : i32
      %dma_wait3A_60 = tpu.memref_slice %arg6[%run_scoped3A, %dma_wait3A_59] : memref<2x256xi32, #tpu.memory_space<vmem>> -> memref<1x256xi32, #tpu.memory_space<vmem>>
      %dma_wait3A_61 = tpu.memref_squeeze %dma_wait3A_60 : memref<1x256xi32, #tpu.memory_space<vmem>> -> memref<256xi32, #tpu.memory_space<vmem>>
      %dma_wait3A_62 = tpu.memref_slice %arg4[%multiple_of3A_21] : memref<262144xi32, #tpu.memory_space<hbm>> -> memref<256xi32, #tpu.memory_space<hbm>>
      tpu.wait_dma2 semaphore(%run_scoped3A_47 : memref<!tpu.dma_semaphore, #tpu.memory_space<semaphore_mem>>) src(%dma_wait3A_62 : memref<256xi32, #tpu.memory_space<hbm>>) dst(%dma_wait3A_61 : memref<256xi32, #tpu.memory_space<vmem>>)
      tpu.yield
    }) : () -> ()
    %dma_start3A = arith.constant 0 : i32
    %dma_start3A_22 = arith.constant 0 : i32
    %dma_start3A_23 = arith.constant 0 : i32
    %dma_start3A_24 = tpu.memref_slice %arg7[%dma_start3A_22, %dma_start3A_23] : memref<512x128xf32, #tpu.memory_space<vmem>> -> memref<128x128xf32, #tpu.memory_space<vmem>>
    %dma_start3A_25 = arith.constant 0 : i32
    %dma_start3A_26 = tpu.memref_slice %arg6[%dma_start3A, %dma_start3A_25] : memref<2x256xi32, #tpu.memory_space<vmem>> -> memref<1x128xi32, #tpu.memory_space<vmem>>
    %dma_start3A_27 = tpu.memref_squeeze %dma_start3A_26 : memref<1x128xi32, #tpu.memory_space<vmem>> -> memref<128xi32, #tpu.memory_space<vmem>>
    %dma_start3A_28 = arith.constant 0 : i32
    %dma_start3A_29 = arith.constant 0 : i32
    %dma_start3A_30 = tpu.memref_slice %arg3[%dma_start3A_28, %dma_start3A_29] : memref<8192x128xf32, #tpu.memory_space<hbm>> -> memref<8192x128xf32, #tpu.memory_space<hbm>>
    tpu.enqueue_indirect_dma source(%dma_start3A_30 : memref<8192x128xf32, #tpu.memory_space<hbm>>) target(%dma_start3A_24 : memref<128x128xf32, #tpu.memory_space<vmem>>) offsets(%dma_start3A_27 : memref<128xi32, #tpu.memory_space<vmem>>) semaphore(%arg10 : memref<!tpu.dma_semaphore, #tpu.memory_space<semaphore_mem>>)
    %dma_start3A_31 = arith.constant 0 : i32
    %dma_start3A_32 = arith.constant 128 : i32
    %dma_start3A_33 = arith.constant 0 : i32
    %dma_start3A_34 = tpu.memref_slice %arg7[%dma_start3A_32, %dma_start3A_33] : memref<512x128xf32, #tpu.memory_space<vmem>> -> memref<128x128xf32, #tpu.memory_space<vmem>>
    %dma_start3A_35 = arith.constant 128 : i32
    %dma_start3A_36 = tpu.memref_slice %arg6[%dma_start3A_31, %dma_start3A_35] : memref<2x256xi32, #tpu.memory_space<vmem>> -> memref<1x128xi32, #tpu.memory_space<vmem>>
    %dma_start3A_37 = tpu.memref_squeeze %dma_start3A_36 : memref<1x128xi32, #tpu.memory_space<vmem>> -> memref<128xi32, #tpu.memory_space<vmem>>
    %dma_start3A_38 = arith.constant 0 : i32
    %dma_start3A_39 = arith.constant 0 : i32
    %dma_start3A_40 = tpu.memref_slice %arg3[%dma_start3A_38, %dma_start3A_39] : memref<8192x128xf32, #tpu.memory_space<hbm>> -> memref<8192x128xf32, #tpu.memory_space<hbm>>
    tpu.enqueue_indirect_dma source(%dma_start3A_40 : memref<8192x128xf32, #tpu.memory_space<hbm>>) target(%dma_start3A_34 : memref<128x128xf32, #tpu.memory_space<vmem>>) offsets(%dma_start3A_37 : memref<128xi32, #tpu.memory_space<vmem>>) semaphore(%arg10 : memref<!tpu.dma_semaphore, #tpu.memory_space<semaphore_mem>>)
    %scan3A = arith.constant 0 : i32
    %scan3A_41 = arith.constant 0 : i32
    %scan3A_42 = arith.constant 16 : i32
    %scan3A_43 = arith.addi %scan3A_41, %scan3A_42 : i32
    %scan3A_44 = arith.constant 1 : i32
    %scan3A_45 = scf.for %scan3A_47 = %scan3A_41 to %scan3A_43 step %scan3A_44 iter_args(%scan3A_48 = %scan3A) -> (i32)  : i32 {
      %mul3A_49 = arith.constant 2 : i32
      %mul3A_50 = arith.muli %mul3A_49, %scan3A_47 : i32
      %add3A_51 = arith.constant 1 : i32
      %add3A_52 = arith.addi %mul3A_50, %add3A_51 : i32
      %mul3A_53 = arith.constant 256 : i32
      %mul3A_54 = arith.muli %add3A_52, %mul3A_53 : i32
      %add3A_55 = arith.addi %mul3A_2, %mul3A_54 : i32
      %multiple_of3A_56 = tpu.assume_multiple %add3A_55, 256 : i32
      %run_scoped3A_57 = arith.constant 1 : i32
      "tpu.region"() ({
        %run_scoped3A_146 = tpu.sem_alloc : memref<!tpu.dma_semaphore, #tpu.memory_space<semaphore_mem>>
        %dma_start3A_147 = arith.constant 0 : i32
        %dma_start3A_148 = tpu.memref_slice %arg6[%run_scoped3A_57, %dma_start3A_147] : memref<2x256xi32, #tpu.memory_space<vmem>> -> memref<1x256xi32, #tpu.memory_space<vmem>>
        %dma_start3A_149 = tpu.memref_squeeze %dma_start3A_148 : memref<1x256xi32, #tpu.memory_space<vmem>> -> memref<256xi32, #tpu.memory_space<vmem>>
        %dma_start3A_150 = tpu.memref_slice %arg4[%multiple_of3A_56] : memref<262144xi32, #tpu.memory_space<hbm>> -> memref<256xi32, #tpu.memory_space<hbm>>
        %dma_start3A_151 = arith.constant 0 : i32
        %dma_start3A_152 = tpu.memref_slice %arg6[%run_scoped3A_57, %dma_start3A_151] : memref<2x256xi32, #tpu.memory_space<vmem>> -> memref<1x256xi32, #tpu.memory_space<vmem>>
        %dma_start3A_153 = tpu.memref_squeeze %dma_start3A_152 : memref<1x256xi32, #tpu.memory_space<vmem>> -> memref<256xi32, #tpu.memory_space<vmem>>
        %dma_start3A_154 = tpu.memref_slice %arg4[%multiple_of3A_56] : memref<262144xi32, #tpu.memory_space<hbm>> -> memref<256xi32, #tpu.memory_space<hbm>>
        tpu.enqueue_dma source(%dma_start3A_154 : memref<256xi32, #tpu.memory_space<hbm>>) target(%dma_start3A_153 : memref<256xi32, #tpu.memory_space<vmem>>) target_semaphore(%run_scoped3A_146 : memref<!tpu.dma_semaphore, #tpu.memory_space<semaphore_mem>>)
        %dma_wait3A_155 = arith.constant 0 : i32
        %dma_wait3A_156 = tpu.memref_slice %arg6[%run_scoped3A_57, %dma_wait3A_155] : memref<2x256xi32, #tpu.memory_space<vmem>> -> memref<1x256xi32, #tpu.memory_space<vmem>>
        %dma_wait3A_157 = tpu.memref_squeeze %dma_wait3A_156 : memref<1x256xi32, #tpu.memory_space<vmem>> -> memref<256xi32, #tpu.memory_space<vmem>>
        %dma_wait3A_158 = tpu.memref_slice %arg4[%multiple_of3A_56] : memref<262144xi32, #tpu.memory_space<hbm>> -> memref<256xi32, #tpu.memory_space<hbm>>
        %dma_wait3A_159 = arith.constant 0 : i32
        %dma_wait3A_160 = tpu.memref_slice %arg6[%run_scoped3A_57, %dma_wait3A_159] : memref<2x256xi32, #tpu.memory_space<vmem>> -> memref<1x256xi32, #tpu.memory_space<vmem>>
        %dma_wait3A_161 = tpu.memref_squeeze %dma_wait3A_160 : memref<1x256xi32, #tpu.memory_space<vmem>> -> memref<256xi32, #tpu.memory_space<vmem>>
        %dma_wait3A_162 = tpu.memref_slice %arg4[%multiple_of3A_56] : memref<262144xi32, #tpu.memory_space<hbm>> -> memref<256xi32, #tpu.memory_space<hbm>>
        tpu.wait_dma2 semaphore(%run_scoped3A_146 : memref<!tpu.dma_semaphore, #tpu.memory_space<semaphore_mem>>) src(%dma_wait3A_162 : memref<256xi32, #tpu.memory_space<hbm>>) dst(%dma_wait3A_161 : memref<256xi32, #tpu.memory_space<vmem>>)
        tpu.yield
      }) : () -> ()
      %dma_start3A_58 = arith.constant 1 : i32
      %dma_start3A_59 = arith.constant 256 : i32
      %dma_start3A_60 = arith.constant 0 : i32
      %dma_start3A_61 = tpu.memref_slice %arg7[%dma_start3A_59, %dma_start3A_60] : memref<512x128xf32, #tpu.memory_space<vmem>> -> memref<128x128xf32, #tpu.memory_space<vmem>>
      %dma_start3A_62 = arith.constant 0 : i32
      %dma_start3A_63 = tpu.memref_slice %arg6[%dma_start3A_58, %dma_start3A_62] : memref<2x256xi32, #tpu.memory_space<vmem>> -> memref<1x128xi32, #tpu.memory_space<vmem>>
      %dma_start3A_64 = tpu.memref_squeeze %dma_start3A_63 : memref<1x128xi32, #tpu.memory_space<vmem>> -> memref<128xi32, #tpu.memory_space<vmem>>
      %dma_start3A_65 = arith.constant 0 : i32
      %dma_start3A_66 = arith.constant 0 : i32
      %dma_start3A_67 = tpu.memref_slice %arg3[%dma_start3A_65, %dma_start3A_66] : memref<8192x128xf32, #tpu.memory_space<hbm>> -> memref<8192x128xf32, #tpu.memory_space<hbm>>
      tpu.enqueue_indirect_dma source(%dma_start3A_67 : memref<8192x128xf32, #tpu.memory_space<hbm>>) target(%dma_start3A_61 : memref<128x128xf32, #tpu.memory_space<vmem>>) offsets(%dma_start3A_64 : memref<128xi32, #tpu.memory_space<vmem>>) semaphore(%arg11 : memref<!tpu.dma_semaphore, #tpu.memory_space<semaphore_mem>>)
      %dma_start3A_68 = arith.constant 1 : i32
      %dma_start3A_69 = arith.constant 384 : i32
      %dma_start3A_70 = arith.constant 0 : i32
      %dma_start3A_71 = tpu.memref_slice %arg7[%dma_start3A_69, %dma_start3A_70] : memref<512x128xf32, #tpu.memory_space<vmem>> -> memref<128x128xf32, #tpu.memory_space<vmem>>
      %dma_start3A_72 = arith.constant 128 : i32
      %dma_start3A_73 = tpu.memref_slice %arg6[%dma_start3A_68, %dma_start3A_72] : memref<2x256xi32, #tpu.memory_space<vmem>> -> memref<1x128xi32, #tpu.memory_space<vmem>>
      %dma_start3A_74 = tpu.memref_squeeze %dma_start3A_73 : memref<1x128xi32, #tpu.memory_space<vmem>> -> memref<128xi32, #tpu.memory_space<vmem>>
      %dma_start3A_75 = arith.constant 0 : i32
      %dma_start3A_76 = arith.constant 0 : i32
      %dma_start3A_77 = tpu.memref_slice %arg3[%dma_start3A_75, %dma_start3A_76] : memref<8192x128xf32, #tpu.memory_space<hbm>> -> memref<8192x128xf32, #tpu.memory_space<hbm>>
      tpu.enqueue_indirect_dma source(%dma_start3A_77 : memref<8192x128xf32, #tpu.memory_space<hbm>>) target(%dma_start3A_71 : memref<128x128xf32, #tpu.memory_space<vmem>>) offsets(%dma_start3A_74 : memref<128xi32, #tpu.memory_space<vmem>>) semaphore(%arg11 : memref<!tpu.dma_semaphore, #tpu.memory_space<semaphore_mem>>)
      %dma_wait3A = arith.constant 0 : i32
      %dma_wait3A_78 = arith.constant 0 : i32
      %dma_wait3A_79 = arith.constant 0 : i32
      %dma_wait3A_80 = tpu.memref_slice %arg7[%dma_wait3A_78, %dma_wait3A_79] : memref<512x128xf32, #tpu.memory_space<vmem>> -> memref<128x128xf32, #tpu.memory_space<vmem>>
      %dma_wait3A_81 = arith.constant 0 : i32
      %dma_wait3A_82 = tpu.memref_slice %arg6[%dma_wait3A, %dma_wait3A_81] : memref<2x256xi32, #tpu.memory_space<vmem>> -> memref<1x128xi32, #tpu.memory_space<vmem>>
      %dma_wait3A_83 = tpu.memref_squeeze %dma_wait3A_82 : memref<1x128xi32, #tpu.memory_space<vmem>> -> memref<128xi32, #tpu.memory_space<vmem>>
      %dma_wait3A_84 = arith.constant 0 : i32
      %dma_wait3A_85 = arith.constant 0 : i32
      %dma_wait3A_86 = tpu.memref_slice %arg3[%dma_wait3A_84, %dma_wait3A_85] : memref<8192x128xf32, #tpu.memory_space<hbm>> -> memref<8192x128xf32, #tpu.memory_space<hbm>>
      tpu.wait_indirect_dma semaphore(%arg10 : memref<!tpu.dma_semaphore, #tpu.memory_space<semaphore_mem>>) src(%dma_wait3A_86 : memref<8192x128xf32, #tpu.memory_space<hbm>>) dst(%dma_wait3A_80 : memref<128x128xf32, #tpu.memory_space<vmem>>)
      %dma_wait3A_87 = arith.constant 0 : i32
      %dma_wait3A_88 = arith.constant 128 : i32
      %dma_wait3A_89 = arith.constant 0 : i32
      %dma_wait3A_90 = tpu.memref_slice %arg7[%dma_wait3A_88, %dma_wait3A_89] : memref<512x128xf32, #tpu.memory_space<vmem>> -> memref<128x128xf32, #tpu.memory_space<vmem>>
      %dma_wait3A_91 = arith.constant 128 : i32
      %dma_wait3A_92 = tpu.memref_slice %arg6[%dma_wait3A_87, %dma_wait3A_91] : memref<2x256xi32, #tpu.memory_space<vmem>> -> memref<1x128xi32, #tpu.memory_space<vmem>>
      %dma_wait3A_93 = tpu.memref_squeeze %dma_wait3A_92 : memref<1x128xi32, #tpu.memory_space<vmem>> -> memref<128xi32, #tpu.memory_space<vmem>>
      %dma_wait3A_94 = arith.constant 0 : i32
      %dma_wait3A_95 = arith.constant 0 : i32
      %dma_wait3A_96 = tpu.memref_slice %arg3[%dma_wait3A_94, %dma_wait3A_95] : memref<8192x128xf32, #tpu.memory_space<hbm>> -> memref<8192x128xf32, #tpu.memory_space<hbm>>
      tpu.wait_indirect_dma semaphore(%arg10 : memref<!tpu.dma_semaphore, #tpu.memory_space<semaphore_mem>>) src(%dma_wait3A_96 : memref<8192x128xf32, #tpu.memory_space<hbm>>) dst(%dma_wait3A_90 : memref<128x128xf32, #tpu.memory_space<vmem>>)
      %scan3A_97 = arith.constant 0 : i32
      %scan3A_98 = arith.constant 0 : i32
      %scan3A_99 = arith.constant 16 : i32
      %scan3A_100 = arith.addi %scan3A_98, %scan3A_99 : i32
      %scan3A_101 = arith.constant 1 : i32
      %scan3A_102 = scf.for %scan3A_146 = %scan3A_98 to %scan3A_100 step %scan3A_101 iter_args(%scan3A_147 = %scan3A_97) -> (i32)  : i32 {
        %mul3A_148 = arith.constant 8 : i32
        %mul3A_149 = arith.muli %mul3A_50, %mul3A_148 : i32
        %jit3A_150 = arith.constant 2 : i32
        %div3A_151 = arith.divsi %scan3A_146, %jit3A_150 : i32
        %sign3A_152 = arith.constant 0 : i32
        %sign3A_153 = arith.cmpi sgt, %scan3A_146, %sign3A_152 : i32
        %sign3A_154 = arith.extui %sign3A_153 : i1 to i32
        %sign3A_155 = arith.constant 0 : i32
        %sign3A_156 = arith.cmpi slt, %scan3A_146, %sign3A_155 : i32
        %sign3A_157 = arith.extui %sign3A_156 : i1 to i32
        %sign3A_158 = arith.subi %sign3A_154, %sign3A_157 : i32
        %sign3A_159 = arith.constant 0 : i32
        %sign3A_160 = arith.cmpi sgt, %jit3A_150, %sign3A_159 : i32
        %sign3A_161 = arith.extui %sign3A_160 : i1 to i32
        %sign3A_162 = arith.constant 0 : i32
        %sign3A_163 = arith.cmpi slt, %jit3A_150, %sign3A_162 : i32
        %sign3A_164 = arith.extui %sign3A_163 : i1 to i32
        %sign3A_165 = arith.subi %sign3A_161, %sign3A_164 : i32
        %ne3A_166 = arith.cmpi ne, %sign3A_158, %sign3A_165 : i32
        %rem3A_167 = arith.remsi %scan3A_146, %jit3A_150 : i32
        %ne3A_168 = arith.constant 0 : i32
        %ne3A_169 = arith.cmpi ne, %rem3A_167, %ne3A_168 : i32
        %and3A_170 = arith.andi %ne3A_166, %ne3A_169 : i1
        %sub3A_171 = arith.constant 1 : i32
        %sub3A_172 = arith.subi %div3A_151, %sub3A_171 : i32
        %select_n3A_173 = arith.select %and3A_170, %sub3A_172, %div3A_151 : i32
        %add3A_174 = arith.addi %mul3A_149, %select_n3A_173 : i32
        %get3A = arith.index_cast %add3A_174 : i32 to index
        %get3A_175 = arith.constant 0 : index
        %get3A_176 = tpu.vector_load %arg8[%get3A, %get3A_175] {strides = array<i32>} : memref<256x16xf32, #tpu.memory_space<vmem>>, vector<1x16xf32>,
        %get3A_177 = vector.shape_cast %get3A_176 : vector<1x16xf32> to vector<16xf32>
        %broadcast_in_dim3A = arith.constant 0.000000e+00 : f32
        %broadcast_in_dim3A_178 = vector.broadcast %broadcast_in_dim3A : f32 to vector<16xf32>
        %mul3A_179 = arith.constant 16 : i32
        %mul3A_180 = arith.muli %scan3A_146, %mul3A_179 : i32
        %add3A_181 = arith.constant 0 : i32
        %add3A_182 = arith.addi %add3A_181, %mul3A_180 : i32
        %add3A_183 = arith.constant 0 : i32
        %add3A_184 = arith.addi %add3A_182, %add3A_183 : i32
        %get3A_185 = arith.index_cast %add3A_184 : i32 to index
        %get3A_186 = arith.constant 0 : index
        %get3A_187 = tpu.vector_load %arg7[%get3A_185, %get3A_186] {strides = array<i32>} : memref<512x128xf32, #tpu.memory_space<vmem>>, vector<1x16xf32>,
        %get3A_188 = vector.shape_cast %get3A_187 : vector<1x16xf32> to vector<16xf32>
        %sub3A_189 = arith.subf %get3A_188, %get3A_177 : vector<16xf32>
        %mul3A_190 = arith.mulf %sub3A_189, %sub3A_189 : vector<16xf32>
        %xor3A = arith.constant 1 : i32
        %xor3A_191 = vector.broadcast %xor3A : i32 to vector<16xi32>
        %xor3A_192 = arith.xori %iota3A, %xor3A_191 : vector<16xi32>
        %lt3A_193 = arith.constant 0 : i32
        %lt3A_194 = vector.broadcast %lt3A_193 : i32 to vector<16xi32>
        %lt3A_195 = arith.cmpi slt, %xor3A_192, %lt3A_194 : vector<16xi32>
        %add3A_196 = arith.constant 16 : i32
        %add3A_197 = vector.broadcast %add3A_196 : i32 to vector<16xi32>
        %add3A_198 = arith.addi %xor3A_192, %add3A_197 : vector<16xi32>
        %select_n3A_199 = arith.select %lt3A_195, %add3A_198, %xor3A_192 : vector<16xi1>, vector<16xi32>
        %broadcast_in_dim3A_200 = vector.shape_cast %select_n3A_199 : vector<16xi32> to vector<16x1xi32>
        %gather3A = vector.shape_cast %broadcast_in_dim3A_200 : vector<16x1xi32> to vector<16xi32>
        %gather3A_201 = tpu.dynamic_gather %mul3A_190[%gather3A] in [0] : vector<16xf32>, vector<16xi32> -> vector<16xf32>
        %add3A_202 = arith.addf %mul3A_190, %gather3A_201 : vector<16xf32>
        %xor3A_203 = arith.constant 2 : i32
        %xor3A_204 = vector.broadcast %xor3A_203 : i32 to vector<16xi32>
        %xor3A_205 = arith.xori %iota3A, %xor3A_204 : vector<16xi32>
        %lt3A_206 = arith.constant 0 : i32
        %lt3A_207 = vector.broadcast %lt3A_206 : i32 to vector<16xi32>
        %lt3A_208 = arith.cmpi slt, %xor3A_205, %lt3A_207 : vector<16xi32>
        %add3A_209 = arith.constant 16 : i32
        %add3A_210 = vector.broadcast %add3A_209 : i32 to vector<16xi32>
        %add3A_211 = arith.addi %xor3A_205, %add3A_210 : vector<16xi32>
        %select_n3A_212 = arith.select %lt3A_208, %add3A_211, %xor3A_205 : vector<16xi1>, vector<16xi32>
        %broadcast_in_dim3A_213 = vector.shape_cast %select_n3A_212 : vector<16xi32> to vector<16x1xi32>
        %gather3A_214 = vector.shape_cast %broadcast_in_dim3A_213 : vector<16x1xi32> to vector<16xi32>
        %gather3A_215 = tpu.dynamic_gather %add3A_202[%gather3A_214] in [0] : vector<16xf32>, vector<16xi32> -> vector<16xf32>
        %add3A_216 = arith.addf %add3A_202, %gather3A_215 : vector<16xf32>
        %xor3A_217 = arith.constant 4 : i32
        %xor3A_218 = vector.broadcast %xor3A_217 : i32 to vector<16xi32>
        %xor3A_219 = arith.xori %iota3A, %xor3A_218 : vector<16xi32>
        %lt3A_220 = arith.constant 0 : i32
        %lt3A_221 = vector.broadcast %lt3A_220 : i32 to vector<16xi32>
        %lt3A_222 = arith.cmpi slt, %xor3A_219, %lt3A_221 : vector<16xi32>
        %add3A_223 = arith.constant 16 : i32
        %add3A_224 = vector.broadcast %add3A_223 : i32 to vector<16xi32>
        %add3A_225 = arith.addi %xor3A_219, %add3A_224 : vector<16xi32>
        %select_n3A_226 = arith.select %lt3A_222, %add3A_225, %xor3A_219 : vector<16xi1>, vector<16xi32>
        %broadcast_in_dim3A_227 = vector.shape_cast %select_n3A_226 : vector<16xi32> to vector<16x1xi32>
        %gather3A_228 = vector.shape_cast %broadcast_in_dim3A_227 : vector<16x1xi32> to vector<16xi32>
        %gather3A_229 = tpu.dynamic_gather %add3A_216[%gather3A_228] in [0] : vector<16xf32>, vector<16xi32> -> vector<16xf32>
        %add3A_230 = arith.addf %add3A_216, %gather3A_229 : vector<16xf32>
        %xor3A_231 = arith.constant 8 : i32
        %xor3A_232 = vector.broadcast %xor3A_231 : i32 to vector<16xi32>
        %xor3A_233 = arith.xori %iota3A, %xor3A_232 : vector<16xi32>
        %lt3A_234 = arith.constant 0 : i32
        %lt3A_235 = vector.broadcast %lt3A_234 : i32 to vector<16xi32>
        %lt3A_236 = arith.cmpi slt, %xor3A_233, %lt3A_235 : vector<16xi32>
        %add3A_237 = arith.constant 16 : i32
        %add3A_238 = vector.broadcast %add3A_237 : i32 to vector<16xi32>
        %add3A_239 = arith.addi %xor3A_233, %add3A_238 : vector<16xi32>
        %select_n3A_240 = arith.select %lt3A_236, %add3A_239, %xor3A_233 : vector<16xi1>, vector<16xi32>
        %broadcast_in_dim3A_241 = vector.shape_cast %select_n3A_240 : vector<16xi32> to vector<16x1xi32>
        %gather3A_242 = vector.shape_cast %broadcast_in_dim3A_241 : vector<16x1xi32> to vector<16xi32>
        %gather3A_243 = tpu.dynamic_gather %add3A_230[%gather3A_242] in [0] : vector<16xf32>, vector<16xi32> -> vector<16xf32>
        %add3A_244 = arith.addf %add3A_230, %gather3A_243 : vector<16xf32>
        %eq3A = arith.constant 0 : i32
        %eq3A_245 = vector.broadcast %eq3A : i32 to vector<16xi32>
        %eq3A_246 = arith.cmpi eq, %iota3A, %eq3A_245 : vector<16xi32>
        %select_n3A_247 = arith.select %eq3A_246, %add3A_244, %broadcast_in_dim3A_178 : vector<16xi1>, vector<16xf32>
        %mul3A_248 = arith.constant 16 : i32
        %mul3A_249 = arith.muli %scan3A_146, %mul3A_248 : i32
        %add3A_250 = arith.constant 0 : i32
        %add3A_251 = arith.addi %add3A_250, %mul3A_249 : i32
        %add3A_252 = arith.constant 1 : i32
        %add3A_253 = arith.addi %add3A_251, %add3A_252 : i32
        %get3A_254 = arith.index_cast %add3A_253 : i32 to index
        %get3A_255 = arith.constant 0 : index
        %get3A_256 = tpu.vector_load %arg7[%get3A_254, %get3A_255] {strides = array<i32>} : memref<512x128xf32, #tpu.memory_space<vmem>>, vector<1x16xf32>,
        %get3A_257 = vector.shape_cast %get3A_256 : vector<1x16xf32> to vector<16xf32>
        %sub3A_258 = arith.subf %get3A_257, %get3A_177 : vector<16xf32>
        %mul3A_259 = arith.mulf %sub3A_258, %sub3A_258 : vector<16xf32>
        %xor3A_260 = arith.constant 1 : i32
        %xor3A_261 = vector.broadcast %xor3A_260 : i32 to vector<16xi32>
        %xor3A_262 = arith.xori %iota3A, %xor3A_261 : vector<16xi32>
        %lt3A_263 = arith.constant 0 : i32
        %lt3A_264 = vector.broadcast %lt3A_263 : i32 to vector<16xi32>
        %lt3A_265 = arith.cmpi slt, %xor3A_262, %lt3A_264 : vector<16xi32>
        %add3A_266 = arith.constant 16 : i32
        %add3A_267 = vector.broadcast %add3A_266 : i32 to vector<16xi32>
        %add3A_268 = arith.addi %xor3A_262, %add3A_267 : vector<16xi32>
        %select_n3A_269 = arith.select %lt3A_265, %add3A_268, %xor3A_262 : vector<16xi1>, vector<16xi32>
        %broadcast_in_dim3A_270 = vector.shape_cast %select_n3A_269 : vector<16xi32> to vector<16x1xi32>
        %gather3A_271 = vector.shape_cast %broadcast_in_dim3A_270 : vector<16x1xi32> to vector<16xi32>
        %gather3A_272 = tpu.dynamic_gather %mul3A_259[%gather3A_271] in [0] : vector<16xf32>, vector<16xi32> -> vector<16xf32>
        %add3A_273 = arith.addf %mul3A_259, %gather3A_272 : vector<16xf32>
        %xor3A_274 = arith.constant 2 : i32
        %xor3A_275 = vector.broadcast %xor3A_274 : i32 to vector<16xi32>
        %xor3A_276 = arith.xori %iota3A, %xor3A_275 : vector<16xi32>
        %lt3A_277 = arith.constant 0 : i32
        %lt3A_278 = vector.broadcast %lt3A_277 : i32 to vector<16xi32>
        %lt3A_279 = arith.cmpi slt, %xor3A_276, %lt3A_278 : vector<16xi32>
        %add3A_280 = arith.constant 16 : i32
        %add3A_281 = vector.broadcast %add3A_280 : i32 to vector<16xi32>
        %add3A_282 = arith.addi %xor3A_276, %add3A_281 : vector<16xi32>
        %select_n3A_283 = arith.select %lt3A_279, %add3A_282, %xor3A_276 : vector<16xi1>, vector<16xi32>
        %broadcast_in_dim3A_284 = vector.shape_cast %select_n3A_283 : vector<16xi32> to vector<16x1xi32>
        %gather3A_285 = vector.shape_cast %broadcast_in_dim3A_284 : vector<16x1xi32> to vector<16xi32>
        %gather3A_286 = tpu.dynamic_gather %add3A_273[%gather3A_285] in [0] : vector<16xf32>, vector<16xi32> -> vector<16xf32>
        %add3A_287 = arith.addf %add3A_273, %gather3A_286 : vector<16xf32>
        %xor3A_288 = arith.constant 4 : i32
        %xor3A_289 = vector.broadcast %xor3A_288 : i32 to vector<16xi32>
        %xor3A_290 = arith.xori %iota3A, %xor3A_289 : vector<16xi32>
        %lt3A_291 = arith.constant 0 : i32
        %lt3A_292 = vector.broadcast %lt3A_291 : i32 to vector<16xi32>
        %lt3A_293 = arith.cmpi slt, %xor3A_290, %lt3A_292 : vector<16xi32>
        %add3A_294 = arith.constant 16 : i32
        %add3A_295 = vector.broadcast %add3A_294 : i32 to vector<16xi32>
        %add3A_296 = arith.addi %xor3A_290, %add3A_295 : vector<16xi32>
        %select_n3A_297 = arith.select %lt3A_293, %add3A_296, %xor3A_290 : vector<16xi1>, vector<16xi32>
        %broadcast_in_dim3A_298 = vector.shape_cast %select_n3A_297 : vector<16xi32> to vector<16x1xi32>
        %gather3A_299 = vector.shape_cast %broadcast_in_dim3A_298 : vector<16x1xi32> to vector<16xi32>
        %gather3A_300 = tpu.dynamic_gather %add3A_287[%gather3A_299] in [0] : vector<16xf32>, vector<16xi32> -> vector<16xf32>
        %add3A_301 = arith.addf %add3A_287, %gather3A_300 : vector<16xf32>
        %xor3A_302 = arith.constant 8 : i32
        %xor3A_303 = vector.broadcast %xor3A_302 : i32 to vector<16xi32>
        %xor3A_304 = arith.xori %iota3A, %xor3A_303 : vector<16xi32>
        %lt3A_305 = arith.constant 0 : i32
        %lt3A_306 = vector.broadcast %lt3A_305 : i32 to vector<16xi32>
        %lt3A_307 = arith.cmpi slt, %xor3A_304, %lt3A_306 : vector<16xi32>
        %add3A_308 = arith.constant 16 : i32
        %add3A_309 = vector.broadcast %add3A_308 : i32 to vector<16xi32>
        %add3A_310 = arith.addi %xor3A_304, %add3A_309 : vector<16xi32>
        %select_n3A_311 = arith.select %lt3A_307, %add3A_310, %xor3A_304 : vector<16xi1>, vector<16xi32>
        %broadcast_in_dim3A_312 = vector.shape_cast %select_n3A_311 : vector<16xi32> to vector<16x1xi32>
        %gather3A_313 = vector.shape_cast %broadcast_in_dim3A_312 : vector<16x1xi32> to vector<16xi32>
        %gather3A_314 = tpu.dynamic_gather %add3A_301[%gather3A_313] in [0] : vector<16xf32>, vector<16xi32> -> vector<16xf32>
        %add3A_315 = arith.addf %add3A_301, %gather3A_314 : vector<16xf32>
        %eq3A_316 = arith.constant 1 : i32
        %eq3A_317 = vector.broadcast %eq3A_316 : i32 to vector<16xi32>
        %eq3A_318 = arith.cmpi eq, %iota3A, %eq3A_317 : vector<16xi32>
        %select_n3A_319 = arith.select %eq3A_318, %add3A_315, %select_n3A_247 : vector<16xi1>, vector<16xf32>
        %mul3A_320 = arith.constant 16 : i32
        %mul3A_321 = arith.muli %scan3A_146, %mul3A_320 : i32
        %add3A_322 = arith.constant 0 : i32
        %add3A_323 = arith.addi %add3A_322, %mul3A_321 : i32
        %add3A_324 = arith.constant 2 : i32
        %add3A_325 = arith.addi %add3A_323, %add3A_324 : i32
        %get3A_326 = arith.index_cast %add3A_325 : i32 to index
        %get3A_327 = arith.constant 0 : index
        %get3A_328 = tpu.vector_load %arg7[%get3A_326, %get3A_327] {strides = array<i32>} : memref<512x128xf32, #tpu.memory_space<vmem>>, vector<1x16xf32>,
        %get3A_329 = vector.shape_cast %get3A_328 : vector<1x16xf32> to vector<16xf32>
        %sub3A_330 = arith.subf %get3A_329, %get3A_177 : vector<16xf32>
        %mul3A_331 = arith.mulf %sub3A_330, %sub3A_330 : vector<16xf32>
        %xor3A_332 = arith.constant 1 : i32
        %xor3A_333 = vector.broadcast %xor3A_332 : i32 to vector<16xi32>
        %xor3A_334 = arith.xori %iota3A, %xor3A_333 : vector<16xi32>
        %lt3A_335 = arith.constant 0 : i32
        %lt3A_336 = vector.broadcast %lt3A_335 : i32 to vector<16xi32>
        %lt3A_337 = arith.cmpi slt, %xor3A_334, %lt3A_336 : vector<16xi32>
        %add3A_338 = arith.constant 16 : i32
        %add3A_339 = vector.broadcast %add3A_338 : i32 to vector<16xi32>
        %add3A_340 = arith.addi %xor3A_334, %add3A_339 : vector<16xi32>
        %select_n3A_341 = arith.select %lt3A_337, %add3A_340, %xor3A_334 : vector<16xi1>, vector<16xi32>
        %broadcast_in_dim3A_342 = vector.shape_cast %select_n3A_341 : vector<16xi32> to vector<16x1xi32>
        %gather3A_343 = vector.shape_cast %broadcast_in_dim3A_342 : vector<16x1xi32> to vector<16xi32>
        %gather3A_344 = tpu.dynamic_gather %mul3A_331[%gather3A_343] in [0] : vector<16xf32>, vector<16xi32> -> vector<16xf32>
        %add3A_345 = arith.addf %mul3A_331, %gather3A_344 : vector<16xf32>
        %xor3A_346 = arith.constant 2 : i32
        %xor3A_347 = vector.broadcast %xor3A_346 : i32 to vector<16xi32>
        %xor3A_348 = arith.xori %iota3A, %xor3A_347 : vector<16xi32>
        %lt3A_349 = arith.constant 0 : i32
        %lt3A_350 = vector.broadcast %lt3A_349 : i32 to vector<16xi32>
        %lt3A_351 = arith.cmpi slt, %xor3A_348, %lt3A_350 : vector<16xi32>
        %add3A_352 = arith.constant 16 : i32
        %add3A_353 = vector.broadcast %add3A_352 : i32 to vector<16xi32>
        %add3A_354 = arith.addi %xor3A_348, %add3A_353 : vector<16xi32>
        %select_n3A_355 = arith.select %lt3A_351, %add3A_354, %xor3A_348 : vector<16xi1>, vector<16xi32>
        %broadcast_in_dim3A_356 = vector.shape_cast %select_n3A_355 : vector<16xi32> to vector<16x1xi32>
        %gather3A_357 = vector.shape_cast %broadcast_in_dim3A_356 : vector<16x1xi32> to vector<16xi32>
        %gather3A_358 = tpu.dynamic_gather %add3A_345[%gather3A_357] in [0] : vector<16xf32>, vector<16xi32> -> vector<16xf32>
        %add3A_359 = arith.addf %add3A_345, %gather3A_358 : vector<16xf32>
        %xor3A_360 = arith.constant 4 : i32
        %xor3A_361 = vector.broadcast %xor3A_360 : i32 to vector<16xi32>
        %xor3A_362 = arith.xori %iota3A, %xor3A_361 : vector<16xi32>
        %lt3A_363 = arith.constant 0 : i32
        %lt3A_364 = vector.broadcast %lt3A_363 : i32 to vector<16xi32>
        %lt3A_365 = arith.cmpi slt, %xor3A_362, %lt3A_364 : vector<16xi32>
        %add3A_366 = arith.constant 16 : i32
        %add3A_367 = vector.broadcast %add3A_366 : i32 to vector<16xi32>
        %add3A_368 = arith.addi %xor3A_362, %add3A_367 : vector<16xi32>
        %select_n3A_369 = arith.select %lt3A_365, %add3A_368, %xor3A_362 : vector<16xi1>, vector<16xi32>
        %broadcast_in_dim3A_370 = vector.shape_cast %select_n3A_369 : vector<16xi32> to vector<16x1xi32>
        %gather3A_371 = vector.shape_cast %broadcast_in_dim3A_370 : vector<16x1xi32> to vector<16xi32>
        %gather3A_372 = tpu.dynamic_gather %add3A_359[%gather3A_371] in [0] : vector<16xf32>, vector<16xi32> -> vector<16xf32>
        %add3A_373 = arith.addf %add3A_359, %gather3A_372 : vector<16xf32>
        %xor3A_374 = arith.constant 8 : i32
        %xor3A_375 = vector.broadcast %xor3A_374 : i32 to vector<16xi32>
        %xor3A_376 = arith.xori %iota3A, %xor3A_375 : vector<16xi32>
        %lt3A_377 = arith.constant 0 : i32
        %lt3A_378 = vector.broadcast %lt3A_377 : i32 to vector<16xi32>
        %lt3A_379 = arith.cmpi slt, %xor3A_376, %lt3A_378 : vector<16xi32>
        %add3A_380 = arith.constant 16 : i32
        %add3A_381 = vector.broadcast %add3A_380 : i32 to vector<16xi32>
        %add3A_382 = arith.addi %xor3A_376, %add3A_381 : vector<16xi32>
        %select_n3A_383 = arith.select %lt3A_379, %add3A_382, %xor3A_376 : vector<16xi1>, vector<16xi32>
        %broadcast_in_dim3A_384 = vector.shape_cast %select_n3A_383 : vector<16xi32> to vector<16x1xi32>
        %gather3A_385 = vector.shape_cast %broadcast_in_dim3A_384 : vector<16x1xi32> to vector<16xi32>
        %gather3A_386 = tpu.dynamic_gather %add3A_373[%gather3A_385] in [0] : vector<16xf32>, vector<16xi32> -> vector<16xf32>
        %add3A_387 = arith.addf %add3A_373, %gather3A_386 : vector<16xf32>
        %eq3A_388 = arith.constant 2 : i32
        %eq3A_389 = vector.broadcast %eq3A_388 : i32 to vector<16xi32>
        %eq3A_390 = arith.cmpi eq, %iota3A, %eq3A_389 : vector<16xi32>
        %select_n3A_391 = arith.select %eq3A_390, %add3A_387, %select_n3A_319 : vector<16xi1>, vector<16xf32>
        %mul3A_392 = arith.constant 16 : i32
        %mul3A_393 = arith.muli %scan3A_146, %mul3A_392 : i32
        %add3A_394 = arith.constant 0 : i32
        %add3A_395 = arith.addi %add3A_394, %mul3A_393 : i32
        %add3A_396 = arith.constant 3 : i32
        %add3A_397 = arith.addi %add3A_395, %add3A_396 : i32
        %get3A_398 = arith.index_cast %add3A_397 : i32 to index
        %get3A_399 = arith.constant 0 : index
        %get3A_400 = tpu.vector_load %arg7[%get3A_398, %get3A_399] {strides = array<i32>} : memref<512x128xf32, #tpu.memory_space<vmem>>, vector<1x16xf32>,
        %get3A_401 = vector.shape_cast %get3A_400 : vector<1x16xf32> to vector<16xf32>
        %sub3A_402 = arith.subf %get3A_401, %get3A_177 : vector<16xf32>
        %mul3A_403 = arith.mulf %sub3A_402, %sub3A_402 : vector<16xf32>
        %xor3A_404 = arith.constant 1 : i32
        %xor3A_405 = vector.broadcast %xor3A_404 : i32 to vector<16xi32>
        %xor3A_406 = arith.xori %iota3A, %xor3A_405 : vector<16xi32>
        %lt3A_407 = arith.constant 0 : i32
        %lt3A_408 = vector.broadcast %lt3A_407 : i32 to vector<16xi32>
        %lt3A_409 = arith.cmpi slt, %xor3A_406, %lt3A_408 : vector<16xi32>
        %add3A_410 = arith.constant 16 : i32
        %add3A_411 = vector.broadcast %add3A_410 : i32 to vector<16xi32>
        %add3A_412 = arith.addi %xor3A_406, %add3A_411 : vector<16xi32>
        %select_n3A_413 = arith.select %lt3A_409, %add3A_412, %xor3A_406 : vector<16xi1>, vector<16xi32>
        %broadcast_in_dim3A_414 = vector.shape_cast %select_n3A_413 : vector<16xi32> to vector<16x1xi32>
        %gather3A_415 = vector.shape_cast %broadcast_in_dim3A_414 : vector<16x1xi32> to vector<16xi32>
        %gather3A_416 = tpu.dynamic_gather %mul3A_403[%gather3A_415] in [0] : vector<16xf32>, vector<16xi32> -> vector<16xf32>
        %add3A_417 = arith.addf %mul3A_403, %gather3A_416 : vector<16xf32>
        %xor3A_418 = arith.constant 2 : i32
        %xor3A_419 = vector.broadcast %xor3A_418 : i32 to vector<16xi32>
        %xor3A_420 = arith.xori %iota3A, %xor3A_419 : vector<16xi32>
        %lt3A_421 = arith.constant 0 : i32
        %lt3A_422 = vector.broadcast %lt3A_421 : i32 to vector<16xi32>
        %lt3A_423 = arith.cmpi slt, %xor3A_420, %lt3A_422 : vector<16xi32>
        %add3A_424 = arith.constant 16 : i32
        %add3A_425 = vector.broadcast %add3A_424 : i32 to vector<16xi32>
        %add3A_426 = arith.addi %xor3A_420, %add3A_425 : vector<16xi32>
        %select_n3A_427 = arith.select %lt3A_423, %add3A_426, %xor3A_420 : vector<16xi1>, vector<16xi32>
        %broadcast_in_dim3A_428 = vector.shape_cast %select_n3A_427 : vector<16xi32> to vector<16x1xi32>
        %gather3A_429 = vector.shape_cast %broadcast_in_dim3A_428 : vector<16x1xi32> to vector<16xi32>
        %gather3A_430 = tpu.dynamic_gather %add3A_417[%gather3A_429] in [0] : vector<16xf32>, vector<16xi32> -> vector<16xf32>
        %add3A_431 = arith.addf %add3A_417, %gather3A_430 : vector<16xf32>
        %xor3A_432 = arith.constant 4 : i32
        %xor3A_433 = vector.broadcast %xor3A_432 : i32 to vector<16xi32>
        %xor3A_434 = arith.xori %iota3A, %xor3A_433 : vector<16xi32>
        %lt3A_435 = arith.constant 0 : i32
        %lt3A_436 = vector.broadcast %lt3A_435 : i32 to vector<16xi32>
        %lt3A_437 = arith.cmpi slt, %xor3A_434, %lt3A_436 : vector<16xi32>
        %add3A_438 = arith.constant 16 : i32
        %add3A_439 = vector.broadcast %add3A_438 : i32 to vector<16xi32>
        %add3A_440 = arith.addi %xor3A_434, %add3A_439 : vector<16xi32>
        %select_n3A_441 = arith.select %lt3A_437, %add3A_440, %xor3A_434 : vector<16xi1>, vector<16xi32>
        %broadcast_in_dim3A_442 = vector.shape_cast %select_n3A_441 : vector<16xi32> to vector<16x1xi32>
        %gather3A_443 = vector.shape_cast %broadcast_in_dim3A_442 : vector<16x1xi32> to vector<16xi32>
        %gather3A_444 = tpu.dynamic_gather %add3A_431[%gather3A_443] in [0] : vector<16xf32>, vector<16xi32> -> vector<16xf32>
        %add3A_445 = arith.addf %add3A_431, %gather3A_444 : vector<16xf32>
        %xor3A_446 = arith.constant 8 : i32
        %xor3A_447 = vector.broadcast %xor3A_446 : i32 to vector<16xi32>
        %xor3A_448 = arith.xori %iota3A, %xor3A_447 : vector<16xi32>
        %lt3A_449 = arith.constant 0 : i32
        %lt3A_450 = vector.broadcast %lt3A_449 : i32 to vector<16xi32>
        %lt3A_451 = arith.cmpi slt, %xor3A_448, %lt3A_450 : vector<16xi32>
        %add3A_452 = arith.constant 16 : i32
        %add3A_453 = vector.broadcast %add3A_452 : i32 to vector<16xi32>
        %add3A_454 = arith.addi %xor3A_448, %add3A_453 : vector<16xi32>
        %select_n3A_455 = arith.select %lt3A_451, %add3A_454, %xor3A_448 : vector<16xi1>, vector<16xi32>
        %broadcast_in_dim3A_456 = vector.shape_cast %select_n3A_455 : vector<16xi32> to vector<16x1xi32>
        %gather3A_457 = vector.shape_cast %broadcast_in_dim3A_456 : vector<16x1xi32> to vector<16xi32>
        %gather3A_458 = tpu.dynamic_gather %add3A_445[%gather3A_457] in [0] : vector<16xf32>, vector<16xi32> -> vector<16xf32>
        %add3A_459 = arith.addf %add3A_445, %gather3A_458 : vector<16xf32>
        %eq3A_460 = arith.constant 3 : i32
        %eq3A_461 = vector.broadcast %eq3A_460 : i32 to vector<16xi32>
        %eq3A_462 = arith.cmpi eq, %iota3A, %eq3A_461 : vector<16xi32>
        %select_n3A_463 = arith.select %eq3A_462, %add3A_459, %select_n3A_391 : vector<16xi1>, vector<16xf32>
        %mul3A_464 = arith.constant 16 : i32
        %mul3A_465 = arith.muli %scan3A_146, %mul3A_464 : i32
        %add3A_466 = arith.constant 0 : i32
        %add3A_467 = arith.addi %add3A_466, %mul3A_465 : i32
        %add3A_468 = arith.constant 4 : i32
        %add3A_469 = arith.addi %add3A_467, %add3A_468 : i32
        %get3A_470 = arith.index_cast %add3A_469 : i32 to index
        %get3A_471 = arith.constant 0 : index
        %get3A_472 = tpu.vector_load %arg7[%get3A_470, %get3A_471] {strides = array<i32>} : memref<512x128xf32, #tpu.memory_space<vmem>>, vector<1x16xf32>,
        %get3A_473 = vector.shape_cast %get3A_472 : vector<1x16xf32> to vector<16xf32>
        %sub3A_474 = arith.subf %get3A_473, %get3A_177 : vector<16xf32>
        %mul3A_475 = arith.mulf %sub3A_474, %sub3A_474 : vector<16xf32>
        %xor3A_476 = arith.constant 1 : i32
        %xor3A_477 = vector.broadcast %xor3A_476 : i32 to vector<16xi32>
        %xor3A_478 = arith.xori %iota3A, %xor3A_477 : vector<16xi32>
        %lt3A_479 = arith.constant 0 : i32
        %lt3A_480 = vector.broadcast %lt3A_479 : i32 to vector<16xi32>
        %lt3A_481 = arith.cmpi slt, %xor3A_478, %lt3A_480 : vector<16xi32>
        %add3A_482 = arith.constant 16 : i32
        %add3A_483 = vector.broadcast %add3A_482 : i32 to vector<16xi32>
        %add3A_484 = arith.addi %xor3A_478, %add3A_483 : vector<16xi32>
        %select_n3A_485 = arith.select %lt3A_481, %add3A_484, %xor3A_478 : vector<16xi1>, vector<16xi32>
        %broadcast_in_dim3A_486 = vector.shape_cast %select_n3A_485 : vector<16xi32> to vector<16x1xi32>
        %gather3A_487 = vector.shape_cast %broadcast_in_dim3A_486 : vector<16x1xi32> to vector<16xi32>
        %gather3A_488 = tpu.dynamic_gather %mul3A_475[%gather3A_487] in [0] : vector<16xf32>, vector<16xi32> -> vector<16xf32>
        %add3A_489 = arith.addf %mul3A_475, %gather3A_488 : vector<16xf32>
        %xor3A_490 = arith.constant 2 : i32
        %xor3A_491 = vector.broadcast %xor3A_490 : i32 to vector<16xi32>
        %xor3A_492 = arith.xori %iota3A, %xor3A_491 : vector<16xi32>
        %lt3A_493 = arith.constant 0 : i32
        %lt3A_494 = vector.broadcast %lt3A_493 : i32 to vector<16xi32>
        %lt3A_495 = arith.cmpi slt, %xor3A_492, %lt3A_494 : vector<16xi32>
        %add3A_496 = arith.constant 16 : i32
        %add3A_497 = vector.broadcast %add3A_496 : i32 to vector<16xi32>
        %add3A_498 = arith.addi %xor3A_492, %add3A_497 : vector<16xi32>
        %select_n3A_499 = arith.select %lt3A_495, %add3A_498, %xor3A_492 : vector<16xi1>, vector<16xi32>
        %broadcast_in_dim3A_500 = vector.shape_cast %select_n3A_499 : vector<16xi32> to vector<16x1xi32>
        %gather3A_501 = vector.shape_cast %broadcast_in_dim3A_500 : vector<16x1xi32> to vector<16xi32>
        %gather3A_502 = tpu.dynamic_gather %add3A_489[%gather3A_501] in [0] : vector<16xf32>, vector<16xi32> -> vector<16xf32>
        %add3A_503 = arith.addf %add3A_489, %gather3A_502 : vector<16xf32>
        %xor3A_504 = arith.constant 4 : i32
        %xor3A_505 = vector.broadcast %xor3A_504 : i32 to vector<16xi32>
        %xor3A_506 = arith.xori %iota3A, %xor3A_505 : vector<16xi32>
        %lt3A_507 = arith.constant 0 : i32
        %lt3A_508 = vector.broadcast %lt3A_507 : i32 to vector<16xi32>
        %lt3A_509 = arith.cmpi slt, %xor3A_506, %lt3A_508 : vector<16xi32>
        %add3A_510 = arith.constant 16 : i32
        %add3A_511 = vector.broadcast %add3A_510 : i32 to vector<16xi32>
        %add3A_512 = arith.addi %xor3A_506, %add3A_511 : vector<16xi32>
        %select_n3A_513 = arith.select %lt3A_509, %add3A_512, %xor3A_506 : vector<16xi1>, vector<16xi32>
        %broadcast_in_dim3A_514 = vector.shape_cast %select_n3A_513 : vector<16xi32> to vector<16x1xi32>
        %gather3A_515 = vector.shape_cast %broadcast_in_dim3A_514 : vector<16x1xi32> to vector<16xi32>
        %gather3A_516 = tpu.dynamic_gather %add3A_503[%gather3A_515] in [0] : vector<16xf32>, vector<16xi32> -> vector<16xf32>
        %add3A_517 = arith.addf %add3A_503, %gather3A_516 : vector<16xf32>
        %xor3A_518 = arith.constant 8 : i32
        %xor3A_519 = vector.broadcast %xor3A_518 : i32 to vector<16xi32>
        %xor3A_520 = arith.xori %iota3A, %xor3A_519 : vector<16xi32>
        %lt3A_521 = arith.constant 0 : i32
        %lt3A_522 = vector.broadcast %lt3A_521 : i32 to vector<16xi32>
        %lt3A_523 = arith.cmpi slt, %xor3A_520, %lt3A_522 : vector<16xi32>
        %add3A_524 = arith.constant 16 : i32
        %add3A_525 = vector.broadcast %add3A_524 : i32 to vector<16xi32>
        %add3A_526 = arith.addi %xor3A_520, %add3A_525 : vector<16xi32>
        %select_n3A_527 = arith.select %lt3A_523, %add3A_526, %xor3A_520 : vector<16xi1>, vector<16xi32>
        %broadcast_in_dim3A_528 = vector.shape_cast %select_n3A_527 : vector<16xi32> to vector<16x1xi32>
        %gather3A_529 = vector.shape_cast %broadcast_in_dim3A_528 : vector<16x1xi32> to vector<16xi32>
        %gather3A_530 = tpu.dynamic_gather %add3A_517[%gather3A_529] in [0] : vector<16xf32>, vector<16xi32> -> vector<16xf32>
        %add3A_531 = arith.addf %add3A_517, %gather3A_530 : vector<16xf32>
        %eq3A_532 = arith.constant 4 : i32
        %eq3A_533 = vector.broadcast %eq3A_532 : i32 to vector<16xi32>
        %eq3A_534 = arith.cmpi eq, %iota3A, %eq3A_533 : vector<16xi32>
        %select_n3A_535 = arith.select %eq3A_534, %add3A_531, %select_n3A_463 : vector<16xi1>, vector<16xf32>
        %mul3A_536 = arith.constant 16 : i32
        %mul3A_537 = arith.muli %scan3A_146, %mul3A_536 : i32
        %add3A_538 = arith.constant 0 : i32
        %add3A_539 = arith.addi %add3A_538, %mul3A_537 : i32
        %add3A_540 = arith.constant 5 : i32
        %add3A_541 = arith.addi %add3A_539, %add3A_540 : i32
        %get3A_542 = arith.index_cast %add3A_541 : i32 to index
        %get3A_543 = arith.constant 0 : index
        %get3A_544 = tpu.vector_load %arg7[%get3A_542, %get3A_543] {strides = array<i32>} : memref<512x128xf32, #tpu.memory_space<vmem>>, vector<1x16xf32>,
        %get3A_545 = vector.shape_cast %get3A_544 : vector<1x16xf32> to vector<16xf32>
        %sub3A_546 = arith.subf %get3A_545, %get3A_177 : vector<16xf32>
        %mul3A_547 = arith.mulf %sub3A_546, %sub3A_546 : vector<16xf32>
        %xor3A_548 = arith.constant 1 : i32
        %xor3A_549 = vector.broadcast %xor3A_548 : i32 to vector<16xi32>
        %xor3A_550 = arith.xori %iota3A, %xor3A_549 : vector<16xi32>
        %lt3A_551 = arith.constant 0 : i32
        %lt3A_552 = vector.broadcast %lt3A_551 : i32 to vector<16xi32>
        %lt3A_553 = arith.cmpi slt, %xor3A_550, %lt3A_552 : vector<16xi32>
        %add3A_554 = arith.constant 16 : i32
        %add3A_555 = vector.broadcast %add3A_554 : i32 to vector<16xi32>
        %add3A_556 = arith.addi %xor3A_550, %add3A_555 : vector<16xi32>
        %select_n3A_557 = arith.select %lt3A_553, %add3A_556, %xor3A_550 : vector<16xi1>, vector<16xi32>
        %broadcast_in_dim3A_558 = vector.shape_cast %select_n3A_557 : vector<16xi32> to vector<16x1xi32>
        %gather3A_559 = vector.shape_cast %broadcast_in_dim3A_558 : vector<16x1xi32> to vector<16xi32>
        %gather3A_560 = tpu.dynamic_gather %mul3A_547[%gather3A_559] in [0] : vector<16xf32>, vector<16xi32> -> vector<16xf32>
        %add3A_561 = arith.addf %mul3A_547, %gather3A_560 : vector<16xf32>
        %xor3A_562 = arith.constant 2 : i32
        %xor3A_563 = vector.broadcast %xor3A_562 : i32 to vector<16xi32>
        %xor3A_564 = arith.xori %iota3A, %xor3A_563 : vector<16xi32>
        %lt3A_565 = arith.constant 0 : i32
        %lt3A_566 = vector.broadcast %lt3A_565 : i32 to vector<16xi32>
        %lt3A_567 = arith.cmpi slt, %xor3A_564, %lt3A_566 : vector<16xi32>
        %add3A_568 = arith.constant 16 : i32
        %add3A_569 = vector.broadcast %add3A_568 : i32 to vector<16xi32>
        %add3A_570 = arith.addi %xor3A_564, %add3A_569 : vector<16xi32>
        %select_n3A_571 = arith.select %lt3A_567, %add3A_570, %xor3A_564 : vector<16xi1>, vector<16xi32>
        %broadcast_in_dim3A_572 = vector.shape_cast %select_n3A_571 : vector<16xi32> to vector<16x1xi32>
        %gather3A_573 = vector.shape_cast %broadcast_in_dim3A_572 : vector<16x1xi32> to vector<16xi32>
        %gather3A_574 = tpu.dynamic_gather %add3A_561[%gather3A_573] in [0] : vector<16xf32>, vector<16xi32> -> vector<16xf32>
        %add3A_575 = arith.addf %add3A_561, %gather3A_574 : vector<16xf32>
        %xor3A_576 = arith.constant 4 : i32
        %xor3A_577 = vector.broadcast %xor3A_576 : i32 to vector<16xi32>
        %xor3A_578 = arith.xori %iota3A, %xor3A_577 : vector<16xi32>
        %lt3A_579 = arith.constant 0 : i32
        %lt3A_580 = vector.broadcast %lt3A_579 : i32 to vector<16xi32>
        %lt3A_581 = arith.cmpi slt, %xor3A_578, %lt3A_580 : vector<16xi32>
        %add3A_582 = arith.constant 16 : i32
        %add3A_583 = vector.broadcast %add3A_582 : i32 to vector<16xi32>
        %add3A_584 = arith.addi %xor3A_578, %add3A_583 : vector<16xi32>
        %select_n3A_585 = arith.select %lt3A_581, %add3A_584, %xor3A_578 : vector<16xi1>, vector<16xi32>
        %broadcast_in_dim3A_586 = vector.shape_cast %select_n3A_585 : vector<16xi32> to vector<16x1xi32>
        %gather3A_587 = vector.shape_cast %broadcast_in_dim3A_586 : vector<16x1xi32> to vector<16xi32>
        %gather3A_588 = tpu.dynamic_gather %add3A_575[%gather3A_587] in [0] : vector<16xf32>, vector<16xi32> -> vector<16xf32>
        %add3A_589 = arith.addf %add3A_575, %gather3A_588 : vector<16xf32>
        %xor3A_590 = arith.constant 8 : i32
        %xor3A_591 = vector.broadcast %xor3A_590 : i32 to vector<16xi32>
        %xor3A_592 = arith.xori %iota3A, %xor3A_591 : vector<16xi32>
        %lt3A_593 = arith.constant 0 : i32
        %lt3A_594 = vector.broadcast %lt3A_593 : i32 to vector<16xi32>
        %lt3A_595 = arith.cmpi slt, %xor3A_592, %lt3A_594 : vector<16xi32>
        %add3A_596 = arith.constant 16 : i32
        %add3A_597 = vector.broadcast %add3A_596 : i32 to vector<16xi32>
        %add3A_598 = arith.addi %xor3A_592, %add3A_597 : vector<16xi32>
        %select_n3A_599 = arith.select %lt3A_595, %add3A_598, %xor3A_592 : vector<16xi1>, vector<16xi32>
        %broadcast_in_dim3A_600 = vector.shape_cast %select_n3A_599 : vector<16xi32> to vector<16x1xi32>
        %gather3A_601 = vector.shape_cast %broadcast_in_dim3A_600 : vector<16x1xi32> to vector<16xi32>
        %gather3A_602 = tpu.dynamic_gather %add3A_589[%gather3A_601] in [0] : vector<16xf32>, vector<16xi32> -> vector<16xf32>
        %add3A_603 = arith.addf %add3A_589, %gather3A_602 : vector<16xf32>
        %eq3A_604 = arith.constant 5 : i32
        %eq3A_605 = vector.broadcast %eq3A_604 : i32 to vector<16xi32>
        %eq3A_606 = arith.cmpi eq, %iota3A, %eq3A_605 : vector<16xi32>
        %select_n3A_607 = arith.select %eq3A_606, %add3A_603, %select_n3A_535 : vector<16xi1>, vector<16xf32>
        %mul3A_608 = arith.constant 16 : i32
        %mul3A_609 = arith.muli %scan3A_146, %mul3A_608 : i32
        %add3A_610 = arith.constant 0 : i32
        %add3A_611 = arith.addi %add3A_610, %mul3A_609 : i32
        %add3A_612 = arith.constant 6 : i32
        %add3A_613 = arith.addi %add3A_611, %add3A_612 : i32
        %get3A_614 = arith.index_cast %add3A_613 : i32 to index
        %get3A_615 = arith.constant 0 : index
        %get3A_616 = tpu.vector_load %arg7[%get3A_614, %get3A_615] {strides = array<i32>} : memref<512x128xf32, #tpu.memory_space<vmem>>, vector<1x16xf32>,
        %get3A_617 = vector.shape_cast %get3A_616 : vector<1x16xf32> to vector<16xf32>
        %sub3A_618 = arith.subf %get3A_617, %get3A_177 : vector<16xf32>
        %mul3A_619 = arith.mulf %sub3A_618, %sub3A_618 : vector<16xf32>
        %xor3A_620 = arith.constant 1 : i32
        %xor3A_621 = vector.broadcast %xor3A_620 : i32 to vector<16xi32>
        %xor3A_622 = arith.xori %iota3A, %xor3A_621 : vector<16xi32>
        %lt3A_623 = arith.constant 0 : i32
        %lt3A_624 = vector.broadcast %lt3A_623 : i32 to vector<16xi32>
        %lt3A_625 = arith.cmpi slt, %xor3A_622, %lt3A_624 : vector<16xi32>
        %add3A_626 = arith.constant 16 : i32
        %add3A_627 = vector.broadcast %add3A_626 : i32 to vector<16xi32>
        %add3A_628 = arith.addi %xor3A_622, %add3A_627 : vector<16xi32>
        %select_n3A_629 = arith.select %lt3A_625, %add3A_628, %xor3A_622 : vector<16xi1>, vector<16xi32>
        %broadcast_in_dim3A_630 = vector.shape_cast %select_n3A_629 : vector<16xi32> to vector<16x1xi32>
        %gather3A_631 = vector.shape_cast %broadcast_in_dim3A_630 : vector<16x1xi32> to vector<16xi32>
        %gather3A_632 = tpu.dynamic_gather %mul3A_619[%gather3A_631] in [0] : vector<16xf32>, vector<16xi32> -> vector<16xf32>
        %add3A_633 = arith.addf %mul3A_619, %gather3A_632 : vector<16xf32>
        %xor3A_634 = arith.constant 2 : i32
        %xor3A_635 = vector.broadcast %xor3A_634 : i32 to vector<16xi32>
        %xor3A_636 = arith.xori %iota3A, %xor3A_635 : vector<16xi32>
        %lt3A_637 = arith.constant 0 : i32
        %lt3A_638 = vector.broadcast %lt3A_637 : i32 to vector<16xi32>
        %lt3A_639 = arith.cmpi slt, %xor3A_636, %lt3A_638 : vector<16xi32>
        %add3A_640 = arith.constant 16 : i32
        %add3A_641 = vector.broadcast %add3A_640 : i32 to vector<16xi32>
        %add3A_642 = arith.addi %xor3A_636, %add3A_641 : vector<16xi32>
        %select_n3A_643 = arith.select %lt3A_639, %add3A_642, %xor3A_636 : vector<16xi1>, vector<16xi32>
        %broadcast_in_dim3A_644 = vector.shape_cast %select_n3A_643 : vector<16xi32> to vector<16x1xi32>
        %gather3A_645 = vector.shape_cast %broadcast_in_dim3A_644 : vector<16x1xi32> to vector<16xi32>
        %gather3A_646 = tpu.dynamic_gather %add3A_633[%gather3A_645] in [0] : vector<16xf32>, vector<16xi32> -> vector<16xf32>
        %add3A_647 = arith.addf %add3A_633, %gather3A_646 : vector<16xf32>
        %xor3A_648 = arith.constant 4 : i32
        %xor3A_649 = vector.broadcast %xor3A_648 : i32 to vector<16xi32>
        %xor3A_650 = arith.xori %iota3A, %xor3A_649 : vector<16xi32>
        %lt3A_651 = arith.constant 0 : i32
        %lt3A_652 = vector.broadcast %lt3A_651 : i32 to vector<16xi32>
        %lt3A_653 = arith.cmpi slt, %xor3A_650, %lt3A_652 : vector<16xi32>
        %add3A_654 = arith.constant 16 : i32
        %add3A_655 = vector.broadcast %add3A_654 : i32 to vector<16xi32>
        %add3A_656 = arith.addi %xor3A_650, %add3A_655 : vector<16xi32>
        %select_n3A_657 = arith.select %lt3A_653, %add3A_656, %xor3A_650 : vector<16xi1>, vector<16xi32>
        %broadcast_in_dim3A_658 = vector.shape_cast %select_n3A_657 : vector<16xi32> to vector<16x1xi32>
        %gather3A_659 = vector.shape_cast %broadcast_in_dim3A_658 : vector<16x1xi32> to vector<16xi32>
        %gather3A_660 = tpu.dynamic_gather %add3A_647[%gather3A_659] in [0] : vector<16xf32>, vector<16xi32> -> vector<16xf32>
        %add3A_661 = arith.addf %add3A_647, %gather3A_660 : vector<16xf32>
        %xor3A_662 = arith.constant 8 : i32
        %xor3A_663 = vector.broadcast %xor3A_662 : i32 to vector<16xi32>
        %xor3A_664 = arith.xori %iota3A, %xor3A_663 : vector<16xi32>
        %lt3A_665 = arith.constant 0 : i32
        %lt3A_666 = vector.broadcast %lt3A_665 : i32 to vector<16xi32>
        %lt3A_667 = arith.cmpi slt, %xor3A_664, %lt3A_666 : vector<16xi32>
        %add3A_668 = arith.constant 16 : i32
        %add3A_669 = vector.broadcast %add3A_668 : i32 to vector<16xi32>
        %add3A_670 = arith.addi %xor3A_664, %add3A_669 : vector<16xi32>
        %select_n3A_671 = arith.select %lt3A_667, %add3A_670, %xor3A_664 : vector<16xi1>, vector<16xi32>
        %broadcast_in_dim3A_672 = vector.shape_cast %select_n3A_671 : vector<16xi32> to vector<16x1xi32>
        %gather3A_673 = vector.shape_cast %broadcast_in_dim3A_672 : vector<16x1xi32> to vector<16xi32>
        %gather3A_674 = tpu.dynamic_gather %add3A_661[%gather3A_673] in [0] : vector<16xf32>, vector<16xi32> -> vector<16xf32>
        %add3A_675 = arith.addf %add3A_661, %gather3A_674 : vector<16xf32>
        %eq3A_676 = arith.constant 6 : i32
        %eq3A_677 = vector.broadcast %eq3A_676 : i32 to vector<16xi32>
        %eq3A_678 = arith.cmpi eq, %iota3A, %eq3A_677 : vector<16xi32>
        %select_n3A_679 = arith.select %eq3A_678, %add3A_675, %select_n3A_607 : vector<16xi1>, vector<16xf32>
        %mul3A_680 = arith.constant 16 : i32
        %mul3A_681 = arith.muli %scan3A_146, %mul3A_680 : i32
        %add3A_682 = arith.constant 0 : i32
        %add3A_683 = arith.addi %add3A_682, %mul3A_681 : i32
        %add3A_684 = arith.constant 7 : i32
        %add3A_685 = arith.addi %add3A_683, %add3A_684 : i32
        %get3A_686 = arith.index_cast %add3A_685 : i32 to index
        %get3A_687 = arith.constant 0 : index
        %get3A_688 = tpu.vector_load %arg7[%get3A_686, %get3A_687] {strides = array<i32>} : memref<512x128xf32, #tpu.memory_space<vmem>>, vector<1x16xf32>,
        %get3A_689 = vector.shape_cast %get3A_688 : vector<1x16xf32> to vector<16xf32>
        %sub3A_690 = arith.subf %get3A_689, %get3A_177 : vector<16xf32>
        %mul3A_691 = arith.mulf %sub3A_690, %sub3A_690 : vector<16xf32>
        %xor3A_692 = arith.constant 1 : i32
        %xor3A_693 = vector.broadcast %xor3A_692 : i32 to vector<16xi32>
        %xor3A_694 = arith.xori %iota3A, %xor3A_693 : vector<16xi32>
        %lt3A_695 = arith.constant 0 : i32
        %lt3A_696 = vector.broadcast %lt3A_695 : i32 to vector<16xi32>
        %lt3A_697 = arith.cmpi slt, %xor3A_694, %lt3A_696 : vector<16xi32>
        %add3A_698 = arith.constant 16 : i32
        %add3A_699 = vector.broadcast %add3A_698 : i32 to vector<16xi32>
        %add3A_700 = arith.addi %xor3A_694, %add3A_699 : vector<16xi32>
        %select_n3A_701 = arith.select %lt3A_697, %add3A_700, %xor3A_694 : vector<16xi1>, vector<16xi32>
        %broadcast_in_dim3A_702 = vector.shape_cast %select_n3A_701 : vector<16xi32> to vector<16x1xi32>
        %gather3A_703 = vector.shape_cast %broadcast_in_dim3A_702 : vector<16x1xi32> to vector<16xi32>
        %gather3A_704 = tpu.dynamic_gather %mul3A_691[%gather3A_703] in [0] : vector<16xf32>, vector<16xi32> -> vector<16xf32>
        %add3A_705 = arith.addf %mul3A_691, %gather3A_704 : vector<16xf32>
        %xor3A_706 = arith.constant 2 : i32
        %xor3A_707 = vector.broadcast %xor3A_706 : i32 to vector<16xi32>
        %xor3A_708 = arith.xori %iota3A, %xor3A_707 : vector<16xi32>
        %lt3A_709 = arith.constant 0 : i32
        %lt3A_710 = vector.broadcast %lt3A_709 : i32 to vector<16xi32>
        %lt3A_711 = arith.cmpi slt, %xor3A_708, %lt3A_710 : vector<16xi32>
        %add3A_712 = arith.constant 16 : i32
        %add3A_713 = vector.broadcast %add3A_712 : i32 to vector<16xi32>
        %add3A_714 = arith.addi %xor3A_708, %add3A_713 : vector<16xi32>
        %select_n3A_715 = arith.select %lt3A_711, %add3A_714, %xor3A_708 : vector<16xi1>, vector<16xi32>
        %broadcast_in_dim3A_716 = vector.shape_cast %select_n3A_715 : vector<16xi32> to vector<16x1xi32>
        %gather3A_717 = vector.shape_cast %broadcast_in_dim3A_716 : vector<16x1xi32> to vector<16xi32>
        %gather3A_718 = tpu.dynamic_gather %add3A_705[%gather3A_717] in [0] : vector<16xf32>, vector<16xi32> -> vector<16xf32>
        %add3A_719 = arith.addf %add3A_705, %gather3A_718 : vector<16xf32>
        %xor3A_720 = arith.constant 4 : i32
        %xor3A_721 = vector.broadcast %xor3A_720 : i32 to vector<16xi32>
        %xor3A_722 = arith.xori %iota3A, %xor3A_721 : vector<16xi32>
        %lt3A_723 = arith.constant 0 : i32
        %lt3A_724 = vector.broadcast %lt3A_723 : i32 to vector<16xi32>
        %lt3A_725 = arith.cmpi slt, %xor3A_722, %lt3A_724 : vector<16xi32>
        %add3A_726 = arith.constant 16 : i32
        %add3A_727 = vector.broadcast %add3A_726 : i32 to vector<16xi32>
        %add3A_728 = arith.addi %xor3A_722, %add3A_727 : vector<16xi32>
        %select_n3A_729 = arith.select %lt3A_725, %add3A_728, %xor3A_722 : vector<16xi1>, vector<16xi32>
        %broadcast_in_dim3A_730 = vector.shape_cast %select_n3A_729 : vector<16xi32> to vector<16x1xi32>
        %gather3A_731 = vector.shape_cast %broadcast_in_dim3A_730 : vector<16x1xi32> to vector<16xi32>
        %gather3A_732 = tpu.dynamic_gather %add3A_719[%gather3A_731] in [0] : vector<16xf32>, vector<16xi32> -> vector<16xf32>
        %add3A_733 = arith.addf %add3A_719, %gather3A_732 : vector<16xf32>
        %xor3A_734 = arith.constant 8 : i32
        %xor3A_735 = vector.broadcast %xor3A_734 : i32 to vector<16xi32>
        %xor3A_736 = arith.xori %iota3A, %xor3A_735 : vector<16xi32>
        %lt3A_737 = arith.constant 0 : i32
        %lt3A_738 = vector.broadcast %lt3A_737 : i32 to vector<16xi32>
        %lt3A_739 = arith.cmpi slt, %xor3A_736, %lt3A_738 : vector<16xi32>
        %add3A_740 = arith.constant 16 : i32
        %add3A_741 = vector.broadcast %add3A_740 : i32 to vector<16xi32>
        %add3A_742 = arith.addi %xor3A_736, %add3A_741 : vector<16xi32>
        %select_n3A_743 = arith.select %lt3A_739, %add3A_742, %xor3A_736 : vector<16xi1>, vector<16xi32>
        %broadcast_in_dim3A_744 = vector.shape_cast %select_n3A_743 : vector<16xi32> to vector<16x1xi32>
        %gather3A_745 = vector.shape_cast %broadcast_in_dim3A_744 : vector<16x1xi32> to vector<16xi32>
        %gather3A_746 = tpu.dynamic_gather %add3A_733[%gather3A_745] in [0] : vector<16xf32>, vector<16xi32> -> vector<16xf32>
        %add3A_747 = arith.addf %add3A_733, %gather3A_746 : vector<16xf32>
        %eq3A_748 = arith.constant 7 : i32
        %eq3A_749 = vector.broadcast %eq3A_748 : i32 to vector<16xi32>
        %eq3A_750 = arith.cmpi eq, %iota3A, %eq3A_749 : vector<16xi32>
        %select_n3A_751 = arith.select %eq3A_750, %add3A_747, %select_n3A_679 : vector<16xi1>, vector<16xf32>
        %mul3A_752 = arith.constant 16 : i32
        %mul3A_753 = arith.muli %scan3A_146, %mul3A_752 : i32
        %add3A_754 = arith.constant 0 : i32
        %add3A_755 = arith.addi %add3A_754, %mul3A_753 : i32
        %add3A_756 = arith.constant 8 : i32
        %add3A_757 = arith.addi %add3A_755, %add3A_756 : i32
        %get3A_758 = arith.index_cast %add3A_757 : i32 to index
        %get3A_759 = arith.constant 0 : index
        %get3A_760 = tpu.vector_load %arg7[%get3A_758, %get3A_759] {strides = array<i32>} : memref<512x128xf32, #tpu.memory_space<vmem>>, vector<1x16xf32>,
        %get3A_761 = vector.shape_cast %get3A_760 : vector<1x16xf32> to vector<16xf32>
        %sub3A_762 = arith.subf %get3A_761, %get3A_177 : vector<16xf32>
        %mul3A_763 = arith.mulf %sub3A_762, %sub3A_762 : vector<16xf32>
        %xor3A_764 = arith.constant 1 : i32
        %xor3A_765 = vector.broadcast %xor3A_764 : i32 to vector<16xi32>
        %xor3A_766 = arith.xori %iota3A, %xor3A_765 : vector<16xi32>
        %lt3A_767 = arith.constant 0 : i32
        %lt3A_768 = vector.broadcast %lt3A_767 : i32 to vector<16xi32>
        %lt3A_769 = arith.cmpi slt, %xor3A_766, %lt3A_768 : vector<16xi32>
        %add3A_770 = arith.constant 16 : i32
        %add3A_771 = vector.broadcast %add3A_770 : i32 to vector<16xi32>
        %add3A_772 = arith.addi %xor3A_766, %add3A_771 : vector<16xi32>
        %select_n3A_773 = arith.select %lt3A_769, %add3A_772, %xor3A_766 : vector<16xi1>, vector<16xi32>
        %broadcast_in_dim3A_774 = vector.shape_cast %select_n3A_773 : vector<16xi32> to vector<16x1xi32>
        %gather3A_775 = vector.shape_cast %broadcast_in_dim3A_774 : vector<16x1xi32> to vector<16xi32>
        %gather3A_776 = tpu.dynamic_gather %mul3A_763[%gather3A_775] in [0] : vector<16xf32>, vector<16xi32> -> vector<16xf32>
        %add3A_777 = arith.addf %mul3A_763, %gather3A_776 : vector<16xf32>
        %xor3A_778 = arith.constant 2 : i32
        %xor3A_779 = vector.broadcast %xor3A_778 : i32 to vector<16xi32>
        %xor3A_780 = arith.xori %iota3A, %xor3A_779 : vector<16xi32>
        %lt3A_781 = arith.constant 0 : i32
        %lt3A_782 = vector.broadcast %lt3A_781 : i32 to vector<16xi32>
        %lt3A_783 = arith.cmpi slt, %xor3A_780, %lt3A_782 : vector<16xi32>
        %add3A_784 = arith.constant 16 : i32
        %add3A_785 = vector.broadcast %add3A_784 : i32 to vector<16xi32>
        %add3A_786 = arith.addi %xor3A_780, %add3A_785 : vector<16xi32>
        %select_n3A_787 = arith.select %lt3A_783, %add3A_786, %xor3A_780 : vector<16xi1>, vector<16xi32>
        %broadcast_in_dim3A_788 = vector.shape_cast %select_n3A_787 : vector<16xi32> to vector<16x1xi32>
        %gather3A_789 = vector.shape_cast %broadcast_in_dim3A_788 : vector<16x1xi32> to vector<16xi32>
        %gather3A_790 = tpu.dynamic_gather %add3A_777[%gather3A_789] in [0] : vector<16xf32>, vector<16xi32> -> vector<16xf32>
        %add3A_791 = arith.addf %add3A_777, %gather3A_790 : vector<16xf32>
        %xor3A_792 = arith.constant 4 : i32
        %xor3A_793 = vector.broadcast %xor3A_792 : i32 to vector<16xi32>
        %xor3A_794 = arith.xori %iota3A, %xor3A_793 : vector<16xi32>
        %lt3A_795 = arith.constant 0 : i32
        %lt3A_796 = vector.broadcast %lt3A_795 : i32 to vector<16xi32>
        %lt3A_797 = arith.cmpi slt, %xor3A_794, %lt3A_796 : vector<16xi32>
        %add3A_798 = arith.constant 16 : i32
        %add3A_799 = vector.broadcast %add3A_798 : i32 to vector<16xi32>
        %add3A_800 = arith.addi %xor3A_794, %add3A_799 : vector<16xi32>
        %select_n3A_801 = arith.select %lt3A_797, %add3A_800, %xor3A_794 : vector<16xi1>, vector<16xi32>
        %broadcast_in_dim3A_802 = vector.shape_cast %select_n3A_801 : vector<16xi32> to vector<16x1xi32>
        %gather3A_803 = vector.shape_cast %broadcast_in_dim3A_802 : vector<16x1xi32> to vector<16xi32>
        %gather3A_804 = tpu.dynamic_gather %add3A_791[%gather3A_803] in [0] : vector<16xf32>, vector<16xi32> -> vector<16xf32>
        %add3A_805 = arith.addf %add3A_791, %gather3A_804 : vector<16xf32>
        %xor3A_806 = arith.constant 8 : i32
        %xor3A_807 = vector.broadcast %xor3A_806 : i32 to vector<16xi32>
        %xor3A_808 = arith.xori %iota3A, %xor3A_807 : vector<16xi32>
        %lt3A_809 = arith.constant 0 : i32
        %lt3A_810 = vector.broadcast %lt3A_809 : i32 to vector<16xi32>
        %lt3A_811 = arith.cmpi slt, %xor3A_808, %lt3A_810 : vector<16xi32>
        %add3A_812 = arith.constant 16 : i32
        %add3A_813 = vector.broadcast %add3A_812 : i32 to vector<16xi32>
        %add3A_814 = arith.addi %xor3A_808, %add3A_813 : vector<16xi32>
        %select_n3A_815 = arith.select %lt3A_811, %add3A_814, %xor3A_808 : vector<16xi1>, vector<16xi32>
        %broadcast_in_dim3A_816 = vector.shape_cast %select_n3A_815 : vector<16xi32> to vector<16x1xi32>
        %gather3A_817 = vector.shape_cast %broadcast_in_dim3A_816 : vector<16x1xi32> to vector<16xi32>
        %gather3A_818 = tpu.dynamic_gather %add3A_805[%gather3A_817] in [0] : vector<16xf32>, vector<16xi32> -> vector<16xf32>
        %add3A_819 = arith.addf %add3A_805, %gather3A_818 : vector<16xf32>
        %eq3A_820 = arith.constant 8 : i32
        %eq3A_821 = vector.broadcast %eq3A_820 : i32 to vector<16xi32>
        %eq3A_822 = arith.cmpi eq, %iota3A, %eq3A_821 : vector<16xi32>
        %select_n3A_823 = arith.select %eq3A_822, %add3A_819, %select_n3A_751 : vector<16xi1>, vector<16xf32>
        %mul3A_824 = arith.constant 16 : i32
        %mul3A_825 = arith.muli %scan3A_146, %mul3A_824 : i32
        %add3A_826 = arith.constant 0 : i32
        %add3A_827 = arith.addi %add3A_826, %mul3A_825 : i32
        %add3A_828 = arith.constant 9 : i32
        %add3A_829 = arith.addi %add3A_827, %add3A_828 : i32
        %get3A_830 = arith.index_cast %add3A_829 : i32 to index
        %get3A_831 = arith.constant 0 : index
        %get3A_832 = tpu.vector_load %arg7[%get3A_830, %get3A_831] {strides = array<i32>} : memref<512x128xf32, #tpu.memory_space<vmem>>, vector<1x16xf32>,
        %get3A_833 = vector.shape_cast %get3A_832 : vector<1x16xf32> to vector<16xf32>
        %sub3A_834 = arith.subf %get3A_833, %get3A_177 : vector<16xf32>
        %mul3A_835 = arith.mulf %sub3A_834, %sub3A_834 : vector<16xf32>
        %xor3A_836 = arith.constant 1 : i32
        %xor3A_837 = vector.broadcast %xor3A_836 : i32 to vector<16xi32>
        %xor3A_838 = arith.xori %iota3A, %xor3A_837 : vector<16xi32>
        %lt3A_839 = arith.constant 0 : i32
        %lt3A_840 = vector.broadcast %lt3A_839 : i32 to vector<16xi32>
        %lt3A_841 = arith.cmpi slt, %xor3A_838, %lt3A_840 : vector<16xi32>
        %add3A_842 = arith.constant 16 : i32
        %add3A_843 = vector.broadcast %add3A_842 : i32 to vector<16xi32>
        %add3A_844 = arith.addi %xor3A_838, %add3A_843 : vector<16xi32>
        %select_n3A_845 = arith.select %lt3A_841, %add3A_844, %xor3A_838 : vector<16xi1>, vector<16xi32>
        %broadcast_in_dim3A_846 = vector.shape_cast %select_n3A_845 : vector<16xi32> to vector<16x1xi32>
        %gather3A_847 = vector.shape_cast %broadcast_in_dim3A_846 : vector<16x1xi32> to vector<16xi32>
        %gather3A_848 = tpu.dynamic_gather %mul3A_835[%gather3A_847] in [0] : vector<16xf32>, vector<16xi32> -> vector<16xf32>
        %add3A_849 = arith.addf %mul3A_835, %gather3A_848 : vector<16xf32>
        %xor3A_850 = arith.constant 2 : i32
        %xor3A_851 = vector.broadcast %xor3A_850 : i32 to vector<16xi32>
        %xor3A_852 = arith.xori %iota3A, %xor3A_851 : vector<16xi32>
        %lt3A_853 = arith.constant 0 : i32
        %lt3A_854 = vector.broadcast %lt3A_853 : i32 to vector<16xi32>
        %lt3A_855 = arith.cmpi slt, %xor3A_852, %lt3A_854 : vector<16xi32>
        %add3A_856 = arith.constant 16 : i32
        %add3A_857 = vector.broadcast %add3A_856 : i32 to vector<16xi32>
        %add3A_858 = arith.addi %xor3A_852, %add3A_857 : vector<16xi32>
        %select_n3A_859 = arith.select %lt3A_855, %add3A_858, %xor3A_852 : vector<16xi1>, vector<16xi32>
        %broadcast_in_dim3A_860 = vector.shape_cast %select_n3A_859 : vector<16xi32> to vector<16x1xi32>
        %gather3A_861 = vector.shape_cast %broadcast_in_dim3A_860 : vector<16x1xi32> to vector<16xi32>
        %gather3A_862 = tpu.dynamic_gather %add3A_849[%gather3A_861] in [0] : vector<16xf32>, vector<16xi32> -> vector<16xf32>
        %add3A_863 = arith.addf %add3A_849, %gather3A_862 : vector<16xf32>
        %xor3A_864 = arith.constant 4 : i32
        %xor3A_865 = vector.broadcast %xor3A_864 : i32 to vector<16xi32>
        %xor3A_866 = arith.xori %iota3A, %xor3A_865 : vector<16xi32>
        %lt3A_867 = arith.constant 0 : i32
        %lt3A_868 = vector.broadcast %lt3A_867 : i32 to vector<16xi32>
        %lt3A_869 = arith.cmpi slt, %xor3A_866, %lt3A_868 : vector<16xi32>
        %add3A_870 = arith.constant 16 : i32
        %add3A_871 = vector.broadcast %add3A_870 : i32 to vector<16xi32>
        %add3A_872 = arith.addi %xor3A_866, %add3A_871 : vector<16xi32>
        %select_n3A_873 = arith.select %lt3A_869, %add3A_872, %xor3A_866 : vector<16xi1>, vector<16xi32>
        %broadcast_in_dim3A_874 = vector.shape_cast %select_n3A_873 : vector<16xi32> to vector<16x1xi32>
        %gather3A_875 = vector.shape_cast %broadcast_in_dim3A_874 : vector<16x1xi32> to vector<16xi32>
        %gather3A_876 = tpu.dynamic_gather %add3A_863[%gather3A_875] in [0] : vector<16xf32>, vector<16xi32> -> vector<16xf32>
        %add3A_877 = arith.addf %add3A_863, %gather3A_876 : vector<16xf32>
        %xor3A_878 = arith.constant 8 : i32
        %xor3A_879 = vector.broadcast %xor3A_878 : i32 to vector<16xi32>
        %xor3A_880 = arith.xori %iota3A, %xor3A_879 : vector<16xi32>
        %lt3A_881 = arith.constant 0 : i32
        %lt3A_882 = vector.broadcast %lt3A_881 : i32 to vector<16xi32>
        %lt3A_883 = arith.cmpi slt, %xor3A_880, %lt3A_882 : vector<16xi32>
        %add3A_884 = arith.constant 16 : i32
        %add3A_885 = vector.broadcast %add3A_884 : i32 to vector<16xi32>
        %add3A_886 = arith.addi %xor3A_880, %add3A_885 : vector<16xi32>
        %select_n3A_887 = arith.select %lt3A_883, %add3A_886, %xor3A_880 : vector<16xi1>, vector<16xi32>
        %broadcast_in_dim3A_888 = vector.shape_cast %select_n3A_887 : vector<16xi32> to vector<16x1xi32>
        %gather3A_889 = vector.shape_cast %broadcast_in_dim3A_888 : vector<16x1xi32> to vector<16xi32>
        %gather3A_890 = tpu.dynamic_gather %add3A_877[%gather3A_889] in [0] : vector<16xf32>, vector<16xi32> -> vector<16xf32>
        %add3A_891 = arith.addf %add3A_877, %gather3A_890 : vector<16xf32>
        %eq3A_892 = arith.constant 9 : i32
        %eq3A_893 = vector.broadcast %eq3A_892 : i32 to vector<16xi32>
        %eq3A_894 = arith.cmpi eq, %iota3A, %eq3A_893 : vector<16xi32>
        %select_n3A_895 = arith.select %eq3A_894, %add3A_891, %select_n3A_823 : vector<16xi1>, vector<16xf32>
        %mul3A_896 = arith.constant 16 : i32
        %mul3A_897 = arith.muli %scan3A_146, %mul3A_896 : i32
        %add3A_898 = arith.constant 0 : i32
        %add3A_899 = arith.addi %add3A_898, %mul3A_897 : i32
        %add3A_900 = arith.constant 10 : i32
        %add3A_901 = arith.addi %add3A_899, %add3A_900 : i32
        %get3A_902 = arith.index_cast %add3A_901 : i32 to index
        %get3A_903 = arith.constant 0 : index
        %get3A_904 = tpu.vector_load %arg7[%get3A_902, %get3A_903] {strides = array<i32>} : memref<512x128xf32, #tpu.memory_space<vmem>>, vector<1x16xf32>,
        %get3A_905 = vector.shape_cast %get3A_904 : vector<1x16xf32> to vector<16xf32>
        %sub3A_906 = arith.subf %get3A_905, %get3A_177 : vector<16xf32>
        %mul3A_907 = arith.mulf %sub3A_906, %sub3A_906 : vector<16xf32>
        %xor3A_908 = arith.constant 1 : i32
        %xor3A_909 = vector.broadcast %xor3A_908 : i32 to vector<16xi32>
        %xor3A_910 = arith.xori %iota3A, %xor3A_909 : vector<16xi32>
        %lt3A_911 = arith.constant 0 : i32
        %lt3A_912 = vector.broadcast %lt3A_911 : i32 to vector<16xi32>
        %lt3A_913 = arith.cmpi slt, %xor3A_910, %lt3A_912 : vector<16xi32>
        %add3A_914 = arith.constant 16 : i32
        %add3A_915 = vector.broadcast %add3A_914 : i32 to vector<16xi32>
        %add3A_916 = arith.addi %xor3A_910, %add3A_915 : vector<16xi32>
        %select_n3A_917 = arith.select %lt3A_913, %add3A_916, %xor3A_910 : vector<16xi1>, vector<16xi32>
        %broadcast_in_dim3A_918 = vector.shape_cast %select_n3A_917 : vector<16xi32> to vector<16x1xi32>
        %gather3A_919 = vector.shape_cast %broadcast_in_dim3A_918 : vector<16x1xi32> to vector<16xi32>
        %gather3A_920 = tpu.dynamic_gather %mul3A_907[%gather3A_919] in [0] : vector<16xf32>, vector<16xi32> -> vector<16xf32>
        %add3A_921 = arith.addf %mul3A_907, %gather3A_920 : vector<16xf32>
        %xor3A_922 = arith.constant 2 : i32
        %xor3A_923 = vector.broadcast %xor3A_922 : i32 to vector<16xi32>
        %xor3A_924 = arith.xori %iota3A, %xor3A_923 : vector<16xi32>
        %lt3A_925 = arith.constant 0 : i32
        %lt3A_926 = vector.broadcast %lt3A_925 : i32 to vector<16xi32>
        %lt3A_927 = arith.cmpi slt, %xor3A_924, %lt3A_926 : vector<16xi32>
        %add3A_928 = arith.constant 16 : i32
        %add3A_929 = vector.broadcast %add3A_928 : i32 to vector<16xi32>
        %add3A_930 = arith.addi %xor3A_924, %add3A_929 : vector<16xi32>
        %select_n3A_931 = arith.select %lt3A_927, %add3A_930, %xor3A_924 : vector<16xi1>, vector<16xi32>
        %broadcast_in_dim3A_932 = vector.shape_cast %select_n3A_931 : vector<16xi32> to vector<16x1xi32>
        %gather3A_933 = vector.shape_cast %broadcast_in_dim3A_932 : vector<16x1xi32> to vector<16xi32>
        %gather3A_934 = tpu.dynamic_gather %add3A_921[%gather3A_933] in [0] : vector<16xf32>, vector<16xi32> -> vector<16xf32>
        %add3A_935 = arith.addf %add3A_921, %gather3A_934 : vector<16xf32>
        %xor3A_936 = arith.constant 4 : i32
        %xor3A_937 = vector.broadcast %xor3A_936 : i32 to vector<16xi32>
        %xor3A_938 = arith.xori %iota3A, %xor3A_937 : vector<16xi32>
        %lt3A_939 = arith.constant 0 : i32
        %lt3A_940 = vector.broadcast %lt3A_939 : i32 to vector<16xi32>
        %lt3A_941 = arith.cmpi slt, %xor3A_938, %lt3A_940 : vector<16xi32>
        %add3A_942 = arith.constant 16 : i32
        %add3A_943 = vector.broadcast %add3A_942 : i32 to vector<16xi32>
        %add3A_944 = arith.addi %xor3A_938, %add3A_943 : vector<16xi32>
        %select_n3A_945 = arith.select %lt3A_941, %add3A_944, %xor3A_938 : vector<16xi1>, vector<16xi32>
        %broadcast_in_dim3A_946 = vector.shape_cast %select_n3A_945 : vector<16xi32> to vector<16x1xi32>
        %gather3A_947 = vector.shape_cast %broadcast_in_dim3A_946 : vector<16x1xi32> to vector<16xi32>
        %gather3A_948 = tpu.dynamic_gather %add3A_935[%gather3A_947] in [0] : vector<16xf32>, vector<16xi32> -> vector<16xf32>
        %add3A_949 = arith.addf %add3A_935, %gather3A_948 : vector<16xf32>
        %xor3A_950 = arith.constant 8 : i32
        %xor3A_951 = vector.broadcast %xor3A_950 : i32 to vector<16xi32>
        %xor3A_952 = arith.xori %iota3A, %xor3A_951 : vector<16xi32>
        %lt3A_953 = arith.constant 0 : i32
        %lt3A_954 = vector.broadcast %lt3A_953 : i32 to vector<16xi32>
        %lt3A_955 = arith.cmpi slt, %xor3A_952, %lt3A_954 : vector<16xi32>
        %add3A_956 = arith.constant 16 : i32
        %add3A_957 = vector.broadcast %add3A_956 : i32 to vector<16xi32>
        %add3A_958 = arith.addi %xor3A_952, %add3A_957 : vector<16xi32>
        %select_n3A_959 = arith.select %lt3A_955, %add3A_958, %xor3A_952 : vector<16xi1>, vector<16xi32>
        %broadcast_in_dim3A_960 = vector.shape_cast %select_n3A_959 : vector<16xi32> to vector<16x1xi32>
        %gather3A_961 = vector.shape_cast %broadcast_in_dim3A_960 : vector<16x1xi32> to vector<16xi32>
        %gather3A_962 = tpu.dynamic_gather %add3A_949[%gather3A_961] in [0] : vector<16xf32>, vector<16xi32> -> vector<16xf32>
        %add3A_963 = arith.addf %add3A_949, %gather3A_962 : vector<16xf32>
        %eq3A_964 = arith.constant 10 : i32
        %eq3A_965 = vector.broadcast %eq3A_964 : i32 to vector<16xi32>
        %eq3A_966 = arith.cmpi eq, %iota3A, %eq3A_965 : vector<16xi32>
        %select_n3A_967 = arith.select %eq3A_966, %add3A_963, %select_n3A_895 : vector<16xi1>, vector<16xf32>
        %mul3A_968 = arith.constant 16 : i32
        %mul3A_969 = arith.muli %scan3A_146, %mul3A_968 : i32
        %add3A_970 = arith.constant 0 : i32
        %add3A_971 = arith.addi %add3A_970, %mul3A_969 : i32
        %add3A_972 = arith.constant 11 : i32
        %add3A_973 = arith.addi %add3A_971, %add3A_972 : i32
        %get3A_974 = arith.index_cast %add3A_973 : i32 to index
        %get3A_975 = arith.constant 0 : index
        %get3A_976 = tpu.vector_load %arg7[%get3A_974, %get3A_975] {strides = array<i32>} : memref<512x128xf32, #tpu.memory_space<vmem>>, vector<1x16xf32>,
        %get3A_977 = vector.shape_cast %get3A_976 : vector<1x16xf32> to vector<16xf32>
        %sub3A_978 = arith.subf %get3A_977, %get3A_177 : vector<16xf32>
        %mul3A_979 = arith.mulf %sub3A_978, %sub3A_978 : vector<16xf32>
        %xor3A_980 = arith.constant 1 : i32
        %xor3A_981 = vector.broadcast %xor3A_980 : i32 to vector<16xi32>
        %xor3A_982 = arith.xori %iota3A, %xor3A_981 : vector<16xi32>
        %lt3A_983 = arith.constant 0 : i32
        %lt3A_984 = vector.broadcast %lt3A_983 : i32 to vector<16xi32>
        %lt3A_985 = arith.cmpi slt, %xor3A_982, %lt3A_984 : vector<16xi32>
        %add3A_986 = arith.constant 16 : i32
        %add3A_987 = vector.broadcast %add3A_986 : i32 to vector<16xi32>
        %add3A_988 = arith.addi %xor3A_982, %add3A_987 : vector<16xi32>
        %select_n3A_989 = arith.select %lt3A_985, %add3A_988, %xor3A_982 : vector<16xi1>, vector<16xi32>
        %broadcast_in_dim3A_990 = vector.shape_cast %select_n3A_989 : vector<16xi32> to vector<16x1xi32>
        %gather3A_991 = vector.shape_cast %broadcast_in_dim3A_990 : vector<16x1xi32> to vector<16xi32>
        %gather3A_992 = tpu.dynamic_gather %mul3A_979[%gather3A_991] in [0] : vector<16xf32>, vector<16xi32> -> vector<16xf32>
        %add3A_993 = arith.addf %mul3A_979, %gather3A_992 : vector<16xf32>
        %xor3A_994 = arith.constant 2 : i32
        %xor3A_995 = vector.broadcast %xor3A_994 : i32 to vector<16xi32>
        %xor3A_996 = arith.xori %iota3A, %xor3A_995 : vector<16xi32>
        %lt3A_997 = arith.constant 0 : i32
        %lt3A_998 = vector.broadcast %lt3A_997 : i32 to vector<16xi32>
        %lt3A_999 = arith.cmpi slt, %xor3A_996, %lt3A_998 : vector<16xi32>
        %add3A_1000 = arith.constant 16 : i32
        %add3A_1001 = vector.broadcast %add3A_1000 : i32 to vector<16xi32>
        %add3A_1002 = arith.addi %xor3A_996, %add3A_1001 : vector<16xi32>
        %select_n3A_1003 = arith.select %lt3A_999, %add3A_1002, %xor3A_996 : vector<16xi1>, vector<16xi32>
        %broadcast_in_dim3A_1004 = vector.shape_cast %select_n3A_1003 : vector<16xi32> to vector<16x1xi32>
        %gather3A_1005 = vector.shape_cast %broadcast_in_dim3A_1004 : vector<16x1xi32> to vector<16xi32>
        %gather3A_1006 = tpu.dynamic_gather %add3A_993[%gather3A_1005] in [0] : vector<16xf32>, vector<16xi32> -> vector<16xf32>
        %add3A_1007 = arith.addf %add3A_993, %gather3A_1006 : vector<16xf32>
        %xor3A_1008 = arith.constant 4 : i32
        %xor3A_1009 = vector.broadcast %xor3A_1008 : i32 to vector<16xi32>
        %xor3A_1010 = arith.xori %iota3A, %xor3A_1009 : vector<16xi32>
        %lt3A_1011 = arith.constant 0 : i32
        %lt3A_1012 = vector.broadcast %lt3A_1011 : i32 to vector<16xi32>
        %lt3A_1013 = arith.cmpi slt, %xor3A_1010, %lt3A_1012 : vector<16xi32>
        %add3A_1014 = arith.constant 16 : i32
        %add3A_1015 = vector.broadcast %add3A_1014 : i32 to vector<16xi32>
        %add3A_1016 = arith.addi %xor3A_1010, %add3A_1015 : vector<16xi32>
        %select_n3A_1017 = arith.select %lt3A_1013, %add3A_1016, %xor3A_1010 : vector<16xi1>, vector<16xi32>
        %broadcast_in_dim3A_1018 = vector.shape_cast %select_n3A_1017 : vector<16xi32> to vector<16x1xi32>
        %gather3A_1019 = vector.shape_cast %broadcast_in_dim3A_1018 : vector<16x1xi32> to vector<16xi32>
        %gather3A_1020 = tpu.dynamic_gather %add3A_1007[%gather3A_1019] in [0] : vector<16xf32>, vector<16xi32> -> vector<16xf32>
        %add3A_1021 = arith.addf %add3A_1007, %gather3A_1020 : vector<16xf32>
        %xor3A_1022 = arith.constant 8 : i32
        %xor3A_1023 = vector.broadcast %xor3A_1022 : i32 to vector<16xi32>
        %xor3A_1024 = arith.xori %iota3A, %xor3A_1023 : vector<16xi32>
        %lt3A_1025 = arith.constant 0 : i32
        %lt3A_1026 = vector.broadcast %lt3A_1025 : i32 to vector<16xi32>
        %lt3A_1027 = arith.cmpi slt, %xor3A_1024, %lt3A_1026 : vector<16xi32>
        %add3A_1028 = arith.constant 16 : i32
        %add3A_1029 = vector.broadcast %add3A_1028 : i32 to vector<16xi32>
        %add3A_1030 = arith.addi %xor3A_1024, %add3A_1029 : vector<16xi32>
        %select_n3A_1031 = arith.select %lt3A_1027, %add3A_1030, %xor3A_1024 : vector<16xi1>, vector<16xi32>
        %broadcast_in_dim3A_1032 = vector.shape_cast %select_n3A_1031 : vector<16xi32> to vector<16x1xi32>
        %gather3A_1033 = vector.shape_cast %broadcast_in_dim3A_1032 : vector<16x1xi32> to vector<16xi32>
        %gather3A_1034 = tpu.dynamic_gather %add3A_1021[%gather3A_1033] in [0] : vector<16xf32>, vector<16xi32> -> vector<16xf32>
        %add3A_1035 = arith.addf %add3A_1021, %gather3A_1034 : vector<16xf32>
        %eq3A_1036 = arith.constant 11 : i32
        %eq3A_1037 = vector.broadcast %eq3A_1036 : i32 to vector<16xi32>
        %eq3A_1038 = arith.cmpi eq, %iota3A, %eq3A_1037 : vector<16xi32>
        %select_n3A_1039 = arith.select %eq3A_1038, %add3A_1035, %select_n3A_967 : vector<16xi1>, vector<16xf32>
        %mul3A_1040 = arith.constant 16 : i32
        %mul3A_1041 = arith.muli %scan3A_146, %mul3A_1040 : i32
        %add3A_1042 = arith.constant 0 : i32
        %add3A_1043 = arith.addi %add3A_1042, %mul3A_1041 : i32
        %add3A_1044 = arith.constant 12 : i32
        %add3A_1045 = arith.addi %add3A_1043, %add3A_1044 : i32
        %get3A_1046 = arith.index_cast %add3A_1045 : i32 to index
        %get3A_1047 = arith.constant 0 : index
        %get3A_1048 = tpu.vector_load %arg7[%get3A_1046, %get3A_1047] {strides = array<i32>} : memref<512x128xf32, #tpu.memory_space<vmem>>, vector<1x16xf32>,
        %get3A_1049 = vector.shape_cast %get3A_1048 : vector<1x16xf32> to vector<16xf32>
        %sub3A_1050 = arith.subf %get3A_1049, %get3A_177 : vector<16xf32>
        %mul3A_1051 = arith.mulf %sub3A_1050, %sub3A_1050 : vector<16xf32>
        %xor3A_1052 = arith.constant 1 : i32
        %xor3A_1053 = vector.broadcast %xor3A_1052 : i32 to vector<16xi32>
        %xor3A_1054 = arith.xori %iota3A, %xor3A_1053 : vector<16xi32>
        %lt3A_1055 = arith.constant 0 : i32
        %lt3A_1056 = vector.broadcast %lt3A_1055 : i32 to vector<16xi32>
        %lt3A_1057 = arith.cmpi slt, %xor3A_1054, %lt3A_1056 : vector<16xi32>
        %add3A_1058 = arith.constant 16 : i32
        %add3A_1059 = vector.broadcast %add3A_1058 : i32 to vector<16xi32>
        %add3A_1060 = arith.addi %xor3A_1054, %add3A_1059 : vector<16xi32>
        %select_n3A_1061 = arith.select %lt3A_1057, %add3A_1060, %xor3A_1054 : vector<16xi1>, vector<16xi32>
        %broadcast_in_dim3A_1062 = vector.shape_cast %select_n3A_1061 : vector<16xi32> to vector<16x1xi32>
        %gather3A_1063 = vector.shape_cast %broadcast_in_dim3A_1062 : vector<16x1xi32> to vector<16xi32>
        %gather3A_1064 = tpu.dynamic_gather %mul3A_1051[%gather3A_1063] in [0] : vector<16xf32>, vector<16xi32> -> vector<16xf32>
        %add3A_1065 = arith.addf %mul3A_1051, %gather3A_1064 : vector<16xf32>
        %xor3A_1066 = arith.constant 2 : i32
        %xor3A_1067 = vector.broadcast %xor3A_1066 : i32 to vector<16xi32>
        %xor3A_1068 = arith.xori %iota3A, %xor3A_1067 : vector<16xi32>
        %lt3A_1069 = arith.constant 0 : i32
        %lt3A_1070 = vector.broadcast %lt3A_1069 : i32 to vector<16xi32>
        %lt3A_1071 = arith.cmpi slt, %xor3A_1068, %lt3A_1070 : vector<16xi32>
        %add3A_1072 = arith.constant 16 : i32
        %add3A_1073 = vector.broadcast %add3A_1072 : i32 to vector<16xi32>
        %add3A_1074 = arith.addi %xor3A_1068, %add3A_1073 : vector<16xi32>
        %select_n3A_1075 = arith.select %lt3A_1071, %add3A_1074, %xor3A_1068 : vector<16xi1>, vector<16xi32>
        %broadcast_in_dim3A_1076 = vector.shape_cast %select_n3A_1075 : vector<16xi32> to vector<16x1xi32>
        %gather3A_1077 = vector.shape_cast %broadcast_in_dim3A_1076 : vector<16x1xi32> to vector<16xi32>
        %gather3A_1078 = tpu.dynamic_gather %add3A_1065[%gather3A_1077] in [0] : vector<16xf32>, vector<16xi32> -> vector<16xf32>
        %add3A_1079 = arith.addf %add3A_1065, %gather3A_1078 : vector<16xf32>
        %xor3A_1080 = arith.constant 4 : i32
        %xor3A_1081 = vector.broadcast %xor3A_1080 : i32 to vector<16xi32>
        %xor3A_1082 = arith.xori %iota3A, %xor3A_1081 : vector<16xi32>
        %lt3A_1083 = arith.constant 0 : i32
        %lt3A_1084 = vector.broadcast %lt3A_1083 : i32 to vector<16xi32>
        %lt3A_1085 = arith.cmpi slt, %xor3A_1082, %lt3A_1084 : vector<16xi32>
        %add3A_1086 = arith.constant 16 : i32
        %add3A_1087 = vector.broadcast %add3A_1086 : i32 to vector<16xi32>
        %add3A_1088 = arith.addi %xor3A_1082, %add3A_1087 : vector<16xi32>
        %select_n3A_1089 = arith.select %lt3A_1085, %add3A_1088, %xor3A_1082 : vector<16xi1>, vector<16xi32>
        %broadcast_in_dim3A_1090 = vector.shape_cast %select_n3A_1089 : vector<16xi32> to vector<16x1xi32>
        %gather3A_1091 = vector.shape_cast %broadcast_in_dim3A_1090 : vector<16x1xi32> to vector<16xi32>
        %gather3A_1092 = tpu.dynamic_gather %add3A_1079[%gather3A_1091] in [0] : vector<16xf32>, vector<16xi32> -> vector<16xf32>
        %add3A_1093 = arith.addf %add3A_1079, %gather3A_1092 : vector<16xf32>
        %xor3A_1094 = arith.constant 8 : i32
        %xor3A_1095 = vector.broadcast %xor3A_1094 : i32 to vector<16xi32>
        %xor3A_1096 = arith.xori %iota3A, %xor3A_1095 : vector<16xi32>
        %lt3A_1097 = arith.constant 0 : i32
        %lt3A_1098 = vector.broadcast %lt3A_1097 : i32 to vector<16xi32>
        %lt3A_1099 = arith.cmpi slt, %xor3A_1096, %lt3A_1098 : vector<16xi32>
        %add3A_1100 = arith.constant 16 : i32
        %add3A_1101 = vector.broadcast %add3A_1100 : i32 to vector<16xi32>
        %add3A_1102 = arith.addi %xor3A_1096, %add3A_1101 : vector<16xi32>
        %select_n3A_1103 = arith.select %lt3A_1099, %add3A_1102, %xor3A_1096 : vector<16xi1>, vector<16xi32>
        %broadcast_in_dim3A_1104 = vector.shape_cast %select_n3A_1103 : vector<16xi32> to vector<16x1xi32>
        %gather3A_1105 = vector.shape_cast %broadcast_in_dim3A_1104 : vector<16x1xi32> to vector<16xi32>
        %gather3A_1106 = tpu.dynamic_gather %add3A_1093[%gather3A_1105] in [0] : vector<16xf32>, vector<16xi32> -> vector<16xf32>
        %add3A_1107 = arith.addf %add3A_1093, %gather3A_1106 : vector<16xf32>
        %eq3A_1108 = arith.constant 12 : i32
        %eq3A_1109 = vector.broadcast %eq3A_1108 : i32 to vector<16xi32>
        %eq3A_1110 = arith.cmpi eq, %iota3A, %eq3A_1109 : vector<16xi32>
        %select_n3A_1111 = arith.select %eq3A_1110, %add3A_1107, %select_n3A_1039 : vector<16xi1>, vector<16xf32>
        %mul3A_1112 = arith.constant 16 : i32
        %mul3A_1113 = arith.muli %scan3A_146, %mul3A_1112 : i32
        %add3A_1114 = arith.constant 0 : i32
        %add3A_1115 = arith.addi %add3A_1114, %mul3A_1113 : i32
        %add3A_1116 = arith.constant 13 : i32
        %add3A_1117 = arith.addi %add3A_1115, %add3A_1116 : i32
        %get3A_1118 = arith.index_cast %add3A_1117 : i32 to index
        %get3A_1119 = arith.constant 0 : index
        %get3A_1120 = tpu.vector_load %arg7[%get3A_1118, %get3A_1119] {strides = array<i32>} : memref<512x128xf32, #tpu.memory_space<vmem>>, vector<1x16xf32>,
        %get3A_1121 = vector.shape_cast %get3A_1120 : vector<1x16xf32> to vector<16xf32>
        %sub3A_1122 = arith.subf %get3A_1121, %get3A_177 : vector<16xf32>
        %mul3A_1123 = arith.mulf %sub3A_1122, %sub3A_1122 : vector<16xf32>
        %xor3A_1124 = arith.constant 1 : i32
        %xor3A_1125 = vector.broadcast %xor3A_1124 : i32 to vector<16xi32>
        %xor3A_1126 = arith.xori %iota3A, %xor3A_1125 : vector<16xi32>
        %lt3A_1127 = arith.constant 0 : i32
        %lt3A_1128 = vector.broadcast %lt3A_1127 : i32 to vector<16xi32>
        %lt3A_1129 = arith.cmpi slt, %xor3A_1126, %lt3A_1128 : vector<16xi32>
        %add3A_1130 = arith.constant 16 : i32
        %add3A_1131 = vector.broadcast %add3A_1130 : i32 to vector<16xi32>
        %add3A_1132 = arith.addi %xor3A_1126, %add3A_1131 : vector<16xi32>
        %select_n3A_1133 = arith.select %lt3A_1129, %add3A_1132, %xor3A_1126 : vector<16xi1>, vector<16xi32>
        %broadcast_in_dim3A_1134 = vector.shape_cast %select_n3A_1133 : vector<16xi32> to vector<16x1xi32>
        %gather3A_1135 = vector.shape_cast %broadcast_in_dim3A_1134 : vector<16x1xi32> to vector<16xi32>
        %gather3A_1136 = tpu.dynamic_gather %mul3A_1123[%gather3A_1135] in [0] : vector<16xf32>, vector<16xi32> -> vector<16xf32>
        %add3A_1137 = arith.addf %mul3A_1123, %gather3A_1136 : vector<16xf32>
        %xor3A_1138 = arith.constant 2 : i32
        %xor3A_1139 = vector.broadcast %xor3A_1138 : i32 to vector<16xi32>
        %xor3A_1140 = arith.xori %iota3A, %xor3A_1139 : vector<16xi32>
        %lt3A_1141 = arith.constant 0 : i32
        %lt3A_1142 = vector.broadcast %lt3A_1141 : i32 to vector<16xi32>
        %lt3A_1143 = arith.cmpi slt, %xor3A_1140, %lt3A_1142 : vector<16xi32>
        %add3A_1144 = arith.constant 16 : i32
        %add3A_1145 = vector.broadcast %add3A_1144 : i32 to vector<16xi32>
        %add3A_1146 = arith.addi %xor3A_1140, %add3A_1145 : vector<16xi32>
        %select_n3A_1147 = arith.select %lt3A_1143, %add3A_1146, %xor3A_1140 : vector<16xi1>, vector<16xi32>
        %broadcast_in_dim3A_1148 = vector.shape_cast %select_n3A_1147 : vector<16xi32> to vector<16x1xi32>
        %gather3A_1149 = vector.shape_cast %broadcast_in_dim3A_1148 : vector<16x1xi32> to vector<16xi32>
        %gather3A_1150 = tpu.dynamic_gather %add3A_1137[%gather3A_1149] in [0] : vector<16xf32>, vector<16xi32> -> vector<16xf32>
        %add3A_1151 = arith.addf %add3A_1137, %gather3A_1150 : vector<16xf32>
        %xor3A_1152 = arith.constant 4 : i32
        %xor3A_1153 = vector.broadcast %xor3A_1152 : i32 to vector<16xi32>
        %xor3A_1154 = arith.xori %iota3A, %xor3A_1153 : vector<16xi32>
        %lt3A_1155 = arith.constant 0 : i32
        %lt3A_1156 = vector.broadcast %lt3A_1155 : i32 to vector<16xi32>
        %lt3A_1157 = arith.cmpi slt, %xor3A_1154, %lt3A_1156 : vector<16xi32>
        %add3A_1158 = arith.constant 16 : i32
        %add3A_1159 = vector.broadcast %add3A_1158 : i32 to vector<16xi32>
        %add3A_1160 = arith.addi %xor3A_1154, %add3A_1159 : vector<16xi32>
        %select_n3A_1161 = arith.select %lt3A_1157, %add3A_1160, %xor3A_1154 : vector<16xi1>, vector<16xi32>
        %broadcast_in_dim3A_1162 = vector.shape_cast %select_n3A_1161 : vector<16xi32> to vector<16x1xi32>
        %gather3A_1163 = vector.shape_cast %broadcast_in_dim3A_1162 : vector<16x1xi32> to vector<16xi32>
        %gather3A_1164 = tpu.dynamic_gather %add3A_1151[%gather3A_1163] in [0] : vector<16xf32>, vector<16xi32> -> vector<16xf32>
        %add3A_1165 = arith.addf %add3A_1151, %gather3A_1164 : vector<16xf32>
        %xor3A_1166 = arith.constant 8 : i32
        %xor3A_1167 = vector.broadcast %xor3A_1166 : i32 to vector<16xi32>
        %xor3A_1168 = arith.xori %iota3A, %xor3A_1167 : vector<16xi32>
        %lt3A_1169 = arith.constant 0 : i32
        %lt3A_1170 = vector.broadcast %lt3A_1169 : i32 to vector<16xi32>
        %lt3A_1171 = arith.cmpi slt, %xor3A_1168, %lt3A_1170 : vector<16xi32>
        %add3A_1172 = arith.constant 16 : i32
        %add3A_1173 = vector.broadcast %add3A_1172 : i32 to vector<16xi32>
        %add3A_1174 = arith.addi %xor3A_1168, %add3A_1173 : vector<16xi32>
        %select_n3A_1175 = arith.select %lt3A_1171, %add3A_1174, %xor3A_1168 : vector<16xi1>, vector<16xi32>
        %broadcast_in_dim3A_1176 = vector.shape_cast %select_n3A_1175 : vector<16xi32> to vector<16x1xi32>
        %gather3A_1177 = vector.shape_cast %broadcast_in_dim3A_1176 : vector<16x1xi32> to vector<16xi32>
        %gather3A_1178 = tpu.dynamic_gather %add3A_1165[%gather3A_1177] in [0] : vector<16xf32>, vector<16xi32> -> vector<16xf32>
        %add3A_1179 = arith.addf %add3A_1165, %gather3A_1178 : vector<16xf32>
        %eq3A_1180 = arith.constant 13 : i32
        %eq3A_1181 = vector.broadcast %eq3A_1180 : i32 to vector<16xi32>
        %eq3A_1182 = arith.cmpi eq, %iota3A, %eq3A_1181 : vector<16xi32>
        %select_n3A_1183 = arith.select %eq3A_1182, %add3A_1179, %select_n3A_1111 : vector<16xi1>, vector<16xf32>
        %mul3A_1184 = arith.constant 16 : i32
        %mul3A_1185 = arith.muli %scan3A_146, %mul3A_1184 : i32
        %add3A_1186 = arith.constant 0 : i32
        %add3A_1187 = arith.addi %add3A_1186, %mul3A_1185 : i32
        %add3A_1188 = arith.constant 14 : i32
        %add3A_1189 = arith.addi %add3A_1187, %add3A_1188 : i32
        %get3A_1190 = arith.index_cast %add3A_1189 : i32 to index
        %get3A_1191 = arith.constant 0 : index
        %get3A_1192 = tpu.vector_load %arg7[%get3A_1190, %get3A_1191] {strides = array<i32>} : memref<512x128xf32, #tpu.memory_space<vmem>>, vector<1x16xf32>,
        %get3A_1193 = vector.shape_cast %get3A_1192 : vector<1x16xf32> to vector<16xf32>
        %sub3A_1194 = arith.subf %get3A_1193, %get3A_177 : vector<16xf32>
        %mul3A_1195 = arith.mulf %sub3A_1194, %sub3A_1194 : vector<16xf32>
        %xor3A_1196 = arith.constant 1 : i32
        %xor3A_1197 = vector.broadcast %xor3A_1196 : i32 to vector<16xi32>
        %xor3A_1198 = arith.xori %iota3A, %xor3A_1197 : vector<16xi32>
        %lt3A_1199 = arith.constant 0 : i32
        %lt3A_1200 = vector.broadcast %lt3A_1199 : i32 to vector<16xi32>
        %lt3A_1201 = arith.cmpi slt, %xor3A_1198, %lt3A_1200 : vector<16xi32>
        %add3A_1202 = arith.constant 16 : i32
        %add3A_1203 = vector.broadcast %add3A_1202 : i32 to vector<16xi32>
        %add3A_1204 = arith.addi %xor3A_1198, %add3A_1203 : vector<16xi32>
        %select_n3A_1205 = arith.select %lt3A_1201, %add3A_1204, %xor3A_1198 : vector<16xi1>, vector<16xi32>
        %broadcast_in_dim3A_1206 = vector.shape_cast %select_n3A_1205 : vector<16xi32> to vector<16x1xi32>
        %gather3A_1207 = vector.shape_cast %broadcast_in_dim3A_1206 : vector<16x1xi32> to vector<16xi32>
        %gather3A_1208 = tpu.dynamic_gather %mul3A_1195[%gather3A_1207] in [0] : vector<16xf32>, vector<16xi32> -> vector<16xf32>
        %add3A_1209 = arith.addf %mul3A_1195, %gather3A_1208 : vector<16xf32>
        %xor3A_1210 = arith.constant 2 : i32
        %xor3A_1211 = vector.broadcast %xor3A_1210 : i32 to vector<16xi32>
        %xor3A_1212 = arith.xori %iota3A, %xor3A_1211 : vector<16xi32>
        %lt3A_1213 = arith.constant 0 : i32
        %lt3A_1214 = vector.broadcast %lt3A_1213 : i32 to vector<16xi32>
        %lt3A_1215 = arith.cmpi slt, %xor3A_1212, %lt3A_1214 : vector<16xi32>
        %add3A_1216 = arith.constant 16 : i32
        %add3A_1217 = vector.broadcast %add3A_1216 : i32 to vector<16xi32>
        %add3A_1218 = arith.addi %xor3A_1212, %add3A_1217 : vector<16xi32>
        %select_n3A_1219 = arith.select %lt3A_1215, %add3A_1218, %xor3A_1212 : vector<16xi1>, vector<16xi32>
        %broadcast_in_dim3A_1220 = vector.shape_cast %select_n3A_1219 : vector<16xi32> to vector<16x1xi32>
        %gather3A_1221 = vector.shape_cast %broadcast_in_dim3A_1220 : vector<16x1xi32> to vector<16xi32>
        %gather3A_1222 = tpu.dynamic_gather %add3A_1209[%gather3A_1221] in [0] : vector<16xf32>, vector<16xi32> -> vector<16xf32>
        %add3A_1223 = arith.addf %add3A_1209, %gather3A_1222 : vector<16xf32>
        %xor3A_1224 = arith.constant 4 : i32
        %xor3A_1225 = vector.broadcast %xor3A_1224 : i32 to vector<16xi32>
        %xor3A_1226 = arith.xori %iota3A, %xor3A_1225 : vector<16xi32>
        %lt3A_1227 = arith.constant 0 : i32
        %lt3A_1228 = vector.broadcast %lt3A_1227 : i32 to vector<16xi32>
        %lt3A_1229 = arith.cmpi slt, %xor3A_1226, %lt3A_1228 : vector<16xi32>
        %add3A_1230 = arith.constant 16 : i32
        %add3A_1231 = vector.broadcast %add3A_1230 : i32 to vector<16xi32>
        %add3A_1232 = arith.addi %xor3A_1226, %add3A_1231 : vector<16xi32>
        %select_n3A_1233 = arith.select %lt3A_1229, %add3A_1232, %xor3A_1226 : vector<16xi1>, vector<16xi32>
        %broadcast_in_dim3A_1234 = vector.shape_cast %select_n3A_1233 : vector<16xi32> to vector<16x1xi32>
        %gather3A_1235 = vector.shape_cast %broadcast_in_dim3A_1234 : vector<16x1xi32> to vector<16xi32>
        %gather3A_1236 = tpu.dynamic_gather %add3A_1223[%gather3A_1235] in [0] : vector<16xf32>, vector<16xi32> -> vector<16xf32>
        %add3A_1237 = arith.addf %add3A_1223, %gather3A_1236 : vector<16xf32>
        %xor3A_1238 = arith.constant 8 : i32
        %xor3A_1239 = vector.broadcast %xor3A_1238 : i32 to vector<16xi32>
        %xor3A_1240 = arith.xori %iota3A, %xor3A_1239 : vector<16xi32>
        %lt3A_1241 = arith.constant 0 : i32
        %lt3A_1242 = vector.broadcast %lt3A_1241 : i32 to vector<16xi32>
        %lt3A_1243 = arith.cmpi slt, %xor3A_1240, %lt3A_1242 : vector<16xi32>
        %add3A_1244 = arith.constant 16 : i32
        %add3A_1245 = vector.broadcast %add3A_1244 : i32 to vector<16xi32>
        %add3A_1246 = arith.addi %xor3A_1240, %add3A_1245 : vector<16xi32>
        %select_n3A_1247 = arith.select %lt3A_1243, %add3A_1246, %xor3A_1240 : vector<16xi1>, vector<16xi32>
        %broadcast_in_dim3A_1248 = vector.shape_cast %select_n3A_1247 : vector<16xi32> to vector<16x1xi32>
        %gather3A_1249 = vector.shape_cast %broadcast_in_dim3A_1248 : vector<16x1xi32> to vector<16xi32>
        %gather3A_1250 = tpu.dynamic_gather %add3A_1237[%gather3A_1249] in [0] : vector<16xf32>, vector<16xi32> -> vector<16xf32>
        %add3A_1251 = arith.addf %add3A_1237, %gather3A_1250 : vector<16xf32>
        %eq3A_1252 = arith.constant 14 : i32
        %eq3A_1253 = vector.broadcast %eq3A_1252 : i32 to vector<16xi32>
        %eq3A_1254 = arith.cmpi eq, %iota3A, %eq3A_1253 : vector<16xi32>
        %select_n3A_1255 = arith.select %eq3A_1254, %add3A_1251, %select_n3A_1183 : vector<16xi1>, vector<16xf32>
        %mul3A_1256 = arith.constant 16 : i32
        %mul3A_1257 = arith.muli %scan3A_146, %mul3A_1256 : i32
        %add3A_1258 = arith.constant 0 : i32
        %add3A_1259 = arith.addi %add3A_1258, %mul3A_1257 : i32
        %add3A_1260 = arith.constant 15 : i32
        %add3A_1261 = arith.addi %add3A_1259, %add3A_1260 : i32
        %get3A_1262 = arith.index_cast %add3A_1261 : i32 to index
        %get3A_1263 = arith.constant 0 : index
        %get3A_1264 = tpu.vector_load %arg7[%get3A_1262, %get3A_1263] {strides = array<i32>} : memref<512x128xf32, #tpu.memory_space<vmem>>, vector<1x16xf32>,
        %get3A_1265 = vector.shape_cast %get3A_1264 : vector<1x16xf32> to vector<16xf32>
        %sub3A_1266 = arith.subf %get3A_1265, %get3A_177 : vector<16xf32>
        %mul3A_1267 = arith.mulf %sub3A_1266, %sub3A_1266 : vector<16xf32>
        %xor3A_1268 = arith.constant 1 : i32
        %xor3A_1269 = vector.broadcast %xor3A_1268 : i32 to vector<16xi32>
        %xor3A_1270 = arith.xori %iota3A, %xor3A_1269 : vector<16xi32>
        %lt3A_1271 = arith.constant 0 : i32
        %lt3A_1272 = vector.broadcast %lt3A_1271 : i32 to vector<16xi32>
        %lt3A_1273 = arith.cmpi slt, %xor3A_1270, %lt3A_1272 : vector<16xi32>
        %add3A_1274 = arith.constant 16 : i32
        %add3A_1275 = vector.broadcast %add3A_1274 : i32 to vector<16xi32>
        %add3A_1276 = arith.addi %xor3A_1270, %add3A_1275 : vector<16xi32>
        %select_n3A_1277 = arith.select %lt3A_1273, %add3A_1276, %xor3A_1270 : vector<16xi1>, vector<16xi32>
        %broadcast_in_dim3A_1278 = vector.shape_cast %select_n3A_1277 : vector<16xi32> to vector<16x1xi32>
        %gather3A_1279 = vector.shape_cast %broadcast_in_dim3A_1278 : vector<16x1xi32> to vector<16xi32>
        %gather3A_1280 = tpu.dynamic_gather %mul3A_1267[%gather3A_1279] in [0] : vector<16xf32>, vector<16xi32> -> vector<16xf32>
        %add3A_1281 = arith.addf %mul3A_1267, %gather3A_1280 : vector<16xf32>
        %xor3A_1282 = arith.constant 2 : i32
        %xor3A_1283 = vector.broadcast %xor3A_1282 : i32 to vector<16xi32>
        %xor3A_1284 = arith.xori %iota3A, %xor3A_1283 : vector<16xi32>
        %lt3A_1285 = arith.constant 0 : i32
        %lt3A_1286 = vector.broadcast %lt3A_1285 : i32 to vector<16xi32>
        %lt3A_1287 = arith.cmpi slt, %xor3A_1284, %lt3A_1286 : vector<16xi32>
        %add3A_1288 = arith.constant 16 : i32
        %add3A_1289 = vector.broadcast %add3A_1288 : i32 to vector<16xi32>
        %add3A_1290 = arith.addi %xor3A_1284, %add3A_1289 : vector<16xi32>
        %select_n3A_1291 = arith.select %lt3A_1287, %add3A_1290, %xor3A_1284 : vector<16xi1>, vector<16xi32>
        %broadcast_in_dim3A_1292 = vector.shape_cast %select_n3A_1291 : vector<16xi32> to vector<16x1xi32>
        %gather3A_1293 = vector.shape_cast %broadcast_in_dim3A_1292 : vector<16x1xi32> to vector<16xi32>
        %gather3A_1294 = tpu.dynamic_gather %add3A_1281[%gather3A_1293] in [0] : vector<16xf32>, vector<16xi32> -> vector<16xf32>
        %add3A_1295 = arith.addf %add3A_1281, %gather3A_1294 : vector<16xf32>
        %xor3A_1296 = arith.constant 4 : i32
        %xor3A_1297 = vector.broadcast %xor3A_1296 : i32 to vector<16xi32>
        %xor3A_1298 = arith.xori %iota3A, %xor3A_1297 : vector<16xi32>
        %lt3A_1299 = arith.constant 0 : i32
        %lt3A_1300 = vector.broadcast %lt3A_1299 : i32 to vector<16xi32>
        %lt3A_1301 = arith.cmpi slt, %xor3A_1298, %lt3A_1300 : vector<16xi32>
        %add3A_1302 = arith.constant 16 : i32
        %add3A_1303 = vector.broadcast %add3A_1302 : i32 to vector<16xi32>
        %add3A_1304 = arith.addi %xor3A_1298, %add3A_1303 : vector<16xi32>
        %select_n3A_1305 = arith.select %lt3A_1301, %add3A_1304, %xor3A_1298 : vector<16xi1>, vector<16xi32>
        %broadcast_in_dim3A_1306 = vector.shape_cast %select_n3A_1305 : vector<16xi32> to vector<16x1xi32>
        %gather3A_1307 = vector.shape_cast %broadcast_in_dim3A_1306 : vector<16x1xi32> to vector<16xi32>
        %gather3A_1308 = tpu.dynamic_gather %add3A_1295[%gather3A_1307] in [0] : vector<16xf32>, vector<16xi32> -> vector<16xf32>
        %add3A_1309 = arith.addf %add3A_1295, %gather3A_1308 : vector<16xf32>
        %xor3A_1310 = arith.constant 8 : i32
        %xor3A_1311 = vector.broadcast %xor3A_1310 : i32 to vector<16xi32>
        %xor3A_1312 = arith.xori %iota3A, %xor3A_1311 : vector<16xi32>
        %lt3A_1313 = arith.constant 0 : i32
        %lt3A_1314 = vector.broadcast %lt3A_1313 : i32 to vector<16xi32>
        %lt3A_1315 = arith.cmpi slt, %xor3A_1312, %lt3A_1314 : vector<16xi32>
        %add3A_1316 = arith.constant 16 : i32
        %add3A_1317 = vector.broadcast %add3A_1316 : i32 to vector<16xi32>
        %add3A_1318 = arith.addi %xor3A_1312, %add3A_1317 : vector<16xi32>
        %select_n3A_1319 = arith.select %lt3A_1315, %add3A_1318, %xor3A_1312 : vector<16xi1>, vector<16xi32>
        %broadcast_in_dim3A_1320 = vector.shape_cast %select_n3A_1319 : vector<16xi32> to vector<16x1xi32>
        %gather3A_1321 = vector.shape_cast %broadcast_in_dim3A_1320 : vector<16x1xi32> to vector<16xi32>
        %gather3A_1322 = tpu.dynamic_gather %add3A_1309[%gather3A_1321] in [0] : vector<16xf32>, vector<16xi32> -> vector<16xf32>
        %add3A_1323 = arith.addf %add3A_1309, %gather3A_1322 : vector<16xf32>
        %eq3A_1324 = arith.constant 15 : i32
        %eq3A_1325 = vector.broadcast %eq3A_1324 : i32 to vector<16xi32>
        %eq3A_1326 = arith.cmpi eq, %iota3A, %eq3A_1325 : vector<16xi32>
        %select_n3A_1327 = arith.select %eq3A_1326, %add3A_1323, %select_n3A_1255 : vector<16xi1>, vector<16xf32>
        %bitcast_convert_type3A = tpu.bitcast %select_n3A_1327 : vector<16xf32> -> vector<16xi32>
        %shift_right_logical3A = arith.constant 1 : i32
        %shift_right_logical3A_1328 = vector.broadcast %shift_right_logical3A : i32 to vector<16xi32>
        %shift_right_logical3A_1329 = arith.shrui %bitcast_convert_type3A, %shift_right_logical3A_1328 : vector<16xi32>
        %add3A_1330 = arith.constant 532487669 : i32
        %add3A_1331 = vector.broadcast %add3A_1330 : i32 to vector<16xi32>
        %add3A_1332 = arith.addi %add3A_1331, %shift_right_logical3A_1329 : vector<16xi32>
        %bitcast_convert_type3A_1333 = tpu.bitcast %add3A_1332 : vector<16xi32> -> vector<16xf32>
        %div3A_1334 = arith.divf %select_n3A_1327, %bitcast_convert_type3A_1333 : vector<16xf32>
        %add3A_1335 = arith.addf %bitcast_convert_type3A_1333, %div3A_1334 : vector<16xf32>
        %mul3A_1336 = arith.constant 5.000000e-01 : f32
        %mul3A_1337 = vector.broadcast %mul3A_1336 : f32 to vector<16xf32>
        %mul3A_1338 = arith.mulf %mul3A_1337, %add3A_1335 : vector<16xf32>
        %div3A_1339 = arith.divf %select_n3A_1327, %mul3A_1338 : vector<16xf32>
        %add3A_1340 = arith.addf %mul3A_1338, %div3A_1339 : vector<16xf32>
        %mul3A_1341 = arith.constant 5.000000e-01 : f32
        %mul3A_1342 = vector.broadcast %mul3A_1341 : f32 to vector<16xf32>
        %mul3A_1343 = arith.mulf %mul3A_1342, %add3A_1340 : vector<16xf32>
        %div3A_1344 = arith.divf %select_n3A_1327, %mul3A_1343 : vector<16xf32>
        %add3A_1345 = arith.addf %mul3A_1343, %div3A_1344 : vector<16xf32>
        %mul3A_1346 = arith.constant 5.000000e-01 : f32
        %mul3A_1347 = vector.broadcast %mul3A_1346 : f32 to vector<16xf32>
        %mul3A_1348 = arith.mulf %mul3A_1347, %add3A_1345 : vector<16xf32>
        %mul3A_1349 = arith.constant 16 : i32
        %mul3A_1350 = arith.muli %scan3A_146, %mul3A_1349 : i32
        %swap3A = arith.index_cast %mul3A_1350 : i32 to index
        %swap3A_1351 = tpu.vector_load %arg9[%swap3A] {strides = array<i32>} : memref<256xf32, #tpu.memory_space<vmem>>, vector<16xf32>,
        %swap3A_1352 = vector.shape_cast %swap3A_1351 : vector<16xf32> to vector<16xf32>
        %swap3A_1353 = vector.shape_cast %mul3A_1348 : vector<16xf32> to vector<16xf32>
        tpu.vector_store %arg9[%swap3A], %swap3A_1353 {strides = array<i32>} : memref<256xf32, #tpu.memory_space<vmem>>, vector<16xf32>,
        %scan3A_1354 = arith.constant 0 : i32
        scf.yield %scan3A_1354 : i32
      }
      %scan3A_103 = arith.constant 16 : i32
      %mul3A_104 = arith.constant 256 : i32
      %mul3A_105 = arith.muli %mul3A_50, %mul3A_104 : i32
      %add3A_106 = arith.addi %mul3A_2, %mul3A_105 : i32
      %multiple_of3A_107 = tpu.assume_multiple %add3A_106, 256 : i32
      "tpu.region"() ({
        %run_scoped3A_146 = tpu.sem_alloc : memref<!tpu.dma_semaphore, #tpu.memory_space<semaphore_mem>>
        %dma_start3A_147 = tpu.memref_slice %arg5[%multiple_of3A_107] : memref<262144xf32, #tpu.memory_space<hbm>> -> memref<256xf32, #tpu.memory_space<hbm>>
        %dma_start3A_148 = tpu.memref_slice %arg5[%multiple_of3A_107] : memref<262144xf32, #tpu.memory_space<hbm>> -> memref<256xf32, #tpu.memory_space<hbm>>
        tpu.enqueue_dma source(%arg9 : memref<256xf32, #tpu.memory_space<vmem>>) target(%dma_start3A_148 : memref<256xf32, #tpu.memory_space<hbm>>) target_semaphore(%run_scoped3A_146 : memref<!tpu.dma_semaphore, #tpu.memory_space<semaphore_mem>>)
        %dma_wait3A_149 = tpu.memref_slice %arg5[%multiple_of3A_107] : memref<262144xf32, #tpu.memory_space<hbm>> -> memref<256xf32, #tpu.memory_space<hbm>>
        %dma_wait3A_150 = tpu.memref_slice %arg5[%multiple_of3A_107] : memref<262144xf32, #tpu.memory_space<hbm>> -> memref<256xf32, #tpu.memory_space<hbm>>
        tpu.wait_dma2 semaphore(%run_scoped3A_146 : memref<!tpu.dma_semaphore, #tpu.memory_space<semaphore_mem>>) src(%arg9 : memref<256xf32, #tpu.memory_space<vmem>>) dst(%dma_wait3A_150 : memref<256xf32, #tpu.memory_space<hbm>>)
        tpu.yield
      }) : () -> ()
      %add3A_108 = arith.constant 1 : i32
      %add3A_109 = arith.addi %scan3A_47, %add3A_108 : i32
      %lt3A = arith.constant 16 : i32
      %lt3A_110 = arith.cmpi slt, %add3A_109, %lt3A : i32
      %convert_element_type3A = arith.extui %lt3A_110 : i1 to i32
      %cond3A = arith.constant 0 : i32
      %cond3A_111 = arith.cmpi ne, %convert_element_type3A, %cond3A : i32
      scf.if %cond3A_111 {
        %add3A_146 = arith.constant 2 : i32
        %add3A_147 = arith.addi %mul3A_50, %add3A_146 : i32
        %mul3A_148 = arith.constant 256 : i32
        %mul3A_149 = arith.muli %add3A_147, %mul3A_148 : i32
        %add3A_150 = arith.addi %mul3A_2, %mul3A_149 : i32
        %multiple_of3A_151 = tpu.assume_multiple %add3A_150, 256 : i32
        %run_scoped3A_152 = arith.constant 0 : i32
        "tpu.region"() ({
          %run_scoped3A_173 = tpu.sem_alloc : memref<!tpu.dma_semaphore, #tpu.memory_space<semaphore_mem>>
          %dma_start3A_174 = arith.constant 0 : i32
          %dma_start3A_175 = tpu.memref_slice %arg6[%run_scoped3A_152, %dma_start3A_174] : memref<2x256xi32, #tpu.memory_space<vmem>> -> memref<1x256xi32, #tpu.memory_space<vmem>>
          %dma_start3A_176 = tpu.memref_squeeze %dma_start3A_175 : memref<1x256xi32, #tpu.memory_space<vmem>> -> memref<256xi32, #tpu.memory_space<vmem>>
          %dma_start3A_177 = tpu.memref_slice %arg4[%multiple_of3A_151] : memref<262144xi32, #tpu.memory_space<hbm>> -> memref<256xi32, #tpu.memory_space<hbm>>
          %dma_start3A_178 = arith.constant 0 : i32
          %dma_start3A_179 = tpu.memref_slice %arg6[%run_scoped3A_152, %dma_start3A_178] : memref<2x256xi32, #tpu.memory_space<vmem>> -> memref<1x256xi32, #tpu.memory_space<vmem>>
          %dma_start3A_180 = tpu.memref_squeeze %dma_start3A_179 : memref<1x256xi32, #tpu.memory_space<vmem>> -> memref<256xi32, #tpu.memory_space<vmem>>
          %dma_start3A_181 = tpu.memref_slice %arg4[%multiple_of3A_151] : memref<262144xi32, #tpu.memory_space<hbm>> -> memref<256xi32, #tpu.memory_space<hbm>>
          tpu.enqueue_dma source(%dma_start3A_181 : memref<256xi32, #tpu.memory_space<hbm>>) target(%dma_start3A_180 : memref<256xi32, #tpu.memory_space<vmem>>) target_semaphore(%run_scoped3A_173 : memref<!tpu.dma_semaphore, #tpu.memory_space<semaphore_mem>>)
          %dma_wait3A_182 = arith.constant 0 : i32
          %dma_wait3A_183 = tpu.memref_slice %arg6[%run_scoped3A_152, %dma_wait3A_182] : memref<2x256xi32, #tpu.memory_space<vmem>> -> memref<1x256xi32, #tpu.memory_space<vmem>>
          %dma_wait3A_184 = tpu.memref_squeeze %dma_wait3A_183 : memref<1x256xi32, #tpu.memory_space<vmem>> -> memref<256xi32, #tpu.memory_space<vmem>>
          %dma_wait3A_185 = tpu.memref_slice %arg4[%multiple_of3A_151] : memref<262144xi32, #tpu.memory_space<hbm>> -> memref<256xi32, #tpu.memory_space<hbm>>
          %dma_wait3A_186 = arith.constant 0 : i32
          %dma_wait3A_187 = tpu.memref_slice %arg6[%run_scoped3A_152, %dma_wait3A_186] : memref<2x256xi32, #tpu.memory_space<vmem>> -> memref<1x256xi32, #tpu.memory_space<vmem>>
          %dma_wait3A_188 = tpu.memref_squeeze %dma_wait3A_187 : memref<1x256xi32, #tpu.memory_space<vmem>> -> memref<256xi32, #tpu.memory_space<vmem>>
          %dma_wait3A_189 = tpu.memref_slice %arg4[%multiple_of3A_151] : memref<262144xi32, #tpu.memory_space<hbm>> -> memref<256xi32, #tpu.memory_space<hbm>>
          tpu.wait_dma2 semaphore(%run_scoped3A_173 : memref<!tpu.dma_semaphore, #tpu.memory_space<semaphore_mem>>) src(%dma_wait3A_189 : memref<256xi32, #tpu.memory_space<hbm>>) dst(%dma_wait3A_188 : memref<256xi32, #tpu.memory_space<vmem>>)
          tpu.yield
        }) : () -> ()
        %dma_start3A_153 = arith.constant 0 : i32
        %dma_start3A_154 = arith.constant 0 : i32
        %dma_start3A_155 = arith.constant 0 : i32
        %dma_start3A_156 = tpu.memref_slice %arg7[%dma_start3A_154, %dma_start3A_155] : memref<512x128xf32, #tpu.memory_space<vmem>> -> memref<128x128xf32, #tpu.memory_space<vmem>>
        %dma_start3A_157 = arith.constant 0 : i32
        %dma_start3A_158 = tpu.memref_slice %arg6[%dma_start3A_153, %dma_start3A_157] : memref<2x256xi32, #tpu.memory_space<vmem>> -> memref<1x128xi32, #tpu.memory_space<vmem>>
        %dma_start3A_159 = tpu.memref_squeeze %dma_start3A_158 : memref<1x128xi32, #tpu.memory_space<vmem>> -> memref<128xi32, #tpu.memory_space<vmem>>
        %dma_start3A_160 = arith.constant 0 : i32
        %dma_start3A_161 = arith.constant 0 : i32
        %dma_start3A_162 = tpu.memref_slice %arg3[%dma_start3A_160, %dma_start3A_161] : memref<8192x128xf32, #tpu.memory_space<hbm>> -> memref<8192x128xf32, #tpu.memory_space<hbm>>
        tpu.enqueue_indirect_dma source(%dma_start3A_162 : memref<8192x128xf32, #tpu.memory_space<hbm>>) target(%dma_start3A_156 : memref<128x128xf32, #tpu.memory_space<vmem>>) offsets(%dma_start3A_159 : memref<128xi32, #tpu.memory_space<vmem>>) semaphore(%arg10 : memref<!tpu.dma_semaphore, #tpu.memory_space<semaphore_mem>>)
        %dma_start3A_163 = arith.constant 0 : i32
        %dma_start3A_164 = arith.constant 128 : i32
        %dma_start3A_165 = arith.constant 0 : i32
        %dma_start3A_166 = tpu.memref_slice %arg7[%dma_start3A_164, %dma_start3A_165] : memref<512x128xf32, #tpu.memory_space<vmem>> -> memref<128x128xf32, #tpu.memory_space<vmem>>
        %dma_start3A_167 = arith.constant 128 : i32
        %dma_start3A_168 = tpu.memref_slice %arg6[%dma_start3A_163, %dma_start3A_167] : memref<2x256xi32, #tpu.memory_space<vmem>> -> memref<1x128xi32, #tpu.memory_space<vmem>>
        %dma_start3A_169 = tpu.memref_squeeze %dma_start3A_168 : memref<1x128xi32, #tpu.memory_space<vmem>> -> memref<128xi32, #tpu.memory_space<vmem>>
        %dma_start3A_170 = arith.constant 0 : i32
        %dma_start3A_171 = arith.constant 0 : i32
        %dma_start3A_172 = tpu.memref_slice %arg3[%dma_start3A_170, %dma_start3A_171] : memref<8192x128xf32, #tpu.memory_space<hbm>> -> memref<8192x128xf32, #tpu.memory_space<hbm>>
        tpu.enqueue_indirect_dma source(%dma_start3A_172 : memref<8192x128xf32, #tpu.memory_space<hbm>>) target(%dma_start3A_166 : memref<128x128xf32, #tpu.memory_space<vmem>>) offsets(%dma_start3A_169 : memref<128xi32, #tpu.memory_space<vmem>>) semaphore(%arg10 : memref<!tpu.dma_semaphore, #tpu.memory_space<semaphore_mem>>)
      } else {
      }
      %dma_wait3A_112 = arith.constant 1 : i32
      %dma_wait3A_113 = arith.constant 256 : i32
      %dma_wait3A_114 = arith.constant 0 : i32
      %dma_wait3A_115 = tpu.memref_slice %arg7[%dma_wait3A_113, %dma_wait3A_114] : memref<512x128xf32, #tpu.memory_space<vmem>> -> memref<128x128xf32, #tpu.memory_space<vmem>>
      %dma_wait3A_116 = arith.constant 0 : i32
      %dma_wait3A_117 = tpu.memref_slice %arg6[%dma_wait3A_112, %dma_wait3A_116] : memref<2x256xi32, #tpu.memory_space<vmem>> -> memref<1x128xi32, #tpu.memory_space<vmem>>
      %dma_wait3A_118 = tpu.memref_squeeze %dma_wait3A_117 : memref<1x128xi32, #tpu.memory_space<vmem>> -> memref<128xi32, #tpu.memory_space<vmem>>
      %dma_wait3A_119 = arith.constant 0 : i32
      %dma_wait3A_120 = arith.constant 0 : i32
      %dma_wait3A_121 = tpu.memref_slice %arg3[%dma_wait3A_119, %dma_wait3A_120] : memref<8192x128xf32, #tpu.memory_space<hbm>> -> memref<8192x128xf32, #tpu.memory_space<hbm>>
      tpu.wait_indirect_dma semaphore(%arg11 : memref<!tpu.dma_semaphore, #tpu.memory_space<semaphore_mem>>) src(%dma_wait3A_121 : memref<8192x128xf32, #tpu.memory_space<hbm>>) dst(%dma_wait3A_115 : memref<128x128xf32, #tpu.memory_space<vmem>>)
      %dma_wait3A_122 = arith.constant 1 : i32
      %dma_wait3A_123 = arith.constant 384 : i32
      %dma_wait3A_124 = arith.constant 0 : i32
      %dma_wait3A_125 = tpu.memref_slice %arg7[%dma_wait3A_123, %dma_wait3A_124] : memref<512x128xf32, #tpu.memory_space<vmem>> -> memref<128x128xf32, #tpu.memory_space<vmem>>
      %dma_wait3A_126 = arith.constant 128 : i32
      %dma_wait3A_127 = tpu.memref_slice %arg6[%dma_wait3A_122, %dma_wait3A_126] : memref<2x256xi32, #tpu.memory_space<vmem>> -> memref<1x128xi32, #tpu.memory_space<vmem>>
      %dma_wait3A_128 = tpu.memref_squeeze %dma_wait3A_127 : memref<1x128xi32, #tpu.memory_space<vmem>> -> memref<128xi32, #tpu.memory_space<vmem>>
      %dma_wait3A_129 = arith.constant 0 : i32
      %dma_wait3A_130 = arith.constant 0 : i32
      %dma_wait3A_131 = tpu.memref_slice %arg3[%dma_wait3A_129, %dma_wait3A_130] : memref<8192x128xf32, #tpu.memory_space<hbm>> -> memref<8192x128xf32, #tpu.memory_space<hbm>>
      tpu.wait_indirect_dma semaphore(%arg11 : memref<!tpu.dma_semaphore, #tpu.memory_space<semaphore_mem>>) src(%dma_wait3A_131 : memref<8192x128xf32, #tpu.memory_space<hbm>>) dst(%dma_wait3A_125 : memref<128x128xf32, #tpu.memory_space<vmem>>)
      %add3A_132 = arith.constant 1 : i32
      %add3A_133 = arith.addi %mul3A_50, %add3A_132 : i32
      %scan3A_134 = arith.constant 0 : i32
      %scan3A_135 = arith.constant 0 : i32
      %scan3A_136 = arith.constant 16 : i32
      %scan3A_137 = arith.addi %scan3A_135, %scan3A_136 : i32
      %scan3A_138 = arith.constant 1 : i32
      %scan3A_139 = scf.for %scan3A_146 = %scan3A_135 to %scan3A_137 step %scan3A_138 iter_args(%scan3A_147 = %scan3A_134) -> (i32)  : i32 {
        %mul3A_148 = arith.constant 8 : i32
        %mul3A_149 = arith.muli %add3A_133, %mul3A_148 : i32
        %jit3A_150 = arith.constant 2 : i32
        %div3A_151 = arith.divsi %scan3A_146, %jit3A_150 : i32
        %sign3A_152 = arith.constant 0 : i32
        %sign3A_153 = arith.cmpi sgt, %scan3A_146, %sign3A_152 : i32
        %sign3A_154 = arith.extui %sign3A_153 : i1 to i32
        %sign3A_155 = arith.constant 0 : i32
        %sign3A_156 = arith.cmpi slt, %scan3A_146, %sign3A_155 : i32
        %sign3A_157 = arith.extui %sign3A_156 : i1 to i32
        %sign3A_158 = arith.subi %sign3A_154, %sign3A_157 : i32
        %sign3A_159 = arith.constant 0 : i32
        %sign3A_160 = arith.cmpi sgt, %jit3A_150, %sign3A_159 : i32
        %sign3A_161 = arith.extui %sign3A_160 : i1 to i32
        %sign3A_162 = arith.constant 0 : i32
        %sign3A_163 = arith.cmpi slt, %jit3A_150, %sign3A_162 : i32
        %sign3A_164 = arith.extui %sign3A_163 : i1 to i32
        %sign3A_165 = arith.subi %sign3A_161, %sign3A_164 : i32
        %ne3A_166 = arith.cmpi ne, %sign3A_158, %sign3A_165 : i32
        %rem3A_167 = arith.remsi %scan3A_146, %jit3A_150 : i32
        %ne3A_168 = arith.constant 0 : i32
        %ne3A_169 = arith.cmpi ne, %rem3A_167, %ne3A_168 : i32
        %and3A_170 = arith.andi %ne3A_166, %ne3A_169 : i1
        %sub3A_171 = arith.constant 1 : i32
        %sub3A_172 = arith.subi %div3A_151, %sub3A_171 : i32
        %select_n3A_173 = arith.select %and3A_170, %sub3A_172, %div3A_151 : i32
        %add3A_174 = arith.addi %mul3A_149, %select_n3A_173 : i32
        %get3A = arith.index_cast %add3A_174 : i32 to index
        %get3A_175 = arith.constant 0 : index
        %get3A_176 = tpu.vector_load %arg8[%get3A, %get3A_175] {strides = array<i32>} : memref<256x16xf32, #tpu.memory_space<vmem>>, vector<1x16xf32>,
        %get3A_177 = vector.shape_cast %get3A_176 : vector<1x16xf32> to vector<16xf32>
        %broadcast_in_dim3A = arith.constant 0.000000e+00 : f32
        %broadcast_in_dim3A_178 = vector.broadcast %broadcast_in_dim3A : f32 to vector<16xf32>
        %mul3A_179 = arith.constant 16 : i32
        %mul3A_180 = arith.muli %scan3A_146, %mul3A_179 : i32
        %add3A_181 = arith.constant 256 : i32
        %add3A_182 = arith.addi %add3A_181, %mul3A_180 : i32
        %add3A_183 = arith.constant 0 : i32
        %add3A_184 = arith.addi %add3A_182, %add3A_183 : i32
        %get3A_185 = arith.index_cast %add3A_184 : i32 to index
        %get3A_186 = arith.constant 0 : index
        %get3A_187 = tpu.vector_load %arg7[%get3A_185, %get3A_186] {strides = array<i32>} : memref<512x128xf32, #tpu.memory_space<vmem>>, vector<1x16xf32>,
        %get3A_188 = vector.shape_cast %get3A_187 : vector<1x16xf32> to vector<16xf32>
        %sub3A_189 = arith.subf %get3A_188, %get3A_177 : vector<16xf32>
        %mul3A_190 = arith.mulf %sub3A_189, %sub3A_189 : vector<16xf32>
        %xor3A = arith.constant 1 : i32
        %xor3A_191 = vector.broadcast %xor3A : i32 to vector<16xi32>
        %xor3A_192 = arith.xori %iota3A, %xor3A_191 : vector<16xi32>
        %lt3A_193 = arith.constant 0 : i32
        %lt3A_194 = vector.broadcast %lt3A_193 : i32 to vector<16xi32>
        %lt3A_195 = arith.cmpi slt, %xor3A_192, %lt3A_194 : vector<16xi32>
        %add3A_196 = arith.constant 16 : i32
        %add3A_197 = vector.broadcast %add3A_196 : i32 to vector<16xi32>
        %add3A_198 = arith.addi %xor3A_192, %add3A_197 : vector<16xi32>
        %select_n3A_199 = arith.select %lt3A_195, %add3A_198, %xor3A_192 : vector<16xi1>, vector<16xi32>
        %broadcast_in_dim3A_200 = vector.shape_cast %select_n3A_199 : vector<16xi32> to vector<16x1xi32>
        %gather3A = vector.shape_cast %broadcast_in_dim3A_200 : vector<16x1xi32> to vector<16xi32>
        %gather3A_201 = tpu.dynamic_gather %mul3A_190[%gather3A] in [0] : vector<16xf32>, vector<16xi32> -> vector<16xf32>
        %add3A_202 = arith.addf %mul3A_190, %gather3A_201 : vector<16xf32>
        %xor3A_203 = arith.constant 2 : i32
        %xor3A_204 = vector.broadcast %xor3A_203 : i32 to vector<16xi32>
        %xor3A_205 = arith.xori %iota3A, %xor3A_204 : vector<16xi32>
        %lt3A_206 = arith.constant 0 : i32
        %lt3A_207 = vector.broadcast %lt3A_206 : i32 to vector<16xi32>
        %lt3A_208 = arith.cmpi slt, %xor3A_205, %lt3A_207 : vector<16xi32>
        %add3A_209 = arith.constant 16 : i32
        %add3A_210 = vector.broadcast %add3A_209 : i32 to vector<16xi32>
        %add3A_211 = arith.addi %xor3A_205, %add3A_210 : vector<16xi32>
        %select_n3A_212 = arith.select %lt3A_208, %add3A_211, %xor3A_205 : vector<16xi1>, vector<16xi32>
        %broadcast_in_dim3A_213 = vector.shape_cast %select_n3A_212 : vector<16xi32> to vector<16x1xi32>
        %gather3A_214 = vector.shape_cast %broadcast_in_dim3A_213 : vector<16x1xi32> to vector<16xi32>
        %gather3A_215 = tpu.dynamic_gather %add3A_202[%gather3A_214] in [0] : vector<16xf32>, vector<16xi32> -> vector<16xf32>
        %add3A_216 = arith.addf %add3A_202, %gather3A_215 : vector<16xf32>
        %xor3A_217 = arith.constant 4 : i32
        %xor3A_218 = vector.broadcast %xor3A_217 : i32 to vector<16xi32>
        %xor3A_219 = arith.xori %iota3A, %xor3A_218 : vector<16xi32>
        %lt3A_220 = arith.constant 0 : i32
        %lt3A_221 = vector.broadcast %lt3A_220 : i32 to vector<16xi32>
        %lt3A_222 = arith.cmpi slt, %xor3A_219, %lt3A_221 : vector<16xi32>
        %add3A_223 = arith.constant 16 : i32
        %add3A_224 = vector.broadcast %add3A_223 : i32 to vector<16xi32>
        %add3A_225 = arith.addi %xor3A_219, %add3A_224 : vector<16xi32>
        %select_n3A_226 = arith.select %lt3A_222, %add3A_225, %xor3A_219 : vector<16xi1>, vector<16xi32>
        %broadcast_in_dim3A_227 = vector.shape_cast %select_n3A_226 : vector<16xi32> to vector<16x1xi32>
        %gather3A_228 = vector.shape_cast %broadcast_in_dim3A_227 : vector<16x1xi32> to vector<16xi32>
        %gather3A_229 = tpu.dynamic_gather %add3A_216[%gather3A_228] in [0] : vector<16xf32>, vector<16xi32> -> vector<16xf32>
        %add3A_230 = arith.addf %add3A_216, %gather3A_229 : vector<16xf32>
        %xor3A_231 = arith.constant 8 : i32
        %xor3A_232 = vector.broadcast %xor3A_231 : i32 to vector<16xi32>
        %xor3A_233 = arith.xori %iota3A, %xor3A_232 : vector<16xi32>
        %lt3A_234 = arith.constant 0 : i32
        %lt3A_235 = vector.broadcast %lt3A_234 : i32 to vector<16xi32>
        %lt3A_236 = arith.cmpi slt, %xor3A_233, %lt3A_235 : vector<16xi32>
        %add3A_237 = arith.constant 16 : i32
        %add3A_238 = vector.broadcast %add3A_237 : i32 to vector<16xi32>
        %add3A_239 = arith.addi %xor3A_233, %add3A_238 : vector<16xi32>
        %select_n3A_240 = arith.select %lt3A_236, %add3A_239, %xor3A_233 : vector<16xi1>, vector<16xi32>
        %broadcast_in_dim3A_241 = vector.shape_cast %select_n3A_240 : vector<16xi32> to vector<16x1xi32>
        %gather3A_242 = vector.shape_cast %broadcast_in_dim3A_241 : vector<16x1xi32> to vector<16xi32>
        %gather3A_243 = tpu.dynamic_gather %add3A_230[%gather3A_242] in [0] : vector<16xf32>, vector<16xi32> -> vector<16xf32>
        %add3A_244 = arith.addf %add3A_230, %gather3A_243 : vector<16xf32>
        %eq3A = arith.constant 0 : i32
        %eq3A_245 = vector.broadcast %eq3A : i32 to vector<16xi32>
        %eq3A_246 = arith.cmpi eq, %iota3A, %eq3A_245 : vector<16xi32>
        %select_n3A_247 = arith.select %eq3A_246, %add3A_244, %broadcast_in_dim3A_178 : vector<16xi1>, vector<16xf32>
        %mul3A_248 = arith.constant 16 : i32
        %mul3A_249 = arith.muli %scan3A_146, %mul3A_248 : i32
        %add3A_250 = arith.constant 256 : i32
        %add3A_251 = arith.addi %add3A_250, %mul3A_249 : i32
        %add3A_252 = arith.constant 1 : i32
        %add3A_253 = arith.addi %add3A_251, %add3A_252 : i32
        %get3A_254 = arith.index_cast %add3A_253 : i32 to index
        %get3A_255 = arith.constant 0 : index
        %get3A_256 = tpu.vector_load %arg7[%get3A_254, %get3A_255] {strides = array<i32>} : memref<512x128xf32, #tpu.memory_space<vmem>>, vector<1x16xf32>,
        %get3A_257 = vector.shape_cast %get3A_256 : vector<1x16xf32> to vector<16xf32>
        %sub3A_258 = arith.subf %get3A_257, %get3A_177 : vector<16xf32>
        %mul3A_259 = arith.mulf %sub3A_258, %sub3A_258 : vector<16xf32>
        %xor3A_260 = arith.constant 1 : i32
        %xor3A_261 = vector.broadcast %xor3A_260 : i32 to vector<16xi32>
        %xor3A_262 = arith.xori %iota3A, %xor3A_261 : vector<16xi32>
        %lt3A_263 = arith.constant 0 : i32
        %lt3A_264 = vector.broadcast %lt3A_263 : i32 to vector<16xi32>
        %lt3A_265 = arith.cmpi slt, %xor3A_262, %lt3A_264 : vector<16xi32>
        %add3A_266 = arith.constant 16 : i32
        %add3A_267 = vector.broadcast %add3A_266 : i32 to vector<16xi32>
        %add3A_268 = arith.addi %xor3A_262, %add3A_267 : vector<16xi32>
        %select_n3A_269 = arith.select %lt3A_265, %add3A_268, %xor3A_262 : vector<16xi1>, vector<16xi32>
        %broadcast_in_dim3A_270 = vector.shape_cast %select_n3A_269 : vector<16xi32> to vector<16x1xi32>
        %gather3A_271 = vector.shape_cast %broadcast_in_dim3A_270 : vector<16x1xi32> to vector<16xi32>
        %gather3A_272 = tpu.dynamic_gather %mul3A_259[%gather3A_271] in [0] : vector<16xf32>, vector<16xi32> -> vector<16xf32>
        %add3A_273 = arith.addf %mul3A_259, %gather3A_272 : vector<16xf32>
        %xor3A_274 = arith.constant 2 : i32
        %xor3A_275 = vector.broadcast %xor3A_274 : i32 to vector<16xi32>
        %xor3A_276 = arith.xori %iota3A, %xor3A_275 : vector<16xi32>
        %lt3A_277 = arith.constant 0 : i32
        %lt3A_278 = vector.broadcast %lt3A_277 : i32 to vector<16xi32>
        %lt3A_279 = arith.cmpi slt, %xor3A_276, %lt3A_278 : vector<16xi32>
        %add3A_280 = arith.constant 16 : i32
        %add3A_281 = vector.broadcast %add3A_280 : i32 to vector<16xi32>
        %add3A_282 = arith.addi %xor3A_276, %add3A_281 : vector<16xi32>
        %select_n3A_283 = arith.select %lt3A_279, %add3A_282, %xor3A_276 : vector<16xi1>, vector<16xi32>
        %broadcast_in_dim3A_284 = vector.shape_cast %select_n3A_283 : vector<16xi32> to vector<16x1xi32>
        %gather3A_285 = vector.shape_cast %broadcast_in_dim3A_284 : vector<16x1xi32> to vector<16xi32>
        %gather3A_286 = tpu.dynamic_gather %add3A_273[%gather3A_285] in [0] : vector<16xf32>, vector<16xi32> -> vector<16xf32>
        %add3A_287 = arith.addf %add3A_273, %gather3A_286 : vector<16xf32>
        %xor3A_288 = arith.constant 4 : i32
        %xor3A_289 = vector.broadcast %xor3A_288 : i32 to vector<16xi32>
        %xor3A_290 = arith.xori %iota3A, %xor3A_289 : vector<16xi32>
        %lt3A_291 = arith.constant 0 : i32
        %lt3A_292 = vector.broadcast %lt3A_291 : i32 to vector<16xi32>
        %lt3A_293 = arith.cmpi slt, %xor3A_290, %lt3A_292 : vector<16xi32>
        %add3A_294 = arith.constant 16 : i32
        %add3A_295 = vector.broadcast %add3A_294 : i32 to vector<16xi32>
        %add3A_296 = arith.addi %xor3A_290, %add3A_295 : vector<16xi32>
        %select_n3A_297 = arith.select %lt3A_293, %add3A_296, %xor3A_290 : vector<16xi1>, vector<16xi32>
        %broadcast_in_dim3A_298 = vector.shape_cast %select_n3A_297 : vector<16xi32> to vector<16x1xi32>
        %gather3A_299 = vector.shape_cast %broadcast_in_dim3A_298 : vector<16x1xi32> to vector<16xi32>
        %gather3A_300 = tpu.dynamic_gather %add3A_287[%gather3A_299] in [0] : vector<16xf32>, vector<16xi32> -> vector<16xf32>
        %add3A_301 = arith.addf %add3A_287, %gather3A_300 : vector<16xf32>
        %xor3A_302 = arith.constant 8 : i32
        %xor3A_303 = vector.broadcast %xor3A_302 : i32 to vector<16xi32>
        %xor3A_304 = arith.xori %iota3A, %xor3A_303 : vector<16xi32>
        %lt3A_305 = arith.constant 0 : i32
        %lt3A_306 = vector.broadcast %lt3A_305 : i32 to vector<16xi32>
        %lt3A_307 = arith.cmpi slt, %xor3A_304, %lt3A_306 : vector<16xi32>
        %add3A_308 = arith.constant 16 : i32
        %add3A_309 = vector.broadcast %add3A_308 : i32 to vector<16xi32>
        %add3A_310 = arith.addi %xor3A_304, %add3A_309 : vector<16xi32>
        %select_n3A_311 = arith.select %lt3A_307, %add3A_310, %xor3A_304 : vector<16xi1>, vector<16xi32>
        %broadcast_in_dim3A_312 = vector.shape_cast %select_n3A_311 : vector<16xi32> to vector<16x1xi32>
        %gather3A_313 = vector.shape_cast %broadcast_in_dim3A_312 : vector<16x1xi32> to vector<16xi32>
        %gather3A_314 = tpu.dynamic_gather %add3A_301[%gather3A_313] in [0] : vector<16xf32>, vector<16xi32> -> vector<16xf32>
        %add3A_315 = arith.addf %add3A_301, %gather3A_314 : vector<16xf32>
        %eq3A_316 = arith.constant 1 : i32
        %eq3A_317 = vector.broadcast %eq3A_316 : i32 to vector<16xi32>
        %eq3A_318 = arith.cmpi eq, %iota3A, %eq3A_317 : vector<16xi32>
        %select_n3A_319 = arith.select %eq3A_318, %add3A_315, %select_n3A_247 : vector<16xi1>, vector<16xf32>
        %mul3A_320 = arith.constant 16 : i32
        %mul3A_321 = arith.muli %scan3A_146, %mul3A_320 : i32
        %add3A_322 = arith.constant 256 : i32
        %add3A_323 = arith.addi %add3A_322, %mul3A_321 : i32
        %add3A_324 = arith.constant 2 : i32
        %add3A_325 = arith.addi %add3A_323, %add3A_324 : i32
        %get3A_326 = arith.index_cast %add3A_325 : i32 to index
        %get3A_327 = arith.constant 0 : index
        %get3A_328 = tpu.vector_load %arg7[%get3A_326, %get3A_327] {strides = array<i32>} : memref<512x128xf32, #tpu.memory_space<vmem>>, vector<1x16xf32>,
        %get3A_329 = vector.shape_cast %get3A_328 : vector<1x16xf32> to vector<16xf32>
        %sub3A_330 = arith.subf %get3A_329, %get3A_177 : vector<16xf32>
        %mul3A_331 = arith.mulf %sub3A_330, %sub3A_330 : vector<16xf32>
        %xor3A_332 = arith.constant 1 : i32
        %xor3A_333 = vector.broadcast %xor3A_332 : i32 to vector<16xi32>
        %xor3A_334 = arith.xori %iota3A, %xor3A_333 : vector<16xi32>
        %lt3A_335 = arith.constant 0 : i32
        %lt3A_336 = vector.broadcast %lt3A_335 : i32 to vector<16xi32>
        %lt3A_337 = arith.cmpi slt, %xor3A_334, %lt3A_336 : vector<16xi32>
        %add3A_338 = arith.constant 16 : i32
        %add3A_339 = vector.broadcast %add3A_338 : i32 to vector<16xi32>
        %add3A_340 = arith.addi %xor3A_334, %add3A_339 : vector<16xi32>
        %select_n3A_341 = arith.select %lt3A_337, %add3A_340, %xor3A_334 : vector<16xi1>, vector<16xi32>
        %broadcast_in_dim3A_342 = vector.shape_cast %select_n3A_341 : vector<16xi32> to vector<16x1xi32>
        %gather3A_343 = vector.shape_cast %broadcast_in_dim3A_342 : vector<16x1xi32> to vector<16xi32>
        %gather3A_344 = tpu.dynamic_gather %mul3A_331[%gather3A_343] in [0] : vector<16xf32>, vector<16xi32> -> vector<16xf32>
        %add3A_345 = arith.addf %mul3A_331, %gather3A_344 : vector<16xf32>
        %xor3A_346 = arith.constant 2 : i32
        %xor3A_347 = vector.broadcast %xor3A_346 : i32 to vector<16xi32>
        %xor3A_348 = arith.xori %iota3A, %xor3A_347 : vector<16xi32>
        %lt3A_349 = arith.constant 0 : i32
        %lt3A_350 = vector.broadcast %lt3A_349 : i32 to vector<16xi32>
        %lt3A_351 = arith.cmpi slt, %xor3A_348, %lt3A_350 : vector<16xi32>
        %add3A_352 = arith.constant 16 : i32
        %add3A_353 = vector.broadcast %add3A_352 : i32 to vector<16xi32>
        %add3A_354 = arith.addi %xor3A_348, %add3A_353 : vector<16xi32>
        %select_n3A_355 = arith.select %lt3A_351, %add3A_354, %xor3A_348 : vector<16xi1>, vector<16xi32>
        %broadcast_in_dim3A_356 = vector.shape_cast %select_n3A_355 : vector<16xi32> to vector<16x1xi32>
        %gather3A_357 = vector.shape_cast %broadcast_in_dim3A_356 : vector<16x1xi32> to vector<16xi32>
        %gather3A_358 = tpu.dynamic_gather %add3A_345[%gather3A_357] in [0] : vector<16xf32>, vector<16xi32> -> vector<16xf32>
        %add3A_359 = arith.addf %add3A_345, %gather3A_358 : vector<16xf32>
        %xor3A_360 = arith.constant 4 : i32
        %xor3A_361 = vector.broadcast %xor3A_360 : i32 to vector<16xi32>
        %xor3A_362 = arith.xori %iota3A, %xor3A_361 : vector<16xi32>
        %lt3A_363 = arith.constant 0 : i32
        %lt3A_364 = vector.broadcast %lt3A_363 : i32 to vector<16xi32>
        %lt3A_365 = arith.cmpi slt, %xor3A_362, %lt3A_364 : vector<16xi32>
        %add3A_366 = arith.constant 16 : i32
        %add3A_367 = vector.broadcast %add3A_366 : i32 to vector<16xi32>
        %add3A_368 = arith.addi %xor3A_362, %add3A_367 : vector<16xi32>
        %select_n3A_369 = arith.select %lt3A_365, %add3A_368, %xor3A_362 : vector<16xi1>, vector<16xi32>
        %broadcast_in_dim3A_370 = vector.shape_cast %select_n3A_369 : vector<16xi32> to vector<16x1xi32>
        %gather3A_371 = vector.shape_cast %broadcast_in_dim3A_370 : vector<16x1xi32> to vector<16xi32>
        %gather3A_372 = tpu.dynamic_gather %add3A_359[%gather3A_371] in [0] : vector<16xf32>, vector<16xi32> -> vector<16xf32>
        %add3A_373 = arith.addf %add3A_359, %gather3A_372 : vector<16xf32>
        %xor3A_374 = arith.constant 8 : i32
        %xor3A_375 = vector.broadcast %xor3A_374 : i32 to vector<16xi32>
        %xor3A_376 = arith.xori %iota3A, %xor3A_375 : vector<16xi32>
        %lt3A_377 = arith.constant 0 : i32
        %lt3A_378 = vector.broadcast %lt3A_377 : i32 to vector<16xi32>
        %lt3A_379 = arith.cmpi slt, %xor3A_376, %lt3A_378 : vector<16xi32>
        %add3A_380 = arith.constant 16 : i32
        %add3A_381 = vector.broadcast %add3A_380 : i32 to vector<16xi32>
        %add3A_382 = arith.addi %xor3A_376, %add3A_381 : vector<16xi32>
        %select_n3A_383 = arith.select %lt3A_379, %add3A_382, %xor3A_376 : vector<16xi1>, vector<16xi32>
        %broadcast_in_dim3A_384 = vector.shape_cast %select_n3A_383 : vector<16xi32> to vector<16x1xi32>
        %gather3A_385 = vector.shape_cast %broadcast_in_dim3A_384 : vector<16x1xi32> to vector<16xi32>
        %gather3A_386 = tpu.dynamic_gather %add3A_373[%gather3A_385] in [0] : vector<16xf32>, vector<16xi32> -> vector<16xf32>
        %add3A_387 = arith.addf %add3A_373, %gather3A_386 : vector<16xf32>
        %eq3A_388 = arith.constant 2 : i32
        %eq3A_389 = vector.broadcast %eq3A_388 : i32 to vector<16xi32>
        %eq3A_390 = arith.cmpi eq, %iota3A, %eq3A_389 : vector<16xi32>
        %select_n3A_391 = arith.select %eq3A_390, %add3A_387, %select_n3A_319 : vector<16xi1>, vector<16xf32>
        %mul3A_392 = arith.constant 16 : i32
        %mul3A_393 = arith.muli %scan3A_146, %mul3A_392 : i32
        %add3A_394 = arith.constant 256 : i32
        %add3A_395 = arith.addi %add3A_394, %mul3A_393 : i32
        %add3A_396 = arith.constant 3 : i32
        %add3A_397 = arith.addi %add3A_395, %add3A_396 : i32
        %get3A_398 = arith.index_cast %add3A_397 : i32 to index
        %get3A_399 = arith.constant 0 : index
        %get3A_400 = tpu.vector_load %arg7[%get3A_398, %get3A_399] {strides = array<i32>} : memref<512x128xf32, #tpu.memory_space<vmem>>, vector<1x16xf32>,
        %get3A_401 = vector.shape_cast %get3A_400 : vector<1x16xf32> to vector<16xf32>
        %sub3A_402 = arith.subf %get3A_401, %get3A_177 : vector<16xf32>
        %mul3A_403 = arith.mulf %sub3A_402, %sub3A_402 : vector<16xf32>
        %xor3A_404 = arith.constant 1 : i32
        %xor3A_405 = vector.broadcast %xor3A_404 : i32 to vector<16xi32>
        %xor3A_406 = arith.xori %iota3A, %xor3A_405 : vector<16xi32>
        %lt3A_407 = arith.constant 0 : i32
        %lt3A_408 = vector.broadcast %lt3A_407 : i32 to vector<16xi32>
        %lt3A_409 = arith.cmpi slt, %xor3A_406, %lt3A_408 : vector<16xi32>
        %add3A_410 = arith.constant 16 : i32
        %add3A_411 = vector.broadcast %add3A_410 : i32 to vector<16xi32>
        %add3A_412 = arith.addi %xor3A_406, %add3A_411 : vector<16xi32>
        %select_n3A_413 = arith.select %lt3A_409, %add3A_412, %xor3A_406 : vector<16xi1>, vector<16xi32>
        %broadcast_in_dim3A_414 = vector.shape_cast %select_n3A_413 : vector<16xi32> to vector<16x1xi32>
        %gather3A_415 = vector.shape_cast %broadcast_in_dim3A_414 : vector<16x1xi32> to vector<16xi32>
        %gather3A_416 = tpu.dynamic_gather %mul3A_403[%gather3A_415] in [0] : vector<16xf32>, vector<16xi32> -> vector<16xf32>
        %add3A_417 = arith.addf %mul3A_403, %gather3A_416 : vector<16xf32>
        %xor3A_418 = arith.constant 2 : i32
        %xor3A_419 = vector.broadcast %xor3A_418 : i32 to vector<16xi32>
        %xor3A_420 = arith.xori %iota3A, %xor3A_419 : vector<16xi32>
        %lt3A_421 = arith.constant 0 : i32
        %lt3A_422 = vector.broadcast %lt3A_421 : i32 to vector<16xi32>
        %lt3A_423 = arith.cmpi slt, %xor3A_420, %lt3A_422 : vector<16xi32>
        %add3A_424 = arith.constant 16 : i32
        %add3A_425 = vector.broadcast %add3A_424 : i32 to vector<16xi32>
        %add3A_426 = arith.addi %xor3A_420, %add3A_425 : vector<16xi32>
        %select_n3A_427 = arith.select %lt3A_423, %add3A_426, %xor3A_420 : vector<16xi1>, vector<16xi32>
        %broadcast_in_dim3A_428 = vector.shape_cast %select_n3A_427 : vector<16xi32> to vector<16x1xi32>
        %gather3A_429 = vector.shape_cast %broadcast_in_dim3A_428 : vector<16x1xi32> to vector<16xi32>
        %gather3A_430 = tpu.dynamic_gather %add3A_417[%gather3A_429] in [0] : vector<16xf32>, vector<16xi32> -> vector<16xf32>
        %add3A_431 = arith.addf %add3A_417, %gather3A_430 : vector<16xf32>
        %xor3A_432 = arith.constant 4 : i32
        %xor3A_433 = vector.broadcast %xor3A_432 : i32 to vector<16xi32>
        %xor3A_434 = arith.xori %iota3A, %xor3A_433 : vector<16xi32>
        %lt3A_435 = arith.constant 0 : i32
        %lt3A_436 = vector.broadcast %lt3A_435 : i32 to vector<16xi32>
        %lt3A_437 = arith.cmpi slt, %xor3A_434, %lt3A_436 : vector<16xi32>
        %add3A_438 = arith.constant 16 : i32
        %add3A_439 = vector.broadcast %add3A_438 : i32 to vector<16xi32>
        %add3A_440 = arith.addi %xor3A_434, %add3A_439 : vector<16xi32>
        %select_n3A_441 = arith.select %lt3A_437, %add3A_440, %xor3A_434 : vector<16xi1>, vector<16xi32>
        %broadcast_in_dim3A_442 = vector.shape_cast %select_n3A_441 : vector<16xi32> to vector<16x1xi32>
        %gather3A_443 = vector.shape_cast %broadcast_in_dim3A_442 : vector<16x1xi32> to vector<16xi32>
        %gather3A_444 = tpu.dynamic_gather %add3A_431[%gather3A_443] in [0] : vector<16xf32>, vector<16xi32> -> vector<16xf32>
        %add3A_445 = arith.addf %add3A_431, %gather3A_444 : vector<16xf32>
        %xor3A_446 = arith.constant 8 : i32
        %xor3A_447 = vector.broadcast %xor3A_446 : i32 to vector<16xi32>
        %xor3A_448 = arith.xori %iota3A, %xor3A_447 : vector<16xi32>
        %lt3A_449 = arith.constant 0 : i32
        %lt3A_450 = vector.broadcast %lt3A_449 : i32 to vector<16xi32>
        %lt3A_451 = arith.cmpi slt, %xor3A_448, %lt3A_450 : vector<16xi32>
        %add3A_452 = arith.constant 16 : i32
        %add3A_453 = vector.broadcast %add3A_452 : i32 to vector<16xi32>
        %add3A_454 = arith.addi %xor3A_448, %add3A_453 : vector<16xi32>
        %select_n3A_455 = arith.select %lt3A_451, %add3A_454, %xor3A_448 : vector<16xi1>, vector<16xi32>
        %broadcast_in_dim3A_456 = vector.shape_cast %select_n3A_455 : vector<16xi32> to vector<16x1xi32>
        %gather3A_457 = vector.shape_cast %broadcast_in_dim3A_456 : vector<16x1xi32> to vector<16xi32>
        %gather3A_458 = tpu.dynamic_gather %add3A_445[%gather3A_457] in [0] : vector<16xf32>, vector<16xi32> -> vector<16xf32>
        %add3A_459 = arith.addf %add3A_445, %gather3A_458 : vector<16xf32>
        %eq3A_460 = arith.constant 3 : i32
        %eq3A_461 = vector.broadcast %eq3A_460 : i32 to vector<16xi32>
        %eq3A_462 = arith.cmpi eq, %iota3A, %eq3A_461 : vector<16xi32>
        %select_n3A_463 = arith.select %eq3A_462, %add3A_459, %select_n3A_391 : vector<16xi1>, vector<16xf32>
        %mul3A_464 = arith.constant 16 : i32
        %mul3A_465 = arith.muli %scan3A_146, %mul3A_464 : i32
        %add3A_466 = arith.constant 256 : i32
        %add3A_467 = arith.addi %add3A_466, %mul3A_465 : i32
        %add3A_468 = arith.constant 4 : i32
        %add3A_469 = arith.addi %add3A_467, %add3A_468 : i32
        %get3A_470 = arith.index_cast %add3A_469 : i32 to index
        %get3A_471 = arith.constant 0 : index
        %get3A_472 = tpu.vector_load %arg7[%get3A_470, %get3A_471] {strides = array<i32>} : memref<512x128xf32, #tpu.memory_space<vmem>>, vector<1x16xf32>,
        %get3A_473 = vector.shape_cast %get3A_472 : vector<1x16xf32> to vector<16xf32>
        %sub3A_474 = arith.subf %get3A_473, %get3A_177 : vector<16xf32>
        %mul3A_475 = arith.mulf %sub3A_474, %sub3A_474 : vector<16xf32>
        %xor3A_476 = arith.constant 1 : i32
        %xor3A_477 = vector.broadcast %xor3A_476 : i32 to vector<16xi32>
        %xor3A_478 = arith.xori %iota3A, %xor3A_477 : vector<16xi32>
        %lt3A_479 = arith.constant 0 : i32
        %lt3A_480 = vector.broadcast %lt3A_479 : i32 to vector<16xi32>
        %lt3A_481 = arith.cmpi slt, %xor3A_478, %lt3A_480 : vector<16xi32>
        %add3A_482 = arith.constant 16 : i32
        %add3A_483 = vector.broadcast %add3A_482 : i32 to vector<16xi32>
        %add3A_484 = arith.addi %xor3A_478, %add3A_483 : vector<16xi32>
        %select_n3A_485 = arith.select %lt3A_481, %add3A_484, %xor3A_478 : vector<16xi1>, vector<16xi32>
        %broadcast_in_dim3A_486 = vector.shape_cast %select_n3A_485 : vector<16xi32> to vector<16x1xi32>
        %gather3A_487 = vector.shape_cast %broadcast_in_dim3A_486 : vector<16x1xi32> to vector<16xi32>
        %gather3A_488 = tpu.dynamic_gather %mul3A_475[%gather3A_487] in [0] : vector<16xf32>, vector<16xi32> -> vector<16xf32>
        %add3A_489 = arith.addf %mul3A_475, %gather3A_488 : vector<16xf32>
        %xor3A_490 = arith.constant 2 : i32
        %xor3A_491 = vector.broadcast %xor3A_490 : i32 to vector<16xi32>
        %xor3A_492 = arith.xori %iota3A, %xor3A_491 : vector<16xi32>
        %lt3A_493 = arith.constant 0 : i32
        %lt3A_494 = vector.broadcast %lt3A_493 : i32 to vector<16xi32>
        %lt3A_495 = arith.cmpi slt, %xor3A_492, %lt3A_494 : vector<16xi32>
        %add3A_496 = arith.constant 16 : i32
        %add3A_497 = vector.broadcast %add3A_496 : i32 to vector<16xi32>
        %add3A_498 = arith.addi %xor3A_492, %add3A_497 : vector<16xi32>
        %select_n3A_499 = arith.select %lt3A_495, %add3A_498, %xor3A_492 : vector<16xi1>, vector<16xi32>
        %broadcast_in_dim3A_500 = vector.shape_cast %select_n3A_499 : vector<16xi32> to vector<16x1xi32>
        %gather3A_501 = vector.shape_cast %broadcast_in_dim3A_500 : vector<16x1xi32> to vector<16xi32>
        %gather3A_502 = tpu.dynamic_gather %add3A_489[%gather3A_501] in [0] : vector<16xf32>, vector<16xi32> -> vector<16xf32>
        %add3A_503 = arith.addf %add3A_489, %gather3A_502 : vector<16xf32>
        %xor3A_504 = arith.constant 4 : i32
        %xor3A_505 = vector.broadcast %xor3A_504 : i32 to vector<16xi32>
        %xor3A_506 = arith.xori %iota3A, %xor3A_505 : vector<16xi32>
        %lt3A_507 = arith.constant 0 : i32
        %lt3A_508 = vector.broadcast %lt3A_507 : i32 to vector<16xi32>
        %lt3A_509 = arith.cmpi slt, %xor3A_506, %lt3A_508 : vector<16xi32>
        %add3A_510 = arith.constant 16 : i32
        %add3A_511 = vector.broadcast %add3A_510 : i32 to vector<16xi32>
        %add3A_512 = arith.addi %xor3A_506, %add3A_511 : vector<16xi32>
        %select_n3A_513 = arith.select %lt3A_509, %add3A_512, %xor3A_506 : vector<16xi1>, vector<16xi32>
        %broadcast_in_dim3A_514 = vector.shape_cast %select_n3A_513 : vector<16xi32> to vector<16x1xi32>
        %gather3A_515 = vector.shape_cast %broadcast_in_dim3A_514 : vector<16x1xi32> to vector<16xi32>
        %gather3A_516 = tpu.dynamic_gather %add3A_503[%gather3A_515] in [0] : vector<16xf32>, vector<16xi32> -> vector<16xf32>
        %add3A_517 = arith.addf %add3A_503, %gather3A_516 : vector<16xf32>
        %xor3A_518 = arith.constant 8 : i32
        %xor3A_519 = vector.broadcast %xor3A_518 : i32 to vector<16xi32>
        %xor3A_520 = arith.xori %iota3A, %xor3A_519 : vector<16xi32>
        %lt3A_521 = arith.constant 0 : i32
        %lt3A_522 = vector.broadcast %lt3A_521 : i32 to vector<16xi32>
        %lt3A_523 = arith.cmpi slt, %xor3A_520, %lt3A_522 : vector<16xi32>
        %add3A_524 = arith.constant 16 : i32
        %add3A_525 = vector.broadcast %add3A_524 : i32 to vector<16xi32>
        %add3A_526 = arith.addi %xor3A_520, %add3A_525 : vector<16xi32>
        %select_n3A_527 = arith.select %lt3A_523, %add3A_526, %xor3A_520 : vector<16xi1>, vector<16xi32>
        %broadcast_in_dim3A_528 = vector.shape_cast %select_n3A_527 : vector<16xi32> to vector<16x1xi32>
        %gather3A_529 = vector.shape_cast %broadcast_in_dim3A_528 : vector<16x1xi32> to vector<16xi32>
        %gather3A_530 = tpu.dynamic_gather %add3A_517[%gather3A_529] in [0] : vector<16xf32>, vector<16xi32> -> vector<16xf32>
        %add3A_531 = arith.addf %add3A_517, %gather3A_530 : vector<16xf32>
        %eq3A_532 = arith.constant 4 : i32
        %eq3A_533 = vector.broadcast %eq3A_532 : i32 to vector<16xi32>
        %eq3A_534 = arith.cmpi eq, %iota3A, %eq3A_533 : vector<16xi32>
        %select_n3A_535 = arith.select %eq3A_534, %add3A_531, %select_n3A_463 : vector<16xi1>, vector<16xf32>
        %mul3A_536 = arith.constant 16 : i32
        %mul3A_537 = arith.muli %scan3A_146, %mul3A_536 : i32
        %add3A_538 = arith.constant 256 : i32
        %add3A_539 = arith.addi %add3A_538, %mul3A_537 : i32
        %add3A_540 = arith.constant 5 : i32
        %add3A_541 = arith.addi %add3A_539, %add3A_540 : i32
        %get3A_542 = arith.index_cast %add3A_541 : i32 to index
        %get3A_543 = arith.constant 0 : index
        %get3A_544 = tpu.vector_load %arg7[%get3A_542, %get3A_543] {strides = array<i32>} : memref<512x128xf32, #tpu.memory_space<vmem>>, vector<1x16xf32>,
        %get3A_545 = vector.shape_cast %get3A_544 : vector<1x16xf32> to vector<16xf32>
        %sub3A_546 = arith.subf %get3A_545, %get3A_177 : vector<16xf32>
        %mul3A_547 = arith.mulf %sub3A_546, %sub3A_546 : vector<16xf32>
        %xor3A_548 = arith.constant 1 : i32
        %xor3A_549 = vector.broadcast %xor3A_548 : i32 to vector<16xi32>
        %xor3A_550 = arith.xori %iota3A, %xor3A_549 : vector<16xi32>
        %lt3A_551 = arith.constant 0 : i32
        %lt3A_552 = vector.broadcast %lt3A_551 : i32 to vector<16xi32>
        %lt3A_553 = arith.cmpi slt, %xor3A_550, %lt3A_552 : vector<16xi32>
        %add3A_554 = arith.constant 16 : i32
        %add3A_555 = vector.broadcast %add3A_554 : i32 to vector<16xi32>
        %add3A_556 = arith.addi %xor3A_550, %add3A_555 : vector<16xi32>
        %select_n3A_557 = arith.select %lt3A_553, %add3A_556, %xor3A_550 : vector<16xi1>, vector<16xi32>
        %broadcast_in_dim3A_558 = vector.shape_cast %select_n3A_557 : vector<16xi32> to vector<16x1xi32>
        %gather3A_559 = vector.shape_cast %broadcast_in_dim3A_558 : vector<16x1xi32> to vector<16xi32>
        %gather3A_560 = tpu.dynamic_gather %mul3A_547[%gather3A_559] in [0] : vector<16xf32>, vector<16xi32> -> vector<16xf32>
        %add3A_561 = arith.addf %mul3A_547, %gather3A_560 : vector<16xf32>
        %xor3A_562 = arith.constant 2 : i32
        %xor3A_563 = vector.broadcast %xor3A_562 : i32 to vector<16xi32>
        %xor3A_564 = arith.xori %iota3A, %xor3A_563 : vector<16xi32>
        %lt3A_565 = arith.constant 0 : i32
        %lt3A_566 = vector.broadcast %lt3A_565 : i32 to vector<16xi32>
        %lt3A_567 = arith.cmpi slt, %xor3A_564, %lt3A_566 : vector<16xi32>
        %add3A_568 = arith.constant 16 : i32
        %add3A_569 = vector.broadcast %add3A_568 : i32 to vector<16xi32>
        %add3A_570 = arith.addi %xor3A_564, %add3A_569 : vector<16xi32>
        %select_n3A_571 = arith.select %lt3A_567, %add3A_570, %xor3A_564 : vector<16xi1>, vector<16xi32>
        %broadcast_in_dim3A_572 = vector.shape_cast %select_n3A_571 : vector<16xi32> to vector<16x1xi32>
        %gather3A_573 = vector.shape_cast %broadcast_in_dim3A_572 : vector<16x1xi32> to vector<16xi32>
        %gather3A_574 = tpu.dynamic_gather %add3A_561[%gather3A_573] in [0] : vector<16xf32>, vector<16xi32> -> vector<16xf32>
        %add3A_575 = arith.addf %add3A_561, %gather3A_574 : vector<16xf32>
        %xor3A_576 = arith.constant 4 : i32
        %xor3A_577 = vector.broadcast %xor3A_576 : i32 to vector<16xi32>
        %xor3A_578 = arith.xori %iota3A, %xor3A_577 : vector<16xi32>
        %lt3A_579 = arith.constant 0 : i32
        %lt3A_580 = vector.broadcast %lt3A_579 : i32 to vector<16xi32>
        %lt3A_581 = arith.cmpi slt, %xor3A_578, %lt3A_580 : vector<16xi32>
        %add3A_582 = arith.constant 16 : i32
        %add3A_583 = vector.broadcast %add3A_582 : i32 to vector<16xi32>
        %add3A_584 = arith.addi %xor3A_578, %add3A_583 : vector<16xi32>
        %select_n3A_585 = arith.select %lt3A_581, %add3A_584, %xor3A_578 : vector<16xi1>, vector<16xi32>
        %broadcast_in_dim3A_586 = vector.shape_cast %select_n3A_585 : vector<16xi32> to vector<16x1xi32>
        %gather3A_587 = vector.shape_cast %broadcast_in_dim3A_586 : vector<16x1xi32> to vector<16xi32>
        %gather3A_588 = tpu.dynamic_gather %add3A_575[%gather3A_587] in [0] : vector<16xf32>, vector<16xi32> -> vector<16xf32>
        %add3A_589 = arith.addf %add3A_575, %gather3A_588 : vector<16xf32>
        %xor3A_590 = arith.constant 8 : i32
        %xor3A_591 = vector.broadcast %xor3A_590 : i32 to vector<16xi32>
        %xor3A_592 = arith.xori %iota3A, %xor3A_591 : vector<16xi32>
        %lt3A_593 = arith.constant 0 : i32
        %lt3A_594 = vector.broadcast %lt3A_593 : i32 to vector<16xi32>
        %lt3A_595 = arith.cmpi slt, %xor3A_592, %lt3A_594 : vector<16xi32>
        %add3A_596 = arith.constant 16 : i32
        %add3A_597 = vector.broadcast %add3A_596 : i32 to vector<16xi32>
        %add3A_598 = arith.addi %xor3A_592, %add3A_597 : vector<16xi32>
        %select_n3A_599 = arith.select %lt3A_595, %add3A_598, %xor3A_592 : vector<16xi1>, vector<16xi32>
        %broadcast_in_dim3A_600 = vector.shape_cast %select_n3A_599 : vector<16xi32> to vector<16x1xi32>
        %gather3A_601 = vector.shape_cast %broadcast_in_dim3A_600 : vector<16x1xi32> to vector<16xi32>
        %gather3A_602 = tpu.dynamic_gather %add3A_589[%gather3A_601] in [0] : vector<16xf32>, vector<16xi32> -> vector<16xf32>
        %add3A_603 = arith.addf %add3A_589, %gather3A_602 : vector<16xf32>
        %eq3A_604 = arith.constant 5 : i32
        %eq3A_605 = vector.broadcast %eq3A_604 : i32 to vector<16xi32>
        %eq3A_606 = arith.cmpi eq, %iota3A, %eq3A_605 : vector<16xi32>
        %select_n3A_607 = arith.select %eq3A_606, %add3A_603, %select_n3A_535 : vector<16xi1>, vector<16xf32>
        %mul3A_608 = arith.constant 16 : i32
        %mul3A_609 = arith.muli %scan3A_146, %mul3A_608 : i32
        %add3A_610 = arith.constant 256 : i32
        %add3A_611 = arith.addi %add3A_610, %mul3A_609 : i32
        %add3A_612 = arith.constant 6 : i32
        %add3A_613 = arith.addi %add3A_611, %add3A_612 : i32
        %get3A_614 = arith.index_cast %add3A_613 : i32 to index
        %get3A_615 = arith.constant 0 : index
        %get3A_616 = tpu.vector_load %arg7[%get3A_614, %get3A_615] {strides = array<i32>} : memref<512x128xf32, #tpu.memory_space<vmem>>, vector<1x16xf32>,
        %get3A_617 = vector.shape_cast %get3A_616 : vector<1x16xf32> to vector<16xf32>
        %sub3A_618 = arith.subf %get3A_617, %get3A_177 : vector<16xf32>
        %mul3A_619 = arith.mulf %sub3A_618, %sub3A_618 : vector<16xf32>
        %xor3A_620 = arith.constant 1 : i32
        %xor3A_621 = vector.broadcast %xor3A_620 : i32 to vector<16xi32>
        %xor3A_622 = arith.xori %iota3A, %xor3A_621 : vector<16xi32>
        %lt3A_623 = arith.constant 0 : i32
        %lt3A_624 = vector.broadcast %lt3A_623 : i32 to vector<16xi32>
        %lt3A_625 = arith.cmpi slt, %xor3A_622, %lt3A_624 : vector<16xi32>
        %add3A_626 = arith.constant 16 : i32
        %add3A_627 = vector.broadcast %add3A_626 : i32 to vector<16xi32>
        %add3A_628 = arith.addi %xor3A_622, %add3A_627 : vector<16xi32>
        %select_n3A_629 = arith.select %lt3A_625, %add3A_628, %xor3A_622 : vector<16xi1>, vector<16xi32>
        %broadcast_in_dim3A_630 = vector.shape_cast %select_n3A_629 : vector<16xi32> to vector<16x1xi32>
        %gather3A_631 = vector.shape_cast %broadcast_in_dim3A_630 : vector<16x1xi32> to vector<16xi32>
        %gather3A_632 = tpu.dynamic_gather %mul3A_619[%gather3A_631] in [0] : vector<16xf32>, vector<16xi32> -> vector<16xf32>
        %add3A_633 = arith.addf %mul3A_619, %gather3A_632 : vector<16xf32>
        %xor3A_634 = arith.constant 2 : i32
        %xor3A_635 = vector.broadcast %xor3A_634 : i32 to vector<16xi32>
        %xor3A_636 = arith.xori %iota3A, %xor3A_635 : vector<16xi32>
        %lt3A_637 = arith.constant 0 : i32
        %lt3A_638 = vector.broadcast %lt3A_637 : i32 to vector<16xi32>
        %lt3A_639 = arith.cmpi slt, %xor3A_636, %lt3A_638 : vector<16xi32>
        %add3A_640 = arith.constant 16 : i32
        %add3A_641 = vector.broadcast %add3A_640 : i32 to vector<16xi32>
        %add3A_642 = arith.addi %xor3A_636, %add3A_641 : vector<16xi32>
        %select_n3A_643 = arith.select %lt3A_639, %add3A_642, %xor3A_636 : vector<16xi1>, vector<16xi32>
        %broadcast_in_dim3A_644 = vector.shape_cast %select_n3A_643 : vector<16xi32> to vector<16x1xi32>
        %gather3A_645 = vector.shape_cast %broadcast_in_dim3A_644 : vector<16x1xi32> to vector<16xi32>
        %gather3A_646 = tpu.dynamic_gather %add3A_633[%gather3A_645] in [0] : vector<16xf32>, vector<16xi32> -> vector<16xf32>
        %add3A_647 = arith.addf %add3A_633, %gather3A_646 : vector<16xf32>
        %xor3A_648 = arith.constant 4 : i32
        %xor3A_649 = vector.broadcast %xor3A_648 : i32 to vector<16xi32>
        %xor3A_650 = arith.xori %iota3A, %xor3A_649 : vector<16xi32>
        %lt3A_651 = arith.constant 0 : i32
        %lt3A_652 = vector.broadcast %lt3A_651 : i32 to vector<16xi32>
        %lt3A_653 = arith.cmpi slt, %xor3A_650, %lt3A_652 : vector<16xi32>
        %add3A_654 = arith.constant 16 : i32
        %add3A_655 = vector.broadcast %add3A_654 : i32 to vector<16xi32>
        %add3A_656 = arith.addi %xor3A_650, %add3A_655 : vector<16xi32>
        %select_n3A_657 = arith.select %lt3A_653, %add3A_656, %xor3A_650 : vector<16xi1>, vector<16xi32>
        %broadcast_in_dim3A_658 = vector.shape_cast %select_n3A_657 : vector<16xi32> to vector<16x1xi32>
        %gather3A_659 = vector.shape_cast %broadcast_in_dim3A_658 : vector<16x1xi32> to vector<16xi32>
        %gather3A_660 = tpu.dynamic_gather %add3A_647[%gather3A_659] in [0] : vector<16xf32>, vector<16xi32> -> vector<16xf32>
        %add3A_661 = arith.addf %add3A_647, %gather3A_660 : vector<16xf32>
        %xor3A_662 = arith.constant 8 : i32
        %xor3A_663 = vector.broadcast %xor3A_662 : i32 to vector<16xi32>
        %xor3A_664 = arith.xori %iota3A, %xor3A_663 : vector<16xi32>
        %lt3A_665 = arith.constant 0 : i32
        %lt3A_666 = vector.broadcast %lt3A_665 : i32 to vector<16xi32>
        %lt3A_667 = arith.cmpi slt, %xor3A_664, %lt3A_666 : vector<16xi32>
        %add3A_668 = arith.constant 16 : i32
        %add3A_669 = vector.broadcast %add3A_668 : i32 to vector<16xi32>
        %add3A_670 = arith.addi %xor3A_664, %add3A_669 : vector<16xi32>
        %select_n3A_671 = arith.select %lt3A_667, %add3A_670, %xor3A_664 : vector<16xi1>, vector<16xi32>
        %broadcast_in_dim3A_672 = vector.shape_cast %select_n3A_671 : vector<16xi32> to vector<16x1xi32>
        %gather3A_673 = vector.shape_cast %broadcast_in_dim3A_672 : vector<16x1xi32> to vector<16xi32>
        %gather3A_674 = tpu.dynamic_gather %add3A_661[%gather3A_673] in [0] : vector<16xf32>, vector<16xi32> -> vector<16xf32>
        %add3A_675 = arith.addf %add3A_661, %gather3A_674 : vector<16xf32>
        %eq3A_676 = arith.constant 6 : i32
        %eq3A_677 = vector.broadcast %eq3A_676 : i32 to vector<16xi32>
        %eq3A_678 = arith.cmpi eq, %iota3A, %eq3A_677 : vector<16xi32>
        %select_n3A_679 = arith.select %eq3A_678, %add3A_675, %select_n3A_607 : vector<16xi1>, vector<16xf32>
        %mul3A_680 = arith.constant 16 : i32
        %mul3A_681 = arith.muli %scan3A_146, %mul3A_680 : i32
        %add3A_682 = arith.constant 256 : i32
        %add3A_683 = arith.addi %add3A_682, %mul3A_681 : i32
        %add3A_684 = arith.constant 7 : i32
        %add3A_685 = arith.addi %add3A_683, %add3A_684 : i32
        %get3A_686 = arith.index_cast %add3A_685 : i32 to index
        %get3A_687 = arith.constant 0 : index
        %get3A_688 = tpu.vector_load %arg7[%get3A_686, %get3A_687] {strides = array<i32>} : memref<512x128xf32, #tpu.memory_space<vmem>>, vector<1x16xf32>,
        %get3A_689 = vector.shape_cast %get3A_688 : vector<1x16xf32> to vector<16xf32>
        %sub3A_690 = arith.subf %get3A_689, %get3A_177 : vector<16xf32>
        %mul3A_691 = arith.mulf %sub3A_690, %sub3A_690 : vector<16xf32>
        %xor3A_692 = arith.constant 1 : i32
        %xor3A_693 = vector.broadcast %xor3A_692 : i32 to vector<16xi32>
        %xor3A_694 = arith.xori %iota3A, %xor3A_693 : vector<16xi32>
        %lt3A_695 = arith.constant 0 : i32
        %lt3A_696 = vector.broadcast %lt3A_695 : i32 to vector<16xi32>
        %lt3A_697 = arith.cmpi slt, %xor3A_694, %lt3A_696 : vector<16xi32>
        %add3A_698 = arith.constant 16 : i32
        %add3A_699 = vector.broadcast %add3A_698 : i32 to vector<16xi32>
        %add3A_700 = arith.addi %xor3A_694, %add3A_699 : vector<16xi32>
        %select_n3A_701 = arith.select %lt3A_697, %add3A_700, %xor3A_694 : vector<16xi1>, vector<16xi32>
        %broadcast_in_dim3A_702 = vector.shape_cast %select_n3A_701 : vector<16xi32> to vector<16x1xi32>
        %gather3A_703 = vector.shape_cast %broadcast_in_dim3A_702 : vector<16x1xi32> to vector<16xi32>
        %gather3A_704 = tpu.dynamic_gather %mul3A_691[%gather3A_703] in [0] : vector<16xf32>, vector<16xi32> -> vector<16xf32>
        %add3A_705 = arith.addf %mul3A_691, %gather3A_704 : vector<16xf32>
        %xor3A_706 = arith.constant 2 : i32
        %xor3A_707 = vector.broadcast %xor3A_706 : i32 to vector<16xi32>
        %xor3A_708 = arith.xori %iota3A, %xor3A_707 : vector<16xi32>
        %lt3A_709 = arith.constant 0 : i32
        %lt3A_710 = vector.broadcast %lt3A_709 : i32 to vector<16xi32>
        %lt3A_711 = arith.cmpi slt, %xor3A_708, %lt3A_710 : vector<16xi32>
        %add3A_712 = arith.constant 16 : i32
        %add3A_713 = vector.broadcast %add3A_712 : i32 to vector<16xi32>
        %add3A_714 = arith.addi %xor3A_708, %add3A_713 : vector<16xi32>
        %select_n3A_715 = arith.select %lt3A_711, %add3A_714, %xor3A_708 : vector<16xi1>, vector<16xi32>
        %broadcast_in_dim3A_716 = vector.shape_cast %select_n3A_715 : vector<16xi32> to vector<16x1xi32>
        %gather3A_717 = vector.shape_cast %broadcast_in_dim3A_716 : vector<16x1xi32> to vector<16xi32>
        %gather3A_718 = tpu.dynamic_gather %add3A_705[%gather3A_717] in [0] : vector<16xf32>, vector<16xi32> -> vector<16xf32>
        %add3A_719 = arith.addf %add3A_705, %gather3A_718 : vector<16xf32>
        %xor3A_720 = arith.constant 4 : i32
        %xor3A_721 = vector.broadcast %xor3A_720 : i32 to vector<16xi32>
        %xor3A_722 = arith.xori %iota3A, %xor3A_721 : vector<16xi32>
        %lt3A_723 = arith.constant 0 : i32
        %lt3A_724 = vector.broadcast %lt3A_723 : i32 to vector<16xi32>
        %lt3A_725 = arith.cmpi slt, %xor3A_722, %lt3A_724 : vector<16xi32>
        %add3A_726 = arith.constant 16 : i32
        %add3A_727 = vector.broadcast %add3A_726 : i32 to vector<16xi32>
        %add3A_728 = arith.addi %xor3A_722, %add3A_727 : vector<16xi32>
        %select_n3A_729 = arith.select %lt3A_725, %add3A_728, %xor3A_722 : vector<16xi1>, vector<16xi32>
        %broadcast_in_dim3A_730 = vector.shape_cast %select_n3A_729 : vector<16xi32> to vector<16x1xi32>
        %gather3A_731 = vector.shape_cast %broadcast_in_dim3A_730 : vector<16x1xi32> to vector<16xi32>
        %gather3A_732 = tpu.dynamic_gather %add3A_719[%gather3A_731] in [0] : vector<16xf32>, vector<16xi32> -> vector<16xf32>
        %add3A_733 = arith.addf %add3A_719, %gather3A_732 : vector<16xf32>
        %xor3A_734 = arith.constant 8 : i32
        %xor3A_735 = vector.broadcast %xor3A_734 : i32 to vector<16xi32>
        %xor3A_736 = arith.xori %iota3A, %xor3A_735 : vector<16xi32>
        %lt3A_737 = arith.constant 0 : i32
        %lt3A_738 = vector.broadcast %lt3A_737 : i32 to vector<16xi32>
        %lt3A_739 = arith.cmpi slt, %xor3A_736, %lt3A_738 : vector<16xi32>
        %add3A_740 = arith.constant 16 : i32
        %add3A_741 = vector.broadcast %add3A_740 : i32 to vector<16xi32>
        %add3A_742 = arith.addi %xor3A_736, %add3A_741 : vector<16xi32>
        %select_n3A_743 = arith.select %lt3A_739, %add3A_742, %xor3A_736 : vector<16xi1>, vector<16xi32>
        %broadcast_in_dim3A_744 = vector.shape_cast %select_n3A_743 : vector<16xi32> to vector<16x1xi32>
        %gather3A_745 = vector.shape_cast %broadcast_in_dim3A_744 : vector<16x1xi32> to vector<16xi32>
        %gather3A_746 = tpu.dynamic_gather %add3A_733[%gather3A_745] in [0] : vector<16xf32>, vector<16xi32> -> vector<16xf32>
        %add3A_747 = arith.addf %add3A_733, %gather3A_746 : vector<16xf32>
        %eq3A_748 = arith.constant 7 : i32
        %eq3A_749 = vector.broadcast %eq3A_748 : i32 to vector<16xi32>
        %eq3A_750 = arith.cmpi eq, %iota3A, %eq3A_749 : vector<16xi32>
        %select_n3A_751 = arith.select %eq3A_750, %add3A_747, %select_n3A_679 : vector<16xi1>, vector<16xf32>
        %mul3A_752 = arith.constant 16 : i32
        %mul3A_753 = arith.muli %scan3A_146, %mul3A_752 : i32
        %add3A_754 = arith.constant 256 : i32
        %add3A_755 = arith.addi %add3A_754, %mul3A_753 : i32
        %add3A_756 = arith.constant 8 : i32
        %add3A_757 = arith.addi %add3A_755, %add3A_756 : i32
        %get3A_758 = arith.index_cast %add3A_757 : i32 to index
        %get3A_759 = arith.constant 0 : index
        %get3A_760 = tpu.vector_load %arg7[%get3A_758, %get3A_759] {strides = array<i32>} : memref<512x128xf32, #tpu.memory_space<vmem>>, vector<1x16xf32>,
        %get3A_761 = vector.shape_cast %get3A_760 : vector<1x16xf32> to vector<16xf32>
        %sub3A_762 = arith.subf %get3A_761, %get3A_177 : vector<16xf32>
        %mul3A_763 = arith.mulf %sub3A_762, %sub3A_762 : vector<16xf32>
        %xor3A_764 = arith.constant 1 : i32
        %xor3A_765 = vector.broadcast %xor3A_764 : i32 to vector<16xi32>
        %xor3A_766 = arith.xori %iota3A, %xor3A_765 : vector<16xi32>
        %lt3A_767 = arith.constant 0 : i32
        %lt3A_768 = vector.broadcast %lt3A_767 : i32 to vector<16xi32>
        %lt3A_769 = arith.cmpi slt, %xor3A_766, %lt3A_768 : vector<16xi32>
        %add3A_770 = arith.constant 16 : i32
        %add3A_771 = vector.broadcast %add3A_770 : i32 to vector<16xi32>
        %add3A_772 = arith.addi %xor3A_766, %add3A_771 : vector<16xi32>
        %select_n3A_773 = arith.select %lt3A_769, %add3A_772, %xor3A_766 : vector<16xi1>, vector<16xi32>
        %broadcast_in_dim3A_774 = vector.shape_cast %select_n3A_773 : vector<16xi32> to vector<16x1xi32>
        %gather3A_775 = vector.shape_cast %broadcast_in_dim3A_774 : vector<16x1xi32> to vector<16xi32>
        %gather3A_776 = tpu.dynamic_gather %mul3A_763[%gather3A_775] in [0] : vector<16xf32>, vector<16xi32> -> vector<16xf32>
        %add3A_777 = arith.addf %mul3A_763, %gather3A_776 : vector<16xf32>
        %xor3A_778 = arith.constant 2 : i32
        %xor3A_779 = vector.broadcast %xor3A_778 : i32 to vector<16xi32>
        %xor3A_780 = arith.xori %iota3A, %xor3A_779 : vector<16xi32>
        %lt3A_781 = arith.constant 0 : i32
        %lt3A_782 = vector.broadcast %lt3A_781 : i32 to vector<16xi32>
        %lt3A_783 = arith.cmpi slt, %xor3A_780, %lt3A_782 : vector<16xi32>
        %add3A_784 = arith.constant 16 : i32
        %add3A_785 = vector.broadcast %add3A_784 : i32 to vector<16xi32>
        %add3A_786 = arith.addi %xor3A_780, %add3A_785 : vector<16xi32>
        %select_n3A_787 = arith.select %lt3A_783, %add3A_786, %xor3A_780 : vector<16xi1>, vector<16xi32>
        %broadcast_in_dim3A_788 = vector.shape_cast %select_n3A_787 : vector<16xi32> to vector<16x1xi32>
        %gather3A_789 = vector.shape_cast %broadcast_in_dim3A_788 : vector<16x1xi32> to vector<16xi32>
        %gather3A_790 = tpu.dynamic_gather %add3A_777[%gather3A_789] in [0] : vector<16xf32>, vector<16xi32> -> vector<16xf32>
        %add3A_791 = arith.addf %add3A_777, %gather3A_790 : vector<16xf32>
        %xor3A_792 = arith.constant 4 : i32
        %xor3A_793 = vector.broadcast %xor3A_792 : i32 to vector<16xi32>
        %xor3A_794 = arith.xori %iota3A, %xor3A_793 : vector<16xi32>
        %lt3A_795 = arith.constant 0 : i32
        %lt3A_796 = vector.broadcast %lt3A_795 : i32 to vector<16xi32>
        %lt3A_797 = arith.cmpi slt, %xor3A_794, %lt3A_796 : vector<16xi32>
        %add3A_798 = arith.constant 16 : i32
        %add3A_799 = vector.broadcast %add3A_798 : i32 to vector<16xi32>
        %add3A_800 = arith.addi %xor3A_794, %add3A_799 : vector<16xi32>
        %select_n3A_801 = arith.select %lt3A_797, %add3A_800, %xor3A_794 : vector<16xi1>, vector<16xi32>
        %broadcast_in_dim3A_802 = vector.shape_cast %select_n3A_801 : vector<16xi32> to vector<16x1xi32>
        %gather3A_803 = vector.shape_cast %broadcast_in_dim3A_802 : vector<16x1xi32> to vector<16xi32>
        %gather3A_804 = tpu.dynamic_gather %add3A_791[%gather3A_803] in [0] : vector<16xf32>, vector<16xi32> -> vector<16xf32>
        %add3A_805 = arith.addf %add3A_791, %gather3A_804 : vector<16xf32>
        %xor3A_806 = arith.constant 8 : i32
        %xor3A_807 = vector.broadcast %xor3A_806 : i32 to vector<16xi32>
        %xor3A_808 = arith.xori %iota3A, %xor3A_807 : vector<16xi32>
        %lt3A_809 = arith.constant 0 : i32
        %lt3A_810 = vector.broadcast %lt3A_809 : i32 to vector<16xi32>
        %lt3A_811 = arith.cmpi slt, %xor3A_808, %lt3A_810 : vector<16xi32>
        %add3A_812 = arith.constant 16 : i32
        %add3A_813 = vector.broadcast %add3A_812 : i32 to vector<16xi32>
        %add3A_814 = arith.addi %xor3A_808, %add3A_813 : vector<16xi32>
        %select_n3A_815 = arith.select %lt3A_811, %add3A_814, %xor3A_808 : vector<16xi1>, vector<16xi32>
        %broadcast_in_dim3A_816 = vector.shape_cast %select_n3A_815 : vector<16xi32> to vector<16x1xi32>
        %gather3A_817 = vector.shape_cast %broadcast_in_dim3A_816 : vector<16x1xi32> to vector<16xi32>
        %gather3A_818 = tpu.dynamic_gather %add3A_805[%gather3A_817] in [0] : vector<16xf32>, vector<16xi32> -> vector<16xf32>
        %add3A_819 = arith.addf %add3A_805, %gather3A_818 : vector<16xf32>
        %eq3A_820 = arith.constant 8 : i32
        %eq3A_821 = vector.broadcast %eq3A_820 : i32 to vector<16xi32>
        %eq3A_822 = arith.cmpi eq, %iota3A, %eq3A_821 : vector<16xi32>
        %select_n3A_823 = arith.select %eq3A_822, %add3A_819, %select_n3A_751 : vector<16xi1>, vector<16xf32>
        %mul3A_824 = arith.constant 16 : i32
        %mul3A_825 = arith.muli %scan3A_146, %mul3A_824 : i32
        %add3A_826 = arith.constant 256 : i32
        %add3A_827 = arith.addi %add3A_826, %mul3A_825 : i32
        %add3A_828 = arith.constant 9 : i32
        %add3A_829 = arith.addi %add3A_827, %add3A_828 : i32
        %get3A_830 = arith.index_cast %add3A_829 : i32 to index
        %get3A_831 = arith.constant 0 : index
        %get3A_832 = tpu.vector_load %arg7[%get3A_830, %get3A_831] {strides = array<i32>} : memref<512x128xf32, #tpu.memory_space<vmem>>, vector<1x16xf32>,
        %get3A_833 = vector.shape_cast %get3A_832 : vector<1x16xf32> to vector<16xf32>
        %sub3A_834 = arith.subf %get3A_833, %get3A_177 : vector<16xf32>
        %mul3A_835 = arith.mulf %sub3A_834, %sub3A_834 : vector<16xf32>
        %xor3A_836 = arith.constant 1 : i32
        %xor3A_837 = vector.broadcast %xor3A_836 : i32 to vector<16xi32>
        %xor3A_838 = arith.xori %iota3A, %xor3A_837 : vector<16xi32>
        %lt3A_839 = arith.constant 0 : i32
        %lt3A_840 = vector.broadcast %lt3A_839 : i32 to vector<16xi32>
        %lt3A_841 = arith.cmpi slt, %xor3A_838, %lt3A_840 : vector<16xi32>
        %add3A_842 = arith.constant 16 : i32
        %add3A_843 = vector.broadcast %add3A_842 : i32 to vector<16xi32>
        %add3A_844 = arith.addi %xor3A_838, %add3A_843 : vector<16xi32>
        %select_n3A_845 = arith.select %lt3A_841, %add3A_844, %xor3A_838 : vector<16xi1>, vector<16xi32>
        %broadcast_in_dim3A_846 = vector.shape_cast %select_n3A_845 : vector<16xi32> to vector<16x1xi32>
        %gather3A_847 = vector.shape_cast %broadcast_in_dim3A_846 : vector<16x1xi32> to vector<16xi32>
        %gather3A_848 = tpu.dynamic_gather %mul3A_835[%gather3A_847] in [0] : vector<16xf32>, vector<16xi32> -> vector<16xf32>
        %add3A_849 = arith.addf %mul3A_835, %gather3A_848 : vector<16xf32>
        %xor3A_850 = arith.constant 2 : i32
        %xor3A_851 = vector.broadcast %xor3A_850 : i32 to vector<16xi32>
        %xor3A_852 = arith.xori %iota3A, %xor3A_851 : vector<16xi32>
        %lt3A_853 = arith.constant 0 : i32
        %lt3A_854 = vector.broadcast %lt3A_853 : i32 to vector<16xi32>
        %lt3A_855 = arith.cmpi slt, %xor3A_852, %lt3A_854 : vector<16xi32>
        %add3A_856 = arith.constant 16 : i32
        %add3A_857 = vector.broadcast %add3A_856 : i32 to vector<16xi32>
        %add3A_858 = arith.addi %xor3A_852, %add3A_857 : vector<16xi32>
        %select_n3A_859 = arith.select %lt3A_855, %add3A_858, %xor3A_852 : vector<16xi1>, vector<16xi32>
        %broadcast_in_dim3A_860 = vector.shape_cast %select_n3A_859 : vector<16xi32> to vector<16x1xi32>
        %gather3A_861 = vector.shape_cast %broadcast_in_dim3A_860 : vector<16x1xi32> to vector<16xi32>
        %gather3A_862 = tpu.dynamic_gather %add3A_849[%gather3A_861] in [0] : vector<16xf32>, vector<16xi32> -> vector<16xf32>
        %add3A_863 = arith.addf %add3A_849, %gather3A_862 : vector<16xf32>
        %xor3A_864 = arith.constant 4 : i32
        %xor3A_865 = vector.broadcast %xor3A_864 : i32 to vector<16xi32>
        %xor3A_866 = arith.xori %iota3A, %xor3A_865 : vector<16xi32>
        %lt3A_867 = arith.constant 0 : i32
        %lt3A_868 = vector.broadcast %lt3A_867 : i32 to vector<16xi32>
        %lt3A_869 = arith.cmpi slt, %xor3A_866, %lt3A_868 : vector<16xi32>
        %add3A_870 = arith.constant 16 : i32
        %add3A_871 = vector.broadcast %add3A_870 : i32 to vector<16xi32>
        %add3A_872 = arith.addi %xor3A_866, %add3A_871 : vector<16xi32>
        %select_n3A_873 = arith.select %lt3A_869, %add3A_872, %xor3A_866 : vector<16xi1>, vector<16xi32>
        %broadcast_in_dim3A_874 = vector.shape_cast %select_n3A_873 : vector<16xi32> to vector<16x1xi32>
        %gather3A_875 = vector.shape_cast %broadcast_in_dim3A_874 : vector<16x1xi32> to vector<16xi32>
        %gather3A_876 = tpu.dynamic_gather %add3A_863[%gather3A_875] in [0] : vector<16xf32>, vector<16xi32> -> vector<16xf32>
        %add3A_877 = arith.addf %add3A_863, %gather3A_876 : vector<16xf32>
        %xor3A_878 = arith.constant 8 : i32
        %xor3A_879 = vector.broadcast %xor3A_878 : i32 to vector<16xi32>
        %xor3A_880 = arith.xori %iota3A, %xor3A_879 : vector<16xi32>
        %lt3A_881 = arith.constant 0 : i32
        %lt3A_882 = vector.broadcast %lt3A_881 : i32 to vector<16xi32>
        %lt3A_883 = arith.cmpi slt, %xor3A_880, %lt3A_882 : vector<16xi32>
        %add3A_884 = arith.constant 16 : i32
        %add3A_885 = vector.broadcast %add3A_884 : i32 to vector<16xi32>
        %add3A_886 = arith.addi %xor3A_880, %add3A_885 : vector<16xi32>
        %select_n3A_887 = arith.select %lt3A_883, %add3A_886, %xor3A_880 : vector<16xi1>, vector<16xi32>
        %broadcast_in_dim3A_888 = vector.shape_cast %select_n3A_887 : vector<16xi32> to vector<16x1xi32>
        %gather3A_889 = vector.shape_cast %broadcast_in_dim3A_888 : vector<16x1xi32> to vector<16xi32>
        %gather3A_890 = tpu.dynamic_gather %add3A_877[%gather3A_889] in [0] : vector<16xf32>, vector<16xi32> -> vector<16xf32>
        %add3A_891 = arith.addf %add3A_877, %gather3A_890 : vector<16xf32>
        %eq3A_892 = arith.constant 9 : i32
        %eq3A_893 = vector.broadcast %eq3A_892 : i32 to vector<16xi32>
        %eq3A_894 = arith.cmpi eq, %iota3A, %eq3A_893 : vector<16xi32>
        %select_n3A_895 = arith.select %eq3A_894, %add3A_891, %select_n3A_823 : vector<16xi1>, vector<16xf32>
        %mul3A_896 = arith.constant 16 : i32
        %mul3A_897 = arith.muli %scan3A_146, %mul3A_896 : i32
        %add3A_898 = arith.constant 256 : i32
        %add3A_899 = arith.addi %add3A_898, %mul3A_897 : i32
        %add3A_900 = arith.constant 10 : i32
        %add3A_901 = arith.addi %add3A_899, %add3A_900 : i32
        %get3A_902 = arith.index_cast %add3A_901 : i32 to index
        %get3A_903 = arith.constant 0 : index
        %get3A_904 = tpu.vector_load %arg7[%get3A_902, %get3A_903] {strides = array<i32>} : memref<512x128xf32, #tpu.memory_space<vmem>>, vector<1x16xf32>,
        %get3A_905 = vector.shape_cast %get3A_904 : vector<1x16xf32> to vector<16xf32>
        %sub3A_906 = arith.subf %get3A_905, %get3A_177 : vector<16xf32>
        %mul3A_907 = arith.mulf %sub3A_906, %sub3A_906 : vector<16xf32>
        %xor3A_908 = arith.constant 1 : i32
        %xor3A_909 = vector.broadcast %xor3A_908 : i32 to vector<16xi32>
        %xor3A_910 = arith.xori %iota3A, %xor3A_909 : vector<16xi32>
        %lt3A_911 = arith.constant 0 : i32
        %lt3A_912 = vector.broadcast %lt3A_911 : i32 to vector<16xi32>
        %lt3A_913 = arith.cmpi slt, %xor3A_910, %lt3A_912 : vector<16xi32>
        %add3A_914 = arith.constant 16 : i32
        %add3A_915 = vector.broadcast %add3A_914 : i32 to vector<16xi32>
        %add3A_916 = arith.addi %xor3A_910, %add3A_915 : vector<16xi32>
        %select_n3A_917 = arith.select %lt3A_913, %add3A_916, %xor3A_910 : vector<16xi1>, vector<16xi32>
        %broadcast_in_dim3A_918 = vector.shape_cast %select_n3A_917 : vector<16xi32> to vector<16x1xi32>
        %gather3A_919 = vector.shape_cast %broadcast_in_dim3A_918 : vector<16x1xi32> to vector<16xi32>
        %gather3A_920 = tpu.dynamic_gather %mul3A_907[%gather3A_919] in [0] : vector<16xf32>, vector<16xi32> -> vector<16xf32>
        %add3A_921 = arith.addf %mul3A_907, %gather3A_920 : vector<16xf32>
        %xor3A_922 = arith.constant 2 : i32
        %xor3A_923 = vector.broadcast %xor3A_922 : i32 to vector<16xi32>
        %xor3A_924 = arith.xori %iota3A, %xor3A_923 : vector<16xi32>
        %lt3A_925 = arith.constant 0 : i32
        %lt3A_926 = vector.broadcast %lt3A_925 : i32 to vector<16xi32>
        %lt3A_927 = arith.cmpi slt, %xor3A_924, %lt3A_926 : vector<16xi32>
        %add3A_928 = arith.constant 16 : i32
        %add3A_929 = vector.broadcast %add3A_928 : i32 to vector<16xi32>
        %add3A_930 = arith.addi %xor3A_924, %add3A_929 : vector<16xi32>
        %select_n3A_931 = arith.select %lt3A_927, %add3A_930, %xor3A_924 : vector<16xi1>, vector<16xi32>
        %broadcast_in_dim3A_932 = vector.shape_cast %select_n3A_931 : vector<16xi32> to vector<16x1xi32>
        %gather3A_933 = vector.shape_cast %broadcast_in_dim3A_932 : vector<16x1xi32> to vector<16xi32>
        %gather3A_934 = tpu.dynamic_gather %add3A_921[%gather3A_933] in [0] : vector<16xf32>, vector<16xi32> -> vector<16xf32>
        %add3A_935 = arith.addf %add3A_921, %gather3A_934 : vector<16xf32>
        %xor3A_936 = arith.constant 4 : i32
        %xor3A_937 = vector.broadcast %xor3A_936 : i32 to vector<16xi32>
        %xor3A_938 = arith.xori %iota3A, %xor3A_937 : vector<16xi32>
        %lt3A_939 = arith.constant 0 : i32
        %lt3A_940 = vector.broadcast %lt3A_939 : i32 to vector<16xi32>
        %lt3A_941 = arith.cmpi slt, %xor3A_938, %lt3A_940 : vector<16xi32>
        %add3A_942 = arith.constant 16 : i32
        %add3A_943 = vector.broadcast %add3A_942 : i32 to vector<16xi32>
        %add3A_944 = arith.addi %xor3A_938, %add3A_943 : vector<16xi32>
        %select_n3A_945 = arith.select %lt3A_941, %add3A_944, %xor3A_938 : vector<16xi1>, vector<16xi32>
        %broadcast_in_dim3A_946 = vector.shape_cast %select_n3A_945 : vector<16xi32> to vector<16x1xi32>
        %gather3A_947 = vector.shape_cast %broadcast_in_dim3A_946 : vector<16x1xi32> to vector<16xi32>
        %gather3A_948 = tpu.dynamic_gather %add3A_935[%gather3A_947] in [0] : vector<16xf32>, vector<16xi32> -> vector<16xf32>
        %add3A_949 = arith.addf %add3A_935, %gather3A_948 : vector<16xf32>
        %xor3A_950 = arith.constant 8 : i32
        %xor3A_951 = vector.broadcast %xor3A_950 : i32 to vector<16xi32>
        %xor3A_952 = arith.xori %iota3A, %xor3A_951 : vector<16xi32>
        %lt3A_953 = arith.constant 0 : i32
        %lt3A_954 = vector.broadcast %lt3A_953 : i32 to vector<16xi32>
        %lt3A_955 = arith.cmpi slt, %xor3A_952, %lt3A_954 : vector<16xi32>
        %add3A_956 = arith.constant 16 : i32
        %add3A_957 = vector.broadcast %add3A_956 : i32 to vector<16xi32>
        %add3A_958 = arith.addi %xor3A_952, %add3A_957 : vector<16xi32>
        %select_n3A_959 = arith.select %lt3A_955, %add3A_958, %xor3A_952 : vector<16xi1>, vector<16xi32>
        %broadcast_in_dim3A_960 = vector.shape_cast %select_n3A_959 : vector<16xi32> to vector<16x1xi32>
        %gather3A_961 = vector.shape_cast %broadcast_in_dim3A_960 : vector<16x1xi32> to vector<16xi32>
        %gather3A_962 = tpu.dynamic_gather %add3A_949[%gather3A_961] in [0] : vector<16xf32>, vector<16xi32> -> vector<16xf32>
        %add3A_963 = arith.addf %add3A_949, %gather3A_962 : vector<16xf32>
        %eq3A_964 = arith.constant 10 : i32
        %eq3A_965 = vector.broadcast %eq3A_964 : i32 to vector<16xi32>
        %eq3A_966 = arith.cmpi eq, %iota3A, %eq3A_965 : vector<16xi32>
        %select_n3A_967 = arith.select %eq3A_966, %add3A_963, %select_n3A_895 : vector<16xi1>, vector<16xf32>
        %mul3A_968 = arith.constant 16 : i32
        %mul3A_969 = arith.muli %scan3A_146, %mul3A_968 : i32
        %add3A_970 = arith.constant 256 : i32
        %add3A_971 = arith.addi %add3A_970, %mul3A_969 : i32
        %add3A_972 = arith.constant 11 : i32
        %add3A_973 = arith.addi %add3A_971, %add3A_972 : i32
        %get3A_974 = arith.index_cast %add3A_973 : i32 to index
        %get3A_975 = arith.constant 0 : index
        %get3A_976 = tpu.vector_load %arg7[%get3A_974, %get3A_975] {strides = array<i32>} : memref<512x128xf32, #tpu.memory_space<vmem>>, vector<1x16xf32>,
        %get3A_977 = vector.shape_cast %get3A_976 : vector<1x16xf32> to vector<16xf32>
        %sub3A_978 = arith.subf %get3A_977, %get3A_177 : vector<16xf32>
        %mul3A_979 = arith.mulf %sub3A_978, %sub3A_978 : vector<16xf32>
        %xor3A_980 = arith.constant 1 : i32
        %xor3A_981 = vector.broadcast %xor3A_980 : i32 to vector<16xi32>
        %xor3A_982 = arith.xori %iota3A, %xor3A_981 : vector<16xi32>
        %lt3A_983 = arith.constant 0 : i32
        %lt3A_984 = vector.broadcast %lt3A_983 : i32 to vector<16xi32>
        %lt3A_985 = arith.cmpi slt, %xor3A_982, %lt3A_984 : vector<16xi32>
        %add3A_986 = arith.constant 16 : i32
        %add3A_987 = vector.broadcast %add3A_986 : i32 to vector<16xi32>
        %add3A_988 = arith.addi %xor3A_982, %add3A_987 : vector<16xi32>
        %select_n3A_989 = arith.select %lt3A_985, %add3A_988, %xor3A_982 : vector<16xi1>, vector<16xi32>
        %broadcast_in_dim3A_990 = vector.shape_cast %select_n3A_989 : vector<16xi32> to vector<16x1xi32>
        %gather3A_991 = vector.shape_cast %broadcast_in_dim3A_990 : vector<16x1xi32> to vector<16xi32>
        %gather3A_992 = tpu.dynamic_gather %mul3A_979[%gather3A_991] in [0] : vector<16xf32>, vector<16xi32> -> vector<16xf32>
        %add3A_993 = arith.addf %mul3A_979, %gather3A_992 : vector<16xf32>
        %xor3A_994 = arith.constant 2 : i32
        %xor3A_995 = vector.broadcast %xor3A_994 : i32 to vector<16xi32>
        %xor3A_996 = arith.xori %iota3A, %xor3A_995 : vector<16xi32>
        %lt3A_997 = arith.constant 0 : i32
        %lt3A_998 = vector.broadcast %lt3A_997 : i32 to vector<16xi32>
        %lt3A_999 = arith.cmpi slt, %xor3A_996, %lt3A_998 : vector<16xi32>
        %add3A_1000 = arith.constant 16 : i32
        %add3A_1001 = vector.broadcast %add3A_1000 : i32 to vector<16xi32>
        %add3A_1002 = arith.addi %xor3A_996, %add3A_1001 : vector<16xi32>
        %select_n3A_1003 = arith.select %lt3A_999, %add3A_1002, %xor3A_996 : vector<16xi1>, vector<16xi32>
        %broadcast_in_dim3A_1004 = vector.shape_cast %select_n3A_1003 : vector<16xi32> to vector<16x1xi32>
        %gather3A_1005 = vector.shape_cast %broadcast_in_dim3A_1004 : vector<16x1xi32> to vector<16xi32>
        %gather3A_1006 = tpu.dynamic_gather %add3A_993[%gather3A_1005] in [0] : vector<16xf32>, vector<16xi32> -> vector<16xf32>
        %add3A_1007 = arith.addf %add3A_993, %gather3A_1006 : vector<16xf32>
        %xor3A_1008 = arith.constant 4 : i32
        %xor3A_1009 = vector.broadcast %xor3A_1008 : i32 to vector<16xi32>
        %xor3A_1010 = arith.xori %iota3A, %xor3A_1009 : vector<16xi32>
        %lt3A_1011 = arith.constant 0 : i32
        %lt3A_1012 = vector.broadcast %lt3A_1011 : i32 to vector<16xi32>
        %lt3A_1013 = arith.cmpi slt, %xor3A_1010, %lt3A_1012 : vector<16xi32>
        %add3A_1014 = arith.constant 16 : i32
        %add3A_1015 = vector.broadcast %add3A_1014 : i32 to vector<16xi32>
        %add3A_1016 = arith.addi %xor3A_1010, %add3A_1015 : vector<16xi32>
        %select_n3A_1017 = arith.select %lt3A_1013, %add3A_1016, %xor3A_1010 : vector<16xi1>, vector<16xi32>
        %broadcast_in_dim3A_1018 = vector.shape_cast %select_n3A_1017 : vector<16xi32> to vector<16x1xi32>
        %gather3A_1019 = vector.shape_cast %broadcast_in_dim3A_1018 : vector<16x1xi32> to vector<16xi32>
        %gather3A_1020 = tpu.dynamic_gather %add3A_1007[%gather3A_1019] in [0] : vector<16xf32>, vector<16xi32> -> vector<16xf32>
        %add3A_1021 = arith.addf %add3A_1007, %gather3A_1020 : vector<16xf32>
        %xor3A_1022 = arith.constant 8 : i32
        %xor3A_1023 = vector.broadcast %xor3A_1022 : i32 to vector<16xi32>
        %xor3A_1024 = arith.xori %iota3A, %xor3A_1023 : vector<16xi32>
        %lt3A_1025 = arith.constant 0 : i32
        %lt3A_1026 = vector.broadcast %lt3A_1025 : i32 to vector<16xi32>
        %lt3A_1027 = arith.cmpi slt, %xor3A_1024, %lt3A_1026 : vector<16xi32>
        %add3A_1028 = arith.constant 16 : i32
        %add3A_1029 = vector.broadcast %add3A_1028 : i32 to vector<16xi32>
        %add3A_1030 = arith.addi %xor3A_1024, %add3A_1029 : vector<16xi32>
        %select_n3A_1031 = arith.select %lt3A_1027, %add3A_1030, %xor3A_1024 : vector<16xi1>, vector<16xi32>
        %broadcast_in_dim3A_1032 = vector.shape_cast %select_n3A_1031 : vector<16xi32> to vector<16x1xi32>
        %gather3A_1033 = vector.shape_cast %broadcast_in_dim3A_1032 : vector<16x1xi32> to vector<16xi32>
        %gather3A_1034 = tpu.dynamic_gather %add3A_1021[%gather3A_1033] in [0] : vector<16xf32>, vector<16xi32> -> vector<16xf32>
        %add3A_1035 = arith.addf %add3A_1021, %gather3A_1034 : vector<16xf32>
        %eq3A_1036 = arith.constant 11 : i32
        %eq3A_1037 = vector.broadcast %eq3A_1036 : i32 to vector<16xi32>
        %eq3A_1038 = arith.cmpi eq, %iota3A, %eq3A_1037 : vector<16xi32>
        %select_n3A_1039 = arith.select %eq3A_1038, %add3A_1035, %select_n3A_967 : vector<16xi1>, vector<16xf32>
        %mul3A_1040 = arith.constant 16 : i32
        %mul3A_1041 = arith.muli %scan3A_146, %mul3A_1040 : i32
        %add3A_1042 = arith.constant 256 : i32
        %add3A_1043 = arith.addi %add3A_1042, %mul3A_1041 : i32
        %add3A_1044 = arith.constant 12 : i32
        %add3A_1045 = arith.addi %add3A_1043, %add3A_1044 : i32
        %get3A_1046 = arith.index_cast %add3A_1045 : i32 to index
        %get3A_1047 = arith.constant 0 : index
        %get3A_1048 = tpu.vector_load %arg7[%get3A_1046, %get3A_1047] {strides = array<i32>} : memref<512x128xf32, #tpu.memory_space<vmem>>, vector<1x16xf32>,
        %get3A_1049 = vector.shape_cast %get3A_1048 : vector<1x16xf32> to vector<16xf32>
        %sub3A_1050 = arith.subf %get3A_1049, %get3A_177 : vector<16xf32>
        %mul3A_1051 = arith.mulf %sub3A_1050, %sub3A_1050 : vector<16xf32>
        %xor3A_1052 = arith.constant 1 : i32
        %xor3A_1053 = vector.broadcast %xor3A_1052 : i32 to vector<16xi32>
        %xor3A_1054 = arith.xori %iota3A, %xor3A_1053 : vector<16xi32>
        %lt3A_1055 = arith.constant 0 : i32
        %lt3A_1056 = vector.broadcast %lt3A_1055 : i32 to vector<16xi32>
        %lt3A_1057 = arith.cmpi slt, %xor3A_1054, %lt3A_1056 : vector<16xi32>
        %add3A_1058 = arith.constant 16 : i32
        %add3A_1059 = vector.broadcast %add3A_1058 : i32 to vector<16xi32>
        %add3A_1060 = arith.addi %xor3A_1054, %add3A_1059 : vector<16xi32>
        %select_n3A_1061 = arith.select %lt3A_1057, %add3A_1060, %xor3A_1054 : vector<16xi1>, vector<16xi32>
        %broadcast_in_dim3A_1062 = vector.shape_cast %select_n3A_1061 : vector<16xi32> to vector<16x1xi32>
        %gather3A_1063 = vector.shape_cast %broadcast_in_dim3A_1062 : vector<16x1xi32> to vector<16xi32>
        %gather3A_1064 = tpu.dynamic_gather %mul3A_1051[%gather3A_1063] in [0] : vector<16xf32>, vector<16xi32> -> vector<16xf32>
        %add3A_1065 = arith.addf %mul3A_1051, %gather3A_1064 : vector<16xf32>
        %xor3A_1066 = arith.constant 2 : i32
        %xor3A_1067 = vector.broadcast %xor3A_1066 : i32 to vector<16xi32>
        %xor3A_1068 = arith.xori %iota3A, %xor3A_1067 : vector<16xi32>
        %lt3A_1069 = arith.constant 0 : i32
        %lt3A_1070 = vector.broadcast %lt3A_1069 : i32 to vector<16xi32>
        %lt3A_1071 = arith.cmpi slt, %xor3A_1068, %lt3A_1070 : vector<16xi32>
        %add3A_1072 = arith.constant 16 : i32
        %add3A_1073 = vector.broadcast %add3A_1072 : i32 to vector<16xi32>
        %add3A_1074 = arith.addi %xor3A_1068, %add3A_1073 : vector<16xi32>
        %select_n3A_1075 = arith.select %lt3A_1071, %add3A_1074, %xor3A_1068 : vector<16xi1>, vector<16xi32>
        %broadcast_in_dim3A_1076 = vector.shape_cast %select_n3A_1075 : vector<16xi32> to vector<16x1xi32>
        %gather3A_1077 = vector.shape_cast %broadcast_in_dim3A_1076 : vector<16x1xi32> to vector<16xi32>
        %gather3A_1078 = tpu.dynamic_gather %add3A_1065[%gather3A_1077] in [0] : vector<16xf32>, vector<16xi32> -> vector<16xf32>
        %add3A_1079 = arith.addf %add3A_1065, %gather3A_1078 : vector<16xf32>
        %xor3A_1080 = arith.constant 4 : i32
        %xor3A_1081 = vector.broadcast %xor3A_1080 : i32 to vector<16xi32>
        %xor3A_1082 = arith.xori %iota3A, %xor3A_1081 : vector<16xi32>
        %lt3A_1083 = arith.constant 0 : i32
        %lt3A_1084 = vector.broadcast %lt3A_1083 : i32 to vector<16xi32>
        %lt3A_1085 = arith.cmpi slt, %xor3A_1082, %lt3A_1084 : vector<16xi32>
        %add3A_1086 = arith.constant 16 : i32
        %add3A_1087 = vector.broadcast %add3A_1086 : i32 to vector<16xi32>
        %add3A_1088 = arith.addi %xor3A_1082, %add3A_1087 : vector<16xi32>
        %select_n3A_1089 = arith.select %lt3A_1085, %add3A_1088, %xor3A_1082 : vector<16xi1>, vector<16xi32>
        %broadcast_in_dim3A_1090 = vector.shape_cast %select_n3A_1089 : vector<16xi32> to vector<16x1xi32>
        %gather3A_1091 = vector.shape_cast %broadcast_in_dim3A_1090 : vector<16x1xi32> to vector<16xi32>
        %gather3A_1092 = tpu.dynamic_gather %add3A_1079[%gather3A_1091] in [0] : vector<16xf32>, vector<16xi32> -> vector<16xf32>
        %add3A_1093 = arith.addf %add3A_1079, %gather3A_1092 : vector<16xf32>
        %xor3A_1094 = arith.constant 8 : i32
        %xor3A_1095 = vector.broadcast %xor3A_1094 : i32 to vector<16xi32>
        %xor3A_1096 = arith.xori %iota3A, %xor3A_1095 : vector<16xi32>
        %lt3A_1097 = arith.constant 0 : i32
        %lt3A_1098 = vector.broadcast %lt3A_1097 : i32 to vector<16xi32>
        %lt3A_1099 = arith.cmpi slt, %xor3A_1096, %lt3A_1098 : vector<16xi32>
        %add3A_1100 = arith.constant 16 : i32
        %add3A_1101 = vector.broadcast %add3A_1100 : i32 to vector<16xi32>
        %add3A_1102 = arith.addi %xor3A_1096, %add3A_1101 : vector<16xi32>
        %select_n3A_1103 = arith.select %lt3A_1099, %add3A_1102, %xor3A_1096 : vector<16xi1>, vector<16xi32>
        %broadcast_in_dim3A_1104 = vector.shape_cast %select_n3A_1103 : vector<16xi32> to vector<16x1xi32>
        %gather3A_1105 = vector.shape_cast %broadcast_in_dim3A_1104 : vector<16x1xi32> to vector<16xi32>
        %gather3A_1106 = tpu.dynamic_gather %add3A_1093[%gather3A_1105] in [0] : vector<16xf32>, vector<16xi32> -> vector<16xf32>
        %add3A_1107 = arith.addf %add3A_1093, %gather3A_1106 : vector<16xf32>
        %eq3A_1108 = arith.constant 12 : i32
        %eq3A_1109 = vector.broadcast %eq3A_1108 : i32 to vector<16xi32>
        %eq3A_1110 = arith.cmpi eq, %iota3A, %eq3A_1109 : vector<16xi32>
        %select_n3A_1111 = arith.select %eq3A_1110, %add3A_1107, %select_n3A_1039 : vector<16xi1>, vector<16xf32>
        %mul3A_1112 = arith.constant 16 : i32
        %mul3A_1113 = arith.muli %scan3A_146, %mul3A_1112 : i32
        %add3A_1114 = arith.constant 256 : i32
        %add3A_1115 = arith.addi %add3A_1114, %mul3A_1113 : i32
        %add3A_1116 = arith.constant 13 : i32
        %add3A_1117 = arith.addi %add3A_1115, %add3A_1116 : i32
        %get3A_1118 = arith.index_cast %add3A_1117 : i32 to index
        %get3A_1119 = arith.constant 0 : index
        %get3A_1120 = tpu.vector_load %arg7[%get3A_1118, %get3A_1119] {strides = array<i32>} : memref<512x128xf32, #tpu.memory_space<vmem>>, vector<1x16xf32>,
        %get3A_1121 = vector.shape_cast %get3A_1120 : vector<1x16xf32> to vector<16xf32>
        %sub3A_1122 = arith.subf %get3A_1121, %get3A_177 : vector<16xf32>
        %mul3A_1123 = arith.mulf %sub3A_1122, %sub3A_1122 : vector<16xf32>
        %xor3A_1124 = arith.constant 1 : i32
        %xor3A_1125 = vector.broadcast %xor3A_1124 : i32 to vector<16xi32>
        %xor3A_1126 = arith.xori %iota3A, %xor3A_1125 : vector<16xi32>
        %lt3A_1127 = arith.constant 0 : i32
        %lt3A_1128 = vector.broadcast %lt3A_1127 : i32 to vector<16xi32>
        %lt3A_1129 = arith.cmpi slt, %xor3A_1126, %lt3A_1128 : vector<16xi32>
        %add3A_1130 = arith.constant 16 : i32
        %add3A_1131 = vector.broadcast %add3A_1130 : i32 to vector<16xi32>
        %add3A_1132 = arith.addi %xor3A_1126, %add3A_1131 : vector<16xi32>
        %select_n3A_1133 = arith.select %lt3A_1129, %add3A_1132, %xor3A_1126 : vector<16xi1>, vector<16xi32>
        %broadcast_in_dim3A_1134 = vector.shape_cast %select_n3A_1133 : vector<16xi32> to vector<16x1xi32>
        %gather3A_1135 = vector.shape_cast %broadcast_in_dim3A_1134 : vector<16x1xi32> to vector<16xi32>
        %gather3A_1136 = tpu.dynamic_gather %mul3A_1123[%gather3A_1135] in [0] : vector<16xf32>, vector<16xi32> -> vector<16xf32>
        %add3A_1137 = arith.addf %mul3A_1123, %gather3A_1136 : vector<16xf32>
        %xor3A_1138 = arith.constant 2 : i32
        %xor3A_1139 = vector.broadcast %xor3A_1138 : i32 to vector<16xi32>
        %xor3A_1140 = arith.xori %iota3A, %xor3A_1139 : vector<16xi32>
        %lt3A_1141 = arith.constant 0 : i32
        %lt3A_1142 = vector.broadcast %lt3A_1141 : i32 to vector<16xi32>
        %lt3A_1143 = arith.cmpi slt, %xor3A_1140, %lt3A_1142 : vector<16xi32>
        %add3A_1144 = arith.constant 16 : i32
        %add3A_1145 = vector.broadcast %add3A_1144 : i32 to vector<16xi32>
        %add3A_1146 = arith.addi %xor3A_1140, %add3A_1145 : vector<16xi32>
        %select_n3A_1147 = arith.select %lt3A_1143, %add3A_1146, %xor3A_1140 : vector<16xi1>, vector<16xi32>
        %broadcast_in_dim3A_1148 = vector.shape_cast %select_n3A_1147 : vector<16xi32> to vector<16x1xi32>
        %gather3A_1149 = vector.shape_cast %broadcast_in_dim3A_1148 : vector<16x1xi32> to vector<16xi32>
        %gather3A_1150 = tpu.dynamic_gather %add3A_1137[%gather3A_1149] in [0] : vector<16xf32>, vector<16xi32> -> vector<16xf32>
        %add3A_1151 = arith.addf %add3A_1137, %gather3A_1150 : vector<16xf32>
        %xor3A_1152 = arith.constant 4 : i32
        %xor3A_1153 = vector.broadcast %xor3A_1152 : i32 to vector<16xi32>
        %xor3A_1154 = arith.xori %iota3A, %xor3A_1153 : vector<16xi32>
        %lt3A_1155 = arith.constant 0 : i32
        %lt3A_1156 = vector.broadcast %lt3A_1155 : i32 to vector<16xi32>
        %lt3A_1157 = arith.cmpi slt, %xor3A_1154, %lt3A_1156 : vector<16xi32>
        %add3A_1158 = arith.constant 16 : i32
        %add3A_1159 = vector.broadcast %add3A_1158 : i32 to vector<16xi32>
        %add3A_1160 = arith.addi %xor3A_1154, %add3A_1159 : vector<16xi32>
        %select_n3A_1161 = arith.select %lt3A_1157, %add3A_1160, %xor3A_1154 : vector<16xi1>, vector<16xi32>
        %broadcast_in_dim3A_1162 = vector.shape_cast %select_n3A_1161 : vector<16xi32> to vector<16x1xi32>
        %gather3A_1163 = vector.shape_cast %broadcast_in_dim3A_1162 : vector<16x1xi32> to vector<16xi32>
        %gather3A_1164 = tpu.dynamic_gather %add3A_1151[%gather3A_1163] in [0] : vector<16xf32>, vector<16xi32> -> vector<16xf32>
        %add3A_1165 = arith.addf %add3A_1151, %gather3A_1164 : vector<16xf32>
        %xor3A_1166 = arith.constant 8 : i32
        %xor3A_1167 = vector.broadcast %xor3A_1166 : i32 to vector<16xi32>
        %xor3A_1168 = arith.xori %iota3A, %xor3A_1167 : vector<16xi32>
        %lt3A_1169 = arith.constant 0 : i32
        %lt3A_1170 = vector.broadcast %lt3A_1169 : i32 to vector<16xi32>
        %lt3A_1171 = arith.cmpi slt, %xor3A_1168, %lt3A_1170 : vector<16xi32>
        %add3A_1172 = arith.constant 16 : i32
        %add3A_1173 = vector.broadcast %add3A_1172 : i32 to vector<16xi32>
        %add3A_1174 = arith.addi %xor3A_1168, %add3A_1173 : vector<16xi32>
        %select_n3A_1175 = arith.select %lt3A_1171, %add3A_1174, %xor3A_1168 : vector<16xi1>, vector<16xi32>
        %broadcast_in_dim3A_1176 = vector.shape_cast %select_n3A_1175 : vector<16xi32> to vector<16x1xi32>
        %gather3A_1177 = vector.shape_cast %broadcast_in_dim3A_1176 : vector<16x1xi32> to vector<16xi32>
        %gather3A_1178 = tpu.dynamic_gather %add3A_1165[%gather3A_1177] in [0] : vector<16xf32>, vector<16xi32> -> vector<16xf32>
        %add3A_1179 = arith.addf %add3A_1165, %gather3A_1178 : vector<16xf32>
        %eq3A_1180 = arith.constant 13 : i32
        %eq3A_1181 = vector.broadcast %eq3A_1180 : i32 to vector<16xi32>
        %eq3A_1182 = arith.cmpi eq, %iota3A, %eq3A_1181 : vector<16xi32>
        %select_n3A_1183 = arith.select %eq3A_1182, %add3A_1179, %select_n3A_1111 : vector<16xi1>, vector<16xf32>
        %mul3A_1184 = arith.constant 16 : i32
        %mul3A_1185 = arith.muli %scan3A_146, %mul3A_1184 : i32
        %add3A_1186 = arith.constant 256 : i32
        %add3A_1187 = arith.addi %add3A_1186, %mul3A_1185 : i32
        %add3A_1188 = arith.constant 14 : i32
        %add3A_1189 = arith.addi %add3A_1187, %add3A_1188 : i32
        %get3A_1190 = arith.index_cast %add3A_1189 : i32 to index
        %get3A_1191 = arith.constant 0 : index
        %get3A_1192 = tpu.vector_load %arg7[%get3A_1190, %get3A_1191] {strides = array<i32>} : memref<512x128xf32, #tpu.memory_space<vmem>>, vector<1x16xf32>,
        %get3A_1193 = vector.shape_cast %get3A_1192 : vector<1x16xf32> to vector<16xf32>
        %sub3A_1194 = arith.subf %get3A_1193, %get3A_177 : vector<16xf32>
        %mul3A_1195 = arith.mulf %sub3A_1194, %sub3A_1194 : vector<16xf32>
        %xor3A_1196 = arith.constant 1 : i32
        %xor3A_1197 = vector.broadcast %xor3A_1196 : i32 to vector<16xi32>
        %xor3A_1198 = arith.xori %iota3A, %xor3A_1197 : vector<16xi32>
        %lt3A_1199 = arith.constant 0 : i32
        %lt3A_1200 = vector.broadcast %lt3A_1199 : i32 to vector<16xi32>
        %lt3A_1201 = arith.cmpi slt, %xor3A_1198, %lt3A_1200 : vector<16xi32>
        %add3A_1202 = arith.constant 16 : i32
        %add3A_1203 = vector.broadcast %add3A_1202 : i32 to vector<16xi32>
        %add3A_1204 = arith.addi %xor3A_1198, %add3A_1203 : vector<16xi32>
        %select_n3A_1205 = arith.select %lt3A_1201, %add3A_1204, %xor3A_1198 : vector<16xi1>, vector<16xi32>
        %broadcast_in_dim3A_1206 = vector.shape_cast %select_n3A_1205 : vector<16xi32> to vector<16x1xi32>
        %gather3A_1207 = vector.shape_cast %broadcast_in_dim3A_1206 : vector<16x1xi32> to vector<16xi32>
        %gather3A_1208 = tpu.dynamic_gather %mul3A_1195[%gather3A_1207] in [0] : vector<16xf32>, vector<16xi32> -> vector<16xf32>
        %add3A_1209 = arith.addf %mul3A_1195, %gather3A_1208 : vector<16xf32>
        %xor3A_1210 = arith.constant 2 : i32
        %xor3A_1211 = vector.broadcast %xor3A_1210 : i32 to vector<16xi32>
        %xor3A_1212 = arith.xori %iota3A, %xor3A_1211 : vector<16xi32>
        %lt3A_1213 = arith.constant 0 : i32
        %lt3A_1214 = vector.broadcast %lt3A_1213 : i32 to vector<16xi32>
        %lt3A_1215 = arith.cmpi slt, %xor3A_1212, %lt3A_1214 : vector<16xi32>
        %add3A_1216 = arith.constant 16 : i32
        %add3A_1217 = vector.broadcast %add3A_1216 : i32 to vector<16xi32>
        %add3A_1218 = arith.addi %xor3A_1212, %add3A_1217 : vector<16xi32>
        %select_n3A_1219 = arith.select %lt3A_1215, %add3A_1218, %xor3A_1212 : vector<16xi1>, vector<16xi32>
        %broadcast_in_dim3A_1220 = vector.shape_cast %select_n3A_1219 : vector<16xi32> to vector<16x1xi32>
        %gather3A_1221 = vector.shape_cast %broadcast_in_dim3A_1220 : vector<16x1xi32> to vector<16xi32>
        %gather3A_1222 = tpu.dynamic_gather %add3A_1209[%gather3A_1221] in [0] : vector<16xf32>, vector<16xi32> -> vector<16xf32>
        %add3A_1223 = arith.addf %add3A_1209, %gather3A_1222 : vector<16xf32>
        %xor3A_1224 = arith.constant 4 : i32
        %xor3A_1225 = vector.broadcast %xor3A_1224 : i32 to vector<16xi32>
        %xor3A_1226 = arith.xori %iota3A, %xor3A_1225 : vector<16xi32>
        %lt3A_1227 = arith.constant 0 : i32
        %lt3A_1228 = vector.broadcast %lt3A_1227 : i32 to vector<16xi32>
        %lt3A_1229 = arith.cmpi slt, %xor3A_1226, %lt3A_1228 : vector<16xi32>
        %add3A_1230 = arith.constant 16 : i32
        %add3A_1231 = vector.broadcast %add3A_1230 : i32 to vector<16xi32>
        %add3A_1232 = arith.addi %xor3A_1226, %add3A_1231 : vector<16xi32>
        %select_n3A_1233 = arith.select %lt3A_1229, %add3A_1232, %xor3A_1226 : vector<16xi1>, vector<16xi32>
        %broadcast_in_dim3A_1234 = vector.shape_cast %select_n3A_1233 : vector<16xi32> to vector<16x1xi32>
        %gather3A_1235 = vector.shape_cast %broadcast_in_dim3A_1234 : vector<16x1xi32> to vector<16xi32>
        %gather3A_1236 = tpu.dynamic_gather %add3A_1223[%gather3A_1235] in [0] : vector<16xf32>, vector<16xi32> -> vector<16xf32>
        %add3A_1237 = arith.addf %add3A_1223, %gather3A_1236 : vector<16xf32>
        %xor3A_1238 = arith.constant 8 : i32
        %xor3A_1239 = vector.broadcast %xor3A_1238 : i32 to vector<16xi32>
        %xor3A_1240 = arith.xori %iota3A, %xor3A_1239 : vector<16xi32>
        %lt3A_1241 = arith.constant 0 : i32
        %lt3A_1242 = vector.broadcast %lt3A_1241 : i32 to vector<16xi32>
        %lt3A_1243 = arith.cmpi slt, %xor3A_1240, %lt3A_1242 : vector<16xi32>
        %add3A_1244 = arith.constant 16 : i32
        %add3A_1245 = vector.broadcast %add3A_1244 : i32 to vector<16xi32>
        %add3A_1246 = arith.addi %xor3A_1240, %add3A_1245 : vector<16xi32>
        %select_n3A_1247 = arith.select %lt3A_1243, %add3A_1246, %xor3A_1240 : vector<16xi1>, vector<16xi32>
        %broadcast_in_dim3A_1248 = vector.shape_cast %select_n3A_1247 : vector<16xi32> to vector<16x1xi32>
        %gather3A_1249 = vector.shape_cast %broadcast_in_dim3A_1248 : vector<16x1xi32> to vector<16xi32>
        %gather3A_1250 = tpu.dynamic_gather %add3A_1237[%gather3A_1249] in [0] : vector<16xf32>, vector<16xi32> -> vector<16xf32>
        %add3A_1251 = arith.addf %add3A_1237, %gather3A_1250 : vector<16xf32>
        %eq3A_1252 = arith.constant 14 : i32
        %eq3A_1253 = vector.broadcast %eq3A_1252 : i32 to vector<16xi32>
        %eq3A_1254 = arith.cmpi eq, %iota3A, %eq3A_1253 : vector<16xi32>
        %select_n3A_1255 = arith.select %eq3A_1254, %add3A_1251, %select_n3A_1183 : vector<16xi1>, vector<16xf32>
        %mul3A_1256 = arith.constant 16 : i32
        %mul3A_1257 = arith.muli %scan3A_146, %mul3A_1256 : i32
        %add3A_1258 = arith.constant 256 : i32
        %add3A_1259 = arith.addi %add3A_1258, %mul3A_1257 : i32
        %add3A_1260 = arith.constant 15 : i32
        %add3A_1261 = arith.addi %add3A_1259, %add3A_1260 : i32
        %get3A_1262 = arith.index_cast %add3A_1261 : i32 to index
        %get3A_1263 = arith.constant 0 : index
        %get3A_1264 = tpu.vector_load %arg7[%get3A_1262, %get3A_1263] {strides = array<i32>} : memref<512x128xf32, #tpu.memory_space<vmem>>, vector<1x16xf32>,
        %get3A_1265 = vector.shape_cast %get3A_1264 : vector<1x16xf32> to vector<16xf32>
        %sub3A_1266 = arith.subf %get3A_1265, %get3A_177 : vector<16xf32>
        %mul3A_1267 = arith.mulf %sub3A_1266, %sub3A_1266 : vector<16xf32>
        %xor3A_1268 = arith.constant 1 : i32
        %xor3A_1269 = vector.broadcast %xor3A_1268 : i32 to vector<16xi32>
        %xor3A_1270 = arith.xori %iota3A, %xor3A_1269 : vector<16xi32>
        %lt3A_1271 = arith.constant 0 : i32
        %lt3A_1272 = vector.broadcast %lt3A_1271 : i32 to vector<16xi32>
        %lt3A_1273 = arith.cmpi slt, %xor3A_1270, %lt3A_1272 : vector<16xi32>
        %add3A_1274 = arith.constant 16 : i32
        %add3A_1275 = vector.broadcast %add3A_1274 : i32 to vector<16xi32>
        %add3A_1276 = arith.addi %xor3A_1270, %add3A_1275 : vector<16xi32>
        %select_n3A_1277 = arith.select %lt3A_1273, %add3A_1276, %xor3A_1270 : vector<16xi1>, vector<16xi32>
        %broadcast_in_dim3A_1278 = vector.shape_cast %select_n3A_1277 : vector<16xi32> to vector<16x1xi32>
        %gather3A_1279 = vector.shape_cast %broadcast_in_dim3A_1278 : vector<16x1xi32> to vector<16xi32>
        %gather3A_1280 = tpu.dynamic_gather %mul3A_1267[%gather3A_1279] in [0] : vector<16xf32>, vector<16xi32> -> vector<16xf32>
        %add3A_1281 = arith.addf %mul3A_1267, %gather3A_1280 : vector<16xf32>
        %xor3A_1282 = arith.constant 2 : i32
        %xor3A_1283 = vector.broadcast %xor3A_1282 : i32 to vector<16xi32>
        %xor3A_1284 = arith.xori %iota3A, %xor3A_1283 : vector<16xi32>
        %lt3A_1285 = arith.constant 0 : i32
        %lt3A_1286 = vector.broadcast %lt3A_1285 : i32 to vector<16xi32>
        %lt3A_1287 = arith.cmpi slt, %xor3A_1284, %lt3A_1286 : vector<16xi32>
        %add3A_1288 = arith.constant 16 : i32
        %add3A_1289 = vector.broadcast %add3A_1288 : i32 to vector<16xi32>
        %add3A_1290 = arith.addi %xor3A_1284, %add3A_1289 : vector<16xi32>
        %select_n3A_1291 = arith.select %lt3A_1287, %add3A_1290, %xor3A_1284 : vector<16xi1>, vector<16xi32>
        %broadcast_in_dim3A_1292 = vector.shape_cast %select_n3A_1291 : vector<16xi32> to vector<16x1xi32>
        %gather3A_1293 = vector.shape_cast %broadcast_in_dim3A_1292 : vector<16x1xi32> to vector<16xi32>
        %gather3A_1294 = tpu.dynamic_gather %add3A_1281[%gather3A_1293] in [0] : vector<16xf32>, vector<16xi32> -> vector<16xf32>
        %add3A_1295 = arith.addf %add3A_1281, %gather3A_1294 : vector<16xf32>
        %xor3A_1296 = arith.constant 4 : i32
        %xor3A_1297 = vector.broadcast %xor3A_1296 : i32 to vector<16xi32>
        %xor3A_1298 = arith.xori %iota3A, %xor3A_1297 : vector<16xi32>
        %lt3A_1299 = arith.constant 0 : i32
        %lt3A_1300 = vector.broadcast %lt3A_1299 : i32 to vector<16xi32>
        %lt3A_1301 = arith.cmpi slt, %xor3A_1298, %lt3A_1300 : vector<16xi32>
        %add3A_1302 = arith.constant 16 : i32
        %add3A_1303 = vector.broadcast %add3A_1302 : i32 to vector<16xi32>
        %add3A_1304 = arith.addi %xor3A_1298, %add3A_1303 : vector<16xi32>
        %select_n3A_1305 = arith.select %lt3A_1301, %add3A_1304, %xor3A_1298 : vector<16xi1>, vector<16xi32>
        %broadcast_in_dim3A_1306 = vector.shape_cast %select_n3A_1305 : vector<16xi32> to vector<16x1xi32>
        %gather3A_1307 = vector.shape_cast %broadcast_in_dim3A_1306 : vector<16x1xi32> to vector<16xi32>
        %gather3A_1308 = tpu.dynamic_gather %add3A_1295[%gather3A_1307] in [0] : vector<16xf32>, vector<16xi32> -> vector<16xf32>
        %add3A_1309 = arith.addf %add3A_1295, %gather3A_1308 : vector<16xf32>
        %xor3A_1310 = arith.constant 8 : i32
        %xor3A_1311 = vector.broadcast %xor3A_1310 : i32 to vector<16xi32>
        %xor3A_1312 = arith.xori %iota3A, %xor3A_1311 : vector<16xi32>
        %lt3A_1313 = arith.constant 0 : i32
        %lt3A_1314 = vector.broadcast %lt3A_1313 : i32 to vector<16xi32>
        %lt3A_1315 = arith.cmpi slt, %xor3A_1312, %lt3A_1314 : vector<16xi32>
        %add3A_1316 = arith.constant 16 : i32
        %add3A_1317 = vector.broadcast %add3A_1316 : i32 to vector<16xi32>
        %add3A_1318 = arith.addi %xor3A_1312, %add3A_1317 : vector<16xi32>
        %select_n3A_1319 = arith.select %lt3A_1315, %add3A_1318, %xor3A_1312 : vector<16xi1>, vector<16xi32>
        %broadcast_in_dim3A_1320 = vector.shape_cast %select_n3A_1319 : vector<16xi32> to vector<16x1xi32>
        %gather3A_1321 = vector.shape_cast %broadcast_in_dim3A_1320 : vector<16x1xi32> to vector<16xi32>
        %gather3A_1322 = tpu.dynamic_gather %add3A_1309[%gather3A_1321] in [0] : vector<16xf32>, vector<16xi32> -> vector<16xf32>
        %add3A_1323 = arith.addf %add3A_1309, %gather3A_1322 : vector<16xf32>
        %eq3A_1324 = arith.constant 15 : i32
        %eq3A_1325 = vector.broadcast %eq3A_1324 : i32 to vector<16xi32>
        %eq3A_1326 = arith.cmpi eq, %iota3A, %eq3A_1325 : vector<16xi32>
        %select_n3A_1327 = arith.select %eq3A_1326, %add3A_1323, %select_n3A_1255 : vector<16xi1>, vector<16xf32>
        %bitcast_convert_type3A = tpu.bitcast %select_n3A_1327 : vector<16xf32> -> vector<16xi32>
        %shift_right_logical3A = arith.constant 1 : i32
        %shift_right_logical3A_1328 = vector.broadcast %shift_right_logical3A : i32 to vector<16xi32>
        %shift_right_logical3A_1329 = arith.shrui %bitcast_convert_type3A, %shift_right_logical3A_1328 : vector<16xi32>
        %add3A_1330 = arith.constant 532487669 : i32
        %add3A_1331 = vector.broadcast %add3A_1330 : i32 to vector<16xi32>
        %add3A_1332 = arith.addi %add3A_1331, %shift_right_logical3A_1329 : vector<16xi32>
        %bitcast_convert_type3A_1333 = tpu.bitcast %add3A_1332 : vector<16xi32> -> vector<16xf32>
        %div3A_1334 = arith.divf %select_n3A_1327, %bitcast_convert_type3A_1333 : vector<16xf32>
        %add3A_1335 = arith.addf %bitcast_convert_type3A_1333, %div3A_1334 : vector<16xf32>
        %mul3A_1336 = arith.constant 5.000000e-01 : f32
        %mul3A_1337 = vector.broadcast %mul3A_1336 : f32 to vector<16xf32>
        %mul3A_1338 = arith.mulf %mul3A_1337, %add3A_1335 : vector<16xf32>
        %div3A_1339 = arith.divf %select_n3A_1327, %mul3A_1338 : vector<16xf32>
        %add3A_1340 = arith.addf %mul3A_1338, %div3A_1339 : vector<16xf32>
        %mul3A_1341 = arith.constant 5.000000e-01 : f32
        %mul3A_1342 = vector.broadcast %mul3A_1341 : f32 to vector<16xf32>
        %mul3A_1343 = arith.mulf %mul3A_1342, %add3A_1340 : vector<16xf32>
        %div3A_1344 = arith.divf %select_n3A_1327, %mul3A_1343 : vector<16xf32>
        %add3A_1345 = arith.addf %mul3A_1343, %div3A_1344 : vector<16xf32>
        %mul3A_1346 = arith.constant 5.000000e-01 : f32
        %mul3A_1347 = vector.broadcast %mul3A_1346 : f32 to vector<16xf32>
        %mul3A_1348 = arith.mulf %mul3A_1347, %add3A_1345 : vector<16xf32>
        %mul3A_1349 = arith.constant 16 : i32
        %mul3A_1350 = arith.muli %scan3A_146, %mul3A_1349 : i32
        %swap3A = arith.index_cast %mul3A_1350 : i32 to index
        %swap3A_1351 = tpu.vector_load %arg9[%swap3A] {strides = array<i32>} : memref<256xf32, #tpu.memory_space<vmem>>, vector<16xf32>,
        %swap3A_1352 = vector.shape_cast %swap3A_1351 : vector<16xf32> to vector<16xf32>
        %swap3A_1353 = vector.shape_cast %mul3A_1348 : vector<16xf32> to vector<16xf32>
        tpu.vector_store %arg9[%swap3A], %swap3A_1353 {strides = array<i32>} : memref<256xf32, #tpu.memory_space<vmem>>, vector<16xf32>,
        %scan3A_1354 = arith.constant 0 : i32
        scf.yield %scan3A_1354 : i32
      }
      %scan3A_140 = arith.constant 16 : i32
      %mul3A_141 = arith.constant 256 : i32
      %mul3A_142 = arith.muli %add3A_133, %mul3A_141 : i32
      %add3A_143 = arith.addi %mul3A_2, %mul3A_142 : i32
      %multiple_of3A_144 = tpu.assume_multiple %add3A_143, 256 : i32
      "tpu.region"() ({
        %run_scoped3A_146 = tpu.sem_alloc : memref<!tpu.dma_semaphore, #tpu.memory_space<semaphore_mem>>
        %dma_start3A_147 = tpu.memref_slice %arg5[%multiple_of3A_144] : memref<262144xf32, #tpu.memory_space<hbm>> -> memref<256xf32, #tpu.memory_space<hbm>>
        %dma_start3A_148 = tpu.memref_slice %arg5[%multiple_of3A_144] : memref<262144xf32, #tpu.memory_space<hbm>> -> memref<256xf32, #tpu.memory_space<hbm>>
        tpu.enqueue_dma source(%arg9 : memref<256xf32, #tpu.memory_space<vmem>>) target(%dma_start3A_148 : memref<256xf32, #tpu.memory_space<hbm>>) target_semaphore(%run_scoped3A_146 : memref<!tpu.dma_semaphore, #tpu.memory_space<semaphore_mem>>)
        %dma_wait3A_149 = tpu.memref_slice %arg5[%multiple_of3A_144] : memref<262144xf32, #tpu.memory_space<hbm>> -> memref<256xf32, #tpu.memory_space<hbm>>
        %dma_wait3A_150 = tpu.memref_slice %arg5[%multiple_of3A_144] : memref<262144xf32, #tpu.memory_space<hbm>> -> memref<256xf32, #tpu.memory_space<hbm>>
        tpu.wait_dma2 semaphore(%run_scoped3A_146 : memref<!tpu.dma_semaphore, #tpu.memory_space<semaphore_mem>>) src(%arg9 : memref<256xf32, #tpu.memory_space<vmem>>) dst(%dma_wait3A_150 : memref<256xf32, #tpu.memory_space<hbm>>)
        tpu.yield
      }) : () -> ()
      %scan3A_145 = arith.constant 0 : i32
      scf.yield %scan3A_145 : i32
    }
    %scan3A_46 = arith.constant 16 : i32
    return
  }
}

module attributes {stable_mosaic.version = 14 : i64} {
  func.func @_topk_body(%arg0: i32, %arg1: memref<16x8192xf32, #tpu.memory_space<vmem>>, %arg2: memref<512x16xf32, #tpu.memory_space<vmem>>, %arg3: memref<1x8192xf32, #tpu.memory_space<vmem>>, %arg4: memref<512x1xf32, #tpu.memory_space<vmem>>, %arg5: memref<512x32xi32, #tpu.memory_space<vmem>>, %arg6: memref<512x8192xf32, #tpu.memory_space<vmem>>) attributes {dimension_semantics = [#tpu.dimension_semantics<arbitrary>], iteration_bounds = array<i64: 16>, scalar_prefetch = 0 : i64, scratch_operands = 1 : i64, tpu.core_type = #tpu.core_type<tc>, window_params = [{pipeline_mode = #tpu.pipeline_mode<synchronous>, transform_indices = @transform_0, window_bounds = array<i64: 16, 8192>}, {transform_indices = @transform_1, window_bounds = array<i64: 512, 16>}, {pipeline_mode = #tpu.pipeline_mode<synchronous>, transform_indices = @transform_2, window_bounds = array<i64: 1, 8192>}, {transform_indices = @transform_3, window_bounds = array<i64: 512, 1>}, {transform_indices = @transform_4, window_bounds = array<i64: 512, 32>}]} {
    %get3A = arith.constant 0 : index
    %get3A_0 = arith.constant 0 : index
    %get3A_1 = vector.load %arg1[%get3A, %get3A_0] : memref<16x8192xf32, #tpu.memory_space<vmem>>, vector<16x8192xf32>
    %get3A_2 = arith.constant 0 : index
    %get3A_3 = arith.constant 0 : index
    %get3A_4 = vector.load %arg2[%get3A_2, %get3A_3] : memref<512x16xf32, #tpu.memory_space<vmem>>, vector<512x16xf32>
    %get3A_5 = arith.constant 0 : index
    %get3A_6 = arith.constant 0 : index
    %get3A_7 = vector.load %arg3[%get3A_5, %get3A_6] : memref<1x8192xf32, #tpu.memory_space<vmem>>, vector<1x8192xf32>
    %get3A_8 = arith.constant 0 : index
    %get3A_9 = arith.constant 0 : index
    %get3A_10 = vector.load %arg4[%get3A_8, %get3A_9] : memref<512x1xf32, #tpu.memory_space<vmem>>, vector<512x1xf32>
    %add3A = vector.broadcast %get3A_10 : vector<512x1xf32> to vector<512x8192xf32>
    %add3A_11 = vector.broadcast %get3A_7 : vector<1x8192xf32> to vector<512x8192xf32>
    %add3A_12 = arith.addf %add3A, %add3A_11 : vector<512x8192xf32>
    %dot_general3A = arith.constant dense<0.000000e+00> : vector<512x8192xf32>
    %dot_general3A_13 = tpu.matmul %get3A_4, %get3A_1, %dot_general3A {dimension_numbers = #tpu.dot_dimension_numbers<[1], [0], [0], [1], [0, 0, 1, 1], [], []>, transpose_lhs_hint = false} : vector<512x16xf32>, vector<16x8192xf32>, vector<512x8192xf32> -> vector<512x8192xf32>
    %mul3A = arith.constant 2.000000e+00 : f32
    %mul3A_14 = vector.broadcast %mul3A : f32 to vector<512x8192xf32>
    %mul3A_15 = arith.mulf %mul3A_14, %dot_general3A_13 : vector<512x8192xf32>
    %sub3A = arith.subf %add3A_12, %mul3A_15 : vector<512x8192xf32>
    %swap3A = arith.constant 0 : index
    %swap3A_16 = arith.constant 0 : index
    %swap3A_17 = vector.load %arg6[%swap3A, %swap3A_16] : memref<512x8192xf32, #tpu.memory_space<vmem>>, vector<512x8192xf32>
    tpu.vector_store %arg6[%swap3A, %swap3A_16], %sub3A {strides = array<i32>} : memref<512x8192xf32, #tpu.memory_space<vmem>>, vector<512x8192xf32>,
    %iota3A = tpu.iota {dimensions = array<i32: 1>} : vector<512x512xi32>
    %iota3A_18 = tpu.iota {dimensions = array<i32: 1>} : vector<512x32xi32>
    %get3A_19 = arith.constant 0 : index
    %get3A_20 = arith.constant 0 : index
    %get3A_21 = vector.load %arg6[%get3A_19, %get3A_20] : memref<512x8192xf32, #tpu.memory_space<vmem>>, vector<512x512xf32>
    %broadcast_in_dim3A = arith.constant 0 : i32
    %broadcast_in_dim3A_22 = vector.broadcast %broadcast_in_dim3A : i32 to vector<512x512xi32>
    %get3A_23 = arith.constant 0 : index
    %get3A_24 = arith.constant 512 : index
    %get3A_25 = vector.load %arg6[%get3A_23, %get3A_24] : memref<512x8192xf32, #tpu.memory_space<vmem>>, vector<512x512xf32>
    %lt3A = arith.cmpf olt, %get3A_25, %get3A_21 : vector<512x512xf32>
    %jit3A = arith.constant 1 : i32
    %broadcast_in_dim3A_26 = vector.broadcast %jit3A : i32 to vector<512x512xi32>
    %select_n3A = arith.select %lt3A, %broadcast_in_dim3A_26, %broadcast_in_dim3A_22 : vector<512x512xi1>, vector<512x512xi32>
    %select_n3A_27 = arith.select %lt3A, %get3A_25, %get3A_21 : vector<512x512xi1>, vector<512x512xf32>
    %get3A_28 = arith.constant 0 : index
    %get3A_29 = arith.constant 1024 : index
    %get3A_30 = vector.load %arg6[%get3A_28, %get3A_29] : memref<512x8192xf32, #tpu.memory_space<vmem>>, vector<512x512xf32>
    %lt3A_31 = arith.cmpf olt, %get3A_30, %select_n3A_27 : vector<512x512xf32>
    %jit3A_32 = arith.constant 2 : i32
    %broadcast_in_dim3A_33 = vector.broadcast %jit3A_32 : i32 to vector<512x512xi32>
    %select_n3A_34 = arith.select %lt3A_31, %broadcast_in_dim3A_33, %select_n3A : vector<512x512xi1>, vector<512x512xi32>
    %select_n3A_35 = arith.select %lt3A_31, %get3A_30, %select_n3A_27 : vector<512x512xi1>, vector<512x512xf32>
    %get3A_36 = arith.constant 0 : index
    %get3A_37 = arith.constant 1536 : index
    %get3A_38 = vector.load %arg6[%get3A_36, %get3A_37] : memref<512x8192xf32, #tpu.memory_space<vmem>>, vector<512x512xf32>
    %lt3A_39 = arith.cmpf olt, %get3A_38, %select_n3A_35 : vector<512x512xf32>
    %jit3A_40 = arith.constant 3 : i32
    %broadcast_in_dim3A_41 = vector.broadcast %jit3A_40 : i32 to vector<512x512xi32>
    %select_n3A_42 = arith.select %lt3A_39, %broadcast_in_dim3A_41, %select_n3A_34 : vector<512x512xi1>, vector<512x512xi32>
    %select_n3A_43 = arith.select %lt3A_39, %get3A_38, %select_n3A_35 : vector<512x512xi1>, vector<512x512xf32>
    %get3A_44 = arith.constant 0 : index
    %get3A_45 = arith.constant 2048 : index
    %get3A_46 = vector.load %arg6[%get3A_44, %get3A_45] : memref<512x8192xf32, #tpu.memory_space<vmem>>, vector<512x512xf32>
    %lt3A_47 = arith.cmpf olt, %get3A_46, %select_n3A_43 : vector<512x512xf32>
    %jit3A_48 = arith.constant 4 : i32
    %broadcast_in_dim3A_49 = vector.broadcast %jit3A_48 : i32 to vector<512x512xi32>
    %select_n3A_50 = arith.select %lt3A_47, %broadcast_in_dim3A_49, %select_n3A_42 : vector<512x512xi1>, vector<512x512xi32>
    %select_n3A_51 = arith.select %lt3A_47, %get3A_46, %select_n3A_43 : vector<512x512xi1>, vector<512x512xf32>
    %get3A_52 = arith.constant 0 : index
    %get3A_53 = arith.constant 2560 : index
    %get3A_54 = vector.load %arg6[%get3A_52, %get3A_53] : memref<512x8192xf32, #tpu.memory_space<vmem>>, vector<512x512xf32>
    %lt3A_55 = arith.cmpf olt, %get3A_54, %select_n3A_51 : vector<512x512xf32>
    %jit3A_56 = arith.constant 5 : i32
    %broadcast_in_dim3A_57 = vector.broadcast %jit3A_56 : i32 to vector<512x512xi32>
    %select_n3A_58 = arith.select %lt3A_55, %broadcast_in_dim3A_57, %select_n3A_50 : vector<512x512xi1>, vector<512x512xi32>
    %select_n3A_59 = arith.select %lt3A_55, %get3A_54, %select_n3A_51 : vector<512x512xi1>, vector<512x512xf32>
    %get3A_60 = arith.constant 0 : index
    %get3A_61 = arith.constant 3072 : index
    %get3A_62 = vector.load %arg6[%get3A_60, %get3A_61] : memref<512x8192xf32, #tpu.memory_space<vmem>>, vector<512x512xf32>
    %lt3A_63 = arith.cmpf olt, %get3A_62, %select_n3A_59 : vector<512x512xf32>
    %jit3A_64 = arith.constant 6 : i32
    %broadcast_in_dim3A_65 = vector.broadcast %jit3A_64 : i32 to vector<512x512xi32>
    %select_n3A_66 = arith.select %lt3A_63, %broadcast_in_dim3A_65, %select_n3A_58 : vector<512x512xi1>, vector<512x512xi32>
    %select_n3A_67 = arith.select %lt3A_63, %get3A_62, %select_n3A_59 : vector<512x512xi1>, vector<512x512xf32>
    %get3A_68 = arith.constant 0 : index
    %get3A_69 = arith.constant 3584 : index
    %get3A_70 = vector.load %arg6[%get3A_68, %get3A_69] : memref<512x8192xf32, #tpu.memory_space<vmem>>, vector<512x512xf32>
    %lt3A_71 = arith.cmpf olt, %get3A_70, %select_n3A_67 : vector<512x512xf32>
    %jit3A_72 = arith.constant 7 : i32
    %broadcast_in_dim3A_73 = vector.broadcast %jit3A_72 : i32 to vector<512x512xi32>
    %select_n3A_74 = arith.select %lt3A_71, %broadcast_in_dim3A_73, %select_n3A_66 : vector<512x512xi1>, vector<512x512xi32>
    %select_n3A_75 = arith.select %lt3A_71, %get3A_70, %select_n3A_67 : vector<512x512xi1>, vector<512x512xf32>
    %get3A_76 = arith.constant 0 : index
    %get3A_77 = arith.constant 4096 : index
    %get3A_78 = vector.load %arg6[%get3A_76, %get3A_77] : memref<512x8192xf32, #tpu.memory_space<vmem>>, vector<512x512xf32>
    %lt3A_79 = arith.cmpf olt, %get3A_78, %select_n3A_75 : vector<512x512xf32>
    %jit3A_80 = arith.constant 8 : i32
    %broadcast_in_dim3A_81 = vector.broadcast %jit3A_80 : i32 to vector<512x512xi32>
    %select_n3A_82 = arith.select %lt3A_79, %broadcast_in_dim3A_81, %select_n3A_74 : vector<512x512xi1>, vector<512x512xi32>
    %select_n3A_83 = arith.select %lt3A_79, %get3A_78, %select_n3A_75 : vector<512x512xi1>, vector<512x512xf32>
    %get3A_84 = arith.constant 0 : index
    %get3A_85 = arith.constant 4608 : index
    %get3A_86 = vector.load %arg6[%get3A_84, %get3A_85] : memref<512x8192xf32, #tpu.memory_space<vmem>>, vector<512x512xf32>
    %lt3A_87 = arith.cmpf olt, %get3A_86, %select_n3A_83 : vector<512x512xf32>
    %jit3A_88 = arith.constant 9 : i32
    %broadcast_in_dim3A_89 = vector.broadcast %jit3A_88 : i32 to vector<512x512xi32>
    %select_n3A_90 = arith.select %lt3A_87, %broadcast_in_dim3A_89, %select_n3A_82 : vector<512x512xi1>, vector<512x512xi32>
    %select_n3A_91 = arith.select %lt3A_87, %get3A_86, %select_n3A_83 : vector<512x512xi1>, vector<512x512xf32>
    %get3A_92 = arith.constant 0 : index
    %get3A_93 = arith.constant 5120 : index
    %get3A_94 = vector.load %arg6[%get3A_92, %get3A_93] : memref<512x8192xf32, #tpu.memory_space<vmem>>, vector<512x512xf32>
    %lt3A_95 = arith.cmpf olt, %get3A_94, %select_n3A_91 : vector<512x512xf32>
    %jit3A_96 = arith.constant 10 : i32
    %broadcast_in_dim3A_97 = vector.broadcast %jit3A_96 : i32 to vector<512x512xi32>
    %select_n3A_98 = arith.select %lt3A_95, %broadcast_in_dim3A_97, %select_n3A_90 : vector<512x512xi1>, vector<512x512xi32>
    %select_n3A_99 = arith.select %lt3A_95, %get3A_94, %select_n3A_91 : vector<512x512xi1>, vector<512x512xf32>
    %get3A_100 = arith.constant 0 : index
    %get3A_101 = arith.constant 5632 : index
    %get3A_102 = vector.load %arg6[%get3A_100, %get3A_101] : memref<512x8192xf32, #tpu.memory_space<vmem>>, vector<512x512xf32>
    %lt3A_103 = arith.cmpf olt, %get3A_102, %select_n3A_99 : vector<512x512xf32>
    %jit3A_104 = arith.constant 11 : i32
    %broadcast_in_dim3A_105 = vector.broadcast %jit3A_104 : i32 to vector<512x512xi32>
    %select_n3A_106 = arith.select %lt3A_103, %broadcast_in_dim3A_105, %select_n3A_98 : vector<512x512xi1>, vector<512x512xi32>
    %select_n3A_107 = arith.select %lt3A_103, %get3A_102, %select_n3A_99 : vector<512x512xi1>, vector<512x512xf32>
    %get3A_108 = arith.constant 0 : index
    %get3A_109 = arith.constant 6144 : index
    %get3A_110 = vector.load %arg6[%get3A_108, %get3A_109] : memref<512x8192xf32, #tpu.memory_space<vmem>>, vector<512x512xf32>
    %lt3A_111 = arith.cmpf olt, %get3A_110, %select_n3A_107 : vector<512x512xf32>
    %jit3A_112 = arith.constant 12 : i32
    %broadcast_in_dim3A_113 = vector.broadcast %jit3A_112 : i32 to vector<512x512xi32>
    %select_n3A_114 = arith.select %lt3A_111, %broadcast_in_dim3A_113, %select_n3A_106 : vector<512x512xi1>, vector<512x512xi32>
    %select_n3A_115 = arith.select %lt3A_111, %get3A_110, %select_n3A_107 : vector<512x512xi1>, vector<512x512xf32>
    %get3A_116 = arith.constant 0 : index
    %get3A_117 = arith.constant 6656 : index
    %get3A_118 = vector.load %arg6[%get3A_116, %get3A_117] : memref<512x8192xf32, #tpu.memory_space<vmem>>, vector<512x512xf32>
    %lt3A_119 = arith.cmpf olt, %get3A_118, %select_n3A_115 : vector<512x512xf32>
    %jit3A_120 = arith.constant 13 : i32
    %broadcast_in_dim3A_121 = vector.broadcast %jit3A_120 : i32 to vector<512x512xi32>
    %select_n3A_122 = arith.select %lt3A_119, %broadcast_in_dim3A_121, %select_n3A_114 : vector<512x512xi1>, vector<512x512xi32>
    %select_n3A_123 = arith.select %lt3A_119, %get3A_118, %select_n3A_115 : vector<512x512xi1>, vector<512x512xf32>
    %get3A_124 = arith.constant 0 : index
    %get3A_125 = arith.constant 7168 : index
    %get3A_126 = vector.load %arg6[%get3A_124, %get3A_125] : memref<512x8192xf32, #tpu.memory_space<vmem>>, vector<512x512xf32>
    %lt3A_127 = arith.cmpf olt, %get3A_126, %select_n3A_123 : vector<512x512xf32>
    %jit3A_128 = arith.constant 14 : i32
    %broadcast_in_dim3A_129 = vector.broadcast %jit3A_128 : i32 to vector<512x512xi32>
    %select_n3A_130 = arith.select %lt3A_127, %broadcast_in_dim3A_129, %select_n3A_122 : vector<512x512xi1>, vector<512x512xi32>
    %select_n3A_131 = arith.select %lt3A_127, %get3A_126, %select_n3A_123 : vector<512x512xi1>, vector<512x512xf32>
    %get3A_132 = arith.constant 0 : index
    %get3A_133 = arith.constant 7680 : index
    %get3A_134 = vector.load %arg6[%get3A_132, %get3A_133] : memref<512x8192xf32, #tpu.memory_space<vmem>>, vector<512x512xf32>
    %lt3A_135 = arith.cmpf olt, %get3A_134, %select_n3A_131 : vector<512x512xf32>
    %jit3A_136 = arith.constant 15 : i32
    %broadcast_in_dim3A_137 = vector.broadcast %jit3A_136 : i32 to vector<512x512xi32>
    %select_n3A_138 = arith.select %lt3A_135, %broadcast_in_dim3A_137, %select_n3A_130 : vector<512x512xi1>, vector<512x512xi32>
    %select_n3A_139 = arith.select %lt3A_135, %get3A_134, %select_n3A_131 : vector<512x512xi1>, vector<512x512xf32>
    %mul3A_140 = arith.constant 512 : i32
    %mul3A_141 = vector.broadcast %mul3A_140 : i32 to vector<512x512xi32>
    %mul3A_142 = arith.muli %select_n3A_138, %mul3A_141 : vector<512x512xi32>
    %add3A_143 = arith.addi %mul3A_142, %iota3A : vector<512x512xi32>
    %broadcast_in_dim3A_144 = arith.constant 0 : i32
    %broadcast_in_dim3A_145 = vector.broadcast %broadcast_in_dim3A_144 : i32 to vector<512x32xi32>
    %scan3A = arith.constant 1073741824 : i32
    %scan3A_146 = arith.constant 0x7F800000 : f32
    %scan3A_147 = arith.constant 0 : i32
    %scan3A_148 = arith.constant 32 : i32
    %scan3A_149 = arith.addi %scan3A_147, %scan3A_148 : i32
    %scan3A_150 = arith.constant 1 : i32
    %scan3A_151:2 = scf.for %scan3A_1279 = %scan3A_147 to %scan3A_149 step %scan3A_150 iter_args(%scan3A_1280 = %select_n3A_139, %scan3A_1281 = %broadcast_in_dim3A_145) -> (vector<512x512xf32>, vector<512x32xi32>)  : i32 {
      %reduce_min3A = arith.constant dense<0x7F800000> : vector<512xf32>
      %reduce_min3A_1282 = vector.multi_reduction <minimumf>, %scan3A_1280, %reduce_min3A [1] : vector<512x512xf32> to vector<512xf32>
      %broadcast_in_dim3A_1283 = vector.shape_cast %reduce_min3A_1282 : vector<512xf32> to vector<512x1xf32>
      %eq3A_1284 = vector.broadcast %broadcast_in_dim3A_1283 : vector<512x1xf32> to vector<512x512xf32>
      %eq3A_1285 = arith.cmpf oeq, %scan3A_1280, %eq3A_1284 : vector<512x512xf32>
      %broadcast_in_dim3A_1286 = vector.broadcast %scan3A : i32 to vector<512x512xi32>
      %select_n3A_1287 = arith.select %eq3A_1285, %add3A_143, %broadcast_in_dim3A_1286 : vector<512x512xi1>, vector<512x512xi32>
      %reduce_min3A_1288 = arith.constant dense<2147483647> : vector<512xi32>
      %reduce_min3A_1289 = vector.multi_reduction <minsi>, %select_n3A_1287, %reduce_min3A_1288 [1] : vector<512x512xi32> to vector<512xi32>
      %broadcast_in_dim3A_1290 = vector.shape_cast %reduce_min3A_1289 : vector<512xi32> to vector<512x1xi32>
      %jit3A_1291 = arith.constant 512 : i32
      %eq3A_1292 = arith.constant 0 : i32
      %eq3A_1293 = arith.cmpi eq, %jit3A_1291, %eq3A_1292 : i32
      %jit3A_1294 = arith.constant 1 : i32
      %select_n3A_1295 = arith.select %eq3A_1293, %jit3A_1294, %jit3A_1291 : i32
      %rem3A_1296 = vector.broadcast %select_n3A_1295 : i32 to vector<512x1xi32>
      %rem3A_1297 = arith.remsi %broadcast_in_dim3A_1290, %rem3A_1296 : vector<512x1xi32>
      %ne3A_1298 = arith.constant 0 : i32
      %ne3A_1299 = vector.broadcast %ne3A_1298 : i32 to vector<512x1xi32>
      %ne3A_1300 = arith.cmpi ne, %rem3A_1297, %ne3A_1299 : vector<512x1xi32>
      %lt3A_1301 = arith.constant 0 : i32
      %lt3A_1302 = vector.broadcast %lt3A_1301 : i32 to vector<512x1xi32>
      %lt3A_1303 = arith.cmpi slt, %rem3A_1297, %lt3A_1302 : vector<512x1xi32>
      %lt3A_1304 = arith.constant 0 : i32
      %lt3A_1305 = arith.cmpi slt, %select_n3A_1295, %lt3A_1304 : i32
      %ne3A_1306 = vector.broadcast %lt3A_1305 : i1 to vector<512x1xi1>
      %ne3A_1307 = vector.broadcast %ne3A_1306 : vector<512x1xi1> to vector<512x1xi1>
      %ne3A_1308 = arith.xori %lt3A_1303, %ne3A_1307 : vector<512x1xi1>
      %and3A_1309 = arith.andi %ne3A_1308, %ne3A_1300 : vector<512x1xi1>
      %add3A_1310 = vector.broadcast %select_n3A_1295 : i32 to vector<512x1xi32>
      %add3A_1311 = arith.addi %rem3A_1297, %add3A_1310 : vector<512x1xi32>
      %select_n3A_1312 = arith.select %and3A_1309, %add3A_1311, %rem3A_1297 : vector<512x1xi1>, vector<512x1xi32>
      %eq3A_1313 = vector.broadcast %scan3A_1279 : i32 to vector<512x32xi32>
      %eq3A_1314 = arith.cmpi eq, %iota3A_18, %eq3A_1313 : vector<512x32xi32>
      %broadcast_in_dim3A_1315 = vector.shape_cast %select_n3A_1312 : vector<512x1xi32> to vector<512x1xi32>
      %broadcast_in_dim3A_1316 = vector.broadcast %broadcast_in_dim3A_1315 : vector<512x1xi32> to vector<512x32xi32>
      %select_n3A_1317 = arith.select %eq3A_1314, %broadcast_in_dim3A_1316, %scan3A_1281 : vector<512x32xi1>, vector<512x32xi32>
      %eq3A_1318 = vector.broadcast %select_n3A_1312 : vector<512x1xi32> to vector<512x512xi32>
      %eq3A_1319 = arith.cmpi eq, %iota3A, %eq3A_1318 : vector<512x512xi32>
      %broadcast_in_dim3A_1320 = vector.broadcast %scan3A_146 : f32 to vector<512x512xf32>
      %select_n3A_1321 = arith.select %eq3A_1319, %broadcast_in_dim3A_1320, %scan3A_1280 : vector<512x512xi1>, vector<512x512xf32>
      scf.yield %select_n3A_1321, %select_n3A_1317 : vector<512x512xf32>, vector<512x32xi32>
    }
    %scan3A_152 = arith.constant 32 : i32
    %jit3A_153 = arith.constant 128 : i32
    %eq3A = arith.constant 0 : i32
    %eq3A_154 = arith.cmpi eq, %jit3A_153, %eq3A : i32
    %jit3A_155 = arith.constant 1 : i32
    %select_n3A_156 = arith.select %eq3A_154, %jit3A_155, %jit3A_153 : i32
    %rem3A = vector.broadcast %select_n3A_156 : i32 to vector<512x32xi32>
    %rem3A_157 = arith.remsi %scan3A_151#1, %rem3A : vector<512x32xi32>
    %ne3A = arith.constant 0 : i32
    %ne3A_158 = vector.broadcast %ne3A : i32 to vector<512x32xi32>
    %ne3A_159 = arith.cmpi ne, %rem3A_157, %ne3A_158 : vector<512x32xi32>
    %lt3A_160 = arith.constant 0 : i32
    %lt3A_161 = vector.broadcast %lt3A_160 : i32 to vector<512x32xi32>
    %lt3A_162 = arith.cmpi slt, %rem3A_157, %lt3A_161 : vector<512x32xi32>
    %lt3A_163 = arith.constant 0 : i32
    %lt3A_164 = arith.cmpi slt, %select_n3A_156, %lt3A_163 : i32
    %ne3A_165 = vector.broadcast %lt3A_164 : i1 to vector<512x32xi1>
    %ne3A_166 = vector.broadcast %ne3A_165 : vector<512x32xi1> to vector<512x32xi1>
    %ne3A_167 = arith.xori %lt3A_162, %ne3A_166 : vector<512x32xi1>
    %and3A = arith.andi %ne3A_167, %ne3A_159 : vector<512x32xi1>
    %add3A_168 = vector.broadcast %select_n3A_156 : i32 to vector<512x32xi32>
    %add3A_169 = arith.addi %rem3A_157, %add3A_168 : vector<512x32xi32>
    %select_n3A_170 = arith.select %and3A, %add3A_169, %rem3A_157 : vector<512x32xi1>, vector<512x32xi32>
    %jit3A_171 = arith.constant 128 : i32
    %div3A = vector.broadcast %jit3A_171 : i32 to vector<512x32xi32>
    %div3A_172 = arith.divsi %scan3A_151#1, %div3A : vector<512x32xi32>
    %sign3A = arith.constant 0 : i32
    %sign3A_173 = vector.broadcast %sign3A : i32 to vector<512x32xi32>
    %sign3A_174 = arith.cmpi sgt, %scan3A_151#1, %sign3A_173 : vector<512x32xi32>
    %sign3A_175 = arith.extui %sign3A_174 : vector<512x32xi1> to vector<512x32xi32>
    %sign3A_176 = arith.constant 0 : i32
    %sign3A_177 = vector.broadcast %sign3A_176 : i32 to vector<512x32xi32>
    %sign3A_178 = arith.cmpi slt, %scan3A_151#1, %sign3A_177 : vector<512x32xi32>
    %sign3A_179 = arith.extui %sign3A_178 : vector<512x32xi1> to vector<512x32xi32>
    %sign3A_180 = arith.subi %sign3A_175, %sign3A_179 : vector<512x32xi32>
    %sign3A_181 = arith.constant 0 : i32
    %sign3A_182 = arith.cmpi sgt, %jit3A_171, %sign3A_181 : i32
    %sign3A_183 = arith.extui %sign3A_182 : i1 to i32
    %sign3A_184 = arith.constant 0 : i32
    %sign3A_185 = arith.cmpi slt, %jit3A_171, %sign3A_184 : i32
    %sign3A_186 = arith.extui %sign3A_185 : i1 to i32
    %sign3A_187 = arith.subi %sign3A_183, %sign3A_186 : i32
    %ne3A_188 = vector.broadcast %sign3A_187 : i32 to vector<512x32xi32>
    %ne3A_189 = arith.cmpi ne, %sign3A_180, %ne3A_188 : vector<512x32xi32>
    %rem3A_190 = vector.broadcast %jit3A_171 : i32 to vector<512x32xi32>
    %rem3A_191 = arith.remsi %scan3A_151#1, %rem3A_190 : vector<512x32xi32>
    %ne3A_192 = arith.constant 0 : i32
    %ne3A_193 = vector.broadcast %ne3A_192 : i32 to vector<512x32xi32>
    %ne3A_194 = arith.cmpi ne, %rem3A_191, %ne3A_193 : vector<512x32xi32>
    %and3A_195 = arith.andi %ne3A_189, %ne3A_194 : vector<512x32xi1>
    %sub3A_196 = arith.constant 1 : i32
    %sub3A_197 = vector.broadcast %sub3A_196 : i32 to vector<512x32xi32>
    %sub3A_198 = arith.subi %div3A_172, %sub3A_197 : vector<512x32xi32>
    %select_n3A_199 = arith.select %and3A_195, %sub3A_198, %div3A_172 : vector<512x32xi1>, vector<512x32xi32>
    %get3A_200 = arith.constant 0 : index
    %get3A_201 = arith.constant 0 : index
    %get3A_202 = vector.load %arg6[%get3A_200, %get3A_201] : memref<512x8192xf32, #tpu.memory_space<vmem>>, vector<512x128xf32>
    %lt3A_203 = arith.constant 0 : i32
    %lt3A_204 = vector.broadcast %lt3A_203 : i32 to vector<512x32xi32>
    %lt3A_205 = arith.cmpi slt, %select_n3A_170, %lt3A_204 : vector<512x32xi32>
    %add3A_206 = arith.constant 128 : i32
    %add3A_207 = vector.broadcast %add3A_206 : i32 to vector<512x32xi32>
    %add3A_208 = arith.addi %select_n3A_170, %add3A_207 : vector<512x32xi32>
    %select_n3A_209 = arith.select %lt3A_205, %add3A_208, %select_n3A_170 : vector<512x32xi1>, vector<512x32xi32>
    %reshape3A = vector.shape_cast %select_n3A_209 : vector<512x32xi32> to vector<512x32x1xi32>
    %gather3A = vector.shape_cast %reshape3A : vector<512x32x1xi32> to vector<512x32xi32>
    %gather3A_210 = tpu.dynamic_gather %get3A_202[%gather3A] in [1] : vector<512x128xf32>, vector<512x32xi32> -> vector<512x32xf32>
    %get3A_211 = arith.constant 0 : index
    %get3A_212 = arith.constant 128 : index
    %get3A_213 = vector.load %arg6[%get3A_211, %get3A_212] : memref<512x8192xf32, #tpu.memory_space<vmem>>, vector<512x128xf32>
    %lt3A_214 = arith.constant 0 : i32
    %lt3A_215 = vector.broadcast %lt3A_214 : i32 to vector<512x32xi32>
    %lt3A_216 = arith.cmpi slt, %select_n3A_170, %lt3A_215 : vector<512x32xi32>
    %add3A_217 = arith.constant 128 : i32
    %add3A_218 = vector.broadcast %add3A_217 : i32 to vector<512x32xi32>
    %add3A_219 = arith.addi %select_n3A_170, %add3A_218 : vector<512x32xi32>
    %select_n3A_220 = arith.select %lt3A_216, %add3A_219, %select_n3A_170 : vector<512x32xi1>, vector<512x32xi32>
    %reshape3A_221 = vector.shape_cast %select_n3A_220 : vector<512x32xi32> to vector<512x32x1xi32>
    %gather3A_222 = vector.shape_cast %reshape3A_221 : vector<512x32x1xi32> to vector<512x32xi32>
    %gather3A_223 = tpu.dynamic_gather %get3A_213[%gather3A_222] in [1] : vector<512x128xf32>, vector<512x32xi32> -> vector<512x32xf32>
    %eq3A_224 = arith.constant 1 : i32
    %eq3A_225 = vector.broadcast %eq3A_224 : i32 to vector<512x32xi32>
    %eq3A_226 = arith.cmpi eq, %select_n3A_199, %eq3A_225 : vector<512x32xi32>
    %select_n3A_227 = arith.select %eq3A_226, %gather3A_223, %gather3A_210 : vector<512x32xi1>, vector<512x32xf32>
    %get3A_228 = arith.constant 0 : index
    %get3A_229 = arith.constant 256 : index
    %get3A_230 = vector.load %arg6[%get3A_228, %get3A_229] : memref<512x8192xf32, #tpu.memory_space<vmem>>, vector<512x128xf32>
    %lt3A_231 = arith.constant 0 : i32
    %lt3A_232 = vector.broadcast %lt3A_231 : i32 to vector<512x32xi32>
    %lt3A_233 = arith.cmpi slt, %select_n3A_170, %lt3A_232 : vector<512x32xi32>
    %add3A_234 = arith.constant 128 : i32
    %add3A_235 = vector.broadcast %add3A_234 : i32 to vector<512x32xi32>
    %add3A_236 = arith.addi %select_n3A_170, %add3A_235 : vector<512x32xi32>
    %select_n3A_237 = arith.select %lt3A_233, %add3A_236, %select_n3A_170 : vector<512x32xi1>, vector<512x32xi32>
    %reshape3A_238 = vector.shape_cast %select_n3A_237 : vector<512x32xi32> to vector<512x32x1xi32>
    %gather3A_239 = vector.shape_cast %reshape3A_238 : vector<512x32x1xi32> to vector<512x32xi32>
    %gather3A_240 = tpu.dynamic_gather %get3A_230[%gather3A_239] in [1] : vector<512x128xf32>, vector<512x32xi32> -> vector<512x32xf32>
    %eq3A_241 = arith.constant 2 : i32
    %eq3A_242 = vector.broadcast %eq3A_241 : i32 to vector<512x32xi32>
    %eq3A_243 = arith.cmpi eq, %select_n3A_199, %eq3A_242 : vector<512x32xi32>
    %select_n3A_244 = arith.select %eq3A_243, %gather3A_240, %select_n3A_227 : vector<512x32xi1>, vector<512x32xf32>
    %get3A_245 = arith.constant 0 : index
    %get3A_246 = arith.constant 384 : index
    %get3A_247 = vector.load %arg6[%get3A_245, %get3A_246] : memref<512x8192xf32, #tpu.memory_space<vmem>>, vector<512x128xf32>
    %lt3A_248 = arith.constant 0 : i32
    %lt3A_249 = vector.broadcast %lt3A_248 : i32 to vector<512x32xi32>
    %lt3A_250 = arith.cmpi slt, %select_n3A_170, %lt3A_249 : vector<512x32xi32>
    %add3A_251 = arith.constant 128 : i32
    %add3A_252 = vector.broadcast %add3A_251 : i32 to vector<512x32xi32>
    %add3A_253 = arith.addi %select_n3A_170, %add3A_252 : vector<512x32xi32>
    %select_n3A_254 = arith.select %lt3A_250, %add3A_253, %select_n3A_170 : vector<512x32xi1>, vector<512x32xi32>
    %reshape3A_255 = vector.shape_cast %select_n3A_254 : vector<512x32xi32> to vector<512x32x1xi32>
    %gather3A_256 = vector.shape_cast %reshape3A_255 : vector<512x32x1xi32> to vector<512x32xi32>
    %gather3A_257 = tpu.dynamic_gather %get3A_247[%gather3A_256] in [1] : vector<512x128xf32>, vector<512x32xi32> -> vector<512x32xf32>
    %eq3A_258 = arith.constant 3 : i32
    %eq3A_259 = vector.broadcast %eq3A_258 : i32 to vector<512x32xi32>
    %eq3A_260 = arith.cmpi eq, %select_n3A_199, %eq3A_259 : vector<512x32xi32>
    %select_n3A_261 = arith.select %eq3A_260, %gather3A_257, %select_n3A_244 : vector<512x32xi1>, vector<512x32xf32>
    %add3A_262 = arith.constant 0 : i32
    %add3A_263 = vector.broadcast %add3A_262 : i32 to vector<512x32xi32>
    %add3A_264 = arith.addi %add3A_263, %scan3A_151#1 : vector<512x32xi32>
    %get3A_265 = arith.constant 0 : index
    %get3A_266 = arith.constant 512 : index
    %get3A_267 = vector.load %arg6[%get3A_265, %get3A_266] : memref<512x8192xf32, #tpu.memory_space<vmem>>, vector<512x128xf32>
    %lt3A_268 = arith.constant 0 : i32
    %lt3A_269 = vector.broadcast %lt3A_268 : i32 to vector<512x32xi32>
    %lt3A_270 = arith.cmpi slt, %select_n3A_170, %lt3A_269 : vector<512x32xi32>
    %add3A_271 = arith.constant 128 : i32
    %add3A_272 = vector.broadcast %add3A_271 : i32 to vector<512x32xi32>
    %add3A_273 = arith.addi %select_n3A_170, %add3A_272 : vector<512x32xi32>
    %select_n3A_274 = arith.select %lt3A_270, %add3A_273, %select_n3A_170 : vector<512x32xi1>, vector<512x32xi32>
    %reshape3A_275 = vector.shape_cast %select_n3A_274 : vector<512x32xi32> to vector<512x32x1xi32>
    %gather3A_276 = vector.shape_cast %reshape3A_275 : vector<512x32x1xi32> to vector<512x32xi32>
    %gather3A_277 = tpu.dynamic_gather %get3A_267[%gather3A_276] in [1] : vector<512x128xf32>, vector<512x32xi32> -> vector<512x32xf32>
    %get3A_278 = arith.constant 0 : index
    %get3A_279 = arith.constant 640 : index
    %get3A_280 = vector.load %arg6[%get3A_278, %get3A_279] : memref<512x8192xf32, #tpu.memory_space<vmem>>, vector<512x128xf32>
    %lt3A_281 = arith.constant 0 : i32
    %lt3A_282 = vector.broadcast %lt3A_281 : i32 to vector<512x32xi32>
    %lt3A_283 = arith.cmpi slt, %select_n3A_170, %lt3A_282 : vector<512x32xi32>
    %add3A_284 = arith.constant 128 : i32
    %add3A_285 = vector.broadcast %add3A_284 : i32 to vector<512x32xi32>
    %add3A_286 = arith.addi %select_n3A_170, %add3A_285 : vector<512x32xi32>
    %select_n3A_287 = arith.select %lt3A_283, %add3A_286, %select_n3A_170 : vector<512x32xi1>, vector<512x32xi32>
    %reshape3A_288 = vector.shape_cast %select_n3A_287 : vector<512x32xi32> to vector<512x32x1xi32>
    %gather3A_289 = vector.shape_cast %reshape3A_288 : vector<512x32x1xi32> to vector<512x32xi32>
    %gather3A_290 = tpu.dynamic_gather %get3A_280[%gather3A_289] in [1] : vector<512x128xf32>, vector<512x32xi32> -> vector<512x32xf32>
    %eq3A_291 = arith.constant 1 : i32
    %eq3A_292 = vector.broadcast %eq3A_291 : i32 to vector<512x32xi32>
    %eq3A_293 = arith.cmpi eq, %select_n3A_199, %eq3A_292 : vector<512x32xi32>
    %select_n3A_294 = arith.select %eq3A_293, %gather3A_290, %gather3A_277 : vector<512x32xi1>, vector<512x32xf32>
    %get3A_295 = arith.constant 0 : index
    %get3A_296 = arith.constant 768 : index
    %get3A_297 = vector.load %arg6[%get3A_295, %get3A_296] : memref<512x8192xf32, #tpu.memory_space<vmem>>, vector<512x128xf32>
    %lt3A_298 = arith.constant 0 : i32
    %lt3A_299 = vector.broadcast %lt3A_298 : i32 to vector<512x32xi32>
    %lt3A_300 = arith.cmpi slt, %select_n3A_170, %lt3A_299 : vector<512x32xi32>
    %add3A_301 = arith.constant 128 : i32
    %add3A_302 = vector.broadcast %add3A_301 : i32 to vector<512x32xi32>
    %add3A_303 = arith.addi %select_n3A_170, %add3A_302 : vector<512x32xi32>
    %select_n3A_304 = arith.select %lt3A_300, %add3A_303, %select_n3A_170 : vector<512x32xi1>, vector<512x32xi32>
    %reshape3A_305 = vector.shape_cast %select_n3A_304 : vector<512x32xi32> to vector<512x32x1xi32>
    %gather3A_306 = vector.shape_cast %reshape3A_305 : vector<512x32x1xi32> to vector<512x32xi32>
    %gather3A_307 = tpu.dynamic_gather %get3A_297[%gather3A_306] in [1] : vector<512x128xf32>, vector<512x32xi32> -> vector<512x32xf32>
    %eq3A_308 = arith.constant 2 : i32
    %eq3A_309 = vector.broadcast %eq3A_308 : i32 to vector<512x32xi32>
    %eq3A_310 = arith.cmpi eq, %select_n3A_199, %eq3A_309 : vector<512x32xi32>
    %select_n3A_311 = arith.select %eq3A_310, %gather3A_307, %select_n3A_294 : vector<512x32xi1>, vector<512x32xf32>
    %get3A_312 = arith.constant 0 : index
    %get3A_313 = arith.constant 896 : index
    %get3A_314 = vector.load %arg6[%get3A_312, %get3A_313] : memref<512x8192xf32, #tpu.memory_space<vmem>>, vector<512x128xf32>
    %lt3A_315 = arith.constant 0 : i32
    %lt3A_316 = vector.broadcast %lt3A_315 : i32 to vector<512x32xi32>
    %lt3A_317 = arith.cmpi slt, %select_n3A_170, %lt3A_316 : vector<512x32xi32>
    %add3A_318 = arith.constant 128 : i32
    %add3A_319 = vector.broadcast %add3A_318 : i32 to vector<512x32xi32>
    %add3A_320 = arith.addi %select_n3A_170, %add3A_319 : vector<512x32xi32>
    %select_n3A_321 = arith.select %lt3A_317, %add3A_320, %select_n3A_170 : vector<512x32xi1>, vector<512x32xi32>
    %reshape3A_322 = vector.shape_cast %select_n3A_321 : vector<512x32xi32> to vector<512x32x1xi32>
    %gather3A_323 = vector.shape_cast %reshape3A_322 : vector<512x32x1xi32> to vector<512x32xi32>
    %gather3A_324 = tpu.dynamic_gather %get3A_314[%gather3A_323] in [1] : vector<512x128xf32>, vector<512x32xi32> -> vector<512x32xf32>
    %eq3A_325 = arith.constant 3 : i32
    %eq3A_326 = vector.broadcast %eq3A_325 : i32 to vector<512x32xi32>
    %eq3A_327 = arith.cmpi eq, %select_n3A_199, %eq3A_326 : vector<512x32xi32>
    %select_n3A_328 = arith.select %eq3A_327, %gather3A_324, %select_n3A_311 : vector<512x32xi1>, vector<512x32xf32>
    %add3A_329 = arith.constant 512 : i32
    %add3A_330 = vector.broadcast %add3A_329 : i32 to vector<512x32xi32>
    %add3A_331 = arith.addi %add3A_330, %scan3A_151#1 : vector<512x32xi32>
    %get3A_332 = arith.constant 0 : index
    %get3A_333 = arith.constant 1024 : index
    %get3A_334 = vector.load %arg6[%get3A_332, %get3A_333] : memref<512x8192xf32, #tpu.memory_space<vmem>>, vector<512x128xf32>
    %lt3A_335 = arith.constant 0 : i32
    %lt3A_336 = vector.broadcast %lt3A_335 : i32 to vector<512x32xi32>
    %lt3A_337 = arith.cmpi slt, %select_n3A_170, %lt3A_336 : vector<512x32xi32>
    %add3A_338 = arith.constant 128 : i32
    %add3A_339 = vector.broadcast %add3A_338 : i32 to vector<512x32xi32>
    %add3A_340 = arith.addi %select_n3A_170, %add3A_339 : vector<512x32xi32>
    %select_n3A_341 = arith.select %lt3A_337, %add3A_340, %select_n3A_170 : vector<512x32xi1>, vector<512x32xi32>
    %reshape3A_342 = vector.shape_cast %select_n3A_341 : vector<512x32xi32> to vector<512x32x1xi32>
    %gather3A_343 = vector.shape_cast %reshape3A_342 : vector<512x32x1xi32> to vector<512x32xi32>
    %gather3A_344 = tpu.dynamic_gather %get3A_334[%gather3A_343] in [1] : vector<512x128xf32>, vector<512x32xi32> -> vector<512x32xf32>
    %get3A_345 = arith.constant 0 : index
    %get3A_346 = arith.constant 1152 : index
    %get3A_347 = vector.load %arg6[%get3A_345, %get3A_346] : memref<512x8192xf32, #tpu.memory_space<vmem>>, vector<512x128xf32>
    %lt3A_348 = arith.constant 0 : i32
    %lt3A_349 = vector.broadcast %lt3A_348 : i32 to vector<512x32xi32>
    %lt3A_350 = arith.cmpi slt, %select_n3A_170, %lt3A_349 : vector<512x32xi32>
    %add3A_351 = arith.constant 128 : i32
    %add3A_352 = vector.broadcast %add3A_351 : i32 to vector<512x32xi32>
    %add3A_353 = arith.addi %select_n3A_170, %add3A_352 : vector<512x32xi32>
    %select_n3A_354 = arith.select %lt3A_350, %add3A_353, %select_n3A_170 : vector<512x32xi1>, vector<512x32xi32>
    %reshape3A_355 = vector.shape_cast %select_n3A_354 : vector<512x32xi32> to vector<512x32x1xi32>
    %gather3A_356 = vector.shape_cast %reshape3A_355 : vector<512x32x1xi32> to vector<512x32xi32>
    %gather3A_357 = tpu.dynamic_gather %get3A_347[%gather3A_356] in [1] : vector<512x128xf32>, vector<512x32xi32> -> vector<512x32xf32>
    %eq3A_358 = arith.constant 1 : i32
    %eq3A_359 = vector.broadcast %eq3A_358 : i32 to vector<512x32xi32>
    %eq3A_360 = arith.cmpi eq, %select_n3A_199, %eq3A_359 : vector<512x32xi32>
    %select_n3A_361 = arith.select %eq3A_360, %gather3A_357, %gather3A_344 : vector<512x32xi1>, vector<512x32xf32>
    %get3A_362 = arith.constant 0 : index
    %get3A_363 = arith.constant 1280 : index
    %get3A_364 = vector.load %arg6[%get3A_362, %get3A_363] : memref<512x8192xf32, #tpu.memory_space<vmem>>, vector<512x128xf32>
    %lt3A_365 = arith.constant 0 : i32
    %lt3A_366 = vector.broadcast %lt3A_365 : i32 to vector<512x32xi32>
    %lt3A_367 = arith.cmpi slt, %select_n3A_170, %lt3A_366 : vector<512x32xi32>
    %add3A_368 = arith.constant 128 : i32
    %add3A_369 = vector.broadcast %add3A_368 : i32 to vector<512x32xi32>
    %add3A_370 = arith.addi %select_n3A_170, %add3A_369 : vector<512x32xi32>
    %select_n3A_371 = arith.select %lt3A_367, %add3A_370, %select_n3A_170 : vector<512x32xi1>, vector<512x32xi32>
    %reshape3A_372 = vector.shape_cast %select_n3A_371 : vector<512x32xi32> to vector<512x32x1xi32>
    %gather3A_373 = vector.shape_cast %reshape3A_372 : vector<512x32x1xi32> to vector<512x32xi32>
    %gather3A_374 = tpu.dynamic_gather %get3A_364[%gather3A_373] in [1] : vector<512x128xf32>, vector<512x32xi32> -> vector<512x32xf32>
    %eq3A_375 = arith.constant 2 : i32
    %eq3A_376 = vector.broadcast %eq3A_375 : i32 to vector<512x32xi32>
    %eq3A_377 = arith.cmpi eq, %select_n3A_199, %eq3A_376 : vector<512x32xi32>
    %select_n3A_378 = arith.select %eq3A_377, %gather3A_374, %select_n3A_361 : vector<512x32xi1>, vector<512x32xf32>
    %get3A_379 = arith.constant 0 : index
    %get3A_380 = arith.constant 1408 : index
    %get3A_381 = vector.load %arg6[%get3A_379, %get3A_380] : memref<512x8192xf32, #tpu.memory_space<vmem>>, vector<512x128xf32>
    %lt3A_382 = arith.constant 0 : i32
    %lt3A_383 = vector.broadcast %lt3A_382 : i32 to vector<512x32xi32>
    %lt3A_384 = arith.cmpi slt, %select_n3A_170, %lt3A_383 : vector<512x32xi32>
    %add3A_385 = arith.constant 128 : i32
    %add3A_386 = vector.broadcast %add3A_385 : i32 to vector<512x32xi32>
    %add3A_387 = arith.addi %select_n3A_170, %add3A_386 : vector<512x32xi32>
    %select_n3A_388 = arith.select %lt3A_384, %add3A_387, %select_n3A_170 : vector<512x32xi1>, vector<512x32xi32>
    %reshape3A_389 = vector.shape_cast %select_n3A_388 : vector<512x32xi32> to vector<512x32x1xi32>
    %gather3A_390 = vector.shape_cast %reshape3A_389 : vector<512x32x1xi32> to vector<512x32xi32>
    %gather3A_391 = tpu.dynamic_gather %get3A_381[%gather3A_390] in [1] : vector<512x128xf32>, vector<512x32xi32> -> vector<512x32xf32>
    %eq3A_392 = arith.constant 3 : i32
    %eq3A_393 = vector.broadcast %eq3A_392 : i32 to vector<512x32xi32>
    %eq3A_394 = arith.cmpi eq, %select_n3A_199, %eq3A_393 : vector<512x32xi32>
    %select_n3A_395 = arith.select %eq3A_394, %gather3A_391, %select_n3A_378 : vector<512x32xi1>, vector<512x32xf32>
    %add3A_396 = arith.constant 1024 : i32
    %add3A_397 = vector.broadcast %add3A_396 : i32 to vector<512x32xi32>
    %add3A_398 = arith.addi %add3A_397, %scan3A_151#1 : vector<512x32xi32>
    %get3A_399 = arith.constant 0 : index
    %get3A_400 = arith.constant 1536 : index
    %get3A_401 = vector.load %arg6[%get3A_399, %get3A_400] : memref<512x8192xf32, #tpu.memory_space<vmem>>, vector<512x128xf32>
    %lt3A_402 = arith.constant 0 : i32
    %lt3A_403 = vector.broadcast %lt3A_402 : i32 to vector<512x32xi32>
    %lt3A_404 = arith.cmpi slt, %select_n3A_170, %lt3A_403 : vector<512x32xi32>
    %add3A_405 = arith.constant 128 : i32
    %add3A_406 = vector.broadcast %add3A_405 : i32 to vector<512x32xi32>
    %add3A_407 = arith.addi %select_n3A_170, %add3A_406 : vector<512x32xi32>
    %select_n3A_408 = arith.select %lt3A_404, %add3A_407, %select_n3A_170 : vector<512x32xi1>, vector<512x32xi32>
    %reshape3A_409 = vector.shape_cast %select_n3A_408 : vector<512x32xi32> to vector<512x32x1xi32>
    %gather3A_410 = vector.shape_cast %reshape3A_409 : vector<512x32x1xi32> to vector<512x32xi32>
    %gather3A_411 = tpu.dynamic_gather %get3A_401[%gather3A_410] in [1] : vector<512x128xf32>, vector<512x32xi32> -> vector<512x32xf32>
    %get3A_412 = arith.constant 0 : index
    %get3A_413 = arith.constant 1664 : index
    %get3A_414 = vector.load %arg6[%get3A_412, %get3A_413] : memref<512x8192xf32, #tpu.memory_space<vmem>>, vector<512x128xf32>
    %lt3A_415 = arith.constant 0 : i32
    %lt3A_416 = vector.broadcast %lt3A_415 : i32 to vector<512x32xi32>
    %lt3A_417 = arith.cmpi slt, %select_n3A_170, %lt3A_416 : vector<512x32xi32>
    %add3A_418 = arith.constant 128 : i32
    %add3A_419 = vector.broadcast %add3A_418 : i32 to vector<512x32xi32>
    %add3A_420 = arith.addi %select_n3A_170, %add3A_419 : vector<512x32xi32>
    %select_n3A_421 = arith.select %lt3A_417, %add3A_420, %select_n3A_170 : vector<512x32xi1>, vector<512x32xi32>
    %reshape3A_422 = vector.shape_cast %select_n3A_421 : vector<512x32xi32> to vector<512x32x1xi32>
    %gather3A_423 = vector.shape_cast %reshape3A_422 : vector<512x32x1xi32> to vector<512x32xi32>
    %gather3A_424 = tpu.dynamic_gather %get3A_414[%gather3A_423] in [1] : vector<512x128xf32>, vector<512x32xi32> -> vector<512x32xf32>
    %eq3A_425 = arith.constant 1 : i32
    %eq3A_426 = vector.broadcast %eq3A_425 : i32 to vector<512x32xi32>
    %eq3A_427 = arith.cmpi eq, %select_n3A_199, %eq3A_426 : vector<512x32xi32>
    %select_n3A_428 = arith.select %eq3A_427, %gather3A_424, %gather3A_411 : vector<512x32xi1>, vector<512x32xf32>
    %get3A_429 = arith.constant 0 : index
    %get3A_430 = arith.constant 1792 : index
    %get3A_431 = vector.load %arg6[%get3A_429, %get3A_430] : memref<512x8192xf32, #tpu.memory_space<vmem>>, vector<512x128xf32>
    %lt3A_432 = arith.constant 0 : i32
    %lt3A_433 = vector.broadcast %lt3A_432 : i32 to vector<512x32xi32>
    %lt3A_434 = arith.cmpi slt, %select_n3A_170, %lt3A_433 : vector<512x32xi32>
    %add3A_435 = arith.constant 128 : i32
    %add3A_436 = vector.broadcast %add3A_435 : i32 to vector<512x32xi32>
    %add3A_437 = arith.addi %select_n3A_170, %add3A_436 : vector<512x32xi32>
    %select_n3A_438 = arith.select %lt3A_434, %add3A_437, %select_n3A_170 : vector<512x32xi1>, vector<512x32xi32>
    %reshape3A_439 = vector.shape_cast %select_n3A_438 : vector<512x32xi32> to vector<512x32x1xi32>
    %gather3A_440 = vector.shape_cast %reshape3A_439 : vector<512x32x1xi32> to vector<512x32xi32>
    %gather3A_441 = tpu.dynamic_gather %get3A_431[%gather3A_440] in [1] : vector<512x128xf32>, vector<512x32xi32> -> vector<512x32xf32>
    %eq3A_442 = arith.constant 2 : i32
    %eq3A_443 = vector.broadcast %eq3A_442 : i32 to vector<512x32xi32>
    %eq3A_444 = arith.cmpi eq, %select_n3A_199, %eq3A_443 : vector<512x32xi32>
    %select_n3A_445 = arith.select %eq3A_444, %gather3A_441, %select_n3A_428 : vector<512x32xi1>, vector<512x32xf32>
    %get3A_446 = arith.constant 0 : index
    %get3A_447 = arith.constant 1920 : index
    %get3A_448 = vector.load %arg6[%get3A_446, %get3A_447] : memref<512x8192xf32, #tpu.memory_space<vmem>>, vector<512x128xf32>
    %lt3A_449 = arith.constant 0 : i32
    %lt3A_450 = vector.broadcast %lt3A_449 : i32 to vector<512x32xi32>
    %lt3A_451 = arith.cmpi slt, %select_n3A_170, %lt3A_450 : vector<512x32xi32>
    %add3A_452 = arith.constant 128 : i32
    %add3A_453 = vector.broadcast %add3A_452 : i32 to vector<512x32xi32>
    %add3A_454 = arith.addi %select_n3A_170, %add3A_453 : vector<512x32xi32>
    %select_n3A_455 = arith.select %lt3A_451, %add3A_454, %select_n3A_170 : vector<512x32xi1>, vector<512x32xi32>
    %reshape3A_456 = vector.shape_cast %select_n3A_455 : vector<512x32xi32> to vector<512x32x1xi32>
    %gather3A_457 = vector.shape_cast %reshape3A_456 : vector<512x32x1xi32> to vector<512x32xi32>
    %gather3A_458 = tpu.dynamic_gather %get3A_448[%gather3A_457] in [1] : vector<512x128xf32>, vector<512x32xi32> -> vector<512x32xf32>
    %eq3A_459 = arith.constant 3 : i32
    %eq3A_460 = vector.broadcast %eq3A_459 : i32 to vector<512x32xi32>
    %eq3A_461 = arith.cmpi eq, %select_n3A_199, %eq3A_460 : vector<512x32xi32>
    %select_n3A_462 = arith.select %eq3A_461, %gather3A_458, %select_n3A_445 : vector<512x32xi1>, vector<512x32xf32>
    %add3A_463 = arith.constant 1536 : i32
    %add3A_464 = vector.broadcast %add3A_463 : i32 to vector<512x32xi32>
    %add3A_465 = arith.addi %add3A_464, %scan3A_151#1 : vector<512x32xi32>
    %get3A_466 = arith.constant 0 : index
    %get3A_467 = arith.constant 2048 : index
    %get3A_468 = vector.load %arg6[%get3A_466, %get3A_467] : memref<512x8192xf32, #tpu.memory_space<vmem>>, vector<512x128xf32>
    %lt3A_469 = arith.constant 0 : i32
    %lt3A_470 = vector.broadcast %lt3A_469 : i32 to vector<512x32xi32>
    %lt3A_471 = arith.cmpi slt, %select_n3A_170, %lt3A_470 : vector<512x32xi32>
    %add3A_472 = arith.constant 128 : i32
    %add3A_473 = vector.broadcast %add3A_472 : i32 to vector<512x32xi32>
    %add3A_474 = arith.addi %select_n3A_170, %add3A_473 : vector<512x32xi32>
    %select_n3A_475 = arith.select %lt3A_471, %add3A_474, %select_n3A_170 : vector<512x32xi1>, vector<512x32xi32>
    %reshape3A_476 = vector.shape_cast %select_n3A_475 : vector<512x32xi32> to vector<512x32x1xi32>
    %gather3A_477 = vector.shape_cast %reshape3A_476 : vector<512x32x1xi32> to vector<512x32xi32>
    %gather3A_478 = tpu.dynamic_gather %get3A_468[%gather3A_477] in [1] : vector<512x128xf32>, vector<512x32xi32> -> vector<512x32xf32>
    %get3A_479 = arith.constant 0 : index
    %get3A_480 = arith.constant 2176 : index
    %get3A_481 = vector.load %arg6[%get3A_479, %get3A_480] : memref<512x8192xf32, #tpu.memory_space<vmem>>, vector<512x128xf32>
    %lt3A_482 = arith.constant 0 : i32
    %lt3A_483 = vector.broadcast %lt3A_482 : i32 to vector<512x32xi32>
    %lt3A_484 = arith.cmpi slt, %select_n3A_170, %lt3A_483 : vector<512x32xi32>
    %add3A_485 = arith.constant 128 : i32
    %add3A_486 = vector.broadcast %add3A_485 : i32 to vector<512x32xi32>
    %add3A_487 = arith.addi %select_n3A_170, %add3A_486 : vector<512x32xi32>
    %select_n3A_488 = arith.select %lt3A_484, %add3A_487, %select_n3A_170 : vector<512x32xi1>, vector<512x32xi32>
    %reshape3A_489 = vector.shape_cast %select_n3A_488 : vector<512x32xi32> to vector<512x32x1xi32>
    %gather3A_490 = vector.shape_cast %reshape3A_489 : vector<512x32x1xi32> to vector<512x32xi32>
    %gather3A_491 = tpu.dynamic_gather %get3A_481[%gather3A_490] in [1] : vector<512x128xf32>, vector<512x32xi32> -> vector<512x32xf32>
    %eq3A_492 = arith.constant 1 : i32
    %eq3A_493 = vector.broadcast %eq3A_492 : i32 to vector<512x32xi32>
    %eq3A_494 = arith.cmpi eq, %select_n3A_199, %eq3A_493 : vector<512x32xi32>
    %select_n3A_495 = arith.select %eq3A_494, %gather3A_491, %gather3A_478 : vector<512x32xi1>, vector<512x32xf32>
    %get3A_496 = arith.constant 0 : index
    %get3A_497 = arith.constant 2304 : index
    %get3A_498 = vector.load %arg6[%get3A_496, %get3A_497] : memref<512x8192xf32, #tpu.memory_space<vmem>>, vector<512x128xf32>
    %lt3A_499 = arith.constant 0 : i32
    %lt3A_500 = vector.broadcast %lt3A_499 : i32 to vector<512x32xi32>
    %lt3A_501 = arith.cmpi slt, %select_n3A_170, %lt3A_500 : vector<512x32xi32>
    %add3A_502 = arith.constant 128 : i32
    %add3A_503 = vector.broadcast %add3A_502 : i32 to vector<512x32xi32>
    %add3A_504 = arith.addi %select_n3A_170, %add3A_503 : vector<512x32xi32>
    %select_n3A_505 = arith.select %lt3A_501, %add3A_504, %select_n3A_170 : vector<512x32xi1>, vector<512x32xi32>
    %reshape3A_506 = vector.shape_cast %select_n3A_505 : vector<512x32xi32> to vector<512x32x1xi32>
    %gather3A_507 = vector.shape_cast %reshape3A_506 : vector<512x32x1xi32> to vector<512x32xi32>
    %gather3A_508 = tpu.dynamic_gather %get3A_498[%gather3A_507] in [1] : vector<512x128xf32>, vector<512x32xi32> -> vector<512x32xf32>
    %eq3A_509 = arith.constant 2 : i32
    %eq3A_510 = vector.broadcast %eq3A_509 : i32 to vector<512x32xi32>
    %eq3A_511 = arith.cmpi eq, %select_n3A_199, %eq3A_510 : vector<512x32xi32>
    %select_n3A_512 = arith.select %eq3A_511, %gather3A_508, %select_n3A_495 : vector<512x32xi1>, vector<512x32xf32>
    %get3A_513 = arith.constant 0 : index
    %get3A_514 = arith.constant 2432 : index
    %get3A_515 = vector.load %arg6[%get3A_513, %get3A_514] : memref<512x8192xf32, #tpu.memory_space<vmem>>, vector<512x128xf32>
    %lt3A_516 = arith.constant 0 : i32
    %lt3A_517 = vector.broadcast %lt3A_516 : i32 to vector<512x32xi32>
    %lt3A_518 = arith.cmpi slt, %select_n3A_170, %lt3A_517 : vector<512x32xi32>
    %add3A_519 = arith.constant 128 : i32
    %add3A_520 = vector.broadcast %add3A_519 : i32 to vector<512x32xi32>
    %add3A_521 = arith.addi %select_n3A_170, %add3A_520 : vector<512x32xi32>
    %select_n3A_522 = arith.select %lt3A_518, %add3A_521, %select_n3A_170 : vector<512x32xi1>, vector<512x32xi32>
    %reshape3A_523 = vector.shape_cast %select_n3A_522 : vector<512x32xi32> to vector<512x32x1xi32>
    %gather3A_524 = vector.shape_cast %reshape3A_523 : vector<512x32x1xi32> to vector<512x32xi32>
    %gather3A_525 = tpu.dynamic_gather %get3A_515[%gather3A_524] in [1] : vector<512x128xf32>, vector<512x32xi32> -> vector<512x32xf32>
    %eq3A_526 = arith.constant 3 : i32
    %eq3A_527 = vector.broadcast %eq3A_526 : i32 to vector<512x32xi32>
    %eq3A_528 = arith.cmpi eq, %select_n3A_199, %eq3A_527 : vector<512x32xi32>
    %select_n3A_529 = arith.select %eq3A_528, %gather3A_525, %select_n3A_512 : vector<512x32xi1>, vector<512x32xf32>
    %add3A_530 = arith.constant 2048 : i32
    %add3A_531 = vector.broadcast %add3A_530 : i32 to vector<512x32xi32>
    %add3A_532 = arith.addi %add3A_531, %scan3A_151#1 : vector<512x32xi32>
    %get3A_533 = arith.constant 0 : index
    %get3A_534 = arith.constant 2560 : index
    %get3A_535 = vector.load %arg6[%get3A_533, %get3A_534] : memref<512x8192xf32, #tpu.memory_space<vmem>>, vector<512x128xf32>
    %lt3A_536 = arith.constant 0 : i32
    %lt3A_537 = vector.broadcast %lt3A_536 : i32 to vector<512x32xi32>
    %lt3A_538 = arith.cmpi slt, %select_n3A_170, %lt3A_537 : vector<512x32xi32>
    %add3A_539 = arith.constant 128 : i32
    %add3A_540 = vector.broadcast %add3A_539 : i32 to vector<512x32xi32>
    %add3A_541 = arith.addi %select_n3A_170, %add3A_540 : vector<512x32xi32>
    %select_n3A_542 = arith.select %lt3A_538, %add3A_541, %select_n3A_170 : vector<512x32xi1>, vector<512x32xi32>
    %reshape3A_543 = vector.shape_cast %select_n3A_542 : vector<512x32xi32> to vector<512x32x1xi32>
    %gather3A_544 = vector.shape_cast %reshape3A_543 : vector<512x32x1xi32> to vector<512x32xi32>
    %gather3A_545 = tpu.dynamic_gather %get3A_535[%gather3A_544] in [1] : vector<512x128xf32>, vector<512x32xi32> -> vector<512x32xf32>
    %get3A_546 = arith.constant 0 : index
    %get3A_547 = arith.constant 2688 : index
    %get3A_548 = vector.load %arg6[%get3A_546, %get3A_547] : memref<512x8192xf32, #tpu.memory_space<vmem>>, vector<512x128xf32>
    %lt3A_549 = arith.constant 0 : i32
    %lt3A_550 = vector.broadcast %lt3A_549 : i32 to vector<512x32xi32>
    %lt3A_551 = arith.cmpi slt, %select_n3A_170, %lt3A_550 : vector<512x32xi32>
    %add3A_552 = arith.constant 128 : i32
    %add3A_553 = vector.broadcast %add3A_552 : i32 to vector<512x32xi32>
    %add3A_554 = arith.addi %select_n3A_170, %add3A_553 : vector<512x32xi32>
    %select_n3A_555 = arith.select %lt3A_551, %add3A_554, %select_n3A_170 : vector<512x32xi1>, vector<512x32xi32>
    %reshape3A_556 = vector.shape_cast %select_n3A_555 : vector<512x32xi32> to vector<512x32x1xi32>
    %gather3A_557 = vector.shape_cast %reshape3A_556 : vector<512x32x1xi32> to vector<512x32xi32>
    %gather3A_558 = tpu.dynamic_gather %get3A_548[%gather3A_557] in [1] : vector<512x128xf32>, vector<512x32xi32> -> vector<512x32xf32>
    %eq3A_559 = arith.constant 1 : i32
    %eq3A_560 = vector.broadcast %eq3A_559 : i32 to vector<512x32xi32>
    %eq3A_561 = arith.cmpi eq, %select_n3A_199, %eq3A_560 : vector<512x32xi32>
    %select_n3A_562 = arith.select %eq3A_561, %gather3A_558, %gather3A_545 : vector<512x32xi1>, vector<512x32xf32>
    %get3A_563 = arith.constant 0 : index
    %get3A_564 = arith.constant 2816 : index
    %get3A_565 = vector.load %arg6[%get3A_563, %get3A_564] : memref<512x8192xf32, #tpu.memory_space<vmem>>, vector<512x128xf32>
    %lt3A_566 = arith.constant 0 : i32
    %lt3A_567 = vector.broadcast %lt3A_566 : i32 to vector<512x32xi32>
    %lt3A_568 = arith.cmpi slt, %select_n3A_170, %lt3A_567 : vector<512x32xi32>
    %add3A_569 = arith.constant 128 : i32
    %add3A_570 = vector.broadcast %add3A_569 : i32 to vector<512x32xi32>
    %add3A_571 = arith.addi %select_n3A_170, %add3A_570 : vector<512x32xi32>
    %select_n3A_572 = arith.select %lt3A_568, %add3A_571, %select_n3A_170 : vector<512x32xi1>, vector<512x32xi32>
    %reshape3A_573 = vector.shape_cast %select_n3A_572 : vector<512x32xi32> to vector<512x32x1xi32>
    %gather3A_574 = vector.shape_cast %reshape3A_573 : vector<512x32x1xi32> to vector<512x32xi32>
    %gather3A_575 = tpu.dynamic_gather %get3A_565[%gather3A_574] in [1] : vector<512x128xf32>, vector<512x32xi32> -> vector<512x32xf32>
    %eq3A_576 = arith.constant 2 : i32
    %eq3A_577 = vector.broadcast %eq3A_576 : i32 to vector<512x32xi32>
    %eq3A_578 = arith.cmpi eq, %select_n3A_199, %eq3A_577 : vector<512x32xi32>
    %select_n3A_579 = arith.select %eq3A_578, %gather3A_575, %select_n3A_562 : vector<512x32xi1>, vector<512x32xf32>
    %get3A_580 = arith.constant 0 : index
    %get3A_581 = arith.constant 2944 : index
    %get3A_582 = vector.load %arg6[%get3A_580, %get3A_581] : memref<512x8192xf32, #tpu.memory_space<vmem>>, vector<512x128xf32>
    %lt3A_583 = arith.constant 0 : i32
    %lt3A_584 = vector.broadcast %lt3A_583 : i32 to vector<512x32xi32>
    %lt3A_585 = arith.cmpi slt, %select_n3A_170, %lt3A_584 : vector<512x32xi32>
    %add3A_586 = arith.constant 128 : i32
    %add3A_587 = vector.broadcast %add3A_586 : i32 to vector<512x32xi32>
    %add3A_588 = arith.addi %select_n3A_170, %add3A_587 : vector<512x32xi32>
    %select_n3A_589 = arith.select %lt3A_585, %add3A_588, %select_n3A_170 : vector<512x32xi1>, vector<512x32xi32>
    %reshape3A_590 = vector.shape_cast %select_n3A_589 : vector<512x32xi32> to vector<512x32x1xi32>
    %gather3A_591 = vector.shape_cast %reshape3A_590 : vector<512x32x1xi32> to vector<512x32xi32>
    %gather3A_592 = tpu.dynamic_gather %get3A_582[%gather3A_591] in [1] : vector<512x128xf32>, vector<512x32xi32> -> vector<512x32xf32>
    %eq3A_593 = arith.constant 3 : i32
    %eq3A_594 = vector.broadcast %eq3A_593 : i32 to vector<512x32xi32>
    %eq3A_595 = arith.cmpi eq, %select_n3A_199, %eq3A_594 : vector<512x32xi32>
    %select_n3A_596 = arith.select %eq3A_595, %gather3A_592, %select_n3A_579 : vector<512x32xi1>, vector<512x32xf32>
    %add3A_597 = arith.constant 2560 : i32
    %add3A_598 = vector.broadcast %add3A_597 : i32 to vector<512x32xi32>
    %add3A_599 = arith.addi %add3A_598, %scan3A_151#1 : vector<512x32xi32>
    %get3A_600 = arith.constant 0 : index
    %get3A_601 = arith.constant 3072 : index
    %get3A_602 = vector.load %arg6[%get3A_600, %get3A_601] : memref<512x8192xf32, #tpu.memory_space<vmem>>, vector<512x128xf32>
    %lt3A_603 = arith.constant 0 : i32
    %lt3A_604 = vector.broadcast %lt3A_603 : i32 to vector<512x32xi32>
    %lt3A_605 = arith.cmpi slt, %select_n3A_170, %lt3A_604 : vector<512x32xi32>
    %add3A_606 = arith.constant 128 : i32
    %add3A_607 = vector.broadcast %add3A_606 : i32 to vector<512x32xi32>
    %add3A_608 = arith.addi %select_n3A_170, %add3A_607 : vector<512x32xi32>
    %select_n3A_609 = arith.select %lt3A_605, %add3A_608, %select_n3A_170 : vector<512x32xi1>, vector<512x32xi32>
    %reshape3A_610 = vector.shape_cast %select_n3A_609 : vector<512x32xi32> to vector<512x32x1xi32>
    %gather3A_611 = vector.shape_cast %reshape3A_610 : vector<512x32x1xi32> to vector<512x32xi32>
    %gather3A_612 = tpu.dynamic_gather %get3A_602[%gather3A_611] in [1] : vector<512x128xf32>, vector<512x32xi32> -> vector<512x32xf32>
    %get3A_613 = arith.constant 0 : index
    %get3A_614 = arith.constant 3200 : index
    %get3A_615 = vector.load %arg6[%get3A_613, %get3A_614] : memref<512x8192xf32, #tpu.memory_space<vmem>>, vector<512x128xf32>
    %lt3A_616 = arith.constant 0 : i32
    %lt3A_617 = vector.broadcast %lt3A_616 : i32 to vector<512x32xi32>
    %lt3A_618 = arith.cmpi slt, %select_n3A_170, %lt3A_617 : vector<512x32xi32>
    %add3A_619 = arith.constant 128 : i32
    %add3A_620 = vector.broadcast %add3A_619 : i32 to vector<512x32xi32>
    %add3A_621 = arith.addi %select_n3A_170, %add3A_620 : vector<512x32xi32>
    %select_n3A_622 = arith.select %lt3A_618, %add3A_621, %select_n3A_170 : vector<512x32xi1>, vector<512x32xi32>
    %reshape3A_623 = vector.shape_cast %select_n3A_622 : vector<512x32xi32> to vector<512x32x1xi32>
    %gather3A_624 = vector.shape_cast %reshape3A_623 : vector<512x32x1xi32> to vector<512x32xi32>
    %gather3A_625 = tpu.dynamic_gather %get3A_615[%gather3A_624] in [1] : vector<512x128xf32>, vector<512x32xi32> -> vector<512x32xf32>
    %eq3A_626 = arith.constant 1 : i32
    %eq3A_627 = vector.broadcast %eq3A_626 : i32 to vector<512x32xi32>
    %eq3A_628 = arith.cmpi eq, %select_n3A_199, %eq3A_627 : vector<512x32xi32>
    %select_n3A_629 = arith.select %eq3A_628, %gather3A_625, %gather3A_612 : vector<512x32xi1>, vector<512x32xf32>
    %get3A_630 = arith.constant 0 : index
    %get3A_631 = arith.constant 3328 : index
    %get3A_632 = vector.load %arg6[%get3A_630, %get3A_631] : memref<512x8192xf32, #tpu.memory_space<vmem>>, vector<512x128xf32>
    %lt3A_633 = arith.constant 0 : i32
    %lt3A_634 = vector.broadcast %lt3A_633 : i32 to vector<512x32xi32>
    %lt3A_635 = arith.cmpi slt, %select_n3A_170, %lt3A_634 : vector<512x32xi32>
    %add3A_636 = arith.constant 128 : i32
    %add3A_637 = vector.broadcast %add3A_636 : i32 to vector<512x32xi32>
    %add3A_638 = arith.addi %select_n3A_170, %add3A_637 : vector<512x32xi32>
    %select_n3A_639 = arith.select %lt3A_635, %add3A_638, %select_n3A_170 : vector<512x32xi1>, vector<512x32xi32>
    %reshape3A_640 = vector.shape_cast %select_n3A_639 : vector<512x32xi32> to vector<512x32x1xi32>
    %gather3A_641 = vector.shape_cast %reshape3A_640 : vector<512x32x1xi32> to vector<512x32xi32>
    %gather3A_642 = tpu.dynamic_gather %get3A_632[%gather3A_641] in [1] : vector<512x128xf32>, vector<512x32xi32> -> vector<512x32xf32>
    %eq3A_643 = arith.constant 2 : i32
    %eq3A_644 = vector.broadcast %eq3A_643 : i32 to vector<512x32xi32>
    %eq3A_645 = arith.cmpi eq, %select_n3A_199, %eq3A_644 : vector<512x32xi32>
    %select_n3A_646 = arith.select %eq3A_645, %gather3A_642, %select_n3A_629 : vector<512x32xi1>, vector<512x32xf32>
    %get3A_647 = arith.constant 0 : index
    %get3A_648 = arith.constant 3456 : index
    %get3A_649 = vector.load %arg6[%get3A_647, %get3A_648] : memref<512x8192xf32, #tpu.memory_space<vmem>>, vector<512x128xf32>
    %lt3A_650 = arith.constant 0 : i32
    %lt3A_651 = vector.broadcast %lt3A_650 : i32 to vector<512x32xi32>
    %lt3A_652 = arith.cmpi slt, %select_n3A_170, %lt3A_651 : vector<512x32xi32>
    %add3A_653 = arith.constant 128 : i32
    %add3A_654 = vector.broadcast %add3A_653 : i32 to vector<512x32xi32>
    %add3A_655 = arith.addi %select_n3A_170, %add3A_654 : vector<512x32xi32>
    %select_n3A_656 = arith.select %lt3A_652, %add3A_655, %select_n3A_170 : vector<512x32xi1>, vector<512x32xi32>
    %reshape3A_657 = vector.shape_cast %select_n3A_656 : vector<512x32xi32> to vector<512x32x1xi32>
    %gather3A_658 = vector.shape_cast %reshape3A_657 : vector<512x32x1xi32> to vector<512x32xi32>
    %gather3A_659 = tpu.dynamic_gather %get3A_649[%gather3A_658] in [1] : vector<512x128xf32>, vector<512x32xi32> -> vector<512x32xf32>
    %eq3A_660 = arith.constant 3 : i32
    %eq3A_661 = vector.broadcast %eq3A_660 : i32 to vector<512x32xi32>
    %eq3A_662 = arith.cmpi eq, %select_n3A_199, %eq3A_661 : vector<512x32xi32>
    %select_n3A_663 = arith.select %eq3A_662, %gather3A_659, %select_n3A_646 : vector<512x32xi1>, vector<512x32xf32>
    %add3A_664 = arith.constant 3072 : i32
    %add3A_665 = vector.broadcast %add3A_664 : i32 to vector<512x32xi32>
    %add3A_666 = arith.addi %add3A_665, %scan3A_151#1 : vector<512x32xi32>
    %get3A_667 = arith.constant 0 : index
    %get3A_668 = arith.constant 3584 : index
    %get3A_669 = vector.load %arg6[%get3A_667, %get3A_668] : memref<512x8192xf32, #tpu.memory_space<vmem>>, vector<512x128xf32>
    %lt3A_670 = arith.constant 0 : i32
    %lt3A_671 = vector.broadcast %lt3A_670 : i32 to vector<512x32xi32>
    %lt3A_672 = arith.cmpi slt, %select_n3A_170, %lt3A_671 : vector<512x32xi32>
    %add3A_673 = arith.constant 128 : i32
    %add3A_674 = vector.broadcast %add3A_673 : i32 to vector<512x32xi32>
    %add3A_675 = arith.addi %select_n3A_170, %add3A_674 : vector<512x32xi32>
    %select_n3A_676 = arith.select %lt3A_672, %add3A_675, %select_n3A_170 : vector<512x32xi1>, vector<512x32xi32>
    %reshape3A_677 = vector.shape_cast %select_n3A_676 : vector<512x32xi32> to vector<512x32x1xi32>
    %gather3A_678 = vector.shape_cast %reshape3A_677 : vector<512x32x1xi32> to vector<512x32xi32>
    %gather3A_679 = tpu.dynamic_gather %get3A_669[%gather3A_678] in [1] : vector<512x128xf32>, vector<512x32xi32> -> vector<512x32xf32>
    %get3A_680 = arith.constant 0 : index
    %get3A_681 = arith.constant 3712 : index
    %get3A_682 = vector.load %arg6[%get3A_680, %get3A_681] : memref<512x8192xf32, #tpu.memory_space<vmem>>, vector<512x128xf32>
    %lt3A_683 = arith.constant 0 : i32
    %lt3A_684 = vector.broadcast %lt3A_683 : i32 to vector<512x32xi32>
    %lt3A_685 = arith.cmpi slt, %select_n3A_170, %lt3A_684 : vector<512x32xi32>
    %add3A_686 = arith.constant 128 : i32
    %add3A_687 = vector.broadcast %add3A_686 : i32 to vector<512x32xi32>
    %add3A_688 = arith.addi %select_n3A_170, %add3A_687 : vector<512x32xi32>
    %select_n3A_689 = arith.select %lt3A_685, %add3A_688, %select_n3A_170 : vector<512x32xi1>, vector<512x32xi32>
    %reshape3A_690 = vector.shape_cast %select_n3A_689 : vector<512x32xi32> to vector<512x32x1xi32>
    %gather3A_691 = vector.shape_cast %reshape3A_690 : vector<512x32x1xi32> to vector<512x32xi32>
    %gather3A_692 = tpu.dynamic_gather %get3A_682[%gather3A_691] in [1] : vector<512x128xf32>, vector<512x32xi32> -> vector<512x32xf32>
    %eq3A_693 = arith.constant 1 : i32
    %eq3A_694 = vector.broadcast %eq3A_693 : i32 to vector<512x32xi32>
    %eq3A_695 = arith.cmpi eq, %select_n3A_199, %eq3A_694 : vector<512x32xi32>
    %select_n3A_696 = arith.select %eq3A_695, %gather3A_692, %gather3A_679 : vector<512x32xi1>, vector<512x32xf32>
    %get3A_697 = arith.constant 0 : index
    %get3A_698 = arith.constant 3840 : index
    %get3A_699 = vector.load %arg6[%get3A_697, %get3A_698] : memref<512x8192xf32, #tpu.memory_space<vmem>>, vector<512x128xf32>
    %lt3A_700 = arith.constant 0 : i32
    %lt3A_701 = vector.broadcast %lt3A_700 : i32 to vector<512x32xi32>
    %lt3A_702 = arith.cmpi slt, %select_n3A_170, %lt3A_701 : vector<512x32xi32>
    %add3A_703 = arith.constant 128 : i32
    %add3A_704 = vector.broadcast %add3A_703 : i32 to vector<512x32xi32>
    %add3A_705 = arith.addi %select_n3A_170, %add3A_704 : vector<512x32xi32>
    %select_n3A_706 = arith.select %lt3A_702, %add3A_705, %select_n3A_170 : vector<512x32xi1>, vector<512x32xi32>
    %reshape3A_707 = vector.shape_cast %select_n3A_706 : vector<512x32xi32> to vector<512x32x1xi32>
    %gather3A_708 = vector.shape_cast %reshape3A_707 : vector<512x32x1xi32> to vector<512x32xi32>
    %gather3A_709 = tpu.dynamic_gather %get3A_699[%gather3A_708] in [1] : vector<512x128xf32>, vector<512x32xi32> -> vector<512x32xf32>
    %eq3A_710 = arith.constant 2 : i32
    %eq3A_711 = vector.broadcast %eq3A_710 : i32 to vector<512x32xi32>
    %eq3A_712 = arith.cmpi eq, %select_n3A_199, %eq3A_711 : vector<512x32xi32>
    %select_n3A_713 = arith.select %eq3A_712, %gather3A_709, %select_n3A_696 : vector<512x32xi1>, vector<512x32xf32>
    %get3A_714 = arith.constant 0 : index
    %get3A_715 = arith.constant 3968 : index
    %get3A_716 = vector.load %arg6[%get3A_714, %get3A_715] : memref<512x8192xf32, #tpu.memory_space<vmem>>, vector<512x128xf32>
    %lt3A_717 = arith.constant 0 : i32
    %lt3A_718 = vector.broadcast %lt3A_717 : i32 to vector<512x32xi32>
    %lt3A_719 = arith.cmpi slt, %select_n3A_170, %lt3A_718 : vector<512x32xi32>
    %add3A_720 = arith.constant 128 : i32
    %add3A_721 = vector.broadcast %add3A_720 : i32 to vector<512x32xi32>
    %add3A_722 = arith.addi %select_n3A_170, %add3A_721 : vector<512x32xi32>
    %select_n3A_723 = arith.select %lt3A_719, %add3A_722, %select_n3A_170 : vector<512x32xi1>, vector<512x32xi32>
    %reshape3A_724 = vector.shape_cast %select_n3A_723 : vector<512x32xi32> to vector<512x32x1xi32>
    %gather3A_725 = vector.shape_cast %reshape3A_724 : vector<512x32x1xi32> to vector<512x32xi32>
    %gather3A_726 = tpu.dynamic_gather %get3A_716[%gather3A_725] in [1] : vector<512x128xf32>, vector<512x32xi32> -> vector<512x32xf32>
    %eq3A_727 = arith.constant 3 : i32
    %eq3A_728 = vector.broadcast %eq3A_727 : i32 to vector<512x32xi32>
    %eq3A_729 = arith.cmpi eq, %select_n3A_199, %eq3A_728 : vector<512x32xi32>
    %select_n3A_730 = arith.select %eq3A_729, %gather3A_726, %select_n3A_713 : vector<512x32xi1>, vector<512x32xf32>
    %add3A_731 = arith.constant 3584 : i32
    %add3A_732 = vector.broadcast %add3A_731 : i32 to vector<512x32xi32>
    %add3A_733 = arith.addi %add3A_732, %scan3A_151#1 : vector<512x32xi32>
    %get3A_734 = arith.constant 0 : index
    %get3A_735 = arith.constant 4096 : index
    %get3A_736 = vector.load %arg6[%get3A_734, %get3A_735] : memref<512x8192xf32, #tpu.memory_space<vmem>>, vector<512x128xf32>
    %lt3A_737 = arith.constant 0 : i32
    %lt3A_738 = vector.broadcast %lt3A_737 : i32 to vector<512x32xi32>
    %lt3A_739 = arith.cmpi slt, %select_n3A_170, %lt3A_738 : vector<512x32xi32>
    %add3A_740 = arith.constant 128 : i32
    %add3A_741 = vector.broadcast %add3A_740 : i32 to vector<512x32xi32>
    %add3A_742 = arith.addi %select_n3A_170, %add3A_741 : vector<512x32xi32>
    %select_n3A_743 = arith.select %lt3A_739, %add3A_742, %select_n3A_170 : vector<512x32xi1>, vector<512x32xi32>
    %reshape3A_744 = vector.shape_cast %select_n3A_743 : vector<512x32xi32> to vector<512x32x1xi32>
    %gather3A_745 = vector.shape_cast %reshape3A_744 : vector<512x32x1xi32> to vector<512x32xi32>
    %gather3A_746 = tpu.dynamic_gather %get3A_736[%gather3A_745] in [1] : vector<512x128xf32>, vector<512x32xi32> -> vector<512x32xf32>
    %get3A_747 = arith.constant 0 : index
    %get3A_748 = arith.constant 4224 : index
    %get3A_749 = vector.load %arg6[%get3A_747, %get3A_748] : memref<512x8192xf32, #tpu.memory_space<vmem>>, vector<512x128xf32>
    %lt3A_750 = arith.constant 0 : i32
    %lt3A_751 = vector.broadcast %lt3A_750 : i32 to vector<512x32xi32>
    %lt3A_752 = arith.cmpi slt, %select_n3A_170, %lt3A_751 : vector<512x32xi32>
    %add3A_753 = arith.constant 128 : i32
    %add3A_754 = vector.broadcast %add3A_753 : i32 to vector<512x32xi32>
    %add3A_755 = arith.addi %select_n3A_170, %add3A_754 : vector<512x32xi32>
    %select_n3A_756 = arith.select %lt3A_752, %add3A_755, %select_n3A_170 : vector<512x32xi1>, vector<512x32xi32>
    %reshape3A_757 = vector.shape_cast %select_n3A_756 : vector<512x32xi32> to vector<512x32x1xi32>
    %gather3A_758 = vector.shape_cast %reshape3A_757 : vector<512x32x1xi32> to vector<512x32xi32>
    %gather3A_759 = tpu.dynamic_gather %get3A_749[%gather3A_758] in [1] : vector<512x128xf32>, vector<512x32xi32> -> vector<512x32xf32>
    %eq3A_760 = arith.constant 1 : i32
    %eq3A_761 = vector.broadcast %eq3A_760 : i32 to vector<512x32xi32>
    %eq3A_762 = arith.cmpi eq, %select_n3A_199, %eq3A_761 : vector<512x32xi32>
    %select_n3A_763 = arith.select %eq3A_762, %gather3A_759, %gather3A_746 : vector<512x32xi1>, vector<512x32xf32>
    %get3A_764 = arith.constant 0 : index
    %get3A_765 = arith.constant 4352 : index
    %get3A_766 = vector.load %arg6[%get3A_764, %get3A_765] : memref<512x8192xf32, #tpu.memory_space<vmem>>, vector<512x128xf32>
    %lt3A_767 = arith.constant 0 : i32
    %lt3A_768 = vector.broadcast %lt3A_767 : i32 to vector<512x32xi32>
    %lt3A_769 = arith.cmpi slt, %select_n3A_170, %lt3A_768 : vector<512x32xi32>
    %add3A_770 = arith.constant 128 : i32
    %add3A_771 = vector.broadcast %add3A_770 : i32 to vector<512x32xi32>
    %add3A_772 = arith.addi %select_n3A_170, %add3A_771 : vector<512x32xi32>
    %select_n3A_773 = arith.select %lt3A_769, %add3A_772, %select_n3A_170 : vector<512x32xi1>, vector<512x32xi32>
    %reshape3A_774 = vector.shape_cast %select_n3A_773 : vector<512x32xi32> to vector<512x32x1xi32>
    %gather3A_775 = vector.shape_cast %reshape3A_774 : vector<512x32x1xi32> to vector<512x32xi32>
    %gather3A_776 = tpu.dynamic_gather %get3A_766[%gather3A_775] in [1] : vector<512x128xf32>, vector<512x32xi32> -> vector<512x32xf32>
    %eq3A_777 = arith.constant 2 : i32
    %eq3A_778 = vector.broadcast %eq3A_777 : i32 to vector<512x32xi32>
    %eq3A_779 = arith.cmpi eq, %select_n3A_199, %eq3A_778 : vector<512x32xi32>
    %select_n3A_780 = arith.select %eq3A_779, %gather3A_776, %select_n3A_763 : vector<512x32xi1>, vector<512x32xf32>
    %get3A_781 = arith.constant 0 : index
    %get3A_782 = arith.constant 4480 : index
    %get3A_783 = vector.load %arg6[%get3A_781, %get3A_782] : memref<512x8192xf32, #tpu.memory_space<vmem>>, vector<512x128xf32>
    %lt3A_784 = arith.constant 0 : i32
    %lt3A_785 = vector.broadcast %lt3A_784 : i32 to vector<512x32xi32>
    %lt3A_786 = arith.cmpi slt, %select_n3A_170, %lt3A_785 : vector<512x32xi32>
    %add3A_787 = arith.constant 128 : i32
    %add3A_788 = vector.broadcast %add3A_787 : i32 to vector<512x32xi32>
    %add3A_789 = arith.addi %select_n3A_170, %add3A_788 : vector<512x32xi32>
    %select_n3A_790 = arith.select %lt3A_786, %add3A_789, %select_n3A_170 : vector<512x32xi1>, vector<512x32xi32>
    %reshape3A_791 = vector.shape_cast %select_n3A_790 : vector<512x32xi32> to vector<512x32x1xi32>
    %gather3A_792 = vector.shape_cast %reshape3A_791 : vector<512x32x1xi32> to vector<512x32xi32>
    %gather3A_793 = tpu.dynamic_gather %get3A_783[%gather3A_792] in [1] : vector<512x128xf32>, vector<512x32xi32> -> vector<512x32xf32>
    %eq3A_794 = arith.constant 3 : i32
    %eq3A_795 = vector.broadcast %eq3A_794 : i32 to vector<512x32xi32>
    %eq3A_796 = arith.cmpi eq, %select_n3A_199, %eq3A_795 : vector<512x32xi32>
    %select_n3A_797 = arith.select %eq3A_796, %gather3A_793, %select_n3A_780 : vector<512x32xi1>, vector<512x32xf32>
    %add3A_798 = arith.constant 4096 : i32
    %add3A_799 = vector.broadcast %add3A_798 : i32 to vector<512x32xi32>
    %add3A_800 = arith.addi %add3A_799, %scan3A_151#1 : vector<512x32xi32>
    %get3A_801 = arith.constant 0 : index
    %get3A_802 = arith.constant 4608 : index
    %get3A_803 = vector.load %arg6[%get3A_801, %get3A_802] : memref<512x8192xf32, #tpu.memory_space<vmem>>, vector<512x128xf32>
    %lt3A_804 = arith.constant 0 : i32
    %lt3A_805 = vector.broadcast %lt3A_804 : i32 to vector<512x32xi32>
    %lt3A_806 = arith.cmpi slt, %select_n3A_170, %lt3A_805 : vector<512x32xi32>
    %add3A_807 = arith.constant 128 : i32
    %add3A_808 = vector.broadcast %add3A_807 : i32 to vector<512x32xi32>
    %add3A_809 = arith.addi %select_n3A_170, %add3A_808 : vector<512x32xi32>
    %select_n3A_810 = arith.select %lt3A_806, %add3A_809, %select_n3A_170 : vector<512x32xi1>, vector<512x32xi32>
    %reshape3A_811 = vector.shape_cast %select_n3A_810 : vector<512x32xi32> to vector<512x32x1xi32>
    %gather3A_812 = vector.shape_cast %reshape3A_811 : vector<512x32x1xi32> to vector<512x32xi32>
    %gather3A_813 = tpu.dynamic_gather %get3A_803[%gather3A_812] in [1] : vector<512x128xf32>, vector<512x32xi32> -> vector<512x32xf32>
    %get3A_814 = arith.constant 0 : index
    %get3A_815 = arith.constant 4736 : index
    %get3A_816 = vector.load %arg6[%get3A_814, %get3A_815] : memref<512x8192xf32, #tpu.memory_space<vmem>>, vector<512x128xf32>
    %lt3A_817 = arith.constant 0 : i32
    %lt3A_818 = vector.broadcast %lt3A_817 : i32 to vector<512x32xi32>
    %lt3A_819 = arith.cmpi slt, %select_n3A_170, %lt3A_818 : vector<512x32xi32>
    %add3A_820 = arith.constant 128 : i32
    %add3A_821 = vector.broadcast %add3A_820 : i32 to vector<512x32xi32>
    %add3A_822 = arith.addi %select_n3A_170, %add3A_821 : vector<512x32xi32>
    %select_n3A_823 = arith.select %lt3A_819, %add3A_822, %select_n3A_170 : vector<512x32xi1>, vector<512x32xi32>
    %reshape3A_824 = vector.shape_cast %select_n3A_823 : vector<512x32xi32> to vector<512x32x1xi32>
    %gather3A_825 = vector.shape_cast %reshape3A_824 : vector<512x32x1xi32> to vector<512x32xi32>
    %gather3A_826 = tpu.dynamic_gather %get3A_816[%gather3A_825] in [1] : vector<512x128xf32>, vector<512x32xi32> -> vector<512x32xf32>
    %eq3A_827 = arith.constant 1 : i32
    %eq3A_828 = vector.broadcast %eq3A_827 : i32 to vector<512x32xi32>
    %eq3A_829 = arith.cmpi eq, %select_n3A_199, %eq3A_828 : vector<512x32xi32>
    %select_n3A_830 = arith.select %eq3A_829, %gather3A_826, %gather3A_813 : vector<512x32xi1>, vector<512x32xf32>
    %get3A_831 = arith.constant 0 : index
    %get3A_832 = arith.constant 4864 : index
    %get3A_833 = vector.load %arg6[%get3A_831, %get3A_832] : memref<512x8192xf32, #tpu.memory_space<vmem>>, vector<512x128xf32>
    %lt3A_834 = arith.constant 0 : i32
    %lt3A_835 = vector.broadcast %lt3A_834 : i32 to vector<512x32xi32>
    %lt3A_836 = arith.cmpi slt, %select_n3A_170, %lt3A_835 : vector<512x32xi32>
    %add3A_837 = arith.constant 128 : i32
    %add3A_838 = vector.broadcast %add3A_837 : i32 to vector<512x32xi32>
    %add3A_839 = arith.addi %select_n3A_170, %add3A_838 : vector<512x32xi32>
    %select_n3A_840 = arith.select %lt3A_836, %add3A_839, %select_n3A_170 : vector<512x32xi1>, vector<512x32xi32>
    %reshape3A_841 = vector.shape_cast %select_n3A_840 : vector<512x32xi32> to vector<512x32x1xi32>
    %gather3A_842 = vector.shape_cast %reshape3A_841 : vector<512x32x1xi32> to vector<512x32xi32>
    %gather3A_843 = tpu.dynamic_gather %get3A_833[%gather3A_842] in [1] : vector<512x128xf32>, vector<512x32xi32> -> vector<512x32xf32>
    %eq3A_844 = arith.constant 2 : i32
    %eq3A_845 = vector.broadcast %eq3A_844 : i32 to vector<512x32xi32>
    %eq3A_846 = arith.cmpi eq, %select_n3A_199, %eq3A_845 : vector<512x32xi32>
    %select_n3A_847 = arith.select %eq3A_846, %gather3A_843, %select_n3A_830 : vector<512x32xi1>, vector<512x32xf32>
    %get3A_848 = arith.constant 0 : index
    %get3A_849 = arith.constant 4992 : index
    %get3A_850 = vector.load %arg6[%get3A_848, %get3A_849] : memref<512x8192xf32, #tpu.memory_space<vmem>>, vector<512x128xf32>
    %lt3A_851 = arith.constant 0 : i32
    %lt3A_852 = vector.broadcast %lt3A_851 : i32 to vector<512x32xi32>
    %lt3A_853 = arith.cmpi slt, %select_n3A_170, %lt3A_852 : vector<512x32xi32>
    %add3A_854 = arith.constant 128 : i32
    %add3A_855 = vector.broadcast %add3A_854 : i32 to vector<512x32xi32>
    %add3A_856 = arith.addi %select_n3A_170, %add3A_855 : vector<512x32xi32>
    %select_n3A_857 = arith.select %lt3A_853, %add3A_856, %select_n3A_170 : vector<512x32xi1>, vector<512x32xi32>
    %reshape3A_858 = vector.shape_cast %select_n3A_857 : vector<512x32xi32> to vector<512x32x1xi32>
    %gather3A_859 = vector.shape_cast %reshape3A_858 : vector<512x32x1xi32> to vector<512x32xi32>
    %gather3A_860 = tpu.dynamic_gather %get3A_850[%gather3A_859] in [1] : vector<512x128xf32>, vector<512x32xi32> -> vector<512x32xf32>
    %eq3A_861 = arith.constant 3 : i32
    %eq3A_862 = vector.broadcast %eq3A_861 : i32 to vector<512x32xi32>
    %eq3A_863 = arith.cmpi eq, %select_n3A_199, %eq3A_862 : vector<512x32xi32>
    %select_n3A_864 = arith.select %eq3A_863, %gather3A_860, %select_n3A_847 : vector<512x32xi1>, vector<512x32xf32>
    %add3A_865 = arith.constant 4608 : i32
    %add3A_866 = vector.broadcast %add3A_865 : i32 to vector<512x32xi32>
    %add3A_867 = arith.addi %add3A_866, %scan3A_151#1 : vector<512x32xi32>
    %get3A_868 = arith.constant 0 : index
    %get3A_869 = arith.constant 5120 : index
    %get3A_870 = vector.load %arg6[%get3A_868, %get3A_869] : memref<512x8192xf32, #tpu.memory_space<vmem>>, vector<512x128xf32>
    %lt3A_871 = arith.constant 0 : i32
    %lt3A_872 = vector.broadcast %lt3A_871 : i32 to vector<512x32xi32>
    %lt3A_873 = arith.cmpi slt, %select_n3A_170, %lt3A_872 : vector<512x32xi32>
    %add3A_874 = arith.constant 128 : i32
    %add3A_875 = vector.broadcast %add3A_874 : i32 to vector<512x32xi32>
    %add3A_876 = arith.addi %select_n3A_170, %add3A_875 : vector<512x32xi32>
    %select_n3A_877 = arith.select %lt3A_873, %add3A_876, %select_n3A_170 : vector<512x32xi1>, vector<512x32xi32>
    %reshape3A_878 = vector.shape_cast %select_n3A_877 : vector<512x32xi32> to vector<512x32x1xi32>
    %gather3A_879 = vector.shape_cast %reshape3A_878 : vector<512x32x1xi32> to vector<512x32xi32>
    %gather3A_880 = tpu.dynamic_gather %get3A_870[%gather3A_879] in [1] : vector<512x128xf32>, vector<512x32xi32> -> vector<512x32xf32>
    %get3A_881 = arith.constant 0 : index
    %get3A_882 = arith.constant 5248 : index
    %get3A_883 = vector.load %arg6[%get3A_881, %get3A_882] : memref<512x8192xf32, #tpu.memory_space<vmem>>, vector<512x128xf32>
    %lt3A_884 = arith.constant 0 : i32
    %lt3A_885 = vector.broadcast %lt3A_884 : i32 to vector<512x32xi32>
    %lt3A_886 = arith.cmpi slt, %select_n3A_170, %lt3A_885 : vector<512x32xi32>
    %add3A_887 = arith.constant 128 : i32
    %add3A_888 = vector.broadcast %add3A_887 : i32 to vector<512x32xi32>
    %add3A_889 = arith.addi %select_n3A_170, %add3A_888 : vector<512x32xi32>
    %select_n3A_890 = arith.select %lt3A_886, %add3A_889, %select_n3A_170 : vector<512x32xi1>, vector<512x32xi32>
    %reshape3A_891 = vector.shape_cast %select_n3A_890 : vector<512x32xi32> to vector<512x32x1xi32>
    %gather3A_892 = vector.shape_cast %reshape3A_891 : vector<512x32x1xi32> to vector<512x32xi32>
    %gather3A_893 = tpu.dynamic_gather %get3A_883[%gather3A_892] in [1] : vector<512x128xf32>, vector<512x32xi32> -> vector<512x32xf32>
    %eq3A_894 = arith.constant 1 : i32
    %eq3A_895 = vector.broadcast %eq3A_894 : i32 to vector<512x32xi32>
    %eq3A_896 = arith.cmpi eq, %select_n3A_199, %eq3A_895 : vector<512x32xi32>
    %select_n3A_897 = arith.select %eq3A_896, %gather3A_893, %gather3A_880 : vector<512x32xi1>, vector<512x32xf32>
    %get3A_898 = arith.constant 0 : index
    %get3A_899 = arith.constant 5376 : index
    %get3A_900 = vector.load %arg6[%get3A_898, %get3A_899] : memref<512x8192xf32, #tpu.memory_space<vmem>>, vector<512x128xf32>
    %lt3A_901 = arith.constant 0 : i32
    %lt3A_902 = vector.broadcast %lt3A_901 : i32 to vector<512x32xi32>
    %lt3A_903 = arith.cmpi slt, %select_n3A_170, %lt3A_902 : vector<512x32xi32>
    %add3A_904 = arith.constant 128 : i32
    %add3A_905 = vector.broadcast %add3A_904 : i32 to vector<512x32xi32>
    %add3A_906 = arith.addi %select_n3A_170, %add3A_905 : vector<512x32xi32>
    %select_n3A_907 = arith.select %lt3A_903, %add3A_906, %select_n3A_170 : vector<512x32xi1>, vector<512x32xi32>
    %reshape3A_908 = vector.shape_cast %select_n3A_907 : vector<512x32xi32> to vector<512x32x1xi32>
    %gather3A_909 = vector.shape_cast %reshape3A_908 : vector<512x32x1xi32> to vector<512x32xi32>
    %gather3A_910 = tpu.dynamic_gather %get3A_900[%gather3A_909] in [1] : vector<512x128xf32>, vector<512x32xi32> -> vector<512x32xf32>
    %eq3A_911 = arith.constant 2 : i32
    %eq3A_912 = vector.broadcast %eq3A_911 : i32 to vector<512x32xi32>
    %eq3A_913 = arith.cmpi eq, %select_n3A_199, %eq3A_912 : vector<512x32xi32>
    %select_n3A_914 = arith.select %eq3A_913, %gather3A_910, %select_n3A_897 : vector<512x32xi1>, vector<512x32xf32>
    %get3A_915 = arith.constant 0 : index
    %get3A_916 = arith.constant 5504 : index
    %get3A_917 = vector.load %arg6[%get3A_915, %get3A_916] : memref<512x8192xf32, #tpu.memory_space<vmem>>, vector<512x128xf32>
    %lt3A_918 = arith.constant 0 : i32
    %lt3A_919 = vector.broadcast %lt3A_918 : i32 to vector<512x32xi32>
    %lt3A_920 = arith.cmpi slt, %select_n3A_170, %lt3A_919 : vector<512x32xi32>
    %add3A_921 = arith.constant 128 : i32
    %add3A_922 = vector.broadcast %add3A_921 : i32 to vector<512x32xi32>
    %add3A_923 = arith.addi %select_n3A_170, %add3A_922 : vector<512x32xi32>
    %select_n3A_924 = arith.select %lt3A_920, %add3A_923, %select_n3A_170 : vector<512x32xi1>, vector<512x32xi32>
    %reshape3A_925 = vector.shape_cast %select_n3A_924 : vector<512x32xi32> to vector<512x32x1xi32>
    %gather3A_926 = vector.shape_cast %reshape3A_925 : vector<512x32x1xi32> to vector<512x32xi32>
    %gather3A_927 = tpu.dynamic_gather %get3A_917[%gather3A_926] in [1] : vector<512x128xf32>, vector<512x32xi32> -> vector<512x32xf32>
    %eq3A_928 = arith.constant 3 : i32
    %eq3A_929 = vector.broadcast %eq3A_928 : i32 to vector<512x32xi32>
    %eq3A_930 = arith.cmpi eq, %select_n3A_199, %eq3A_929 : vector<512x32xi32>
    %select_n3A_931 = arith.select %eq3A_930, %gather3A_927, %select_n3A_914 : vector<512x32xi1>, vector<512x32xf32>
    %add3A_932 = arith.constant 5120 : i32
    %add3A_933 = vector.broadcast %add3A_932 : i32 to vector<512x32xi32>
    %add3A_934 = arith.addi %add3A_933, %scan3A_151#1 : vector<512x32xi32>
    %get3A_935 = arith.constant 0 : index
    %get3A_936 = arith.constant 5632 : index
    %get3A_937 = vector.load %arg6[%get3A_935, %get3A_936] : memref<512x8192xf32, #tpu.memory_space<vmem>>, vector<512x128xf32>
    %lt3A_938 = arith.constant 0 : i32
    %lt3A_939 = vector.broadcast %lt3A_938 : i32 to vector<512x32xi32>
    %lt3A_940 = arith.cmpi slt, %select_n3A_170, %lt3A_939 : vector<512x32xi32>
    %add3A_941 = arith.constant 128 : i32
    %add3A_942 = vector.broadcast %add3A_941 : i32 to vector<512x32xi32>
    %add3A_943 = arith.addi %select_n3A_170, %add3A_942 : vector<512x32xi32>
    %select_n3A_944 = arith.select %lt3A_940, %add3A_943, %select_n3A_170 : vector<512x32xi1>, vector<512x32xi32>
    %reshape3A_945 = vector.shape_cast %select_n3A_944 : vector<512x32xi32> to vector<512x32x1xi32>
    %gather3A_946 = vector.shape_cast %reshape3A_945 : vector<512x32x1xi32> to vector<512x32xi32>
    %gather3A_947 = tpu.dynamic_gather %get3A_937[%gather3A_946] in [1] : vector<512x128xf32>, vector<512x32xi32> -> vector<512x32xf32>
    %get3A_948 = arith.constant 0 : index
    %get3A_949 = arith.constant 5760 : index
    %get3A_950 = vector.load %arg6[%get3A_948, %get3A_949] : memref<512x8192xf32, #tpu.memory_space<vmem>>, vector<512x128xf32>
    %lt3A_951 = arith.constant 0 : i32
    %lt3A_952 = vector.broadcast %lt3A_951 : i32 to vector<512x32xi32>
    %lt3A_953 = arith.cmpi slt, %select_n3A_170, %lt3A_952 : vector<512x32xi32>
    %add3A_954 = arith.constant 128 : i32
    %add3A_955 = vector.broadcast %add3A_954 : i32 to vector<512x32xi32>
    %add3A_956 = arith.addi %select_n3A_170, %add3A_955 : vector<512x32xi32>
    %select_n3A_957 = arith.select %lt3A_953, %add3A_956, %select_n3A_170 : vector<512x32xi1>, vector<512x32xi32>
    %reshape3A_958 = vector.shape_cast %select_n3A_957 : vector<512x32xi32> to vector<512x32x1xi32>
    %gather3A_959 = vector.shape_cast %reshape3A_958 : vector<512x32x1xi32> to vector<512x32xi32>
    %gather3A_960 = tpu.dynamic_gather %get3A_950[%gather3A_959] in [1] : vector<512x128xf32>, vector<512x32xi32> -> vector<512x32xf32>
    %eq3A_961 = arith.constant 1 : i32
    %eq3A_962 = vector.broadcast %eq3A_961 : i32 to vector<512x32xi32>
    %eq3A_963 = arith.cmpi eq, %select_n3A_199, %eq3A_962 : vector<512x32xi32>
    %select_n3A_964 = arith.select %eq3A_963, %gather3A_960, %gather3A_947 : vector<512x32xi1>, vector<512x32xf32>
    %get3A_965 = arith.constant 0 : index
    %get3A_966 = arith.constant 5888 : index
    %get3A_967 = vector.load %arg6[%get3A_965, %get3A_966] : memref<512x8192xf32, #tpu.memory_space<vmem>>, vector<512x128xf32>
    %lt3A_968 = arith.constant 0 : i32
    %lt3A_969 = vector.broadcast %lt3A_968 : i32 to vector<512x32xi32>
    %lt3A_970 = arith.cmpi slt, %select_n3A_170, %lt3A_969 : vector<512x32xi32>
    %add3A_971 = arith.constant 128 : i32
    %add3A_972 = vector.broadcast %add3A_971 : i32 to vector<512x32xi32>
    %add3A_973 = arith.addi %select_n3A_170, %add3A_972 : vector<512x32xi32>
    %select_n3A_974 = arith.select %lt3A_970, %add3A_973, %select_n3A_170 : vector<512x32xi1>, vector<512x32xi32>
    %reshape3A_975 = vector.shape_cast %select_n3A_974 : vector<512x32xi32> to vector<512x32x1xi32>
    %gather3A_976 = vector.shape_cast %reshape3A_975 : vector<512x32x1xi32> to vector<512x32xi32>
    %gather3A_977 = tpu.dynamic_gather %get3A_967[%gather3A_976] in [1] : vector<512x128xf32>, vector<512x32xi32> -> vector<512x32xf32>
    %eq3A_978 = arith.constant 2 : i32
    %eq3A_979 = vector.broadcast %eq3A_978 : i32 to vector<512x32xi32>
    %eq3A_980 = arith.cmpi eq, %select_n3A_199, %eq3A_979 : vector<512x32xi32>
    %select_n3A_981 = arith.select %eq3A_980, %gather3A_977, %select_n3A_964 : vector<512x32xi1>, vector<512x32xf32>
    %get3A_982 = arith.constant 0 : index
    %get3A_983 = arith.constant 6016 : index
    %get3A_984 = vector.load %arg6[%get3A_982, %get3A_983] : memref<512x8192xf32, #tpu.memory_space<vmem>>, vector<512x128xf32>
    %lt3A_985 = arith.constant 0 : i32
    %lt3A_986 = vector.broadcast %lt3A_985 : i32 to vector<512x32xi32>
    %lt3A_987 = arith.cmpi slt, %select_n3A_170, %lt3A_986 : vector<512x32xi32>
    %add3A_988 = arith.constant 128 : i32
    %add3A_989 = vector.broadcast %add3A_988 : i32 to vector<512x32xi32>
    %add3A_990 = arith.addi %select_n3A_170, %add3A_989 : vector<512x32xi32>
    %select_n3A_991 = arith.select %lt3A_987, %add3A_990, %select_n3A_170 : vector<512x32xi1>, vector<512x32xi32>
    %reshape3A_992 = vector.shape_cast %select_n3A_991 : vector<512x32xi32> to vector<512x32x1xi32>
    %gather3A_993 = vector.shape_cast %reshape3A_992 : vector<512x32x1xi32> to vector<512x32xi32>
    %gather3A_994 = tpu.dynamic_gather %get3A_984[%gather3A_993] in [1] : vector<512x128xf32>, vector<512x32xi32> -> vector<512x32xf32>
    %eq3A_995 = arith.constant 3 : i32
    %eq3A_996 = vector.broadcast %eq3A_995 : i32 to vector<512x32xi32>
    %eq3A_997 = arith.cmpi eq, %select_n3A_199, %eq3A_996 : vector<512x32xi32>
    %select_n3A_998 = arith.select %eq3A_997, %gather3A_994, %select_n3A_981 : vector<512x32xi1>, vector<512x32xf32>
    %add3A_999 = arith.constant 5632 : i32
    %add3A_1000 = vector.broadcast %add3A_999 : i32 to vector<512x32xi32>
    %add3A_1001 = arith.addi %add3A_1000, %scan3A_151#1 : vector<512x32xi32>
    %get3A_1002 = arith.constant 0 : index
    %get3A_1003 = arith.constant 6144 : index
    %get3A_1004 = vector.load %arg6[%get3A_1002, %get3A_1003] : memref<512x8192xf32, #tpu.memory_space<vmem>>, vector<512x128xf32>
    %lt3A_1005 = arith.constant 0 : i32
    %lt3A_1006 = vector.broadcast %lt3A_1005 : i32 to vector<512x32xi32>
    %lt3A_1007 = arith.cmpi slt, %select_n3A_170, %lt3A_1006 : vector<512x32xi32>
    %add3A_1008 = arith.constant 128 : i32
    %add3A_1009 = vector.broadcast %add3A_1008 : i32 to vector<512x32xi32>
    %add3A_1010 = arith.addi %select_n3A_170, %add3A_1009 : vector<512x32xi32>
    %select_n3A_1011 = arith.select %lt3A_1007, %add3A_1010, %select_n3A_170 : vector<512x32xi1>, vector<512x32xi32>
    %reshape3A_1012 = vector.shape_cast %select_n3A_1011 : vector<512x32xi32> to vector<512x32x1xi32>
    %gather3A_1013 = vector.shape_cast %reshape3A_1012 : vector<512x32x1xi32> to vector<512x32xi32>
    %gather3A_1014 = tpu.dynamic_gather %get3A_1004[%gather3A_1013] in [1] : vector<512x128xf32>, vector<512x32xi32> -> vector<512x32xf32>
    %get3A_1015 = arith.constant 0 : index
    %get3A_1016 = arith.constant 6272 : index
    %get3A_1017 = vector.load %arg6[%get3A_1015, %get3A_1016] : memref<512x8192xf32, #tpu.memory_space<vmem>>, vector<512x128xf32>
    %lt3A_1018 = arith.constant 0 : i32
    %lt3A_1019 = vector.broadcast %lt3A_1018 : i32 to vector<512x32xi32>
    %lt3A_1020 = arith.cmpi slt, %select_n3A_170, %lt3A_1019 : vector<512x32xi32>
    %add3A_1021 = arith.constant 128 : i32
    %add3A_1022 = vector.broadcast %add3A_1021 : i32 to vector<512x32xi32>
    %add3A_1023 = arith.addi %select_n3A_170, %add3A_1022 : vector<512x32xi32>
    %select_n3A_1024 = arith.select %lt3A_1020, %add3A_1023, %select_n3A_170 : vector<512x32xi1>, vector<512x32xi32>
    %reshape3A_1025 = vector.shape_cast %select_n3A_1024 : vector<512x32xi32> to vector<512x32x1xi32>
    %gather3A_1026 = vector.shape_cast %reshape3A_1025 : vector<512x32x1xi32> to vector<512x32xi32>
    %gather3A_1027 = tpu.dynamic_gather %get3A_1017[%gather3A_1026] in [1] : vector<512x128xf32>, vector<512x32xi32> -> vector<512x32xf32>
    %eq3A_1028 = arith.constant 1 : i32
    %eq3A_1029 = vector.broadcast %eq3A_1028 : i32 to vector<512x32xi32>
    %eq3A_1030 = arith.cmpi eq, %select_n3A_199, %eq3A_1029 : vector<512x32xi32>
    %select_n3A_1031 = arith.select %eq3A_1030, %gather3A_1027, %gather3A_1014 : vector<512x32xi1>, vector<512x32xf32>
    %get3A_1032 = arith.constant 0 : index
    %get3A_1033 = arith.constant 6400 : index
    %get3A_1034 = vector.load %arg6[%get3A_1032, %get3A_1033] : memref<512x8192xf32, #tpu.memory_space<vmem>>, vector<512x128xf32>
    %lt3A_1035 = arith.constant 0 : i32
    %lt3A_1036 = vector.broadcast %lt3A_1035 : i32 to vector<512x32xi32>
    %lt3A_1037 = arith.cmpi slt, %select_n3A_170, %lt3A_1036 : vector<512x32xi32>
    %add3A_1038 = arith.constant 128 : i32
    %add3A_1039 = vector.broadcast %add3A_1038 : i32 to vector<512x32xi32>
    %add3A_1040 = arith.addi %select_n3A_170, %add3A_1039 : vector<512x32xi32>
    %select_n3A_1041 = arith.select %lt3A_1037, %add3A_1040, %select_n3A_170 : vector<512x32xi1>, vector<512x32xi32>
    %reshape3A_1042 = vector.shape_cast %select_n3A_1041 : vector<512x32xi32> to vector<512x32x1xi32>
    %gather3A_1043 = vector.shape_cast %reshape3A_1042 : vector<512x32x1xi32> to vector<512x32xi32>
    %gather3A_1044 = tpu.dynamic_gather %get3A_1034[%gather3A_1043] in [1] : vector<512x128xf32>, vector<512x32xi32> -> vector<512x32xf32>
    %eq3A_1045 = arith.constant 2 : i32
    %eq3A_1046 = vector.broadcast %eq3A_1045 : i32 to vector<512x32xi32>
    %eq3A_1047 = arith.cmpi eq, %select_n3A_199, %eq3A_1046 : vector<512x32xi32>
    %select_n3A_1048 = arith.select %eq3A_1047, %gather3A_1044, %select_n3A_1031 : vector<512x32xi1>, vector<512x32xf32>
    %get3A_1049 = arith.constant 0 : index
    %get3A_1050 = arith.constant 6528 : index
    %get3A_1051 = vector.load %arg6[%get3A_1049, %get3A_1050] : memref<512x8192xf32, #tpu.memory_space<vmem>>, vector<512x128xf32>
    %lt3A_1052 = arith.constant 0 : i32
    %lt3A_1053 = vector.broadcast %lt3A_1052 : i32 to vector<512x32xi32>
    %lt3A_1054 = arith.cmpi slt, %select_n3A_170, %lt3A_1053 : vector<512x32xi32>
    %add3A_1055 = arith.constant 128 : i32
    %add3A_1056 = vector.broadcast %add3A_1055 : i32 to vector<512x32xi32>
    %add3A_1057 = arith.addi %select_n3A_170, %add3A_1056 : vector<512x32xi32>
    %select_n3A_1058 = arith.select %lt3A_1054, %add3A_1057, %select_n3A_170 : vector<512x32xi1>, vector<512x32xi32>
    %reshape3A_1059 = vector.shape_cast %select_n3A_1058 : vector<512x32xi32> to vector<512x32x1xi32>
    %gather3A_1060 = vector.shape_cast %reshape3A_1059 : vector<512x32x1xi32> to vector<512x32xi32>
    %gather3A_1061 = tpu.dynamic_gather %get3A_1051[%gather3A_1060] in [1] : vector<512x128xf32>, vector<512x32xi32> -> vector<512x32xf32>
    %eq3A_1062 = arith.constant 3 : i32
    %eq3A_1063 = vector.broadcast %eq3A_1062 : i32 to vector<512x32xi32>
    %eq3A_1064 = arith.cmpi eq, %select_n3A_199, %eq3A_1063 : vector<512x32xi32>
    %select_n3A_1065 = arith.select %eq3A_1064, %gather3A_1061, %select_n3A_1048 : vector<512x32xi1>, vector<512x32xf32>
    %add3A_1066 = arith.constant 6144 : i32
    %add3A_1067 = vector.broadcast %add3A_1066 : i32 to vector<512x32xi32>
    %add3A_1068 = arith.addi %add3A_1067, %scan3A_151#1 : vector<512x32xi32>
    %get3A_1069 = arith.constant 0 : index
    %get3A_1070 = arith.constant 6656 : index
    %get3A_1071 = vector.load %arg6[%get3A_1069, %get3A_1070] : memref<512x8192xf32, #tpu.memory_space<vmem>>, vector<512x128xf32>
    %lt3A_1072 = arith.constant 0 : i32
    %lt3A_1073 = vector.broadcast %lt3A_1072 : i32 to vector<512x32xi32>
    %lt3A_1074 = arith.cmpi slt, %select_n3A_170, %lt3A_1073 : vector<512x32xi32>
    %add3A_1075 = arith.constant 128 : i32
    %add3A_1076 = vector.broadcast %add3A_1075 : i32 to vector<512x32xi32>
    %add3A_1077 = arith.addi %select_n3A_170, %add3A_1076 : vector<512x32xi32>
    %select_n3A_1078 = arith.select %lt3A_1074, %add3A_1077, %select_n3A_170 : vector<512x32xi1>, vector<512x32xi32>
    %reshape3A_1079 = vector.shape_cast %select_n3A_1078 : vector<512x32xi32> to vector<512x32x1xi32>
    %gather3A_1080 = vector.shape_cast %reshape3A_1079 : vector<512x32x1xi32> to vector<512x32xi32>
    %gather3A_1081 = tpu.dynamic_gather %get3A_1071[%gather3A_1080] in [1] : vector<512x128xf32>, vector<512x32xi32> -> vector<512x32xf32>
    %get3A_1082 = arith.constant 0 : index
    %get3A_1083 = arith.constant 6784 : index
    %get3A_1084 = vector.load %arg6[%get3A_1082, %get3A_1083] : memref<512x8192xf32, #tpu.memory_space<vmem>>, vector<512x128xf32>
    %lt3A_1085 = arith.constant 0 : i32
    %lt3A_1086 = vector.broadcast %lt3A_1085 : i32 to vector<512x32xi32>
    %lt3A_1087 = arith.cmpi slt, %select_n3A_170, %lt3A_1086 : vector<512x32xi32>
    %add3A_1088 = arith.constant 128 : i32
    %add3A_1089 = vector.broadcast %add3A_1088 : i32 to vector<512x32xi32>
    %add3A_1090 = arith.addi %select_n3A_170, %add3A_1089 : vector<512x32xi32>
    %select_n3A_1091 = arith.select %lt3A_1087, %add3A_1090, %select_n3A_170 : vector<512x32xi1>, vector<512x32xi32>
    %reshape3A_1092 = vector.shape_cast %select_n3A_1091 : vector<512x32xi32> to vector<512x32x1xi32>
    %gather3A_1093 = vector.shape_cast %reshape3A_1092 : vector<512x32x1xi32> to vector<512x32xi32>
    %gather3A_1094 = tpu.dynamic_gather %get3A_1084[%gather3A_1093] in [1] : vector<512x128xf32>, vector<512x32xi32> -> vector<512x32xf32>
    %eq3A_1095 = arith.constant 1 : i32
    %eq3A_1096 = vector.broadcast %eq3A_1095 : i32 to vector<512x32xi32>
    %eq3A_1097 = arith.cmpi eq, %select_n3A_199, %eq3A_1096 : vector<512x32xi32>
    %select_n3A_1098 = arith.select %eq3A_1097, %gather3A_1094, %gather3A_1081 : vector<512x32xi1>, vector<512x32xf32>
    %get3A_1099 = arith.constant 0 : index
    %get3A_1100 = arith.constant 6912 : index
    %get3A_1101 = vector.load %arg6[%get3A_1099, %get3A_1100] : memref<512x8192xf32, #tpu.memory_space<vmem>>, vector<512x128xf32>
    %lt3A_1102 = arith.constant 0 : i32
    %lt3A_1103 = vector.broadcast %lt3A_1102 : i32 to vector<512x32xi32>
    %lt3A_1104 = arith.cmpi slt, %select_n3A_170, %lt3A_1103 : vector<512x32xi32>
    %add3A_1105 = arith.constant 128 : i32
    %add3A_1106 = vector.broadcast %add3A_1105 : i32 to vector<512x32xi32>
    %add3A_1107 = arith.addi %select_n3A_170, %add3A_1106 : vector<512x32xi32>
    %select_n3A_1108 = arith.select %lt3A_1104, %add3A_1107, %select_n3A_170 : vector<512x32xi1>, vector<512x32xi32>
    %reshape3A_1109 = vector.shape_cast %select_n3A_1108 : vector<512x32xi32> to vector<512x32x1xi32>
    %gather3A_1110 = vector.shape_cast %reshape3A_1109 : vector<512x32x1xi32> to vector<512x32xi32>
    %gather3A_1111 = tpu.dynamic_gather %get3A_1101[%gather3A_1110] in [1] : vector<512x128xf32>, vector<512x32xi32> -> vector<512x32xf32>
    %eq3A_1112 = arith.constant 2 : i32
    %eq3A_1113 = vector.broadcast %eq3A_1112 : i32 to vector<512x32xi32>
    %eq3A_1114 = arith.cmpi eq, %select_n3A_199, %eq3A_1113 : vector<512x32xi32>
    %select_n3A_1115 = arith.select %eq3A_1114, %gather3A_1111, %select_n3A_1098 : vector<512x32xi1>, vector<512x32xf32>
    %get3A_1116 = arith.constant 0 : index
    %get3A_1117 = arith.constant 7040 : index
    %get3A_1118 = vector.load %arg6[%get3A_1116, %get3A_1117] : memref<512x8192xf32, #tpu.memory_space<vmem>>, vector<512x128xf32>
    %lt3A_1119 = arith.constant 0 : i32
    %lt3A_1120 = vector.broadcast %lt3A_1119 : i32 to vector<512x32xi32>
    %lt3A_1121 = arith.cmpi slt, %select_n3A_170, %lt3A_1120 : vector<512x32xi32>
    %add3A_1122 = arith.constant 128 : i32
    %add3A_1123 = vector.broadcast %add3A_1122 : i32 to vector<512x32xi32>
    %add3A_1124 = arith.addi %select_n3A_170, %add3A_1123 : vector<512x32xi32>
    %select_n3A_1125 = arith.select %lt3A_1121, %add3A_1124, %select_n3A_170 : vector<512x32xi1>, vector<512x32xi32>
    %reshape3A_1126 = vector.shape_cast %select_n3A_1125 : vector<512x32xi32> to vector<512x32x1xi32>
    %gather3A_1127 = vector.shape_cast %reshape3A_1126 : vector<512x32x1xi32> to vector<512x32xi32>
    %gather3A_1128 = tpu.dynamic_gather %get3A_1118[%gather3A_1127] in [1] : vector<512x128xf32>, vector<512x32xi32> -> vector<512x32xf32>
    %eq3A_1129 = arith.constant 3 : i32
    %eq3A_1130 = vector.broadcast %eq3A_1129 : i32 to vector<512x32xi32>
    %eq3A_1131 = arith.cmpi eq, %select_n3A_199, %eq3A_1130 : vector<512x32xi32>
    %select_n3A_1132 = arith.select %eq3A_1131, %gather3A_1128, %select_n3A_1115 : vector<512x32xi1>, vector<512x32xf32>
    %add3A_1133 = arith.constant 6656 : i32
    %add3A_1134 = vector.broadcast %add3A_1133 : i32 to vector<512x32xi32>
    %add3A_1135 = arith.addi %add3A_1134, %scan3A_151#1 : vector<512x32xi32>
    %get3A_1136 = arith.constant 0 : index
    %get3A_1137 = arith.constant 7168 : index
    %get3A_1138 = vector.load %arg6[%get3A_1136, %get3A_1137] : memref<512x8192xf32, #tpu.memory_space<vmem>>, vector<512x128xf32>
    %lt3A_1139 = arith.constant 0 : i32
    %lt3A_1140 = vector.broadcast %lt3A_1139 : i32 to vector<512x32xi32>
    %lt3A_1141 = arith.cmpi slt, %select_n3A_170, %lt3A_1140 : vector<512x32xi32>
    %add3A_1142 = arith.constant 128 : i32
    %add3A_1143 = vector.broadcast %add3A_1142 : i32 to vector<512x32xi32>
    %add3A_1144 = arith.addi %select_n3A_170, %add3A_1143 : vector<512x32xi32>
    %select_n3A_1145 = arith.select %lt3A_1141, %add3A_1144, %select_n3A_170 : vector<512x32xi1>, vector<512x32xi32>
    %reshape3A_1146 = vector.shape_cast %select_n3A_1145 : vector<512x32xi32> to vector<512x32x1xi32>
    %gather3A_1147 = vector.shape_cast %reshape3A_1146 : vector<512x32x1xi32> to vector<512x32xi32>
    %gather3A_1148 = tpu.dynamic_gather %get3A_1138[%gather3A_1147] in [1] : vector<512x128xf32>, vector<512x32xi32> -> vector<512x32xf32>
    %get3A_1149 = arith.constant 0 : index
    %get3A_1150 = arith.constant 7296 : index
    %get3A_1151 = vector.load %arg6[%get3A_1149, %get3A_1150] : memref<512x8192xf32, #tpu.memory_space<vmem>>, vector<512x128xf32>
    %lt3A_1152 = arith.constant 0 : i32
    %lt3A_1153 = vector.broadcast %lt3A_1152 : i32 to vector<512x32xi32>
    %lt3A_1154 = arith.cmpi slt, %select_n3A_170, %lt3A_1153 : vector<512x32xi32>
    %add3A_1155 = arith.constant 128 : i32
    %add3A_1156 = vector.broadcast %add3A_1155 : i32 to vector<512x32xi32>
    %add3A_1157 = arith.addi %select_n3A_170, %add3A_1156 : vector<512x32xi32>
    %select_n3A_1158 = arith.select %lt3A_1154, %add3A_1157, %select_n3A_170 : vector<512x32xi1>, vector<512x32xi32>
    %reshape3A_1159 = vector.shape_cast %select_n3A_1158 : vector<512x32xi32> to vector<512x32x1xi32>
    %gather3A_1160 = vector.shape_cast %reshape3A_1159 : vector<512x32x1xi32> to vector<512x32xi32>
    %gather3A_1161 = tpu.dynamic_gather %get3A_1151[%gather3A_1160] in [1] : vector<512x128xf32>, vector<512x32xi32> -> vector<512x32xf32>
    %eq3A_1162 = arith.constant 1 : i32
    %eq3A_1163 = vector.broadcast %eq3A_1162 : i32 to vector<512x32xi32>
    %eq3A_1164 = arith.cmpi eq, %select_n3A_199, %eq3A_1163 : vector<512x32xi32>
    %select_n3A_1165 = arith.select %eq3A_1164, %gather3A_1161, %gather3A_1148 : vector<512x32xi1>, vector<512x32xf32>
    %get3A_1166 = arith.constant 0 : index
    %get3A_1167 = arith.constant 7424 : index
    %get3A_1168 = vector.load %arg6[%get3A_1166, %get3A_1167] : memref<512x8192xf32, #tpu.memory_space<vmem>>, vector<512x128xf32>
    %lt3A_1169 = arith.constant 0 : i32
    %lt3A_1170 = vector.broadcast %lt3A_1169 : i32 to vector<512x32xi32>
    %lt3A_1171 = arith.cmpi slt, %select_n3A_170, %lt3A_1170 : vector<512x32xi32>
    %add3A_1172 = arith.constant 128 : i32
    %add3A_1173 = vector.broadcast %add3A_1172 : i32 to vector<512x32xi32>
    %add3A_1174 = arith.addi %select_n3A_170, %add3A_1173 : vector<512x32xi32>
    %select_n3A_1175 = arith.select %lt3A_1171, %add3A_1174, %select_n3A_170 : vector<512x32xi1>, vector<512x32xi32>
    %reshape3A_1176 = vector.shape_cast %select_n3A_1175 : vector<512x32xi32> to vector<512x32x1xi32>
    %gather3A_1177 = vector.shape_cast %reshape3A_1176 : vector<512x32x1xi32> to vector<512x32xi32>
    %gather3A_1178 = tpu.dynamic_gather %get3A_1168[%gather3A_1177] in [1] : vector<512x128xf32>, vector<512x32xi32> -> vector<512x32xf32>
    %eq3A_1179 = arith.constant 2 : i32
    %eq3A_1180 = vector.broadcast %eq3A_1179 : i32 to vector<512x32xi32>
    %eq3A_1181 = arith.cmpi eq, %select_n3A_199, %eq3A_1180 : vector<512x32xi32>
    %select_n3A_1182 = arith.select %eq3A_1181, %gather3A_1178, %select_n3A_1165 : vector<512x32xi1>, vector<512x32xf32>
    %get3A_1183 = arith.constant 0 : index
    %get3A_1184 = arith.constant 7552 : index
    %get3A_1185 = vector.load %arg6[%get3A_1183, %get3A_1184] : memref<512x8192xf32, #tpu.memory_space<vmem>>, vector<512x128xf32>
    %lt3A_1186 = arith.constant 0 : i32
    %lt3A_1187 = vector.broadcast %lt3A_1186 : i32 to vector<512x32xi32>
    %lt3A_1188 = arith.cmpi slt, %select_n3A_170, %lt3A_1187 : vector<512x32xi32>
    %add3A_1189 = arith.constant 128 : i32
    %add3A_1190 = vector.broadcast %add3A_1189 : i32 to vector<512x32xi32>
    %add3A_1191 = arith.addi %select_n3A_170, %add3A_1190 : vector<512x32xi32>
    %select_n3A_1192 = arith.select %lt3A_1188, %add3A_1191, %select_n3A_170 : vector<512x32xi1>, vector<512x32xi32>
    %reshape3A_1193 = vector.shape_cast %select_n3A_1192 : vector<512x32xi32> to vector<512x32x1xi32>
    %gather3A_1194 = vector.shape_cast %reshape3A_1193 : vector<512x32x1xi32> to vector<512x32xi32>
    %gather3A_1195 = tpu.dynamic_gather %get3A_1185[%gather3A_1194] in [1] : vector<512x128xf32>, vector<512x32xi32> -> vector<512x32xf32>
    %eq3A_1196 = arith.constant 3 : i32
    %eq3A_1197 = vector.broadcast %eq3A_1196 : i32 to vector<512x32xi32>
    %eq3A_1198 = arith.cmpi eq, %select_n3A_199, %eq3A_1197 : vector<512x32xi32>
    %select_n3A_1199 = arith.select %eq3A_1198, %gather3A_1195, %select_n3A_1182 : vector<512x32xi1>, vector<512x32xf32>
    %add3A_1200 = arith.constant 7168 : i32
    %add3A_1201 = vector.broadcast %add3A_1200 : i32 to vector<512x32xi32>
    %add3A_1202 = arith.addi %add3A_1201, %scan3A_151#1 : vector<512x32xi32>
    %get3A_1203 = arith.constant 0 : index
    %get3A_1204 = arith.constant 7680 : index
    %get3A_1205 = vector.load %arg6[%get3A_1203, %get3A_1204] : memref<512x8192xf32, #tpu.memory_space<vmem>>, vector<512x128xf32>
    %lt3A_1206 = arith.constant 0 : i32
    %lt3A_1207 = vector.broadcast %lt3A_1206 : i32 to vector<512x32xi32>
    %lt3A_1208 = arith.cmpi slt, %select_n3A_170, %lt3A_1207 : vector<512x32xi32>
    %add3A_1209 = arith.constant 128 : i32
    %add3A_1210 = vector.broadcast %add3A_1209 : i32 to vector<512x32xi32>
    %add3A_1211 = arith.addi %select_n3A_170, %add3A_1210 : vector<512x32xi32>
    %select_n3A_1212 = arith.select %lt3A_1208, %add3A_1211, %select_n3A_170 : vector<512x32xi1>, vector<512x32xi32>
    %reshape3A_1213 = vector.shape_cast %select_n3A_1212 : vector<512x32xi32> to vector<512x32x1xi32>
    %gather3A_1214 = vector.shape_cast %reshape3A_1213 : vector<512x32x1xi32> to vector<512x32xi32>
    %gather3A_1215 = tpu.dynamic_gather %get3A_1205[%gather3A_1214] in [1] : vector<512x128xf32>, vector<512x32xi32> -> vector<512x32xf32>
    %get3A_1216 = arith.constant 0 : index
    %get3A_1217 = arith.constant 7808 : index
    %get3A_1218 = vector.load %arg6[%get3A_1216, %get3A_1217] : memref<512x8192xf32, #tpu.memory_space<vmem>>, vector<512x128xf32>
    %lt3A_1219 = arith.constant 0 : i32
    %lt3A_1220 = vector.broadcast %lt3A_1219 : i32 to vector<512x32xi32>
    %lt3A_1221 = arith.cmpi slt, %select_n3A_170, %lt3A_1220 : vector<512x32xi32>
    %add3A_1222 = arith.constant 128 : i32
    %add3A_1223 = vector.broadcast %add3A_1222 : i32 to vector<512x32xi32>
    %add3A_1224 = arith.addi %select_n3A_170, %add3A_1223 : vector<512x32xi32>
    %select_n3A_1225 = arith.select %lt3A_1221, %add3A_1224, %select_n3A_170 : vector<512x32xi1>, vector<512x32xi32>
    %reshape3A_1226 = vector.shape_cast %select_n3A_1225 : vector<512x32xi32> to vector<512x32x1xi32>
    %gather3A_1227 = vector.shape_cast %reshape3A_1226 : vector<512x32x1xi32> to vector<512x32xi32>
    %gather3A_1228 = tpu.dynamic_gather %get3A_1218[%gather3A_1227] in [1] : vector<512x128xf32>, vector<512x32xi32> -> vector<512x32xf32>
    %eq3A_1229 = arith.constant 1 : i32
    %eq3A_1230 = vector.broadcast %eq3A_1229 : i32 to vector<512x32xi32>
    %eq3A_1231 = arith.cmpi eq, %select_n3A_199, %eq3A_1230 : vector<512x32xi32>
    %select_n3A_1232 = arith.select %eq3A_1231, %gather3A_1228, %gather3A_1215 : vector<512x32xi1>, vector<512x32xf32>
    %get3A_1233 = arith.constant 0 : index
    %get3A_1234 = arith.constant 7936 : index
    %get3A_1235 = vector.load %arg6[%get3A_1233, %get3A_1234] : memref<512x8192xf32, #tpu.memory_space<vmem>>, vector<512x128xf32>
    %lt3A_1236 = arith.constant 0 : i32
    %lt3A_1237 = vector.broadcast %lt3A_1236 : i32 to vector<512x32xi32>
    %lt3A_1238 = arith.cmpi slt, %select_n3A_170, %lt3A_1237 : vector<512x32xi32>
    %add3A_1239 = arith.constant 128 : i32
    %add3A_1240 = vector.broadcast %add3A_1239 : i32 to vector<512x32xi32>
    %add3A_1241 = arith.addi %select_n3A_170, %add3A_1240 : vector<512x32xi32>
    %select_n3A_1242 = arith.select %lt3A_1238, %add3A_1241, %select_n3A_170 : vector<512x32xi1>, vector<512x32xi32>
    %reshape3A_1243 = vector.shape_cast %select_n3A_1242 : vector<512x32xi32> to vector<512x32x1xi32>
    %gather3A_1244 = vector.shape_cast %reshape3A_1243 : vector<512x32x1xi32> to vector<512x32xi32>
    %gather3A_1245 = tpu.dynamic_gather %get3A_1235[%gather3A_1244] in [1] : vector<512x128xf32>, vector<512x32xi32> -> vector<512x32xf32>
    %eq3A_1246 = arith.constant 2 : i32
    %eq3A_1247 = vector.broadcast %eq3A_1246 : i32 to vector<512x32xi32>
    %eq3A_1248 = arith.cmpi eq, %select_n3A_199, %eq3A_1247 : vector<512x32xi32>
    %select_n3A_1249 = arith.select %eq3A_1248, %gather3A_1245, %select_n3A_1232 : vector<512x32xi1>, vector<512x32xf32>
    %get3A_1250 = arith.constant 0 : index
    %get3A_1251 = arith.constant 8064 : index
    %get3A_1252 = vector.load %arg6[%get3A_1250, %get3A_1251] : memref<512x8192xf32, #tpu.memory_space<vmem>>, vector<512x128xf32>
    %lt3A_1253 = arith.constant 0 : i32
    %lt3A_1254 = vector.broadcast %lt3A_1253 : i32 to vector<512x32xi32>
    %lt3A_1255 = arith.cmpi slt, %select_n3A_170, %lt3A_1254 : vector<512x32xi32>
    %add3A_1256 = arith.constant 128 : i32
    %add3A_1257 = vector.broadcast %add3A_1256 : i32 to vector<512x32xi32>
    %add3A_1258 = arith.addi %select_n3A_170, %add3A_1257 : vector<512x32xi32>
    %select_n3A_1259 = arith.select %lt3A_1255, %add3A_1258, %select_n3A_170 : vector<512x32xi1>, vector<512x32xi32>
    %reshape3A_1260 = vector.shape_cast %select_n3A_1259 : vector<512x32xi32> to vector<512x32x1xi32>
    %gather3A_1261 = vector.shape_cast %reshape3A_1260 : vector<512x32x1xi32> to vector<512x32xi32>
    %gather3A_1262 = tpu.dynamic_gather %get3A_1252[%gather3A_1261] in [1] : vector<512x128xf32>, vector<512x32xi32> -> vector<512x32xf32>
    %eq3A_1263 = arith.constant 3 : i32
    %eq3A_1264 = vector.broadcast %eq3A_1263 : i32 to vector<512x32xi32>
    %eq3A_1265 = arith.cmpi eq, %select_n3A_199, %eq3A_1264 : vector<512x32xi32>
    %select_n3A_1266 = arith.select %eq3A_1265, %gather3A_1262, %select_n3A_1249 : vector<512x32xi1>, vector<512x32xf32>
    %add3A_1267 = arith.constant 7680 : i32
    %add3A_1268 = vector.broadcast %add3A_1267 : i32 to vector<512x32xi32>
    %add3A_1269 = arith.addi %add3A_1268, %scan3A_151#1 : vector<512x32xi32>
    %concatenate3A = tpu.concatenate %select_n3A_261, %select_n3A_328, %select_n3A_395, %select_n3A_462, %select_n3A_529, %select_n3A_596, %select_n3A_663, %select_n3A_730, %select_n3A_797, %select_n3A_864, %select_n3A_931, %select_n3A_998, %select_n3A_1065, %select_n3A_1132, %select_n3A_1199, %select_n3A_1266 in 1 : vector<512x32xf32>, vector<512x32xf32>, vector<512x32xf32>, vector<512x32xf32>, vector<512x32xf32>, vector<512x32xf32>, vector<512x32xf32>, vector<512x32xf32>, vector<512x32xf32>, vector<512x32xf32>, vector<512x32xf32>, vector<512x32xf32>, vector<512x32xf32>, vector<512x32xf32>, vector<512x32xf32>, vector<512x32xf32> -> vector<512x512xf32>
    %concatenate3A_1270 = tpu.concatenate %add3A_264, %add3A_331, %add3A_398, %add3A_465, %add3A_532, %add3A_599, %add3A_666, %add3A_733, %add3A_800, %add3A_867, %add3A_934, %add3A_1001, %add3A_1068, %add3A_1135, %add3A_1202, %add3A_1269 in 1 : vector<512x32xi32>, vector<512x32xi32>, vector<512x32xi32>, vector<512x32xi32>, vector<512x32xi32>, vector<512x32xi32>, vector<512x32xi32>, vector<512x32xi32>, vector<512x32xi32>, vector<512x32xi32>, vector<512x32xi32>, vector<512x32xi32>, vector<512x32xi32>, vector<512x32xi32>, vector<512x32xi32>, vector<512x32xi32> -> vector<512x512xi32>
    %scan3A_1271 = arith.constant 1073741824 : i32
    %scan3A_1272 = arith.constant 0x7F800000 : f32
    %scan3A_1273 = arith.constant 0 : i32
    %scan3A_1274 = arith.constant 32 : i32
    %scan3A_1275 = arith.addi %scan3A_1273, %scan3A_1274 : i32
    %scan3A_1276 = arith.constant 1 : i32
    %scan3A_1277 = scf.for %scan3A_1279 = %scan3A_1273 to %scan3A_1275 step %scan3A_1276 iter_args(%scan3A_1280 = %concatenate3A) -> (vector<512x512xf32>)  : i32 {
      %reduce_min3A = arith.constant dense<0x7F800000> : vector<512xf32>
      %reduce_min3A_1281 = vector.multi_reduction <minimumf>, %scan3A_1280, %reduce_min3A [1] : vector<512x512xf32> to vector<512xf32>
      %broadcast_in_dim3A_1282 = vector.shape_cast %reduce_min3A_1281 : vector<512xf32> to vector<512x1xf32>
      %eq3A_1283 = vector.broadcast %broadcast_in_dim3A_1282 : vector<512x1xf32> to vector<512x512xf32>
      %eq3A_1284 = arith.cmpf oeq, %scan3A_1280, %eq3A_1283 : vector<512x512xf32>
      %broadcast_in_dim3A_1285 = vector.broadcast %scan3A_1271 : i32 to vector<512x512xi32>
      %select_n3A_1286 = arith.select %eq3A_1284, %concatenate3A_1270, %broadcast_in_dim3A_1285 : vector<512x512xi1>, vector<512x512xi32>
      %reduce_min3A_1287 = arith.constant dense<2147483647> : vector<512xi32>
      %reduce_min3A_1288 = vector.multi_reduction <minsi>, %select_n3A_1286, %reduce_min3A_1287 [1] : vector<512x512xi32> to vector<512xi32>
      %broadcast_in_dim3A_1289 = vector.shape_cast %reduce_min3A_1288 : vector<512xi32> to vector<512x1xi32>
      %eq3A_1290 = vector.broadcast %scan3A_1279 : i32 to vector<512x32xi32>
      %eq3A_1291 = arith.cmpi eq, %iota3A_18, %eq3A_1290 : vector<512x32xi32>
      %get3A_1292 = arith.constant 0 : index
      %get3A_1293 = arith.constant 0 : index
      %get3A_1294 = vector.load %arg5[%get3A_1292, %get3A_1293] : memref<512x32xi32, #tpu.memory_space<vmem>>, vector<512x32xi32>
      %broadcast_in_dim3A_1295 = vector.shape_cast %broadcast_in_dim3A_1289 : vector<512x1xi32> to vector<512x1xi32>
      %broadcast_in_dim3A_1296 = vector.broadcast %broadcast_in_dim3A_1295 : vector<512x1xi32> to vector<512x32xi32>
      %select_n3A_1297 = arith.select %eq3A_1291, %broadcast_in_dim3A_1296, %get3A_1294 : vector<512x32xi1>, vector<512x32xi32>
      %swap3A_1298 = arith.constant 0 : index
      %swap3A_1299 = arith.constant 0 : index
      %swap3A_1300 = vector.load %arg5[%swap3A_1298, %swap3A_1299] : memref<512x32xi32, #tpu.memory_space<vmem>>, vector<512x32xi32>
      tpu.vector_store %arg5[%swap3A_1298, %swap3A_1299], %select_n3A_1297 {strides = array<i32>} : memref<512x32xi32, #tpu.memory_space<vmem>>, vector<512x32xi32>,
      %eq3A_1301 = vector.broadcast %broadcast_in_dim3A_1289 : vector<512x1xi32> to vector<512x512xi32>
      %eq3A_1302 = arith.cmpi eq, %select_n3A_1286, %eq3A_1301 : vector<512x512xi32>
      %broadcast_in_dim3A_1303 = vector.broadcast %scan3A_1272 : f32 to vector<512x512xf32>
      %select_n3A_1304 = arith.select %eq3A_1302, %broadcast_in_dim3A_1303, %scan3A_1280 : vector<512x512xi1>, vector<512x512xf32>
      scf.yield %select_n3A_1304 : vector<512x512xf32>
    }
    %scan3A_1278 = arith.constant 32 : i32
    return
  }
  func.func @transform_0(%arg0: i32) -> (i32, i32) {
    %c0_i32 = arith.constant 0 : i32
    %c0_i32_0 = arith.constant 0 : i32
    %c0_i32_1 = arith.constant 0 : i32
    return %c0_i32, %c0_i32_0 : i32, i32
  }
  func.func @transform_1(%arg0: i32) -> (i32, i32) {
    %c0_i32 = arith.constant 0 : i32
    %c0_i32_0 = arith.constant 0 : i32
    return %arg0, %c0_i32 : i32, i32
  }
  func.func @transform_2(%arg0: i32) -> (i32, i32) {
    %c0_i32 = arith.constant 0 : i32
    %c0_i32_0 = arith.constant 0 : i32
    %c0_i32_1 = arith.constant 0 : i32
    return %c0_i32, %c0_i32_0 : i32, i32
  }
  func.func @transform_3(%arg0: i32) -> (i32, i32) {
    %c0_i32 = arith.constant 0 : i32
    %c0_i32_0 = arith.constant 0 : i32
    return %arg0, %c0_i32 : i32, i32
  }
  func.func @transform_4(%arg0: i32) -> (i32, i32) {
    %c0_i32 = arith.constant 0 : i32
    %c0_i32_0 = arith.constant 0 : i32
    return %arg0, %c0_i32 : i32, i32
  }
}

</mosaic_0001>

<sc_bundles>
// kernel: kernel.4.cloned.1.call-start
scs
__scs_entry_jumppad:
0x0: {  	(pc) =	sbr.rel $0x88, $3  }
0x1: {  	(tag) =	ssettag $0x0;
	lr =	simm.s32 $0x1  }
0x2: {  	[smem:$0x3FA0] =	sst lr;
	_ =	strace $0xD0000000  }
0x3: {  	_ = 	snop  }
0x4: {  	_ = 	snop  }
0x5: {  	_ = 	snop  }
0x6: {  	_ = 	snop  }
0x7: {  	_ = 	snop  }
__scs_overlays_trampoline_lowered:
0x8: {  	[smem:$0x3FAF] =	sst s0  }
0x9: {  	[smem:$0x3FB0] =	sst s1  }
0xa: {  	[smem:$0x3FB1] =	sst s2  }
0xb: {  	[smem:$0x3FB2] =	sst s3  }
0xc: {  	[smem:$0x3FB3] =	sst s4  }
0xd: {  	[smem:$0x3FB4] =	sst s5  }
0xe: {  	[smem:$0x3FB5] =	sst s6  }
0xf: {  	[smem:$0x3FB6] =	sst s7  }
0x10: {  	[smem:$0x3FB7] =	sst s8  }
0x11: {  	[smem:$0x3FB8] =	sst s9;
	s0 =	simm.s32 @!p0 $0x0  }
0x12: {  	s1 =	sld [smem:$0x3F9E];
	s0 =	simm.s32 @p0 $0x1  }
0x13: {  	[smem:$0x3FB9] =	sst s0;
	s0 =	simm.s32 @!p1 $0x0  }
0x14: {  	s2 =	sld [smem:$0x3F9D];
	s0 =	simm.s32 @p1 $0x1  }
0x15: {  	[smem:$0x3FBA] =	sst s0;
	s0 =	simm.s32 @!p2 $0x0  }
0x16: {  	s3 =	sld [smem:$0x3FDB];
	s0 =	simm.s32 @p2 $0x1  }
0x17: {  	s4 =	simm.s32 $0x1BF5;
	[smem:$0x3FBC] =	sst s0  }
0x18: {  	s0 =	sld [smem:$0x3F9F];
	_ =	swait.ge [sflag:s4], $0x0  }
0x19: {  	s7 =	sld [smem:$0x3FA0]  }
0x1a: {  	s8 =	sadd.s32 $0xFFFFE003, lr  }
0x1b: {  	s9 =	sadd.s32 $0xFFFFFEF7, lr;
	s5 =	simm.s32 $0xFFFFFFFF;
	p2 =	slt.u32 s8, $0xFFFFF086  }
0x1c: {  	p1 =	slt.u32 s9, $0xF7A;
	s5 =	simm.s32 @!p2 $0x0  }
0x1d: {  	s5 =	simm.s32 @p1 $0x1;
	p0 =	seq.s32 s7, s2  }
0x1e: {  	s7 =	smul.u32 @!p0 $0xF7A, s2;
	p2 =	seq.s32 @!p0 s5, $0x0  }
0x1f: {  	s9 =	smul.u32 $0xF7A, s1;
	s8 =	simm.s32 @!p0 $0x1BF5;
	p2 =	por !p2, p0  }
0x20: {  	[sflag:s8] =	ssyncset.s32 @!p0 $0xFFFFF086;
	s6 =	sadd.s32 @!p0 s3, s7;
	s7 =	simm.s32 @!p0 $0x108  }
0x21: {  	s3 =	sadd.s32 s3, s9;
	s6 =	sadd.s32 @!p0 $0x88, s6;
	s7 =	simm.s32 @p2 $0x1082  }
0x22: {  	[simem:s7], [sflag:s8] =	dma.local @!p0 [hbm:s6], $0xF7A  }
0x23: {  	s9 =	sor.u32 $0xD0000000, s2;
	s6 =	simm.s32 $0x108;
	_ =	swait.ge @!p0 [sflag:s8], $0x0  }
0x24: {  	s3 =	sadd.s32 $0x88, s3;
	s6 =	simm.s32 @!p1 $0x1082;
	[sflag:s4] =	ssyncset.s32 $0xFFFFF086  }
0x25: {  	[simem:s6], [sflag:s4] =	dma.local [hbm:s3], $0xF7A  }
0x26: {  	[smem:$0x3FA0] =	sst s1;
	(tag) =	ssettag s2;
	_ =	strace s9  }
0x27: {  	s1 =	sld [smem:$0x3FB0]  }
0x28: {  	s2 =	sld [smem:$0x3FB1]  }
0x29: {  	s4 =	sld [smem:$0x3FB3]  }
0x2a: {  	p0 =	seq.s32 s5, $0x0;
	s5 =	sld [smem:$0x3FB4]  }
0x2b: {  	s6 =	sld [smem:$0x3FB5]  }
0x2c: {  	s7 =	sld [smem:$0x3FB6]  }
0x2d: {  	s3 =	simm.s32 $0x108;
	s8 =	sld [smem:$0x3FB7]  }
0x2e: {  	s3 =	simm.s32 @!p0 $0x1082;
	s9 =	sld [smem:$0x3FB8]  }
0x2f: {  	lr =	sadd.s32 s0, s3;
	s0 =	sld [smem:$0x3FAF]  }
0x30: {  	s3 =	sld [smem:$0x3FB2]  }
0x31: {  	[smem:$0x3FBB] =	sst s10  }
0x32: {  	s10 =	sld [smem:$0x3FB9];
	_ =	sdelay $0x3  }
0x33: {  	p0 =	seq.s32 s10, $0x1;
	s10 =	sld [smem:$0x3FBB];
	_ =	sdelay $0x3  }
0x34: {  	[smem:$0x3FBB] =	sst s10  }
0x35: {  	s10 =	sld [smem:$0x3FBA];
	_ =	sdelay $0x3  }
0x36: {  	p1 =	seq.s32 s10, $0x1;
	s10 =	sld [smem:$0x3FBB];
	_ =	sdelay $0x3  }
0x37: {  	[smem:$0x3FBB] =	sst s10  }
0x38: {  	s10 =	sld [smem:$0x3FBC]  }
0x39: {  	_ = 	snop;
	(pc) =	sbr.ind lr, $3  }
0x3a: {  	_ = 	snop  }
0x3b: {  	_ = 	snop  }
0x3c: {  	p2 =	seq.s32 s10, $0x1;
	s10 =	sld [smem:$0x3FBB]  }
0x3d: {  	_ =	shalt  }
0x3e: {  	_ =	shalt  }
0x3f: {  	_ =	shalt  }
0x40: {  	_ =	shalt  }
0x41: {  	_ =	shalt  }
0x42: {  	_ =	shalt  }
0x43: {  	_ =	shalt  }
0x44: {  	_ =	shalt  }
0x45: {  	_ =	shalt  }
0x46: {  	_ =	shalt  }
0x47: {  	_ =	shalt  }
0x48: {  	_ =	shalt  }
0x49: {  	_ =	shalt  }
0x4a: {  	_ =	shalt  }
0x4b: {  	_ =	shalt  }
0x4c: {  	_ =	shalt  }
0x4d: {  	_ =	shalt  }
0x4e: {  	_ =	shalt  }
0x4f: {  	_ =	shalt  }
0x50: {  	_ =	shalt  }
0x51: {  	_ =	shalt  }
0x52: {  	_ =	shalt  }
0x53: {  	_ =	shalt  }
0x54: {  	_ =	shalt  }
0x55: {  	_ =	shalt  }
0x56: {  	_ =	shalt  }
0x57: {  	_ =	shalt  }
0x58: {  	_ =	shalt  }
0x59: {  	_ =	shalt  }
0x5a: {  	_ =	shalt  }
0x5b: {  	_ =	shalt  }
0x5c: {  	_ =	shalt  }
0x5d: {  	_ =	shalt  }
0x5e: {  	_ =	shalt  }
0x5f: {  	_ =	shalt  }
0x60: {  	_ =	shalt  }
0x61: {  	_ =	shalt  }
0x62: {  	_ =	shalt  }
0x63: {  	_ =	shalt  }
0x64: {  	_ =	shalt  }
0x65: {  	_ =	shalt  }
0x66: {  	_ =	shalt  }
0x67: {  	_ =	shalt  }
0x68: {  	_ =	shalt  }
0x69: {  	_ =	shalt  }
0x6a: {  	_ =	shalt  }
0x6b: {  	_ =	shalt  }
0x6c: {  	_ =	shalt  }
0x6d: {  	_ =	shalt  }
0x6e: {  	_ =	shalt  }
0x6f: {  	_ =	shalt  }
0x70: {  	_ =	shalt  }
0x71: {  	_ =	shalt  }
0x72: {  	_ =	shalt  }
0x73: {  	_ =	shalt  }
0x74: {  	_ =	shalt  }
0x75: {  	_ =	shalt  }
0x76: {  	_ =	shalt  }
0x77: {  	_ =	shalt  }
0x78: {  	_ =	shalt  }
0x79: {  	_ =	shalt  }
0x7a: {  	_ =	shalt  }
0x7b: {  	_ =	shalt  }
0x7c: {  	_ =	shalt  }
0x7d: {  	_ =	shalt  }
0x7e: {  	_ =	shalt  }
0x7f: {  	_ =	shalt  }
0x80: {  	_ =	shalt  }
0x81: {  	_ =	shalt  }
0x82: {  	_ =	shalt  }
0x83: {  	_ =	shalt  }
0x84: {  	_ =	shalt  }
0x85: {  	_ =	shalt  }
0x86: {  	_ =	shalt  }
0x87: {  	_ =	shalt  }
.Lfunc_end0:
.L_simem_size_0:
called_computation_lowered:
.L_overlay_start_0:
0x88: {  	s2 =	sld [smem:$0x3FD9]  }
0x89: {  	s3 =	sld [smem:$0x3FFE];
	_ =	sdelay $0x1  }
0x8a: {  	s1 =	srdreg.scid  }
0x8b: {  	s0 =	sand.u32 $0x1, s1  }
0x8c: {  	s14 =	sshll.u32 s0, $0xA;
	s2 =	sadd.s32 s3, s2  }
0x8d: {  	s2 =	sadd.s32 s2, s14  }
0x8e: {  	[smem:$0x3FC7] =	sst s2  }
0x8f: {  	_ = 	snop  }
0x90: {  	s2 =	sld [smem:$0x3FD0];
	_ =	sdelay $0x2  }
0x91: {  	s15 =	simm.s32 $0xA;
	s4 =	simm.s32 $0x10  }
0x92: {  	[smem:s4], [sflag:s15] =	dma.local [hbm:s2], $0x1  }
0x93: {  	_ =	swait.eq [sflag:s15], $0x1  }
0x94: {  	[sflag:s15] =	ssyncset.done $0x0  }
0x95: {  	[sflag:s15] =	ssyncadd.s32 $0xFFFFFFFF  }
0x96: {  	s16 =	sld [smem:$0x11];
	(tm) =	ssettm $0x1  }
0x97: {  	s17 =	sld [smem:$0x3FFB];
	_ =	sdelay $0x3  }
0x98: {  	_ =	strace s17  }
0x99: {  	s3 =	sld [smem:$0x3FFC];
	_ =	sdelay $0x3  }
0x9a: {  	_ =	strace s3  }
0x9b: {  	s3 =	sld [smem:$0x3FFD];
	_ =	sdelay $0x3  }
0x9c: {  	_ =	strace s3  }
0x9d: {  	_ =	strace $0x8FFFFFFF  }
0x9e: {  	s18 =	sld [smem:$0x3FDB];
	_ =	sdelay $0x1  }
0x9f: {  	s19 =	simm.s32 $_scs_section_size  }
0xa0: {  	s5 =	simm.s32 $_size__tile_overlayer_lowered;
	s6 =	simm.s32 $_tile_overlayer_lowered  }
0xa1: {  	s22 =	simm.s32 $0x1BFF;
	s21 =	sshll.u32 s6, $0x1;
	s3 =	sadd.s32 s19, s18  }
0xa2: {  	s7 =	simm.s32 $0x0;
	s20 =	sshll.u32 s5, $0x1;
	s5 =	sadd.s32 s21, s3  }
0xa3: {  	[timem:s7], [sflag:s22] =	dma.local [hbm:s5], s20  }
0xa4: {  	_ =	swait.ge [sflag:s22], s20  }
0xa5: {  	s4 =	ssub.s32 $0x0, s20;
	[sflag:s22] =	ssyncset.done $0x0  }
0xa6: {  	[sflag:s22] =	ssyncadd.s32 s4;
	_ =	sdelay $0x1  }
0xa7: {  	s23 =	simm.s32 $0x1B8B  }
0xa8: {  	_ =	swait.ge [sflag:s23], $0x1  }
0xa9: {  	[sflag:s23] =	ssyncset.done $0x0  }
0xaa: {  	s25 =	simm.s32 $0x1B8E;
	s24 =	sld [smem:$0x3FFE];
	[sflag:s23] =	ssyncadd.s32 $0xFFFFFFFF  }
0xab: {  	s26 =	simm.s32 $execute0_lowered;
	[smem:$0x3FD2] =	sst s25  }
0xac: {  	s5 =	sshll.u32 s26, $0x1;
	_ =	strace $0x80000046;
	[dreg:$0x1] =	wrdreg $0xFFFFFFFF  }
0xad: {  	s28 =	simm.s32 $_size_execute0_lowered;
	s3 =	sadd.s32 s3, s5;
	[dreg:$0x0] =	wrdreg $0x0  }
0xae: {  	s5 =	sshll.u32 s28, $0x1;
	[dreg:$0x2] =	wrdreg s3  }
0xaf: {  	[dreg:$0x3] =	wrdreg s5  }
0xb0: {  	[dreg:$0x4] =	wrdreg $0xC0  }
0xb1: {  	_ =	task [dreg:s7], $0x5FFFF  }
0xb2: {  	[dreg:$0x1] =	wrdreg $0xFFFFFFFF  }
0xb3: {  	[dreg:$0x0] =	wrdreg $0x60  }
0xb4: {  	[dreg:$0x2] =	wrdreg s24  }
0xb5: {  	[dreg:$0x3] =	wrdreg s16  }
0xb6: {  	[dreg:$0x4] =	wrdreg $0x9  }
0xb7: {  	_ =	task.clear_ibuf [dreg:s7], $0x5FFFF;
	_ =	strace $0x90000046  }
0xb8: {  	s29 =	simm.s32 $0x9;
	_ =	strace $0x80000048  }
0xb9: {  	_ =	swait.ge [sflag:s29], $0x1  }
0xba: {  	[sflag:s29] =	ssyncadd.s32 $0xFFFFFFFF  }
0xbb: {  	_ =	strace $0x90000048  }
0xbc: {  	_ =	sfence  }
0xbd: {  	s30 =	sld [smem:$0x0];
	_ =	sdelay $0x2  }
0xbe: {  	s31 =	sshll.u32 s1, $0xD;
	s1 =	sshrl.u32 s1, $0x2  }
0xbf: {  	s3 =	sand.u32 $0x4000, s31;
	s1 =	sadd.s32 s1, s30  }
0xc0: {  	s0 =	sor.u32 s3, s0;
	s1 =	sshll.u32 s1, $0x11  }
0xc1: {  	s0 =	sor.u32 s1, s0  }
0xc2: {  	s0 =	sadd.s32 $0x8F2B, s0  }
0xc3: {  	[sflag:s0] =	ssyncadd.remote.s32 $0x1  }
0xc4: {  	_ =	sfence.sel $0xFFFF  }
0xc5: {  	[dreg:$0x0] =	wrdreg $0xFFFFFFFF;
	(pc) =	sbr.abs _section_cstart, $3  }
0xc6: {  	[dreg:$0x1] =	wrdreg $0xFFFFFFFF  }
0xc7: {  	_ =	task.clear_ibuf [dreg:s7], $0x2FFFF;
	_ =	strace $0x9FFFFFFF  }
0xc8: {  	(tm) =	ssettm $0x7FFFFFFF  }
0xc9: {  	_ =	shalt  }
tec
execute0_lowered:
.L_overlay_start_1:
0x0: {  	(tag) =	ssettag $0x1  }
0x1: {  	v0 =	vimm.s32 $0xEFCDAB89;
	v1 =	vimm.s32 $0x67452301  }
0x2: {  	v2 =	vimm.s32 $0xDCFE98BA;
	v3 =	vimm.s32 $0x54761032;
	v4 =	vimm.s32 $0xBA98FEDC  }
0x3: {  	s0 =	rddreg [dreg:$0x0];
	v5 =	vimm.s32 $0x32107654;
	v6 =	vimm.s32 $0xFEDCBA98;
	v7 =	vimm.s32 $0x76543210  }
0x4: {  	s1 =	rddreg [dreg:$0x1];
	vm0 =	vmmov $0x1;
	vm1 =	vmmov $0x3;
	vm2 =	vmmov $0x7  }
0x5: {  	s3 =	srdreg.scid;
	s2 =	stileid.u32;
	vm3 =	vmmov $0xf;
	vm4 =	vmmov $0x1f;
	vm5 =	vmmov $0x3f  }
0x6: {  	s11 =	simm.s32 $0x10200;
	s12 =	simm.s32 $0x3;
	s14 =	simm.s32 $0x100;
	vm6 =	vmmov $0x7f;
	vm7 =	vmmov $0xff;
	vm8 =	vmmov $0x1ff  }
0x7: {  	s15 =	simm.s32 $0x80;
	s16 =	simm.s32 $0x200;
	s17 =	simm.s32 $0x4200;
	vm9 =	vmmov $0x3ff;
	vm10 =	vmmov $0x7ff;
	vm11 =	vmmov $0xfff  }
0x8: {  	s18 =	simm.s32 $0x180;
	s19 =	simm.s32 $0x8200;
	s20 =	simm.s32 $0xC200;
	vm12 =	vmmov $0x1fff;
	v0 =	vunpack.c.l.s4.s8 v0;
	v1 =	vunpack.c.l.s4.s8 v1  }
0x9: {  	s21 =	simm.s32 $0x1;
	s22 =	simm.s32 $0x18200;
	s23 =	simm.s32 $0x2;
	v2 =	vunpack.c.l.s4.s8 v2;
	v3 =	vunpack.c.l.s4.s8 v3;
	v4 =	vunpack.c.l.s4.s8 v4  }
0xa: {  	s24 =	simm.s32 $0x0;
	s5 =	sand.u32 $0x1, s3;
	v5 =	vunpack.c.l.s4.s8 v5;
	s3 =	simm.s32 $0x0;
	v6 =	vunpack.c.l.s4.s8 v6;
	v7 =	vunpack.c.l.s4.s8 v7  }
0xb: {  	s4 =	sshll.u32 s2, $0xE;
	s6 =	sshll.u32 s5, $0xD;
	[smem:$0x7FF] =	sst s3;
	v0 =	vunpack.c.0.s8.s32 v0;
	v1 =	vunpack.c.0.s8.s32 v1;
	v2 =	vunpack.c.0.s8.s32 v2  }
0xc: {  	s7 =	ssub.s32 $0x2, s5;
	s5 =	sadd.s32 $0x28400, s0;
	v3 =	vunpack.c.0.s8.s32 v3;
	s4 =	sor.u32 s6, s4;
	v4 =	vunpack.c.0.s8.s32 v4;
	v5 =	vunpack.c.0.s8.s32 v5  }
0xd: {  	vm13 =	vmmov $0x3fff;
	_ =	strace $0x80000047;
	s9 =	sshrl.u32 s7, $0x1;
	s6 =	sshrl.u32 s4, $0x1;
	v0 =	vcombine.low v1, v0;
	v1 =	vunpack.c.0.s8.s32 v6  }
0xe: {  	s31 =	sshrl.u32 s4, $0x3;
	v2 =	vcombine.low v3, v2;
	v3 =	vcombine.low v5, v4;
	s8 =	sadd.s32 s6, s0;
	v4 =	vunpack.c.0.s8.s32 v7;
	s6 =	sadd.s32 $0x20400, s0  }
0xf: {  	vm14 =	vmmov $0x7fff;
	s30 =	ssub.s32 s7, s9;
	s7 =	sadd.s32 $0x400, s8;
	s8 =	sadd.s32 s6, s31;
	v0 =	vand.u32 $0xF, v0;
	v5 =	vand.u32 $0xF, v1  }
0x10: {  	s9 =	sor.u32 $0x200, s4;
	s10 =	smax.u32 s30, $0x1;
	v1 =	vand.u32 $0xF, v2;
	v2 =	vand.u32 $0xF, v3;
	s13 =	sadd.s32 $0x10, s8;
	v3 =	vcombine.low v5, v4  }
.LBB2_1:
0x11: {  	[tilespmem:s11], [sflag:$0x3] =	stream.linear.gather [hbm4b:s7+s3], $0x8000, $0x38;
	[tilespmem:$0x18300] =	vst v63  }
0x12: {  	_ =	swait.ge [sflag:s12], $0x8000  }
0x13: {  	[sflag:s12] =	ssyncset.done $0x0  }
0x14: {  	[sflag:s12] =	ssyncadd.s32 $0xFFFF8000  }
0x15: {  	[tilespmem:s3], [sflag:$0x3] =	stream.linear.gather [hbm4b:s8+s3], $0x80, $0x38;
	[tilespmem:$0x18300] =	vst v63  }
0x16: {  	_ = 	snop  }
0x17: {  	[tilespmem:s14], [sflag:$0x3] =	stream.linear.gather [hbm4b:s13+s3], $0x80, $0x38;
	[tilespmem:$0x18300] =	vst v63  }
0x18: {  	_ =	swait.ge [sflag:s12], $0x100  }
0x19: {  	[sflag:s12] =	ssyncset.done $0x0  }
0x1a: {  	[sflag:s12] =	ssyncadd.s32 $0xFFFFFF00  }
0x1b: {  	[tilespmem:s16], [sflag:$0x1] =	stream.indirect.gather [hbm4b:s5+s15], $0x80, s3, s15, $0xb8;
	[tilespmem:$0x18300] =	vst v63  }
0x1c: {  	s26 =	simm.s32 $0x0  }
0x1d: {  	[tilespmem:s17], [sflag:$0x1] =	stream.indirect.gather [hbm4b:s5+s15], $0x80, s14, s15, $0xb8;
	[tilespmem:$0x18300] =	vst v63  }
.LBB2_2:
0x1e: {  	s28 =	sshllo.u32 s26, $0x1  }
0x1f: {  	s0 =	sshll.u32 s28, $0x8  }
0x20: {  	s0 =	sadd.s32 s4, s0  }
0x21: {  	s25 =	sshrl.u32 s0, $0x3  }
0x22: {  	s30 =	simm.s32 $0x0;
	s0 =	sadd.s32 s6, s25  }
0x23: {  	[tilespmem:s15], [sflag:$0x3] =	stream.linear.gather [hbm4b:s0+s30], $0x80, $0x38;
	[tilespmem:$0x18300] =	vst v63  }
0x24: {  	s0 =	sadd.s32 $0x10, s0  }
0x25: {  	[tilespmem:s18], [sflag:$0x3] =	stream.linear.gather [hbm4b:s0+s30], $0x80, $0x38;
	[tilespmem:$0x18300] =	vst v63  }
0x26: {  	_ =	swait.ge [sflag:s12], $0x100  }
0x27: {  	[sflag:s12] =	ssyncset.done $0x0  }
0x28: {  	[sflag:s12] =	ssyncadd.s32 $0xFFFFFF00  }
0x29: {  	[tilespmem:s19], [sflag:$0x2] =	stream.indirect.gather [hbm4b:s5+s15], $0x80, s15, s15, $0xb8;
	[tilespmem:$0x18300] =	vst v63  }
0x2a: {  	_ = 	snop  }
0x2b: {  	[tilespmem:s20], [sflag:$0x2] =	stream.indirect.gather [hbm4b:s5+s15], $0x80, s18, s15, $0xb8;
	[tilespmem:$0x18300] =	vst v63  }
0x2c: {  	_ =	swait.ge [sflag:s21], $0x4000  }
0x2d: {  	s2 =	sshll.u32 s26, $0xB;
	[sflag:s21] =	ssyncset.done $0x0  }
0x2e: {  	s0 =	sand.u32 $0x3FFFF800, s2;
	[sflag:s21] =	ssyncadd.s32 $0xFFFFC000  }
0x2f: {  	s0 =	sadd.s32 $0x10200, s0;
	_ =	swait.ge [sflag:s21], $0x4000  }
0x30: {  	v4 =	vmov s0;
	[sflag:s21] =	ssyncset.done $0x0  }
0x31: {  	s29 =	simm.s32 $0x600;
	[sflag:s21] =	ssyncadd.s32 $0xFFFFC000  }
0x32: {  	v5 =	vld [tilespmem:s29+$0xFFFFFC00]  }
0x33: {  	s2 =	sand.u32 $0xE00, s30;
	v6 =	vld [tilespmem:s29+$0xFFFFFE80]  }
0x34: {  	s0 =	sshrl.u32 s2, $0x2;
	v7 =	vld [tilespmem:s29+$0x100]  }
0x35: {  	v8 =	vld.idx.msk [tilespmem:v4+s0+$0x0 ss:$0x1], $0xffff  }
0x36: {  	v9 =	vld [tilespmem:s29+$0xFFFFFD00]  }
0x37: {  	v10 =	vld [tilespmem:s29+$0xFFFFFE00]  }
0x38: {  	v11 =	vld [tilespmem:s29+$0xFFFFFC80]  }
0x39: {  	v12 =	vld [tilespmem:s29+$0xFFFFFF00]  }
0x3a: {  	v13 =	vld [tilespmem:s29+$0xFFFFFF80]  }
0x3b: {  	v14 =	vld [tilespmem:s29+$0x80]  }
0x3c: {  	v15 =	vld [tilespmem:s29+$0xFFFFFD80];
	v9 =	vsub.f32 v9, v8;
	v6 =	vsub.f32 v6, v8  }
0x3d: {  	v16 =	vld [tilespmem:s29+$0x0];
	v5 =	vsub.f32 v5, v8;
	v10 =	vsub.f32 v10, v8  }
0x3e: {  	v19 =	vld [tilespmem:s29+$0x180];
	v11 =	vsub.f32 v11, v8;
	v7 =	vsub.f32 v7, v8  }
0x3f: {  	v12 =	vsub.f32 v12, v8;
	v13 =	vsub.f32 v13, v8;
	v6 =	vmul.f32 v6, v6  }
0x40: {  	v14 =	vsub.f32 v14, v8;
	v9 =	vmul.f32 v9, v9;
	v10 =	vmul.f32 v10, v10  }
0x41: {  	v15 =	vsub.f32 v15, v8;
	v5 =	vmul.f32 v5, v5;
	v11 =	vmul.f32 v11, v11  }
0x42: {  	v16 =	vsub.f32 v16, v8;
	v14 =	vmul.f32 v14, v14;
	v7 =	vmul.f32 v7, v7  }
0x43: {  	v19 =	vsub.f32 v19, v8;
	v15 =	vmul.f32 v15, v15;
	v12 =	vmul.f32 v12, v12  }
0x44: {  	v16 =	vmul.f32 v16, v16;
	v13 =	vmul.f32 v13, v13  }
0x45: {  	v53 =	vmul.f32 v19, v19;
	v17 =	vperm.xlane v9, v0  }
0x46: {  	v18 =	vperm.xlane v10, v0;
	v20 =	vperm.xlane v5, v0  }
0x47: {  	v21 =	vperm.xlane v11, v0;
	v33 =	vperm.xlane v14, v0  }
0x48: {  	v34 =	vperm.xlane v7, v0;
	v23 =	vperm.xlane v6, v0  }
0x49: {  	v45 =	vperm.xlane v15, v0;
	v48 =	vperm.xlane v12, v0;
	v9 =	vadd.f32 v9, v17  }
0x4a: {  	v37 =	vld [tilespmem:s29+$0x200];
	v49 =	vperm.xlane v16, v0;
	v10 =	vadd.f32 v10, v18;
	v11 =	vadd.f32 v11, v21  }
0x4b: {  	v51 =	vperm.xlane v13, v0;
	v5 =	vadd.f32 v5, v20;
	v14 =	vadd.f32 v14, v33  }
0x4c: {  	v63 =	vperm.xlane v53, v0;
	v6 =	vadd.f32 v6, v23;
	v15 =	vadd.f32 v15, v45  }
0x4d: {  	v52 =	vadd.f32 v16, v49;
	v17 =	vperm.xlane v9, v1;
	v18 =	vperm.xlane v10, v1  }
0x4e: {  	v13 =	vadd.f32 v13, v51;
	v32 =	vperm.xlane v11, v1;
	v22 =	vperm.xlane v5, v1  }
0x4f: {  	v47 =	vld [tilespmem:s29+$0x280];
	v21 =	vsub.f32 v37, v8;
	v43 =	vperm.xlane v6, v1;
	v50 =	vperm.xlane v15, v1  }
0x50: {  	v7 =	vadd.f32 v7, v34;
	v57 =	vperm.xlane v52, v1;
	v59 =	vperm.xlane v13, v1  }
0x51: {  	v55 =	vld [tilespmem:s29+$0x380];
	v60 =	vmul.f32 v21, v21;
	v9 =	vadd.f32 v9, v17;
	v10 =	vadd.f32 v10, v18  }
0x52: {  	v58 =	vld [tilespmem:s29+$0x300];
	v31 =	vperm.xlane v14, v1;
	v11 =	vadd.f32 v11, v32;
	v5 =	vadd.f32 v5, v22  }
0x53: {  	v6 =	vadd.f32 v6, v43;
	v15 =	vadd.f32 v15, v50;
	v29 =	vperm.xlane v60, v0  }
0x54: {  	v18 =	vsub.f32 v47, v8;
	v35 =	vperm.xlane v9, v2;
	v36 =	vperm.xlane v10, v2  }
0x55: {  	v13 =	vadd.f32 v13, v59;
	v38 =	vperm.xlane v11, v2;
	v39 =	vperm.xlane v5, v2  }
0x56: {  	v17 =	vsub.f32 v55, v8;
	v46 =	vperm.xlane v6, v2;
	v24 =	vperm.xlane v15, v2  }
0x57: {  	v8 =	vsub.f32 v58, v8;
	v18 =	vmul.f32 v18, v18;
	v28 =	vperm.xlane v13, v2  }
0x58: {  	v17 =	vmul.f32 v17, v17;
	v19 =	vadd.f32 v60, v29;
	v9 =	vadd.f32 v9, v35  }
0x59: {  	v8 =	vmul.f32 v8, v8;
	v10 =	vadd.f32 v10, v36;
	v11 =	vadd.f32 v11, v38  }
0x5a: {  	v5 =	vadd.f32 v5, v39;
	v6 =	vadd.f32 v6, v46;
	v32 =	vperm.xlane v17, v0  }
0x5b: {  	v15 =	vadd.f32 v15, v24;
	v34 =	vperm.xlane v8, v0;
	v37 =	vperm.xlane v18, v0  }
0x5c: {  	v35 =	vadd.f32 v14, v31;
	v47 =	vperm.xlane v19, v1;
	v40 =	vperm.xlane v9, v3  }
0x5d: {  	v36 =	vadd.f32 v53, v63;
	v41 =	vperm.xlane v10, v3;
	v42 =	vperm.xlane v11, v3  }
0x5e: {  	v44 =	vperm.xlane v5, v3;
	v38 =	vadd.f32 v17, v32;
	v8 =	vadd.f32 v8, v34  }
0x5f: {  	v54 =	vperm.xlane v6, v3;
	v14 =	vadd.f32 v18, v37;
	v9 =	vadd.f32 v9, v40  }
0x60: {  	v62 =	vperm.xlane v15, v3;
	v10 =	vadd.f32 v10, v41;
	v11 =	vadd.f32 v11, v42  }
0x61: {  	v50 =	vperm.xlane v35, v2;
	v5 =	vadd.f32 v5, v44;
	v6 =	vadd.f32 v6, v54  }
0x62: {  	v15 =	vadd.f32 v15, v62;
	v40 =	vperm.xlane v7, v1;
	v41 =	vperm.xlane v36, v1  }
0x63: {  	v42 =	vperm.xlane v8, v1;
	v5 =	vsel vm0, v5, v11;
	v11 =	vadd.f32 v12, v48  }
0x64: {  	v43 =	vperm.xlane v38, v1;
	v45 =	vperm.xlane v14, v1;
	v12 =	vadd.f32 v52, v57  }
0x65: {  	v7 =	vadd.f32 v7, v40;
	v8 =	vadd.f32 v8, v42;
	v56 =	vperm.xlane v11, v1  }
0x66: {  	v49 =	vadd.f32 v38, v43;
	v52 =	vadd.f32 v19, v47;
	v61 =	vperm.xlane v12, v2  }
0x67: {  	v5 =	vsel vm1, v5, v9;
	v9 =	vadd.f32 v35, v50;
	v11 =	vadd.f32 v11, v56  }
0x68: {  	v5 =	vsel vm2, v5, v15;
	v46 =	vperm.xlane v7, v2;
	v12 =	vadd.f32 v12, v61  }
0x69: {  	v51 =	vperm.xlane v8, v2;
	v5 =	vsel vm3, v5, v10;
	v20 =	vperm.xlane v11, v2  }
0x6a: {  	v5 =	vsel vm4, v5, v6;
	v6 =	vadd.f32 v13, v28;
	v30 =	vperm.xlane v12, v3  }
0x6b: {  	v54 =	vperm.xlane v49, v2;
	v13 =	vadd.f32 v14, v45;
	v11 =	vadd.f32 v11, v20  }
0x6c: {  	v57 =	vperm.xlane v9, v3;
	v33 =	vadd.f32 v12, v30;
	v12 =	vadd.f32 v36, v41  }
0x6d: {  	v7 =	vadd.f32 v7, v46;
	v8 =	vadd.f32 v8, v51;
	v44 =	vperm.xlane v11, v3  }
0x6e: {  	v61 =	vadd.f32 v49, v54;
	v39 =	vperm.xlane v6, v3;
	v48 =	vperm.xlane v12, v2  }
0x6f: {  	v56 =	vperm.xlane v52, v2;
	v9 =	vadd.f32 v9, v57;
	v11 =	vadd.f32 v11, v44  }
0x70: {  	v53 =	vperm.xlane v13, v2;
	v6 =	vadd.f32 v6, v39;
	v12 =	vadd.f32 v12, v48  }
0x71: {  	v55 =	vperm.xlane v7, v3;
	v58 =	vadd.f32 v52, v56;
	v5 =	vsel vm5, v5, v11  }
0x72: {  	v13 =	vadd.f32 v13, v53;
	v5 =	vsel vm6, v5, v6;
	v6 =	vperm.xlane v12, v3  }
0x73: {  	v7 =	vadd.f32 v7, v55;
	v60 =	vperm.xlane v58, v3;
	v5 =	vsel vm7, v5, v33  }
0x74: {  	v59 =	vperm.xlane v13, v3;
	v6 =	vadd.f32 v12, v6;
	v5 =	vsel vm8, v5, v9  }
0x75: {  	v62 =	vperm.xlane v8, v3;
	v10 =	vadd.f32 v58, v60;
	v5 =	vsel vm9, v5, v7  }
0x76: {  	v63 =	vperm.xlane v61, v3;
	v7 =	vadd.f32 v13, v59;
	v5 =	vsel vm10, v5, v6  }
0x77: {  	v6 =	vadd.f32 v8, v62;
	v5 =	vsel vm11, v5, v10  }
0x78: {  	v8 =	vadd.f32 v61, v63;
	v5 =	vsel vm12, v5, v7  }
0x79: {  	v5 =	vsel vm13, v5, v6  }
0x7a: {  	v5 =	vsel vm14, v5, v8  }
0x7b: {  	v6 =	vshrl.u32 v5, $0x1  }
0x7c: {  	v6 =	vadd.s32 $0x1FBD1DF5, v6  }
0x7d: {  	(erf) = vrcp.f32 v6;
	_ =	sdelay $0x8  }
0x7e: {  	v7 =	vpop (erf)  }
0x7f: {  	v7 =	vmul.f32 v7, v5;
	_ =	sdelay $0x1  }
0x80: {  	v6 =	vadd.f32 v6, v7;
	_ =	sdelay $0x1  }
0x81: {  	v6 =	vmul.f32 $5.000000000e-01, v6;
	_ =	sdelay $0x1  }
0x82: {  	s31 =	simm.s32 $0x18200;
	s30 =	simm.s32 $0x18200;
	s0 =	simm.s32 $0x100;
	(erf) = vrcp.f32 v6  }
.LBB2_3:
0x83: {  	_ = 	snop  }
0x84: {  	p0 =	sne.s32 s0, $0xF00;
	s31 =	sadd.s32 $0x10, s31;
	s29 =	sadd.s32 $0x800, s29  }
0x85: {  	s2 =	smov.u32 s0;
	s0 =	sadd.s32 $0x100, s0;
	_ =	sdelay $0x5  }
0x86: {  	v7 =	vpop (erf)  }
0x87: {  	v7 =	vmul.f32 v7, v5;
	_ =	sdelay $0x1  }
0x88: {  	v6 =	vadd.f32 v7, v6;
	_ =	sdelay $0x1  }
0x89: {  	v6 =	vmul.f32 $5.000000000e-01, v6;
	_ =	sdelay $0x1  }
0x8a: {  	(erf) = vrcp.f32 v6;
	_ =	sdelay $0x8  }
0x8b: {  	v7 =	vpop (erf)  }
0x8c: {  	v5 =	vmul.f32 v7, v5;
	_ =	sdelay $0x1  }
0x8d: {  	v5 =	vadd.f32 v5, v6;
	_ =	sdelay $0x1  }
0x8e: {  	v5 =	vmul.f32 $5.000000000e-01, v5;
	_ =	sdelay $0x1  }
0x8f: {  	[tilespmem:s30+$0x0] =	vst v5;
	s30 =	smov.u32 s31  }
0x90: {  	s2 =	sand.u32 $0xE00, s2;
	v6 =	vld [tilespmem:s29+$0xFFFFFC00]  }
0x91: {  	s2 =	sshrl.u32 s2, $0x2;
	v7 =	vld [tilespmem:s29+$0xFFFFFE80]  }
0x92: {  	v8 =	vld [tilespmem:s29+$0x100]  }
0x93: {  	v5 =	vld.idx.msk [tilespmem:v4+s2+$0x0 ss:$0x1], $0xffff  }
0x94: {  	v9 =	vld [tilespmem:s29+$0xFFFFFD00]  }
0x95: {  	v10 =	vld [tilespmem:s29+$0xFFFFFE00]  }
0x96: {  	v11 =	vld [tilespmem:s29+$0xFFFFFC80]  }
0x97: {  	v12 =	vld [tilespmem:s29+$0xFFFFFF00]  }
0x98: {  	v13 =	vld [tilespmem:s29+$0xFFFFFF80]  }
0x99: {  	v7 =	vsub.f32 v7, v5;
	v9 =	vsub.f32 v9, v5;
	v14 =	vld [tilespmem:s29+$0x80]  }
0x9a: {  	v6 =	vsub.f32 v6, v5;
	v15 =	vld [tilespmem:s29+$0xFFFFFD80];
	v10 =	vsub.f32 v10, v5  }
0x9b: {  	v8 =	vsub.f32 v8, v5;
	v7 =	vmul.f32 v7, v7;
	v11 =	vsub.f32 v11, v5  }
0x9c: {  	v9 =	vmul.f32 v9, v9;
	v10 =	vmul.f32 v10, v10;
	v12 =	vsub.f32 v12, v5;
	v16 =	vld [tilespmem:s29+$0x0]  }
0x9d: {  	v6 =	vmul.f32 v6, v6;
	v11 =	vmul.f32 v11, v11;
	v13 =	vsub.f32 v13, v5  }
0x9e: {  	v17 =	vperm.xlane v9, v0;
	v18 =	vperm.xlane v10, v0;
	v14 =	vsub.f32 v14, v5;
	v19 =	vld [tilespmem:s29+$0x180]  }
0x9f: {  	v20 =	vperm.xlane v6, v0;
	v21 =	vperm.xlane v11, v0;
	v15 =	vsub.f32 v15, v5  }
0xa0: {  	v9 =	vadd.f32 v9, v17;
	v10 =	vadd.f32 v10, v18;
	v14 =	vmul.f32 v14, v14  }
0xa1: {  	v8 =	vmul.f32 v8, v8;
	v11 =	vadd.f32 v11, v21;
	v16 =	vsub.f32 v16, v5  }
0xa2: {  	v6 =	vadd.f32 v6, v20;
	v17 =	vperm.xlane v9, v1;
	v18 =	vperm.xlane v10, v1  }
0xa3: {  	v21 =	vperm.xlane v14, v0;
	v20 =	vperm.xlane v11, v1;
	v19 =	vsub.f32 v19, v5  }
0xa4: {  	v22 =	vperm.xlane v6, v1;
	v9 =	vadd.f32 v9, v17;
	v10 =	vadd.f32 v10, v18  }
0xa5: {  	v17 =	vperm.xlane v8, v0;
	v14 =	vadd.f32 v14, v21;
	v11 =	vadd.f32 v11, v20  }
0xa6: {  	v6 =	vadd.f32 v6, v22;
	v18 =	vperm.xlane v9, v2;
	v20 =	vperm.xlane v10, v2;
	v21 =	vld [tilespmem:s29+$0x200]  }
0xa7: {  	v23 =	vperm.xlane v7, v0;
	v8 =	vadd.f32 v8, v17;
	v22 =	vperm.xlane v11, v2  }
0xa8: {  	v17 =	vperm.xlane v6, v2;
	v9 =	vadd.f32 v9, v18;
	v10 =	vadd.f32 v10, v20  }
0xa9: {  	v7 =	vadd.f32 v7, v23;
	v15 =	vmul.f32 v15, v15;
	v11 =	vadd.f32 v11, v22  }
0xaa: {  	v6 =	vadd.f32 v6, v17;
	v17 =	vperm.xlane v9, v3;
	v18 =	vperm.xlane v10, v3  }
0xab: {  	v22 =	vperm.xlane v7, v1;
	v20 =	vperm.xlane v11, v3;
	v21 =	vsub.f32 v21, v5  }
0xac: {  	v23 =	vperm.xlane v6, v3;
	v9 =	vadd.f32 v9, v17;
	v10 =	vadd.f32 v10, v18  }
0xad: {  	v17 =	vperm.xlane v15, v0;
	v7 =	vadd.f32 v7, v22;
	v11 =	vadd.f32 v11, v20  }
0xae: {  	v12 =	vmul.f32 v12, v12;
	v16 =	vmul.f32 v16, v16;
	v6 =	vadd.f32 v6, v23  }
0xaf: {  	v13 =	vmul.f32 v13, v13;
	v15 =	vadd.f32 v15, v17;
	v17 =	vperm.xlane v7, v2;
	v18 =	vld [tilespmem:s29+$0x280]  }
0xb0: {  	v20 =	vperm.xlane v16, v0;
	v6 =	vsel vm0, v6, v11;
	v11 =	vperm.xlane v12, v0  }
0xb1: {  	v22 =	vperm.xlane v15, v1;
	v7 =	vadd.f32 v7, v17;
	v17 =	vperm.xlane v13, v0  }
0xb2: {  	v11 =	vadd.f32 v12, v11;
	v12 =	vadd.f32 v16, v20;
	v16 =	vmul.f32 v19, v19  }
0xb3: {  	v15 =	vadd.f32 v15, v22;
	v19 =	vperm.xlane v7, v3;
	v13 =	vadd.f32 v13, v17;
	v17 =	vld [tilespmem:s29+$0x380]  }
0xb4: {  	v20 =	vperm.xlane v11, v1;
	v22 =	vperm.xlane v12, v1;
	v18 =	vsub.f32 v18, v5;
	v23 =	vld [tilespmem:s29+$0x300]  }
0xb5: {  	v24 =	vperm.xlane v15, v2;
	v7 =	vadd.f32 v7, v19;
	v19 =	vperm.xlane v13, v1  }
0xb6: {  	v11 =	vadd.f32 v11, v20;
	v12 =	vadd.f32 v12, v22;
	v18 =	vmul.f32 v18, v18  }
0xb7: {  	v15 =	vadd.f32 v15, v24;
	v13 =	vadd.f32 v13, v19;
	v19 =	vmul.f32 v21, v21  }
0xb8: {  	v20 =	vperm.xlane v11, v2;
	v21 =	vperm.xlane v12, v2;
	v17 =	vsub.f32 v17, v5  }
0xb9: {  	v24 =	vperm.xlane v16, v0;
	v22 =	vperm.xlane v15, v3;
	v5 =	vsub.f32 v23, v5  }
0xba: {  	v6 =	vsel vm1, v6, v9;
	v9 =	vperm.xlane v13, v2;
	v12 =	vadd.f32 v12, v21  }
0xbb: {  	v15 =	vadd.f32 v15, v22;
	v21 =	vperm.xlane v19, v0;
	v17 =	vmul.f32 v17, v17  }
0xbc: {  	v11 =	vadd.f32 v11, v20;
	v20 =	vperm.xlane v12, v3;
	v5 =	vmul.f32 v5, v5  }
0xbd: {  	v6 =	vsel vm2, v6, v15;
	v15 =	vperm.xlane v14, v1;
	v22 =	vperm.xlane v17, v0  }
0xbe: {  	v6 =	vsel vm3, v6, v10;
	v10 =	vadd.f32 v12, v20;
	v12 =	vperm.xlane v5, v0  }
0xbf: {  	v6 =	vsel vm4, v6, v7;
	v7 =	vadd.f32 v13, v9;
	v9 =	vadd.f32 v14, v15  }
0xc0: {  	v13 =	vadd.f32 v16, v24;
	v14 =	vperm.xlane v18, v0;
	v15 =	vadd.f32 v17, v22  }
0xc1: {  	v17 =	vperm.xlane v8, v1;
	v16 =	vperm.xlane v7, v3;
	v5 =	vadd.f32 v5, v12  }
0xc2: {  	v19 =	vadd.f32 v19, v21;
	v12 =	vperm.xlane v13, v1;
	v14 =	vadd.f32 v18, v14  }
0xc3: {  	v8 =	vadd.f32 v8, v17;
	v18 =	vperm.xlane v15, v1;
	v17 =	vperm.xlane v5, v1  }
0xc4: {  	v20 =	vperm.xlane v11, v3;
	v12 =	vadd.f32 v13, v12;
	v13 =	vperm.xlane v14, v1  }
0xc5: {  	v22 =	vperm.xlane v19, v1;
	v21 =	vperm.xlane v8, v2;
	v5 =	vadd.f32 v5, v17  }
0xc6: {  	v17 =	vperm.xlane v12, v2;
	v13 =	vadd.f32 v14, v13;
	v14 =	vadd.f32 v15, v18  }
0xc7: {  	v7 =	vadd.f32 v7, v16;
	v8 =	vadd.f32 v8, v21;
	v15 =	vperm.xlane v5, v2  }
0xc8: {  	v12 =	vadd.f32 v12, v17;
	v16 =	vperm.xlane v13, v2;
	v17 =	vperm.xlane v14, v2  }
0xc9: {  	v11 =	vadd.f32 v11, v20;
	v19 =	vadd.f32 v19, v22;
	v18 =	vperm.xlane v8, v3  }
0xca: {  	v20 =	vperm.xlane v9, v2;
	v13 =	vadd.f32 v13, v16;
	v5 =	vadd.f32 v5, v15  }
0xcb: {  	v6 =	vsel vm5, v6, v11;
	v11 =	vperm.xlane v19, v2;
	v8 =	vadd.f32 v8, v18  }
0xcc: {  	v9 =	vadd.f32 v9, v20;
	v15 =	vperm.xlane v13, v3;
	v16 =	vperm.xlane v5, v3  }
0xcd: {  	v6 =	vsel vm6, v6, v7;
	v11 =	vadd.f32 v19, v11;
	v7 =	vperm.xlane v12, v3  }
0xce: {  	v6 =	vsel vm7, v6, v10;
	v10 =	vperm.xlane v9, v3;
	v13 =	vadd.f32 v13, v15  }
0xcf: {  	v7 =	vadd.f32 v12, v7;
	v12 =	vperm.xlane v11, v3;
	v5 =	vadd.f32 v5, v16  }
0xd0: {  	v9 =	vadd.f32 v9, v10;
	v10 =	vadd.f32 v14, v17  }
0xd1: {  	v11 =	vadd.f32 v11, v12  }
0xd2: {  	v6 =	vsel vm8, v6, v9;
	v9 =	vperm.xlane v10, v3  }
0xd3: {  	v6 =	vsel vm9, v6, v8  }
0xd4: {  	v6 =	vsel vm10, v6, v7;
	v7 =	vadd.f32 v10, v9  }
0xd5: {  	v6 =	vsel vm11, v6, v11  }
0xd6: {  	v6 =	vsel vm12, v6, v13  }
0xd7: {  	v5 =	vsel vm13, v6, v5  }
0xd8: {  	v5 =	vsel vm14, v5, v7  }
0xd9: {  	v6 =	vshrl.u32 v5, $0x1  }
0xda: {  	v6 =	vadd.s32 $0x1FBD1DF5, v6  }
0xdb: {  	(erf) = vrcp.f32 v6;
	_ =	sdelay $0x8  }
0xdc: {  	v7 =	vpop (erf)  }
0xdd: {  	v7 =	vmul.f32 v7, v5;
	_ =	sdelay $0x1  }
.Ltmp0:
0xde: {  	v6 =	vadd.f32 v6, v7;
	(pc) =	sbr.rel @p0 .LBB2_3-.Ltmp0, $3  }
0xdf: {  	_ = 	snop  }
0xe0: {  	v6 =	vmul.f32 $5.000000000e-01, v6;
	_ =	sdelay $0x1  }
0xe1: {  	(erf) = vrcp.f32 v6  }
0xe2: {  	_ =	sdelay $0x7  }
0xe3: {  	v4 =	vpop (erf)  }
0xe4: {  	v4 =	vmul.f32 v4, v5;
	_ =	sdelay $0x1  }
0xe5: {  	v4 =	vadd.f32 v4, v6;
	_ =	sdelay $0x1  }
0xe6: {  	v4 =	vmul.f32 $5.000000000e-01, v4;
	_ =	sdelay $0x1  }
0xe7: {  	(erf) = vrcp.f32 v4;
	_ =	sdelay $0x8  }
0xe8: {  	v6 =	vpop (erf)  }
0xe9: {  	v5 =	vmul.f32 v6, v5;
	_ =	sdelay $0x1  }
0xea: {  	v4 =	vadd.f32 v5, v4  }
0xeb: {  	s0 =	sshll.u32 s26, $0x9  }
0xec: {  	s2 =	sor.u32 s4, s0;
	v4 =	vmul.f32 $5.000000000e-01, v4  }
0xed: {  	s2 =	sshrl.u32 s2, $0x3  }
0xee: {  	p0 =	seq.s32 s26, $0xF;
	s2 =	sadd.s32 s1, s2;
	[tilespmem:s30+$0x0] =	vst v4  }
0xef: {  	[hbm4b:s2+s3] =	stream.linear.scatter [tilespmem:s22], [sflag:$0x3], $0x100, $0x38;
	[tilespmem:$0x18300] =	vst v63  }
0xf0: {  	s0 =	sadd.s32 @!p0 s0, s9;
	_ =	swait.ge [sflag:s12], $0x100  }
0xf1: {  	s0 =	sshrl.u32 @!p0 s0, $0x3;
	[sflag:s12] =	ssyncset.done $0x0  }
0xf2: {  	s0 =	sadd.s32 @!p0 s6, s0;
	s2 =	simm.s32 @!p0 $0x0;
	[sflag:s12] =	ssyncadd.s32 $0xFFFFFF00  }
0xf3: {  	[tilespmem:s2], [sflag:$0x3] =	stream.linear.gather @!p0 [hbm4b:s0+s2], $0x80, $0x38;
	[tilespmem:$0x18300] =	vst v63  }
0xf4: {  	s29 =	simm.s32 @!p0 $0x100;
	s0 =	sadd.s32 @!p0 $0x10, s0  }
0xf5: {  	[tilespmem:s29], [sflag:$0x3] =	stream.linear.gather @!p0 [hbm4b:s0+s2], $0x80, $0x38;
	[tilespmem:$0x18300] =	vst v63  }
0xf6: {  	s0 =	simm.s32 @!p0 $0x3  }
0xf7: {  	_ =	swait.ge @!p0 [sflag:s0], $0x100  }
0xf8: {  	[sflag:s0] =	ssyncset.done @!p0 $0x0  }
0xf9: {  	s30 =	simm.s32 @!p0 $0x200;
	[sflag:s0] =	ssyncadd.s32 @!p0 $0xFFFFFF00;
	s0 =	simm.s32 @!p0 $0x80  }
0xfa: {  	[tilespmem:s30], [sflag:$0x1] =	stream.indirect.gather @!p0 [hbm4b:s5+s0], $0x80, s2, s0, $0xb8;
	[tilespmem:$0x18300] =	vst v63  }
0xfb: {  	s2 =	simm.s32 @!p0 $0x4200  }
0xfc: {  	[tilespmem:s2], [sflag:$0x1] =	stream.indirect.gather @!p0 [hbm4b:s5+s0], $0x80, s29, s0, $0xb8;
	[tilespmem:$0x18300] =	vst v63  }
0xfd: {  	_ =	swait.ge [sflag:s23], $0x4000  }
0xfe: {  	[sflag:s23] =	ssyncset.done $0x0  }
0xff: {  	[sflag:s23] =	ssyncadd.s32 $0xFFFFC000  }
0x100: {  	_ =	swait.ge [sflag:s23], $0x4000  }
0x101: {  	s2 =	sshll.u32 s28, $0xA;
	[sflag:s23] =	ssyncset.done $0x0  }
0x102: {  	s30 =	simm.s32 $0x0;
	s0 =	sand.u32 $0x3FFFFC00, s2;
	[sflag:s23] =	ssyncadd.s32 $0xFFFFC000  }
0x103: {  	s0 =	sadd.s32 $0x10200, s0;
	v5 =	vld [tilespmem:s30+$0x8980]  }
0x104: {  	v4 =	vmov s0;
	v6 =	vld [tilespmem:s30+$0x8900]  }
0x105: {  	v7 =	vld [tilespmem:s30+$0x8880]  }
0x106: {  	s31 =	simm.s32 $0x0;
	v8 =	vld [tilespmem:s30+$0x8800]  }
0x107: {  	s0 =	sand.u32 $0xE00, s31;
	v9 =	vld [tilespmem:s30+$0x8780]  }
0x108: {  	s0 =	sshrl.u32 s0, $0x2;
	v11 =	vld [tilespmem:s30+$0x8700]  }
0x109: {  	v10 =	vld.idx.msk [tilespmem:v4+s0+$0x0 ss:$0x1], $0xffff  }
0x10a: {  	v12 =	vld [tilespmem:s30+$0x8680]  }
0x10b: {  	v13 =	vld [tilespmem:s30+$0x8600]  }
0x10c: {  	v14 =	vld [tilespmem:s30+$0x8580]  }
0x10d: {  	v15 =	vld [tilespmem:s30+$0x8500]  }
0x10e: {  	v16 =	vld [tilespmem:s30+$0x8480];
	v6 =	vsub.f32 v6, v10;
	v5 =	vsub.f32 v5, v10  }
0x10f: {  	v17 =	vld [tilespmem:s30+$0x8400];
	v8 =	vsub.f32 v8, v10;
	v7 =	vsub.f32 v7, v10  }
0x110: {  	v18 =	vld [tilespmem:s30+$0x8380];
	v11 =	vsub.f32 v11, v10;
	v9 =	vsub.f32 v9, v10  }
0x111: {  	v19 =	vld [tilespmem:s30+$0x8300];
	v13 =	vsub.f32 v13, v10;
	v12 =	vsub.f32 v12, v10  }
0x112: {  	v20 =	vld [tilespmem:s30+$0x8200];
	v15 =	vsub.f32 v15, v10;
	v14 =	vsub.f32 v14, v10;
	v5 =	vmul.f32 v5, v5  }
0x113: {  	v21 =	vld [tilespmem:s30+$0x8280];
	v16 =	vsub.f32 v16, v10;
	v7 =	vmul.f32 v7, v7;
	v6 =	vmul.f32 v6, v6  }
0x114: {  	v17 =	vsub.f32 v17, v10;
	v9 =	vmul.f32 v9, v9;
	v8 =	vmul.f32 v8, v8  }
0x115: {  	v18 =	vsub.f32 v18, v10;
	v12 =	vmul.f32 v12, v12;
	v11 =	vmul.f32 v11, v11  }
0x116: {  	v19 =	vsub.f32 v19, v10;
	v14 =	vmul.f32 v14, v14;
	v13 =	vmul.f32 v13, v13  }
0x117: {  	v20 =	vsub.f32 v20, v10;
	v16 =	vmul.f32 v16, v16;
	v15 =	vmul.f32 v15, v15  }
0x118: {  	v10 =	vsub.f32 v21, v10;
	v18 =	vmul.f32 v18, v18;
	v17 =	vmul.f32 v17, v17  }
0x119: {  	v20 =	vmul.f32 v20, v20;
	v19 =	vmul.f32 v19, v19  }
0x11a: {  	v10 =	vmul.f32 v10, v10;
	v21 =	vperm.xlane v5, v0  }
0x11b: {  	v22 =	vperm.xlane v7, v0;
	v23 =	vperm.xlane v6, v0  }
0x11c: {  	v24 =	vperm.xlane v9, v0;
	v25 =	vperm.xlane v8, v0  }
0x11d: {  	v26 =	vperm.xlane v12, v0;
	v27 =	vperm.xlane v11, v0  }
0x11e: {  	v28 =	vperm.xlane v14, v0;
	v29 =	vperm.xlane v13, v0  }
0x11f: {  	v30 =	vperm.xlane v16, v0;
	v31 =	vperm.xlane v15, v0  }
0x120: {  	v32 =	vperm.xlane v17, v0;
	v6 =	vadd.f32 v6, v23;
	v5 =	vadd.f32 v5, v21  }
0x121: {  	v21 =	vperm.xlane v18, v0;
	v8 =	vadd.f32 v8, v25;
	v7 =	vadd.f32 v7, v22  }
0x122: {  	v22 =	vperm.xlane v19, v0;
	v11 =	vadd.f32 v11, v27;
	v9 =	vadd.f32 v9, v24  }
0x123: {  	v23 =	vperm.xlane v20, v0;
	v13 =	vadd.f32 v13, v29;
	v12 =	vadd.f32 v12, v26  }
0x124: {  	v24 =	vperm.xlane v10, v0;
	v15 =	vadd.f32 v15, v31;
	v14 =	vadd.f32 v14, v28  }
0x125: {  	v17 =	vadd.f32 v17, v32;
	v16 =	vadd.f32 v16, v30;
	v25 =	vperm.xlane v5, v1  }
0x126: {  	v18 =	vadd.f32 v18, v21;
	v21 =	vperm.xlane v7, v1;
	v26 =	vperm.xlane v6, v1  }
0x127: {  	v19 =	vadd.f32 v19, v22;
	v22 =	vperm.xlane v9, v1;
	v27 =	vperm.xlane v8, v1  }
0x128: {  	v20 =	vadd.f32 v20, v23;
	v23 =	vperm.xlane v12, v1;
	v28 =	vperm.xlane v11, v1  }
0x129: {  	v10 =	vadd.f32 v10, v24;
	v24 =	vperm.xlane v14, v1;
	v29 =	vperm.xlane v13, v1  }
0x12a: {  	v30 =	vperm.xlane v16, v1;
	v31 =	vperm.xlane v15, v1;
	v5 =	vadd.f32 v5, v25  }
0x12b: {  	v25 =	vperm.xlane v17, v1;
	v7 =	vadd.f32 v7, v21;
	v6 =	vadd.f32 v6, v26  }
0x12c: {  	v21 =	vperm.xlane v18, v1;
	v9 =	vadd.f32 v9, v22;
	v8 =	vadd.f32 v8, v27  }
0x12d: {  	v22 =	vperm.xlane v19, v1;
	v12 =	vadd.f32 v12, v23;
	v11 =	vadd.f32 v11, v28  }
0x12e: {  	v23 =	vperm.xlane v20, v1;
	v14 =	vadd.f32 v14, v24;
	v13 =	vadd.f32 v13, v29  }
0x12f: {  	v24 =	vperm.xlane v10, v1;
	v16 =	vadd.f32 v16, v30;
	v15 =	vadd.f32 v15, v31  }
0x130: {  	v17 =	vadd.f32 v17, v25;
	v25 =	vperm.xlane v6, v2;
	v26 =	vperm.xlane v5, v2  }
0x131: {  	v18 =	vadd.f32 v18, v21;
	v21 =	vperm.xlane v8, v2;
	v27 =	vperm.xlane v7, v2  }
0x132: {  	v19 =	vadd.f32 v19, v22;
	v22 =	vperm.xlane v11, v2;
	v28 =	vperm.xlane v9, v2  }
0x133: {  	v20 =	vadd.f32 v20, v23;
	v23 =	vperm.xlane v13, v2;
	v29 =	vperm.xlane v12, v2  }
0x134: {  	v10 =	vadd.f32 v10, v24;
	v24 =	vperm.xlane v15, v2;
	v59 =	vperm.xlane v14, v2  }
0x135: {  	v60 =	vperm.xlane v16, v2;
	v6 =	vadd.f32 v6, v25;
	v5 =	vadd.f32 v5, v26  }
0x136: {  	v25 =	vperm.xlane v20, v2;
	v8 =	vadd.f32 v8, v21;
	v7 =	vadd.f32 v7, v27  }
0x137: {  	v21 =	vperm.xlane v10, v2;
	v11 =	vadd.f32 v11, v22;
	v9 =	vadd.f32 v9, v28  }
0x138: {  	v22 =	vperm.xlane v19, v2;
	v13 =	vadd.f32 v13, v23;
	v12 =	vadd.f32 v12, v29  }
0x139: {  	v20 =	vadd.f32 v20, v25;
	v10 =	vadd.f32 v10, v21;
	v21 =	vperm.xlane v18, v2  }
0x13a: {  	v14 =	vadd.f32 v14, v59;
	v19 =	vadd.f32 v19, v22;
	v22 =	vperm.xlane v17, v2  }
0x13b: {  	v23 =	vperm.xlane v20, v3;
	v25 =	vperm.xlane v10, v3;
	v18 =	vadd.f32 v18, v21  }
0x13c: {  	v16 =	vadd.f32 v16, v60;
	v21 =	vperm.xlane v19, v3;
	v17 =	vadd.f32 v17, v22  }
0x13d: {  	v20 =	vadd.f32 v20, v23;
	v10 =	vadd.f32 v10, v25;
	v22 =	vperm.xlane v18, v3  }
0x13e: {  	v15 =	vadd.f32 v15, v24;
	v19 =	vadd.f32 v19, v21;
	v21 =	vperm.xlane v17, v3  }
0x13f: {  	v10 =	vsel vm0, v20, v10;
	v18 =	vadd.f32 v18, v22;
	v20 =	vperm.xlane v16, v3  }
0x140: {  	v17 =	vadd.f32 v17, v21;
	v10 =	vsel vm1, v10, v19;
	v19 =	vperm.xlane v15, v3  }
0x141: {  	v10 =	vsel vm2, v10, v18;
	v16 =	vadd.f32 v16, v20;
	v18 =	vperm.xlane v14, v3  }
0x142: {  	v10 =	vsel vm3, v10, v17;
	v15 =	vadd.f32 v15, v19;
	v17 =	vperm.xlane v13, v3  }
0x143: {  	v10 =	vsel vm4, v10, v16;
	v14 =	vadd.f32 v14, v18;
	v16 =	vperm.xlane v12, v3  }
0x144: {  	v10 =	vsel vm5, v10, v15;
	v13 =	vadd.f32 v13, v17;
	v15 =	vperm.xlane v11, v3  }
0x145: {  	v10 =	vsel vm6, v10, v14;
	v12 =	vadd.f32 v12, v16;
	v14 =	vperm.xlane v9, v3  }
0x146: {  	v10 =	vsel vm7, v10, v13;
	v11 =	vadd.f32 v11, v15;
	v13 =	vperm.xlane v8, v3  }
0x147: {  	v10 =	vsel vm8, v10, v12;
	v9 =	vadd.f32 v9, v14;
	v12 =	vperm.xlane v7, v3  }
0x148: {  	v10 =	vsel vm9, v10, v11;
	v8 =	vadd.f32 v8, v13;
	v11 =	vperm.xlane v6, v3  }
0x149: {  	v9 =	vsel vm10, v10, v9;
	v7 =	vadd.f32 v7, v12;
	v10 =	vperm.xlane v5, v3  }
0x14a: {  	v8 =	vsel vm11, v9, v8;
	v6 =	vadd.f32 v6, v11  }
0x14b: {  	v7 =	vsel vm12, v8, v7;
	v5 =	vadd.f32 v5, v10  }
0x14c: {  	v6 =	vsel vm13, v7, v6  }
0x14d: {  	v5 =	vsel vm14, v6, v5  }
0x14e: {  	v6 =	vshrl.u32 v5, $0x1  }
0x14f: {  	v6 =	vadd.s32 $0x1FBD1DF5, v6  }
0x150: {  	(erf) = vrcp.f32 v6;
	_ =	sdelay $0x8  }
0x151: {  	v7 =	vpop (erf)  }
0x152: {  	v7 =	vmul.f32 v7, v5;
	_ =	sdelay $0x1  }
0x153: {  	v6 =	vadd.f32 v6, v7;
	_ =	sdelay $0x1  }
0x154: {  	v6 =	vmul.f32 $5.000000000e-01, v6;
	_ =	sdelay $0x1  }
0x155: {  	(erf) = vrcp.f32 v6;
	_ =	sdelay $0x8  }
0x156: {  	v7 =	vpop (erf)  }
0x157: {  	v7 =	vmul.f32 v7, v5;
	_ =	sdelay $0x1  }
0x158: {  	v6 =	vadd.f32 v7, v6;
	_ =	sdelay $0x1  }
0x159: {  	v6 =	vmul.f32 $5.000000000e-01, v6;
	_ =	sdelay $0x1  }
0x15a: {  	(erf) = vrcp.f32 v6;
	_ =	sdelay $0x8  }
0x15b: {  	v7 =	vpop (erf)  }
0x15c: {  	v5 =	vmul.f32 v7, v5;
	_ =	sdelay $0x1  }
0x15d: {  	v5 =	vadd.f32 v5, v6;
	_ =	sdelay $0x1  }
0x15e: {  	v5 =	vmul.f32 $5.000000000e-01, v5  }
0x15f: {  	s28 =	simm.s32 $0x18200  }
0x160: {  	s30 =	simm.s32 $0x800;
	[tilespmem:s28+$0x0] =	vst v5  }
0x161: {  	v5 =	vld [tilespmem:s30+$0x8980]  }
0x162: {  	v6 =	vld [tilespmem:s30+$0x8900]  }
0x163: {  	s29 =	simm.s32 $0x100;
	v7 =	vld [tilespmem:s30+$0x8880]  }
0x164: {  	s31 =	sand.u32 $0xE00, s29;
	v8 =	vld [tilespmem:s30+$0x8800]  }
0x165: {  	s2 =	sshrl.u32 s31, $0x2;
	v9 =	vld [tilespmem:s30+$0x8780]  }
0x166: {  	v10 =	vld.idx.msk [tilespmem:v4+s2+$0x0 ss:$0x1], $0xffff  }
0x167: {  	v11 =	vld [tilespmem:s30+$0x8700]  }
0x168: {  	v12 =	vld [tilespmem:s30+$0x8680]  }
0x169: {  	v13 =	vld [tilespmem:s30+$0x8600]  }
0x16a: {  	v15 =	vld [tilespmem:s30+$0x8500]  }
0x16b: {  	v14 =	vld [tilespmem:s30+$0x8580];
	v6 =	vsub.f32 v6, v10  }
0x16c: {  	v16 =	vld [tilespmem:s30+$0x8480];
	v5 =	vsub.f32 v5, v10;
	v8 =	vsub.f32 v8, v10  }
0x16d: {  	v17 =	vld [tilespmem:s30+$0x8400];
	v7 =	vsub.f32 v7, v10;
	v11 =	vsub.f32 v11, v10  }
0x16e: {  	v18 =	vld [tilespmem:s30+$0x8380];
	v9 =	vsub.f32 v9, v10;
	v13 =	vsub.f32 v13, v10  }
0x16f: {  	v20 =	vld [tilespmem:s30+$0x8200];
	v12 =	vsub.f32 v12, v10;
	v15 =	vsub.f32 v15, v10  }
0x170: {  	v14 =	vsub.f32 v14, v10;
	v24 =	vmul.f32 v5, v5;
	v25 =	vmul.f32 v7, v7  }
0x171: {  	v16 =	vsub.f32 v16, v10;
	v26 =	vmul.f32 v6, v6;
	v28 =	vmul.f32 v9, v9  }
0x172: {  	v6 =	vsub.f32 v17, v10;
	v29 =	vmul.f32 v8, v8;
	v61 =	vmul.f32 v12, v12  }
0x173: {  	v19 =	vld [tilespmem:s30+$0x8300];
	v9 =	vsub.f32 v18, v10;
	v62 =	vmul.f32 v11, v11;
	v7 =	vmul.f32 v14, v14  }
0x174: {  	v14 =	vmul.f32 v13, v13;
	v12 =	vsub.f32 v20, v10;
	v8 =	vmul.f32 v16, v16  }
0x175: {  	v15 =	vmul.f32 v15, v15;
	v9 =	vmul.f32 v9, v9  }
0x176: {  	v16 =	vmul.f32 v6, v6;
	v6 =	vmul.f32 v12, v12  }
0x177: {  	v12 =	vperm.xlane v24, v0;
	v13 =	vperm.xlane v25, v0  }
0x178: {  	v5 =	vld [tilespmem:s30+$0x8280];
	v11 =	vsub.f32 v19, v10;
	v19 =	vperm.xlane v28, v0;
	v18 =	vperm.xlane v29, v0  }
0x179: {  	v20 =	vperm.xlane v61, v0;
	v63 =	vperm.xlane v62, v0  }
0x17a: {  	v21 =	vperm.xlane v7, v0;
	v33 =	vperm.xlane v14, v0  }
0x17b: {  	v22 =	vperm.xlane v8, v0;
	v27 =	vperm.xlane v15, v0;
	v17 =	vadd.f32 v24, v12  }
0x17c: {  	v23 =	vperm.xlane v16, v0;
	v12 =	vadd.f32 v29, v18;
	v18 =	vadd.f32 v25, v13  }
0x17d: {  	v24 =	vperm.xlane v9, v0;
	v13 =	vadd.f32 v62, v63;
	v5 =	vsub.f32 v5, v10  }
0x17e: {  	v19 =	vadd.f32 v28, v19;
	v10 =	vmul.f32 v11, v11;
	v11 =	vperm.xlane v26, v0  }
0x17f: {  	v14 =	vadd.f32 v14, v33;
	v20 =	vadd.f32 v61, v20;
	v5 =	vmul.f32 v5, v5  }
0x180: {  	s26 =	sadd.s32 $0x1, s26;
	s0 =	simm.s32 $0x4000;
	v11 =	vadd.f32 v26, v11;
	v25 =	vperm.xlane v10, v0;
	v26 =	vperm.xlane v6, v0  }
.LBB2_5:
0x181: {  	p0 =	sne.s32 s0, $0x1E000;
	v28 =	vperm.xlane v5, v0;
	v15 =	vadd.f32 v15, v27;
	v7 =	vadd.f32 v7, v21  }
0x182: {  	v16 =	vadd.f32 v16, v23;
	v8 =	vadd.f32 v8, v22;
	v21 =	vperm.xlane v17, v1  }
0x183: {  	v9 =	vadd.f32 v9, v24;
	v22 =	vperm.xlane v18, v1;
	v23 =	vperm.xlane v11, v1  }
0x184: {  	v10 =	vadd.f32 v10, v25;
	v24 =	vperm.xlane v19, v1;
	v25 =	vperm.xlane v12, v1  }
0x185: {  	v27 =	vperm.xlane v13, v1;
	v6 =	vadd.f32 v6, v26;
	v26 =	vperm.xlane v20, v1  }
0x186: {  	v29 =	vperm.xlane v14, v1;
	v5 =	vadd.f32 v5, v28;
	v28 =	vperm.xlane v7, v1  }
0x187: {  	v30 =	vperm.xlane v8, v1;
	v31 =	vperm.xlane v15, v1;
	v17 =	vadd.f32 v17, v21  }
0x188: {  	v21 =	vperm.xlane v16, v1;
	v18 =	vadd.f32 v18, v22;
	v11 =	vadd.f32 v11, v23  }
0x189: {  	v22 =	vperm.xlane v9, v1;
	v19 =	vadd.f32 v19, v24;
	v12 =	vadd.f32 v12, v25  }
0x18a: {  	v23 =	vperm.xlane v10, v1;
	v13 =	vadd.f32 v13, v27;
	v20 =	vadd.f32 v20, v26  }
0x18b: {  	v24 =	vperm.xlane v6, v1;
	v14 =	vadd.f32 v14, v29;
	v7 =	vadd.f32 v7, v28  }
0x18c: {  	v25 =	vperm.xlane v5, v1;
	v8 =	vadd.f32 v8, v30;
	v15 =	vadd.f32 v15, v31  }
0x18d: {  	v16 =	vadd.f32 v16, v21;
	v21 =	vperm.xlane v11, v2;
	v26 =	vperm.xlane v17, v2  }
0x18e: {  	v9 =	vadd.f32 v9, v22;
	v22 =	vperm.xlane v12, v2;
	v27 =	vperm.xlane v18, v2  }
0x18f: {  	v10 =	vadd.f32 v10, v23;
	v23 =	vperm.xlane v13, v2;
	v28 =	vperm.xlane v19, v2  }
0x190: {  	v6 =	vadd.f32 v6, v24;
	v24 =	vperm.xlane v14, v2;
	v29 =	vperm.xlane v20, v2  }
0x191: {  	v5 =	vadd.f32 v5, v25;
	v25 =	vperm.xlane v15, v2;
	v30 =	vperm.xlane v7, v2  }
0x192: {  	v31 =	vperm.xlane v8, v2;
	v11 =	vadd.f32 v11, v21;
	v17 =	vadd.f32 v17, v26  }
0x193: {  	v12 =	vadd.f32 v12, v22;
	v18 =	vadd.f32 v18, v27;
	v21 =	vperm.xlane v6, v2  }
0x194: {  	v13 =	vadd.f32 v13, v23;
	v19 =	vadd.f32 v19, v28;
	v22 =	vperm.xlane v5, v2  }
0x195: {  	v23 =	vperm.xlane v10, v2;
	v14 =	vadd.f32 v14, v24;
	v20 =	vadd.f32 v20, v29  }
0x196: {  	v6 =	vadd.f32 v6, v21;
	v21 =	vperm.xlane v9, v2;
	v5 =	vadd.f32 v5, v22  }
0x197: {  	v10 =	vadd.f32 v10, v23;
	v7 =	vadd.f32 v7, v30;
	v22 =	vperm.xlane v16, v2  }
0x198: {  	v23 =	vperm.xlane v6, v3;
	v9 =	vadd.f32 v9, v21;
	v24 =	vperm.xlane v5, v3  }
0x199: {  	v8 =	vadd.f32 v8, v31;
	v21 =	vperm.xlane v10, v3;
	v16 =	vadd.f32 v16, v22  }
0x19a: {  	v6 =	vadd.f32 v6, v23;
	v22 =	vperm.xlane v9, v3;
	v5 =	vadd.f32 v5, v24  }
0x19b: {  	v15 =	vadd.f32 v15, v25;
	v10 =	vadd.f32 v10, v21;
	v21 =	vperm.xlane v16, v3  }
0x19c: {  	v5 =	vsel vm0, v6, v5;
	v6 =	vadd.f32 v9, v22;
	v9 =	vperm.xlane v8, v3  }
0x19d: {  	v5 =	vsel vm1, v5, v10;
	v10 =	vadd.f32 v16, v21;
	v16 =	vperm.xlane v15, v3  }
0x19e: {  	v5 =	vsel vm2, v5, v6;
	v6 =	vadd.f32 v8, v9;
	v8 =	vperm.xlane v7, v3  }
0x19f: {  	v5 =	vsel vm3, v5, v10;
	v9 =	vadd.f32 v15, v16;
	v10 =	vperm.xlane v14, v3  }
0x1a0: {  	v5 =	vsel vm4, v5, v6;
	v6 =	vadd.f32 v7, v8;
	v7 =	vperm.xlane v20, v3  }
0x1a1: {  	v5 =	vsel vm5, v5, v9;
	v8 =	vadd.f32 v14, v10;
	v9 =	vperm.xlane v13, v3  }
0x1a2: {  	v5 =	vsel vm6, v5, v6;
	v6 =	vadd.f32 v20, v7;
	v7 =	vperm.xlane v19, v3  }
0x1a3: {  	v5 =	vsel vm7, v5, v8;
	v8 =	vadd.f32 v13, v9;
	v9 =	vperm.xlane v12, v3  }
0x1a4: {  	v5 =	vsel vm8, v5, v6;
	v6 =	vadd.f32 v19, v7;
	v7 =	vperm.xlane v18, v3  }
0x1a5: {  	v5 =	vsel vm9, v5, v8;
	v8 =	vadd.f32 v12, v9;
	v9 =	vperm.xlane v11, v3  }
0x1a6: {  	v5 =	vsel vm10, v5, v6;
	v6 =	vadd.f32 v18, v7;
	v7 =	vperm.xlane v17, v3  }
0x1a7: {  	v5 =	vsel vm11, v5, v8;
	v8 =	vadd.f32 v11, v9  }
0x1a8: {  	v5 =	vsel vm12, v5, v6;
	v6 =	vadd.f32 v17, v7  }
0x1a9: {  	v5 =	vsel vm13, v5, v8  }
0x1aa: {  	v5 =	vsel vm14, v5, v6  }
0x1ab: {  	v6 =	vshrl.u32 v5, $0x1  }
0x1ac: {  	v6 =	vadd.s32 $0x1FBD1DF5, v6  }
0x1ad: {  	(erf) = vrcp.f32 v6;
	_ =	sdelay $0x8  }
0x1ae: {  	v7 =	vpop (erf)  }
0x1af: {  	v7 =	vmul.f32 v7, v5;
	_ =	sdelay $0x1  }
0x1b0: {  	v6 =	vadd.f32 v6, v7;
	_ =	sdelay $0x1  }
0x1b1: {  	v6 =	vmul.f32 $5.000000000e-01, v6;
	_ =	sdelay $0x1  }
0x1b2: {  	(erf) = vrcp.f32 v6;
	_ =	sdelay $0x8  }
0x1b3: {  	v7 =	vpop (erf)  }
0x1b4: {  	v7 =	vmul.f32 v7, v5;
	_ =	sdelay $0x1  }
0x1b5: {  	v6 =	vadd.f32 v7, v6;
	_ =	sdelay $0x1  }
0x1b6: {  	v6 =	vmul.f32 $5.000000000e-01, v6;
	_ =	sdelay $0x1  }
0x1b7: {  	(erf) = vrcp.f32 v6;
	_ =	sdelay $0x8  }
0x1b8: {  	v7 =	vpop (erf)  }
0x1b9: {  	v5 =	vmul.f32 v7, v5;
	_ =	sdelay $0x1  }
0x1ba: {  	v5 =	vadd.f32 v5, v6;
	_ =	sdelay $0x1  }
0x1bb: {  	v5 =	vmul.f32 $5.000000000e-01, v5  }
0x1bc: {  	s28 =	sadd.s32 $0x10, s28  }
0x1bd: {  	s2 =	sshra.s32 s0, $0x2;
	[tilespmem:s28+$0x0] =	vst v5  }
0x1be: {  	v5 =	vld [tilespmem:s2+$0x8980]  }
0x1bf: {  	v6 =	vld [tilespmem:s2+$0x8900]  }
0x1c0: {  	s29 =	sadd.s32 $0x100, s29;
	v7 =	vld [tilespmem:s2+$0x8880]  }
0x1c1: {  	s30 =	sand.u32 $0xE00, s29;
	v8 =	vld [tilespmem:s2+$0x8800]  }
0x1c2: {  	s30 =	sshrl.u32 s30, $0x2;
	v9 =	vld [tilespmem:s2+$0x8780]  }
0x1c3: {  	v10 =	vld.idx.msk [tilespmem:v4+s30+$0x0 ss:$0x1], $0xffff  }
0x1c4: {  	v11 =	vld [tilespmem:s2+$0x8700]  }
0x1c5: {  	v12 =	vld [tilespmem:s2+$0x8680]  }
0x1c6: {  	v13 =	vld [tilespmem:s2+$0x8600]  }
0x1c7: {  	v14 =	vld [tilespmem:s2+$0x8580]  }
0x1c8: {  	v15 =	vld [tilespmem:s2+$0x8500]  }
0x1c9: {  	v6 =	vsub.f32 v6, v10;
	v5 =	vsub.f32 v5, v10;
	v16 =	vld [tilespmem:s2+$0x8480]  }
0x1ca: {  	v8 =	vsub.f32 v8, v10;
	v7 =	vsub.f32 v7, v10;
	v17 =	vld [tilespmem:s2+$0x8400]  }
0x1cb: {  	v9 =	vsub.f32 v9, v10;
	v11 =	vsub.f32 v11, v10;
	v18 =	vld [tilespmem:s2+$0x8380]  }
0x1cc: {  	v12 =	vsub.f32 v12, v10;
	v13 =	vsub.f32 v13, v10;
	v19 =	vld [tilespmem:s2+$0x8300]  }
0x1cd: {  	v24 =	vmul.f32 v5, v5;
	v14 =	vsub.f32 v14, v10;
	v20 =	vld [tilespmem:s2+$0x8200];
	v15 =	vsub.f32 v15, v10  }
0x1ce: {  	v25 =	vmul.f32 v7, v7;
	v26 =	vmul.f32 v6, v6;
	v5 =	vld [tilespmem:s2+$0x8280];
	v16 =	vsub.f32 v16, v10  }
0x1cf: {  	v28 =	vmul.f32 v9, v9;
	v29 =	vmul.f32 v8, v8;
	v6 =	vsub.f32 v17, v10  }
0x1d0: {  	v31 =	vmul.f32 v11, v11;
	v30 =	vmul.f32 v12, v12;
	v9 =	vsub.f32 v18, v10  }
0x1d1: {  	v7 =	vmul.f32 v14, v14;
	v14 =	vmul.f32 v13, v13;
	v11 =	vsub.f32 v19, v10  }
0x1d2: {  	v15 =	vmul.f32 v15, v15;
	v8 =	vmul.f32 v16, v16;
	v12 =	vsub.f32 v20, v10  }
0x1d3: {  	v16 =	vmul.f32 v6, v6;
	v9 =	vmul.f32 v9, v9;
	v5 =	vsub.f32 v5, v10  }
0x1d4: {  	v10 =	vmul.f32 v11, v11;
	v6 =	vmul.f32 v12, v12  }
0x1d5: {  	v12 =	vperm.xlane v24, v0;
	v5 =	vmul.f32 v5, v5  }
0x1d6: {  	v13 =	vperm.xlane v25, v0;
	v11 =	vperm.xlane v26, v0  }
0x1d7: {  	v18 =	vperm.xlane v29, v0;
	v19 =	vperm.xlane v28, v0  }
0x1d8: {  	v32 =	vperm.xlane v31, v0;
	v20 =	vperm.xlane v30, v0  }
0x1d9: {  	v21 =	vperm.xlane v7, v0;
	v33 =	vperm.xlane v14, v0  }
.Ltmp1:
0x1da: {  	v27 =	vperm.xlane v15, v0;
	v22 =	vperm.xlane v8, v0;
	(pc) =	sbr.rel @p0 .LBB2_5-.Ltmp1, $4  }
0x1db: {  	v23 =	vperm.xlane v16, v0;
	v11 =	vadd.f32 v26, v11;
	v17 =	vadd.f32 v24, v12  }
0x1dc: {  	v24 =	vperm.xlane v9, v0;
	v12 =	vadd.f32 v29, v18;
	v18 =	vadd.f32 v25, v13  }
0x1dd: {  	v19 =	vadd.f32 v28, v19;
	v25 =	vperm.xlane v10, v0;
	v13 =	vadd.f32 v31, v32  }
0x1de: {  	s0 =	sadd.s32 $0x2000, s0;
	v14 =	vadd.f32 v14, v33;
	v20 =	vadd.f32 v30, v20;
	v26 =	vperm.xlane v6, v0  }
0x1df: {  	v4 =	vperm.xlane v5, v0;
	v15 =	vadd.f32 v15, v27;
	v7 =	vadd.f32 v7, v21  }
0x1e0: {  	v16 =	vadd.f32 v16, v23;
	v8 =	vadd.f32 v8, v22;
	v41 =	vperm.xlane v17, v1  }
0x1e1: {  	v9 =	vadd.f32 v9, v24;
	v42 =	vperm.xlane v18, v1;
	v43 =	vperm.xlane v11, v1  }
0x1e2: {  	v10 =	vadd.f32 v10, v25;
	v44 =	vperm.xlane v19, v1;
	v45 =	vperm.xlane v12, v1  }
0x1e3: {  	v47 =	vperm.xlane v13, v1;
	v6 =	vadd.f32 v6, v26;
	v46 =	vperm.xlane v20, v1  }
0x1e4: {  	v28 =	vperm.xlane v14, v1;
	v4 =	vadd.f32 v5, v4;
	v5 =	vperm.xlane v7, v1  }
0x1e5: {  	v29 =	vperm.xlane v8, v1;
	v30 =	vperm.xlane v15, v1;
	v17 =	vadd.f32 v17, v41  }
0x1e6: {  	v48 =	vperm.xlane v16, v1;
	v18 =	vadd.f32 v18, v42;
	v11 =	vadd.f32 v11, v43  }
0x1e7: {  	v49 =	vperm.xlane v9, v1;
	v19 =	vadd.f32 v19, v44;
	v12 =	vadd.f32 v12, v45  }
0x1e8: {  	v50 =	vperm.xlane v10, v1;
	v13 =	vadd.f32 v13, v47;
	v20 =	vadd.f32 v20, v46  }
0x1e9: {  	v51 =	vperm.xlane v6, v1;
	v52 =	vadd.f32 v14, v28;
	v5 =	vadd.f32 v7, v5  }
0x1ea: {  	v53 =	vperm.xlane v4, v1;
	v8 =	vadd.f32 v8, v29;
	v15 =	vadd.f32 v15, v30  }
0x1eb: {  	v16 =	vadd.f32 v16, v48;
	v54 =	vperm.xlane v11, v2;
	v55 =	vperm.xlane v17, v2  }
0x1ec: {  	v9 =	vadd.f32 v9, v49;
	v56 =	vperm.xlane v12, v2;
	v57 =	vperm.xlane v18, v2  }
0x1ed: {  	v10 =	vadd.f32 v10, v50;
	v58 =	vperm.xlane v13, v2;
	v59 =	vperm.xlane v19, v2  }
0x1ee: {  	v6 =	vadd.f32 v6, v51;
	v60 =	vperm.xlane v52, v2;
	v61 =	vperm.xlane v20, v2  }
0x1ef: {  	v4 =	vadd.f32 v4, v53;
	v62 =	vperm.xlane v15, v2;
	v11 =	vadd.f32 v11, v54  }
0x1f0: {  	v63 =	vperm.xlane v5, v2;
	v17 =	vadd.f32 v17, v55;
	v12 =	vadd.f32 v12, v56  }
0x1f1: {  	v33 =	vperm.xlane v8, v2;
	v18 =	vadd.f32 v18, v57;
	v13 =	vadd.f32 v13, v58  }
0x1f2: {  	v19 =	vadd.f32 v19, v59;
	v34 =	vperm.xlane v6, v2;
	v35 =	vperm.xlane v4, v2  }
0x1f3: {  	v36 =	vperm.xlane v10, v2;
	v7 =	vadd.f32 v52, v60;
	v20 =	vadd.f32 v20, v61  }
0x1f4: {  	v37 =	vperm.xlane v9, v2;
	v6 =	vadd.f32 v6, v34;
	v4 =	vadd.f32 v4, v35  }
0x1f5: {  	v38 =	vperm.xlane v16, v2;
	v10 =	vadd.f32 v10, v36;
	v5 =	vadd.f32 v5, v63  }
0x1f6: {  	v9 =	vadd.f32 v9, v37;
	v39 =	vperm.xlane v6, v3;
	v40 =	vperm.xlane v4, v3  }
0x1f7: {  	v16 =	vadd.f32 v16, v38;
	v8 =	vadd.f32 v8, v33;
	v41 =	vperm.xlane v10, v3  }
0x1f8: {  	v42 =	vperm.xlane v9, v3;
	v6 =	vadd.f32 v6, v39;
	v4 =	vadd.f32 v4, v40  }
0x1f9: {  	v14 =	vadd.f32 v15, v62;
	v43 =	vperm.xlane v16, v3;
	v10 =	vadd.f32 v10, v41  }
0x1fa: {  	v45 =	vperm.xlane v8, v3;
	v44 =	vadd.f32 v9, v42;
	v4 =	vsel vm0, v6, v4  }
0x1fb: {  	v15 =	vperm.xlane v14, v3;
	v46 =	vadd.f32 v16, v43;
	v4 =	vsel vm1, v4, v10  }
0x1fc: {  	v48 =	vperm.xlane v5, v3;
	v47 =	vadd.f32 v8, v45;
	v4 =	vsel vm2, v4, v44  }
0x1fd: {  	v50 =	vperm.xlane v7, v3;
	v49 =	vadd.f32 v14, v15;
	v4 =	vsel vm3, v4, v46  }
0x1fe: {  	v51 =	vperm.xlane v20, v3;
	v5 =	vadd.f32 v5, v48;
	v4 =	vsel vm4, v4, v47  }
0x1ff: {  	v52 =	vperm.xlane v13, v3;
	v7 =	vadd.f32 v7, v50;
	v4 =	vsel vm5, v4, v49  }
0x200: {  	v53 =	vperm.xlane v19, v3;
	v4 =	vsel vm6, v4, v5;
	v5 =	vadd.f32 v20, v51  }
0x201: {  	v55 =	vperm.xlane v12, v3;
	v54 =	vadd.f32 v13, v52;
	v4 =	vsel vm7, v4, v7  }
0x202: {  	v56 =	vperm.xlane v18, v3;
	v4 =	vsel vm8, v4, v5;
	v5 =	vadd.f32 v19, v53  }
0x203: {  	v58 =	vperm.xlane v11, v3;
	v57 =	vadd.f32 v12, v55;
	v4 =	vsel vm9, v4, v54  }
0x204: {  	v59 =	vperm.xlane v17, v3;
	v4 =	vsel vm10, v4, v5;
	v5 =	vadd.f32 v18, v56  }
0x205: {  	v60 =	vadd.f32 v11, v58;
	v4 =	vsel vm11, v4, v57  }
0x206: {  	v4 =	vsel vm12, v4, v5;
	v5 =	vadd.f32 v17, v59  }
0x207: {  	v4 =	vsel vm13, v4, v60  }
0x208: {  	v4 =	vsel vm14, v4, v5  }
0x209: {  	v5 =	vshrl.u32 v4, $0x1  }
0x20a: {  	v5 =	vadd.s32 $0x1FBD1DF5, v5  }
0x20b: {  	(erf) = vrcp.f32 v5;
	_ =	sdelay $0x8  }
0x20c: {  	v61 =	vpop (erf)  }
0x20d: {  	v6 =	vmul.f32 v61, v4;
	_ =	sdelay $0x1  }
0x20e: {  	v5 =	vadd.f32 v5, v6;
	_ =	sdelay $0x1  }
0x20f: {  	v5 =	vmul.f32 $5.000000000e-01, v5;
	_ =	sdelay $0x1  }
0x210: {  	(erf) = vrcp.f32 v5;
	_ =	sdelay $0x8  }
0x211: {  	v62 =	vpop (erf)  }
0x212: {  	v6 =	vmul.f32 v62, v4;
	_ =	sdelay $0x1  }
0x213: {  	v5 =	vadd.f32 v6, v5;
	_ =	sdelay $0x1  }
0x214: {  	v5 =	vmul.f32 $5.000000000e-01, v5;
	_ =	sdelay $0x1  }
0x215: {  	(erf) = vrcp.f32 v5;
	_ =	sdelay $0x8  }
0x216: {  	v63 =	vpop (erf)  }
0x217: {  	v4 =	vmul.f32 v63, v4;
	_ =	sdelay $0x1  }
0x218: {  	v4 =	vadd.f32 v4, v5;
	_ =	sdelay $0x1  }
0x219: {  	v4 =	vmul.f32 $5.000000000e-01, v4  }
0x21a: {  	s0 =	sadd.s32 $0x10, s28;
	p0 =	sne.s32 s26, $0x10  }
.Ltmp2:
0x21b: {  	s31 =	sadd.s32 s1, s25;
	[tilespmem:s0+$0x0] =	vst v4;
	(pc) =	sbr.rel @p0 .LBB2_2-.Ltmp2, $4  }
0x21c: {  	[hbm4b:s31+s3] =	stream.linear.scatter [tilespmem:s22], [sflag:$0x3], $0x100, $0x38;
	[tilespmem:$0x18300] =	vst v63  }
0x21d: {  	_ =	swait.ge [sflag:s12], $0x100  }
0x21e: {  	[sflag:s12] =	ssyncset.done $0x0  }
0x21f: {  	[sflag:s12] =	ssyncadd.s32 $0xFFFFFF00  }
0x220: {  	s24 =	sadd.s32 $0x1, s24  }
0x221: {  	p0 =	sne.s32 s24, s10  }
.Ltmp3:
0x222: {  	_ = 	snop;
	(pc) =	sbr.rel @p0 .LBB2_1-.Ltmp3, $1  }
0x223: {  	_ =	sdelay $0x3  }
0x224: {  	_ =	sfence.sel $0x180000  }
0x225: {  	[bflag:$0x0] =	sbarrier.arrive $0xFFFF  }
0x226: {  	_ =	strace $0x90000047  }
0x227: {  	s0 =	stileid.u32;
	[bflag:$0x2] =	sbarrier.arrive $0xFFFF  }
0x228: {  	p0 =	sne.s32 s0, $0x0;
	s0 =	rddreg [dreg:$0x2]  }
0x229: {  	s0 =	sadd.s32 @!p0 $0x100000, s0  }
0x22a: {  	[sflag:s0] =	ssyncadd.tile.s32 @!p0 $0x1;
	_ =	shalt  }
.Lfunc_end2:
_tile_overlayer_lowered:
.L_overlay_start_2:
0x22b: {  	(tag) =	ssettag $0x2  }
0x22c: {  	s0 =	rddreg [dreg:$0x0];
	s2 =	stileid.u32  }
0x22d: {  	s1 =	rddreg [dreg:$0x1];
	p0 =	sne.s32 s2, $0x0  }
0x22e: {  	s3 =	rddreg [dreg:$0x2];
	[bflag:$0x3] =	sbarrier.arrive $0xFFFF;
	s2 =	simm.s32 @!p0 $0x1C03  }
0x22f: {  	[timem:s3], [sflag:s2] =	dma.local @!p0 [hbm:s0], s1  }
0x230: {  	s0 =	simm.s32 @!p0 $0x3  }
0x231: {  	_ =	swait.ge @!p0 [sflag:s0], s1  }
0x232: {  	s1 =	ssub.s32 @!p0 $0x0, s1;
	[sflag:s0] =	ssyncset.done @!p0 $0x0  }
0x233: {  	[sflag:s0] =	ssyncadd.s32 @!p0 s1  }
0x234: {  	[bflag:$0x3] =	sbarrier.arrive $0xFFFF  }
0x235: {  	_ =	shalt  }

</sc_bundles>
